<compile_context>
chip_gen: v7x
topology: tpu7x:2x2x1
jax: 0.10.2.dev20260603
libtpu: 0.0.44.dev20260713+nightly
codegen_flags: <defaults>
</compile_context>

<pallas_src>
import functools

import jax
import jax.numpy as jnp
from jax import lax
from jax.experimental import pallas as pl
from jax.experimental.pallas import tpu as pltpu
from jax.experimental.pallas import tpu_sc as plsc

N = 50000
NPAD = 50048
E = 800000
NW = 32
EPW = E // NW
CH = 125
NCH = EPW // CH
RPT = NPAD // 16
RCH = 136
NRCH = RPT // RCH


NBUF = 10
LOOK = 5


def _seg_sum_body(table_hbm, src_hbm, dst_hbm, zero_hbm, out_hbm,
                  src_v, dst_v, bufs, acc, gsems, ssems, zsem, W):
    c = lax.axis_index("c")
    s = lax.axis_index("s")
    w = c * 16 + s

    pltpu.async_copy(zero_hbm, acc.at[pl.ds(s * RPT, RPT)], zsem)
    pltpu.sync_copy(src_hbm.at[w], src_v)
    pltpu.sync_copy(dst_hbm.at[w], dst_v)
    pltpu.make_async_copy(zero_hbm, acc.at[pl.ds(s * RPT, RPT)], zsem).wait()
    plsc.subcore_barrier()

    def _g_start(j, b):
        pltpu.async_copy(table_hbm.at[src_v.at[j]], bufs[b], gsems[b])

    def _g_wait(b):
        pltpu.make_async_copy(table_hbm.at[src_v.at[0]], bufs[b],
                              gsems[b]).wait()

    def _s_start(j, b):
        pltpu.async_copy(bufs[b], acc.at[dst_v.at[j]], ssems[b], add=True)

    def _s_wait(b):
        pltpu.make_async_copy(bufs[b], acc.at[dst_v.at[0]], ssems[b]).wait()

    for j in range(LOOK):
        _g_start(j, j)

    def _body(i, _):
        for off in range(NBUF):
            j = NBUF * i + off
            b = off
            bn = (off + LOOK) % NBUF
            _g_wait(b)
            _s_start(j, b)

            @pl.when(j + LOOK < NCH)
            def _():
                @pl.when(j >= LOOK)
                def _():
                    _s_wait(bn)
                _g_start(j + LOOK, bn)
        return 0
    lax.fori_loop(0, NCH // NBUF, _body, 0)
    for b in range(NBUF):
        _s_wait(b)
    plsc.subcore_barrier()

    r = s * RPT
    pltpu.async_copy(acc.at[pl.ds(r, RPT)], out_hbm.at[c, pl.ds(r, RPT)],
                     zsem)
    pltpu.make_async_copy(acc.at[pl.ds(r, RPT)],
                          out_hbm.at[c, pl.ds(r, RPT)], zsem).wait()


def _make_seg_sum(W):
    mesh = plsc.VectorSubcoreMesh(core_axis_name="c", subcore_axis_name="s")

    @functools.partial(
        pl.kernel,
        out_type=jax.ShapeDtypeStruct((2, NPAD, W), jnp.float32),
        mesh=mesh,
        compiler_params=pltpu.CompilerParams(use_tc_tiling_on_sc=False),
        scratch_types=[
            pltpu.VMEM((NCH, CH), jnp.int32),
            pltpu.VMEM((NCH, CH), jnp.int32),
        ] + [pltpu.VMEM((CH, W), jnp.float32) for _ in range(NBUF)]
        + [pltpu.VMEM_SHARED((NPAD, W), jnp.float32)]
        + [pltpu.SemaphoreType.DMA for _ in range(2 * NBUF + 1)],
    )
    def seg_sum(table_hbm, src_hbm, dst_hbm, zero_hbm, out_hbm,
                src_v, dst_v, *rest):
        bufs = rest[:NBUF]
        acc = rest[NBUF]
        gsems = rest[NBUF + 1:2 * NBUF + 1]
        ssems = rest[2 * NBUF + 1:3 * NBUF + 1]
        zsem = rest[3 * NBUF + 1]
        _seg_sum_body(table_hbm, src_hbm, dst_hbm, zero_hbm, out_hbm,
                      src_v, dst_v, bufs, acc, gsems, ssems, zsem, W)

    return seg_sum


_seg_sum_16 = _make_seg_sum(16)

_B = 2944
_BP = _B // 8
_NP8 = NPAD // 8



def _stage_mid_body(pa_ref, pb_ref, xa_ref, xb_ref, scnt_ref, sbc_ref,
                    wla_ref, wlb_ref, wra_ref, wrb_ref, b768_ref,
                    apk_ref, bpk_ref, c128_ref, y1_ref, zrc_ref, rcp_ref):
    f32 = jnp.float32
    agg_a = pa_ref[0] + pa_ref[1]
    agg_b = pb_ref[0] + pb_ref[1]
    cnt = jnp.dot(agg_b, scnt_ref[...], preferred_element_type=f32)
    rcp = 1.0 / jnp.maximum(cnt, 1.0)
    rcpf = jnp.dot(rcp, sbc_ref[...], preferred_element_type=f32)
    h = (jnp.dot(agg_a * rcpf, wla_ref[...], preferred_element_type=f32)
         + jnp.dot(agg_b * rcpf, wlb_ref[...], preferred_element_type=f32)
         + jnp.dot(xa_ref[...], wra_ref[...], preferred_element_type=f32)
         + jnp.dot(xb_ref[...], wrb_ref[...], preferred_element_type=f32)
         + b768_ref[...])
    h = jnp.maximum(h, 0.0)
    y1_ref[...] = jnp.dot(h, apk_ref[...], preferred_element_type=f32)
    zrc_ref[...] = jnp.dot(h, bpk_ref[...],
                           preferred_element_type=f32) + c128_ref[...]
    rcp_ref[...] = rcpf


def _stage_mid(parts_a, parts_b, xap, xbp, scnt, sbc, wla, wlb, wra, wrb,
               b768, apk, bpk, c128):
    blk = pl.BlockSpec((_BP, 128), lambda i: (i, 0))
    full = lambda r, c: pl.BlockSpec((r, c), lambda i: (0, 0))
    return pl.pallas_call(
        _stage_mid_body,
        grid=(NPAD // _B,),
        in_specs=[
            pl.BlockSpec((2, _BP, 128), lambda i: (0, i, 0)),
            pl.BlockSpec((2, _BP, 128), lambda i: (0, i, 0)),
            blk, blk,
            full(128, 8), full(8, 128),
            full(128, 768), full(128, 768), full(128, 768), full(128, 768),
            full(1, 768), full(768, 128), full(768, 128), full(1, 128),
        ],
        out_specs=[blk, blk, blk],
        out_shape=[
            jax.ShapeDtypeStruct((_NP8, 128), jnp.float32),
            jax.ShapeDtypeStruct((_NP8, 128), jnp.float32),
            jax.ShapeDtypeStruct((_NP8, 128), jnp.float32),
        ],
    )(parts_a, parts_b, xap, xbp, scnt, sbc, wla, wlb, wra, wrb,
      b768, apk, bpk, c128)


def _stage_out_body(parts_ref, zrc_ref, rcp_ref, f20_ref, f21_ref,
                    b0_ref, b1_ref, o0_ref, o1_ref):
    f32 = jnp.float32
    agg = parts_ref[0] + parts_ref[1]
    z = jnp.maximum(agg * rcp_ref[...] + zrc_ref[...], 0.0)
    o0_ref[...] = jnp.dot(z, f20_ref[...],
                          preferred_element_type=f32) + b0_ref[...]
    o1_ref[...] = jnp.dot(z, f21_ref[...],
                          preferred_element_type=f32) + b1_ref[...]


def _stage_out(parts2, zrc, rcp, f20p, f21p, b0, b1):
    blk = pl.BlockSpec((_BP, 128), lambda i: (i, 0))
    return pl.pallas_call(
        _stage_out_body,
        grid=(NPAD // _B,),
        in_specs=[
            pl.BlockSpec((2, _BP, 128), lambda i: (0, i, 0)),
            blk, blk,
            pl.BlockSpec((128, 128), lambda i: (0, 0)),
            pl.BlockSpec((128, 128), lambda i: (0, 0)),
            pl.BlockSpec((1, 128), lambda i: (0, 0)),
            pl.BlockSpec((1, 128), lambda i: (0, 0)),
        ],
        out_specs=[blk, blk],
        out_shape=[
            jax.ShapeDtypeStruct((_NP8, 128), jnp.float32),
            jax.ShapeDtypeStruct((_NP8, 128), jnp.float32),
        ],
    )(parts2, zrc, rcp, f20p, f21p, b0, b1)


def kernel(x, edge_index, Wl1, bl1, Wr1, Wl2, bl2, Wr2,
           fc1_W, fc1_b, fc2_W, fc2_b):
    f32 = jnp.float32
    x24 = x.reshape(N, 24)
    padp = ((0, _NP8 - N // 8), (0, 0))
    xap = jnp.pad(x24[:, :16].reshape(N // 8, 128), padp)
    xbp = jnp.pad(jnp.concatenate(
        [x24[:, 16:], jnp.ones((N, 1), f32), jnp.zeros((N, 7), f32)],
        axis=1).reshape(N // 8, 128), padp)
    xp_a = xap.reshape(NPAD, 16)
    xp_b = xbp.reshape(NPAD, 16)
    src3 = edge_index[0].reshape(NW, NCH, CH)
    dst3 = edge_index[1].reshape(NW, NCH, CH)

    eye8 = jnp.eye(8, dtype=f32)
    eye12 = jnp.eye(12, dtype=f32)
    wl = jnp.einsum('st,gf->sgtf', eye12, Wl1).reshape(24, 96)
    wr = jnp.einsum('st,gf->sgtf', eye12, Wr1).reshape(24, 96)
    pad16 = lambda m: jnp.pad(m, ((0, 8), (0, 0)))
    wla = jnp.kron(eye8, wl[:16])
    wlb = jnp.kron(eye8, pad16(wl[16:]))
    wra = jnp.kron(eye8, wr[:16])
    wrb = jnp.kron(eye8, pad16(wr[16:]))
    b768 = jnp.tile(jnp.tile(bl1, 12), 8).reshape(1, 768)
    w1r = fc1_W.reshape(2, 12, 8, 8)
    a_f = jnp.einsum('gf,isfo->sgio', Wl2, w1r).reshape(96, 16)
    b_f = jnp.einsum('gf,isfo->sgio', Wr2, w1r).reshape(96, 16)
    apk = jnp.kron(eye8, a_f)
    bpk = jnp.kron(eye8, b_f)
    c16 = (jnp.einsum('f,isfo->io', bl2, w1r) + fc1_b).reshape(16)
    c128 = jnp.tile(c16, 8).reshape(1, 128)
    pad1216 = ((0, 8), (0, 4))
    f20p = jnp.kron(eye8, jnp.pad(fc2_W[0], pad1216))
    f21p = jnp.kron(eye8, jnp.pad(
        jnp.pad(fc2_W[1], ((8, 0), (0, 0))), ((0, 0), (0, 4))))
    b0 = jnp.tile(jnp.pad(fc2_b[0], (0, 4)), 8).reshape(1, 128)
    b1 = jnp.tile(jnp.pad(fc2_b[1], (0, 4)), 8).reshape(1, 128)
    scnt = jnp.zeros((128, 8), f32).at[jnp.arange(8) * 16 + 8,
                                       jnp.arange(8)].set(1.0)
    sbc = jnp.kron(eye8, jnp.ones((1, 16), f32))

    zr = jnp.zeros((RPT, 16), f32)
    parts1a = _seg_sum_16(xp_a, src3, dst3, zr)
    parts1b = _seg_sum_16(xp_b, src3, dst3, zr)
    y1p, zrc, rcp = _stage_mid(parts1a.reshape(2, _NP8, 128),
                               parts1b.reshape(2, _NP8, 128),
                               xap, xbp, scnt, sbc, wla, wlb, wra, wrb,
                               b768, apk, bpk, c128)
    y1 = y1p.reshape(NPAD, 16)
    parts2 = _seg_sum_16(y1, src3, dst3, zr)
    o0p, o1p = _stage_out(parts2.reshape(2, _NP8, 128), zrc, rcp,
                          f20p, f21p, b0, b1)
    o0 = o0p.reshape(NPAD, 16)[:N, :12]
    o1 = o1p.reshape(NPAD, 16)[:N, :12]
    return jnp.stack([o0, o1], axis=0)

# --- scband reference (transcript-rebuilt; emitter-appended) ---
"""Pipeline reference for scband-saeg-net-61615600828510 (READ-ONLY COPY).

The authoritative reference and input builder live on the scoring server;
editing this copy changes nothing except your own understanding.
"""

import jax, jax.numpy as jnp
import numpy as np

N = 50000
E = 800000
SEQ = 12
IN_F = 2
HID = 8
OUT_F = 8
PRE = 12


def _glorot(key, shape, fan_in):
    return jax.random.normal(key, shape, dtype=jnp.float32) / np.sqrt(fan_in)


def setup_inputs(seed: int = 0) -> dict:
    key = jax.random.key(seed)
    ks = jax.random.split(key, 12)
    x = jax.random.normal(ks[0], (N, SEQ, IN_F), dtype=jnp.float32)
    edge_index = jax.random.randint(ks[1], (2, E), 0, N, dtype=jnp.int32)
    # SAGEConv layer 1: lin_l (neighbor mean, with bias) + lin_r (root, no bias)
    Wl1 = _glorot(ks[2], (IN_F, HID), IN_F)
    bl1 = jnp.zeros((HID,), jnp.float32)
    Wr1 = _glorot(ks[3], (IN_F, HID), IN_F)
    # SAGEConv layer 2
    Wl2 = _glorot(ks[4], (HID, OUT_F), HID)
    bl2 = jnp.zeros((OUT_F,), jnp.float32)
    Wr2 = _glorot(ks[5], (HID, OUT_F), HID)
    # per-feature prediction heads: Linear(seq_len*output_size -> output_size), ReLU, Linear(output_size -> pre_len)
    fc1_W = _glorot(ks[6], (IN_F, SEQ * OUT_F, OUT_F), SEQ * OUT_F)
    fc1_b = jnp.zeros((IN_F, OUT_F), jnp.float32)
    fc2_W = _glorot(ks[7], (IN_F, OUT_F, PRE), OUT_F)
    fc2_b = jnp.zeros((IN_F, PRE), jnp.float32)
    return {
        "x": x, "edge_index": edge_index,
        "Wl1": Wl1, "bl1": bl1, "Wr1": Wr1,
        "Wl2": Wl2, "bl2": bl2, "Wr2": Wr2,
        "fc1_W": fc1_W, "fc1_b": fc1_b, "fc2_W": fc2_W, "fc2_b": fc2_b,
    }


def _sage_conv(x, edge_index, Wl, bl, Wr):
    # GraphSAGE with mean aggregation: out = lin_l(mean_{j in N(i)} x_j) + lin_r(x_i)
    src = edge_index[0]
    dst = edge_index[1]
    msgs = jnp.take(x, src, axis=0)                      # gather  [E, SEQ, d_in]
    agg = jax.ops.segment_sum(msgs, dst, num_segments=N) # scatter-add [N, SEQ, d_in]
    cnt = jax.ops.segment_sum(jnp.ones((src.shape[0],), dtype=x.dtype), dst, num_segments=N)
    mean = agg / jnp.clip(cnt, 1.0, None)[:, None, None]
    return mean @ Wl + bl + x @ Wr


def reference(x, edge_index, Wl1, bl1, Wr1, Wl2, bl2, Wr2, fc1_W, fc1_b, fc2_W, fc2_b):
    h = _sage_conv(x, edge_index, Wl1, bl1, Wr1)
    h = jax.nn.relu(h)
    h = _sage_conv(h, edge_index, Wl2, bl2, Wr2)
    h = h.reshape(h.shape[0], -1)   # [N, SEQ*OUT_F]
    preds = []
    for i in range(IN_F):
        z = h @ fc1_W[i] + fc1_b[i]
        z = jax.nn.relu(z)
        z = z @ fc2_W[i] + fc2_b[i]
        preds.append(z)
    return jnp.stack(preds, axis=0)  # [IN_F, N, PRE]

if __name__ == "__main__":
    import jax
    _d = setup_inputs()
    print(jax.jit(kernel)(*tuple(_d.values())))

</pallas_src>

<mosaic_0001>
#map = affine_map<(d0, d1) -> (0, 0)>
#map1 = affine_map<(d0, d1) -> (0, 0, 0)>
module attributes {stable_mosaic.version = 14 : i64} {
  func.func @seg_sum(%arg0: i32, %arg1: i32, %arg2: memref<50048x16xf32, #tpu.memory_space<hbm>>, %arg3: memref<32x200x125xi32, #tpu.memory_space<hbm>>, %arg4: memref<32x200x125xi32, #tpu.memory_space<hbm>>, %arg5: memref<3128x16xf32, #tpu.memory_space<hbm>>, %arg6: memref<2x50048x16xf32, #tpu.memory_space<hbm>>, %arg7: memref<200x125xi32, #tpu.memory_space<vmem>>, %arg8: memref<200x125xi32, #tpu.memory_space<vmem>>, %arg9: memref<125x16xf32, #tpu.memory_space<vmem>>, %arg10: memref<125x16xf32, #tpu.memory_space<vmem>>, %arg11: memref<125x16xf32, #tpu.memory_space<vmem>>, %arg12: memref<125x16xf32, #tpu.memory_space<vmem>>, %arg13: memref<125x16xf32, #tpu.memory_space<vmem>>, %arg14: memref<125x16xf32, #tpu.memory_space<vmem>>, %arg15: memref<125x16xf32, #tpu.memory_space<vmem>>, %arg16: memref<125x16xf32, #tpu.memory_space<vmem>>, %arg17: memref<125x16xf32, #tpu.memory_space<vmem>>, %arg18: memref<125x16xf32, #tpu.memory_space<vmem>>, %arg19: memref<50048x16xf32, #tpu.memory_space<vmem_shared>>, %arg20: memref<!tpu.dma_semaphore, #tpu.memory_space<semaphore_mem>>, %arg21: memref<!tpu.dma_semaphore, #tpu.memory_space<semaphore_mem>>, %arg22: memref<!tpu.dma_semaphore, #tpu.memory_space<semaphore_mem>>, %arg23: memref<!tpu.dma_semaphore, #tpu.memory_space<semaphore_mem>>, %arg24: memref<!tpu.dma_semaphore, #tpu.memory_space<semaphore_mem>>, %arg25: memref<!tpu.dma_semaphore, #tpu.memory_space<semaphore_mem>>, %arg26: memref<!tpu.dma_semaphore, #tpu.memory_space<semaphore_mem>>, %arg27: memref<!tpu.dma_semaphore, #tpu.memory_space<semaphore_mem>>, %arg28: memref<!tpu.dma_semaphore, #tpu.memory_space<semaphore_mem>>, %arg29: memref<!tpu.dma_semaphore, #tpu.memory_space<semaphore_mem>>, %arg30: memref<!tpu.dma_semaphore, #tpu.memory_space<semaphore_mem>>, %arg31: memref<!tpu.dma_semaphore, #tpu.memory_space<semaphore_mem>>, %arg32: memref<!tpu.dma_semaphore, #tpu.memory_space<semaphore_mem>>, %arg33: memref<!tpu.dma_semaphore, #tpu.memory_space<semaphore_mem>>, %arg34: memref<!tpu.dma_semaphore, #tpu.memory_space<semaphore_mem>>, %arg35: memref<!tpu.dma_semaphore, #tpu.memory_space<semaphore_mem>>, %arg36: memref<!tpu.dma_semaphore, #tpu.memory_space<semaphore_mem>>, %arg37: memref<!tpu.dma_semaphore, #tpu.memory_space<semaphore_mem>>, %arg38: memref<!tpu.dma_semaphore, #tpu.memory_space<semaphore_mem>>, %arg39: memref<!tpu.dma_semaphore, #tpu.memory_space<semaphore_mem>>, %arg40: memref<!tpu.dma_semaphore, #tpu.memory_space<semaphore_mem>>) attributes {dimension_semantics = [#tpu.dimension_semantics<core_parallel>, #tpu.dimension_semantics<subcore_parallel>], iteration_bounds = array<i64: 2, 16>, scalar_prefetch = 0 : i64, scratch_operands = 34 : i64, tpu.core_type = #tpu.core_type<sc_vector_subcore>, window_params = [{transform_indices = #map}, {transform_indices = #map1}, {transform_indices = #map1}, {transform_indices = #map}, {transform_indices = #map1}]} {
    %mul3A = arith.constant 16 : i32
    %mul3A_0 = arith.muli %arg0, %mul3A : i32
    %add3A = arith.addi %mul3A_0, %arg1 : i32
    %mul3A_1 = arith.constant 3128 : i32
    %mul3A_2 = arith.muli %arg1, %mul3A_1 : i32
    %dma_start3A = arith.constant 0 : i32
    %dma_start3A_3 = tpu.memref_slice %arg19[%mul3A_2, %dma_start3A] : memref<50048x16xf32, #tpu.memory_space<vmem_shared>> -> memref<3128x16xf32, #tpu.memory_space<vmem_shared>>
    tpu.enqueue_dma source(%arg5 : memref<3128x16xf32, #tpu.memory_space<hbm>>) target(%dma_start3A_3 : memref<3128x16xf32, #tpu.memory_space<vmem_shared>>) target_semaphore(%arg40 : memref<!tpu.dma_semaphore, #tpu.memory_space<semaphore_mem>>)
    "tpu.region"() ({
      %run_scoped3A = tpu.sem_alloc : memref<!tpu.dma_semaphore, #tpu.memory_space<semaphore_mem>>
      %dma_start3A_131 = arith.constant 0 : i32
      %dma_start3A_132 = arith.constant 0 : i32
      %dma_start3A_133 = tpu.memref_slice %arg3[%add3A, %dma_start3A_131, %dma_start3A_132] : memref<32x200x125xi32, #tpu.memory_space<hbm>> -> memref<1x200x125xi32, #tpu.memory_space<hbm>>
      %dma_start3A_134 = tpu.memref_squeeze %dma_start3A_133 : memref<1x200x125xi32, #tpu.memory_space<hbm>> -> memref<200x125xi32, #tpu.memory_space<hbm>>
      %dma_start3A_135 = arith.constant 0 : i32
      %dma_start3A_136 = arith.constant 0 : i32
      %dma_start3A_137 = tpu.memref_slice %arg3[%add3A, %dma_start3A_135, %dma_start3A_136] : memref<32x200x125xi32, #tpu.memory_space<hbm>> -> memref<1x200x125xi32, #tpu.memory_space<hbm>>
      %dma_start3A_138 = tpu.memref_squeeze %dma_start3A_137 : memref<1x200x125xi32, #tpu.memory_space<hbm>> -> memref<200x125xi32, #tpu.memory_space<hbm>>
      tpu.enqueue_dma source(%dma_start3A_138 : memref<200x125xi32, #tpu.memory_space<hbm>>) target(%arg7 : memref<200x125xi32, #tpu.memory_space<vmem>>) target_semaphore(%run_scoped3A : memref<!tpu.dma_semaphore, #tpu.memory_space<semaphore_mem>>)
      %dma_wait3A_139 = arith.constant 0 : i32
      %dma_wait3A_140 = arith.constant 0 : i32
      %dma_wait3A_141 = tpu.memref_slice %arg3[%add3A, %dma_wait3A_139, %dma_wait3A_140] : memref<32x200x125xi32, #tpu.memory_space<hbm>> -> memref<1x200x125xi32, #tpu.memory_space<hbm>>
      %dma_wait3A_142 = tpu.memref_squeeze %dma_wait3A_141 : memref<1x200x125xi32, #tpu.memory_space<hbm>> -> memref<200x125xi32, #tpu.memory_space<hbm>>
      %dma_wait3A_143 = arith.constant 0 : i32
      %dma_wait3A_144 = arith.constant 0 : i32
      %dma_wait3A_145 = tpu.memref_slice %arg3[%add3A, %dma_wait3A_143, %dma_wait3A_144] : memref<32x200x125xi32, #tpu.memory_space<hbm>> -> memref<1x200x125xi32, #tpu.memory_space<hbm>>
      %dma_wait3A_146 = tpu.memref_squeeze %dma_wait3A_145 : memref<1x200x125xi32, #tpu.memory_space<hbm>> -> memref<200x125xi32, #tpu.memory_space<hbm>>
      tpu.wait_dma2 semaphore(%run_scoped3A : memref<!tpu.dma_semaphore, #tpu.memory_space<semaphore_mem>>) src(%dma_wait3A_146 : memref<200x125xi32, #tpu.memory_space<hbm>>) dst(%arg7 : memref<200x125xi32, #tpu.memory_space<vmem>>)
      tpu.yield
    }) : () -> ()
    "tpu.region"() ({
      %run_scoped3A = tpu.sem_alloc : memref<!tpu.dma_semaphore, #tpu.memory_space<semaphore_mem>>
      %dma_start3A_131 = arith.constant 0 : i32
      %dma_start3A_132 = arith.constant 0 : i32
      %dma_start3A_133 = tpu.memref_slice %arg4[%add3A, %dma_start3A_131, %dma_start3A_132] : memref<32x200x125xi32, #tpu.memory_space<hbm>> -> memref<1x200x125xi32, #tpu.memory_space<hbm>>
      %dma_start3A_134 = tpu.memref_squeeze %dma_start3A_133 : memref<1x200x125xi32, #tpu.memory_space<hbm>> -> memref<200x125xi32, #tpu.memory_space<hbm>>
      %dma_start3A_135 = arith.constant 0 : i32
      %dma_start3A_136 = arith.constant 0 : i32
      %dma_start3A_137 = tpu.memref_slice %arg4[%add3A, %dma_start3A_135, %dma_start3A_136] : memref<32x200x125xi32, #tpu.memory_space<hbm>> -> memref<1x200x125xi32, #tpu.memory_space<hbm>>
      %dma_start3A_138 = tpu.memref_squeeze %dma_start3A_137 : memref<1x200x125xi32, #tpu.memory_space<hbm>> -> memref<200x125xi32, #tpu.memory_space<hbm>>
      tpu.enqueue_dma source(%dma_start3A_138 : memref<200x125xi32, #tpu.memory_space<hbm>>) target(%arg8 : memref<200x125xi32, #tpu.memory_space<vmem>>) target_semaphore(%run_scoped3A : memref<!tpu.dma_semaphore, #tpu.memory_space<semaphore_mem>>)
      %dma_wait3A_139 = arith.constant 0 : i32
      %dma_wait3A_140 = arith.constant 0 : i32
      %dma_wait3A_141 = tpu.memref_slice %arg4[%add3A, %dma_wait3A_139, %dma_wait3A_140] : memref<32x200x125xi32, #tpu.memory_space<hbm>> -> memref<1x200x125xi32, #tpu.memory_space<hbm>>
      %dma_wait3A_142 = tpu.memref_squeeze %dma_wait3A_141 : memref<1x200x125xi32, #tpu.memory_space<hbm>> -> memref<200x125xi32, #tpu.memory_space<hbm>>
      %dma_wait3A_143 = arith.constant 0 : i32
      %dma_wait3A_144 = arith.constant 0 : i32
      %dma_wait3A_145 = tpu.memref_slice %arg4[%add3A, %dma_wait3A_143, %dma_wait3A_144] : memref<32x200x125xi32, #tpu.memory_space<hbm>> -> memref<1x200x125xi32, #tpu.memory_space<hbm>>
      %dma_wait3A_146 = tpu.memref_squeeze %dma_wait3A_145 : memref<1x200x125xi32, #tpu.memory_space<hbm>> -> memref<200x125xi32, #tpu.memory_space<hbm>>
      tpu.wait_dma2 semaphore(%run_scoped3A : memref<!tpu.dma_semaphore, #tpu.memory_space<semaphore_mem>>) src(%dma_wait3A_146 : memref<200x125xi32, #tpu.memory_space<hbm>>) dst(%arg8 : memref<200x125xi32, #tpu.memory_space<vmem>>)
      tpu.yield
    }) : () -> ()
    %mul3A_4 = arith.constant 3128 : i32
    %mul3A_5 = arith.muli %arg1, %mul3A_4 : i32
    %dma_wait3A = arith.constant 0 : i32
    %dma_wait3A_6 = tpu.memref_slice %arg19[%mul3A_5, %dma_wait3A] : memref<50048x16xf32, #tpu.memory_space<vmem_shared>> -> memref<3128x16xf32, #tpu.memory_space<vmem_shared>>
    tpu.wait_dma2 semaphore(%arg40 : memref<!tpu.dma_semaphore, #tpu.memory_space<semaphore_mem>>) src(%arg5 : memref<3128x16xf32, #tpu.memory_space<hbm>>) dst(%dma_wait3A_6 : memref<3128x16xf32, #tpu.memory_space<vmem_shared>>)
    %barrier3A = arith.constant 0 : index
    tpu.barrier barrier_id(%barrier3A)
    %dma_start3A_7 = arith.constant 0 : i32
    %dma_start3A_8 = arith.constant 0 : i32
    %dma_start3A_9 = tpu.memref_slice %arg7[%dma_start3A_7, %dma_start3A_8] : memref<200x125xi32, #tpu.memory_space<vmem>> -> memref<1x125xi32, #tpu.memory_space<vmem>>
    %dma_start3A_10 = tpu.memref_squeeze %dma_start3A_9 : memref<1x125xi32, #tpu.memory_space<vmem>> -> memref<125xi32, #tpu.memory_space<vmem>>
    %dma_start3A_11 = arith.constant 0 : i32
    %dma_start3A_12 = arith.constant 0 : i32
    %dma_start3A_13 = tpu.memref_slice %arg2[%dma_start3A_11, %dma_start3A_12] : memref<50048x16xf32, #tpu.memory_space<hbm>> -> memref<50048x16xf32, #tpu.memory_space<hbm>>
    tpu.enqueue_indirect_dma source(%dma_start3A_13 : memref<50048x16xf32, #tpu.memory_space<hbm>>) target(%arg9 : memref<125x16xf32, #tpu.memory_space<vmem>>) offsets(%dma_start3A_10 : memref<125xi32, #tpu.memory_space<vmem>>) semaphore(%arg20 : memref<!tpu.dma_semaphore, #tpu.memory_space<semaphore_mem>>)
    %dma_start3A_14 = arith.constant 1 : i32
    %dma_start3A_15 = arith.constant 0 : i32
    %dma_start3A_16 = tpu.memref_slice %arg7[%dma_start3A_14, %dma_start3A_15] : memref<200x125xi32, #tpu.memory_space<vmem>> -> memref<1x125xi32, #tpu.memory_space<vmem>>
    %dma_start3A_17 = tpu.memref_squeeze %dma_start3A_16 : memref<1x125xi32, #tpu.memory_space<vmem>> -> memref<125xi32, #tpu.memory_space<vmem>>
    %dma_start3A_18 = arith.constant 0 : i32
    %dma_start3A_19 = arith.constant 0 : i32
    %dma_start3A_20 = tpu.memref_slice %arg2[%dma_start3A_18, %dma_start3A_19] : memref<50048x16xf32, #tpu.memory_space<hbm>> -> memref<50048x16xf32, #tpu.memory_space<hbm>>
    tpu.enqueue_indirect_dma source(%dma_start3A_20 : memref<50048x16xf32, #tpu.memory_space<hbm>>) target(%arg10 : memref<125x16xf32, #tpu.memory_space<vmem>>) offsets(%dma_start3A_17 : memref<125xi32, #tpu.memory_space<vmem>>) semaphore(%arg21 : memref<!tpu.dma_semaphore, #tpu.memory_space<semaphore_mem>>)
    %dma_start3A_21 = arith.constant 2 : i32
    %dma_start3A_22 = arith.constant 0 : i32
    %dma_start3A_23 = tpu.memref_slice %arg7[%dma_start3A_21, %dma_start3A_22] : memref<200x125xi32, #tpu.memory_space<vmem>> -> memref<1x125xi32, #tpu.memory_space<vmem>>
    %dma_start3A_24 = tpu.memref_squeeze %dma_start3A_23 : memref<1x125xi32, #tpu.memory_space<vmem>> -> memref<125xi32, #tpu.memory_space<vmem>>
    %dma_start3A_25 = arith.constant 0 : i32
    %dma_start3A_26 = arith.constant 0 : i32
    %dma_start3A_27 = tpu.memref_slice %arg2[%dma_start3A_25, %dma_start3A_26] : memref<50048x16xf32, #tpu.memory_space<hbm>> -> memref<50048x16xf32, #tpu.memory_space<hbm>>
    tpu.enqueue_indirect_dma source(%dma_start3A_27 : memref<50048x16xf32, #tpu.memory_space<hbm>>) target(%arg11 : memref<125x16xf32, #tpu.memory_space<vmem>>) offsets(%dma_start3A_24 : memref<125xi32, #tpu.memory_space<vmem>>) semaphore(%arg22 : memref<!tpu.dma_semaphore, #tpu.memory_space<semaphore_mem>>)
    %dma_start3A_28 = arith.constant 3 : i32
    %dma_start3A_29 = arith.constant 0 : i32
    %dma_start3A_30 = tpu.memref_slice %arg7[%dma_start3A_28, %dma_start3A_29] : memref<200x125xi32, #tpu.memory_space<vmem>> -> memref<1x125xi32, #tpu.memory_space<vmem>>
    %dma_start3A_31 = tpu.memref_squeeze %dma_start3A_30 : memref<1x125xi32, #tpu.memory_space<vmem>> -> memref<125xi32, #tpu.memory_space<vmem>>
    %dma_start3A_32 = arith.constant 0 : i32
    %dma_start3A_33 = arith.constant 0 : i32
    %dma_start3A_34 = tpu.memref_slice %arg2[%dma_start3A_32, %dma_start3A_33] : memref<50048x16xf32, #tpu.memory_space<hbm>> -> memref<50048x16xf32, #tpu.memory_space<hbm>>
    tpu.enqueue_indirect_dma source(%dma_start3A_34 : memref<50048x16xf32, #tpu.memory_space<hbm>>) target(%arg12 : memref<125x16xf32, #tpu.memory_space<vmem>>) offsets(%dma_start3A_31 : memref<125xi32, #tpu.memory_space<vmem>>) semaphore(%arg23 : memref<!tpu.dma_semaphore, #tpu.memory_space<semaphore_mem>>)
    %dma_start3A_35 = arith.constant 4 : i32
    %dma_start3A_36 = arith.constant 0 : i32
    %dma_start3A_37 = tpu.memref_slice %arg7[%dma_start3A_35, %dma_start3A_36] : memref<200x125xi32, #tpu.memory_space<vmem>> -> memref<1x125xi32, #tpu.memory_space<vmem>>
    %dma_start3A_38 = tpu.memref_squeeze %dma_start3A_37 : memref<1x125xi32, #tpu.memory_space<vmem>> -> memref<125xi32, #tpu.memory_space<vmem>>
    %dma_start3A_39 = arith.constant 0 : i32
    %dma_start3A_40 = arith.constant 0 : i32
    %dma_start3A_41 = tpu.memref_slice %arg2[%dma_start3A_39, %dma_start3A_40] : memref<50048x16xf32, #tpu.memory_space<hbm>> -> memref<50048x16xf32, #tpu.memory_space<hbm>>
    tpu.enqueue_indirect_dma source(%dma_start3A_41 : memref<50048x16xf32, #tpu.memory_space<hbm>>) target(%arg13 : memref<125x16xf32, #tpu.memory_space<vmem>>) offsets(%dma_start3A_38 : memref<125xi32, #tpu.memory_space<vmem>>) semaphore(%arg24 : memref<!tpu.dma_semaphore, #tpu.memory_space<semaphore_mem>>)
    %scan3A = arith.constant 0 : i32
    %scan3A_42 = arith.constant 0 : i32
    %scan3A_43 = arith.constant 20 : i32
    %scan3A_44 = arith.addi %scan3A_42, %scan3A_43 : i32
    %scan3A_45 = arith.constant 1 : i32
    %scan3A_46 = scf.for %scan3A_131 = %scan3A_42 to %scan3A_44 step %scan3A_45 iter_args(%scan3A_132 = %scan3A) -> (i32)  : i32 {
      %mul3A_133 = arith.constant 10 : i32
      %mul3A_134 = arith.muli %mul3A_133, %scan3A_131 : i32
      %add3A_135 = arith.constant 0 : i32
      %add3A_136 = arith.addi %mul3A_134, %add3A_135 : i32
      %dma_wait3A_137 = arith.constant 0 : i32
      %dma_wait3A_138 = arith.constant 0 : i32
      %dma_wait3A_139 = tpu.memref_slice %arg7[%dma_wait3A_137, %dma_wait3A_138] : memref<200x125xi32, #tpu.memory_space<vmem>> -> memref<1x125xi32, #tpu.memory_space<vmem>>
      %dma_wait3A_140 = tpu.memref_squeeze %dma_wait3A_139 : memref<1x125xi32, #tpu.memory_space<vmem>> -> memref<125xi32, #tpu.memory_space<vmem>>
      %dma_wait3A_141 = arith.constant 0 : i32
      %dma_wait3A_142 = arith.constant 0 : i32
      %dma_wait3A_143 = tpu.memref_slice %arg2[%dma_wait3A_141, %dma_wait3A_142] : memref<50048x16xf32, #tpu.memory_space<hbm>> -> memref<50048x16xf32, #tpu.memory_space<hbm>>
      tpu.wait_indirect_dma semaphore(%arg20 : memref<!tpu.dma_semaphore, #tpu.memory_space<semaphore_mem>>) src(%dma_wait3A_143 : memref<50048x16xf32, #tpu.memory_space<hbm>>) dst(%arg9 : memref<125x16xf32, #tpu.memory_space<vmem>>)
      %dma_start3A_144 = arith.constant 0 : i32
      %dma_start3A_145 = tpu.memref_slice %arg8[%add3A_136, %dma_start3A_144] : memref<200x125xi32, #tpu.memory_space<vmem>> -> memref<1x125xi32, #tpu.memory_space<vmem>>
      %dma_start3A_146 = tpu.memref_squeeze %dma_start3A_145 : memref<1x125xi32, #tpu.memory_space<vmem>> -> memref<125xi32, #tpu.memory_space<vmem>>
      %dma_start3A_147 = arith.constant 0 : i32
      %dma_start3A_148 = arith.constant 0 : i32
      %dma_start3A_149 = tpu.memref_slice %arg19[%dma_start3A_147, %dma_start3A_148] : memref<50048x16xf32, #tpu.memory_space<vmem_shared>> -> memref<50048x16xf32, #tpu.memory_space<vmem_shared>>
      tpu.enqueue_indirect_dma source(%arg9 : memref<125x16xf32, #tpu.memory_space<vmem>>) target(%dma_start3A_149 : memref<50048x16xf32, #tpu.memory_space<vmem_shared>>) offsets(%dma_start3A_146 : memref<125xi32, #tpu.memory_space<vmem>>) semaphore(%arg30 : memref<!tpu.dma_semaphore, #tpu.memory_space<semaphore_mem>>) {add = true}
      %add3A_150 = arith.constant 5 : i32
      %add3A_151 = arith.addi %add3A_136, %add3A_150 : i32
      %lt3A = arith.constant 200 : i32
      %lt3A_152 = arith.cmpi slt, %add3A_151, %lt3A : i32
      %convert_element_type3A = arith.extui %lt3A_152 : i1 to i32
      %cond3A = arith.constant 0 : i32
      %cond3A_153 = arith.cmpi ne, %convert_element_type3A, %cond3A : i32
      scf.if %cond3A_153 {
        %ge3A = arith.constant 5 : i32
        %ge3A_371 = arith.cmpi sge, %add3A_136, %ge3A : i32
        %convert_element_type3A_372 = arith.extui %ge3A_371 : i1 to i32
        %cond3A_373 = arith.constant 0 : i32
        %cond3A_374 = arith.cmpi ne, %convert_element_type3A_372, %cond3A_373 : i32
        scf.if %cond3A_374 {
          %dma_wait3A_383 = arith.constant 0 : i32
          %dma_wait3A_384 = arith.constant 0 : i32
          %dma_wait3A_385 = tpu.memref_slice %arg8[%dma_wait3A_383, %dma_wait3A_384] : memref<200x125xi32, #tpu.memory_space<vmem>> -> memref<1x125xi32, #tpu.memory_space<vmem>>
          %dma_wait3A_386 = tpu.memref_squeeze %dma_wait3A_385 : memref<1x125xi32, #tpu.memory_space<vmem>> -> memref<125xi32, #tpu.memory_space<vmem>>
          %dma_wait3A_387 = arith.constant 0 : i32
          %dma_wait3A_388 = arith.constant 0 : i32
          %dma_wait3A_389 = tpu.memref_slice %arg19[%dma_wait3A_387, %dma_wait3A_388] : memref<50048x16xf32, #tpu.memory_space<vmem_shared>> -> memref<50048x16xf32, #tpu.memory_space<vmem_shared>>
          tpu.wait_indirect_dma semaphore(%arg35 : memref<!tpu.dma_semaphore, #tpu.memory_space<semaphore_mem>>) src(%arg14 : memref<125x16xf32, #tpu.memory_space<vmem>>) dst(%dma_wait3A_389 : memref<50048x16xf32, #tpu.memory_space<vmem_shared>>)
        } else {
        }
        %add3A_375 = arith.constant 5 : i32
        %add3A_376 = arith.addi %add3A_136, %add3A_375 : i32
        %dma_start3A_377 = arith.constant 0 : i32
        %dma_start3A_378 = tpu.memref_slice %arg7[%add3A_376, %dma_start3A_377] : memref<200x125xi32, #tpu.memory_space<vmem>> -> memref<1x125xi32, #tpu.memory_space<vmem>>
        %dma_start3A_379 = tpu.memref_squeeze %dma_start3A_378 : memref<1x125xi32, #tpu.memory_space<vmem>> -> memref<125xi32, #tpu.memory_space<vmem>>
        %dma_start3A_380 = arith.constant 0 : i32
        %dma_start3A_381 = arith.constant 0 : i32
        %dma_start3A_382 = tpu.memref_slice %arg2[%dma_start3A_380, %dma_start3A_381] : memref<50048x16xf32, #tpu.memory_space<hbm>> -> memref<50048x16xf32, #tpu.memory_space<hbm>>
        tpu.enqueue_indirect_dma source(%dma_start3A_382 : memref<50048x16xf32, #tpu.memory_space<hbm>>) target(%arg14 : memref<125x16xf32, #tpu.memory_space<vmem>>) offsets(%dma_start3A_379 : memref<125xi32, #tpu.memory_space<vmem>>) semaphore(%arg25 : memref<!tpu.dma_semaphore, #tpu.memory_space<semaphore_mem>>)
      } else {
      }
      %mul3A_154 = arith.constant 10 : i32
      %mul3A_155 = arith.muli %mul3A_154, %scan3A_131 : i32
      %add3A_156 = arith.constant 1 : i32
      %add3A_157 = arith.addi %mul3A_155, %add3A_156 : i32
      %dma_wait3A_158 = arith.constant 0 : i32
      %dma_wait3A_159 = arith.constant 0 : i32
      %dma_wait3A_160 = tpu.memref_slice %arg7[%dma_wait3A_158, %dma_wait3A_159] : memref<200x125xi32, #tpu.memory_space<vmem>> -> memref<1x125xi32, #tpu.memory_space<vmem>>
      %dma_wait3A_161 = tpu.memref_squeeze %dma_wait3A_160 : memref<1x125xi32, #tpu.memory_space<vmem>> -> memref<125xi32, #tpu.memory_space<vmem>>
      %dma_wait3A_162 = arith.constant 0 : i32
      %dma_wait3A_163 = arith.constant 0 : i32
      %dma_wait3A_164 = tpu.memref_slice %arg2[%dma_wait3A_162, %dma_wait3A_163] : memref<50048x16xf32, #tpu.memory_space<hbm>> -> memref<50048x16xf32, #tpu.memory_space<hbm>>
      tpu.wait_indirect_dma semaphore(%arg21 : memref<!tpu.dma_semaphore, #tpu.memory_space<semaphore_mem>>) src(%dma_wait3A_164 : memref<50048x16xf32, #tpu.memory_space<hbm>>) dst(%arg10 : memref<125x16xf32, #tpu.memory_space<vmem>>)
      %dma_start3A_165 = arith.constant 0 : i32
      %dma_start3A_166 = tpu.memref_slice %arg8[%add3A_157, %dma_start3A_165] : memref<200x125xi32, #tpu.memory_space<vmem>> -> memref<1x125xi32, #tpu.memory_space<vmem>>
      %dma_start3A_167 = tpu.memref_squeeze %dma_start3A_166 : memref<1x125xi32, #tpu.memory_space<vmem>> -> memref<125xi32, #tpu.memory_space<vmem>>
      %dma_start3A_168 = arith.constant 0 : i32
      %dma_start3A_169 = arith.constant 0 : i32
      %dma_start3A_170 = tpu.memref_slice %arg19[%dma_start3A_168, %dma_start3A_169] : memref<50048x16xf32, #tpu.memory_space<vmem_shared>> -> memref<50048x16xf32, #tpu.memory_space<vmem_shared>>
      tpu.enqueue_indirect_dma source(%arg10 : memref<125x16xf32, #tpu.memory_space<vmem>>) target(%dma_start3A_170 : memref<50048x16xf32, #tpu.memory_space<vmem_shared>>) offsets(%dma_start3A_167 : memref<125xi32, #tpu.memory_space<vmem>>) semaphore(%arg31 : memref<!tpu.dma_semaphore, #tpu.memory_space<semaphore_mem>>) {add = true}
      %add3A_171 = arith.constant 5 : i32
      %add3A_172 = arith.addi %add3A_157, %add3A_171 : i32
      %lt3A_173 = arith.constant 200 : i32
      %lt3A_174 = arith.cmpi slt, %add3A_172, %lt3A_173 : i32
      %convert_element_type3A_175 = arith.extui %lt3A_174 : i1 to i32
      %cond3A_176 = arith.constant 0 : i32
      %cond3A_177 = arith.cmpi ne, %convert_element_type3A_175, %cond3A_176 : i32
      scf.if %cond3A_177 {
        %ge3A = arith.constant 5 : i32
        %ge3A_371 = arith.cmpi sge, %add3A_157, %ge3A : i32
        %convert_element_type3A_372 = arith.extui %ge3A_371 : i1 to i32
        %cond3A_373 = arith.constant 0 : i32
        %cond3A_374 = arith.cmpi ne, %convert_element_type3A_372, %cond3A_373 : i32
        scf.if %cond3A_374 {
          %dma_wait3A_383 = arith.constant 0 : i32
          %dma_wait3A_384 = arith.constant 0 : i32
          %dma_wait3A_385 = tpu.memref_slice %arg8[%dma_wait3A_383, %dma_wait3A_384] : memref<200x125xi32, #tpu.memory_space<vmem>> -> memref<1x125xi32, #tpu.memory_space<vmem>>
          %dma_wait3A_386 = tpu.memref_squeeze %dma_wait3A_385 : memref<1x125xi32, #tpu.memory_space<vmem>> -> memref<125xi32, #tpu.memory_space<vmem>>
          %dma_wait3A_387 = arith.constant 0 : i32
          %dma_wait3A_388 = arith.constant 0 : i32
          %dma_wait3A_389 = tpu.memref_slice %arg19[%dma_wait3A_387, %dma_wait3A_388] : memref<50048x16xf32, #tpu.memory_space<vmem_shared>> -> memref<50048x16xf32, #tpu.memory_space<vmem_shared>>
          tpu.wait_indirect_dma semaphore(%arg36 : memref<!tpu.dma_semaphore, #tpu.memory_space<semaphore_mem>>) src(%arg15 : memref<125x16xf32, #tpu.memory_space<vmem>>) dst(%dma_wait3A_389 : memref<50048x16xf32, #tpu.memory_space<vmem_shared>>)
        } else {
        }
        %add3A_375 = arith.constant 5 : i32
        %add3A_376 = arith.addi %add3A_157, %add3A_375 : i32
        %dma_start3A_377 = arith.constant 0 : i32
        %dma_start3A_378 = tpu.memref_slice %arg7[%add3A_376, %dma_start3A_377] : memref<200x125xi32, #tpu.memory_space<vmem>> -> memref<1x125xi32, #tpu.memory_space<vmem>>
        %dma_start3A_379 = tpu.memref_squeeze %dma_start3A_378 : memref<1x125xi32, #tpu.memory_space<vmem>> -> memref<125xi32, #tpu.memory_space<vmem>>
        %dma_start3A_380 = arith.constant 0 : i32
        %dma_start3A_381 = arith.constant 0 : i32
        %dma_start3A_382 = tpu.memref_slice %arg2[%dma_start3A_380, %dma_start3A_381] : memref<50048x16xf32, #tpu.memory_space<hbm>> -> memref<50048x16xf32, #tpu.memory_space<hbm>>
        tpu.enqueue_indirect_dma source(%dma_start3A_382 : memref<50048x16xf32, #tpu.memory_space<hbm>>) target(%arg15 : memref<125x16xf32, #tpu.memory_space<vmem>>) offsets(%dma_start3A_379 : memref<125xi32, #tpu.memory_space<vmem>>) semaphore(%arg26 : memref<!tpu.dma_semaphore, #tpu.memory_space<semaphore_mem>>)
      } else {
      }
      %mul3A_178 = arith.constant 10 : i32
      %mul3A_179 = arith.muli %mul3A_178, %scan3A_131 : i32
      %add3A_180 = arith.constant 2 : i32
      %add3A_181 = arith.addi %mul3A_179, %add3A_180 : i32
      %dma_wait3A_182 = arith.constant 0 : i32
      %dma_wait3A_183 = arith.constant 0 : i32
      %dma_wait3A_184 = tpu.memref_slice %arg7[%dma_wait3A_182, %dma_wait3A_183] : memref<200x125xi32, #tpu.memory_space<vmem>> -> memref<1x125xi32, #tpu.memory_space<vmem>>
      %dma_wait3A_185 = tpu.memref_squeeze %dma_wait3A_184 : memref<1x125xi32, #tpu.memory_space<vmem>> -> memref<125xi32, #tpu.memory_space<vmem>>
      %dma_wait3A_186 = arith.constant 0 : i32
      %dma_wait3A_187 = arith.constant 0 : i32
      %dma_wait3A_188 = tpu.memref_slice %arg2[%dma_wait3A_186, %dma_wait3A_187] : memref<50048x16xf32, #tpu.memory_space<hbm>> -> memref<50048x16xf32, #tpu.memory_space<hbm>>
      tpu.wait_indirect_dma semaphore(%arg22 : memref<!tpu.dma_semaphore, #tpu.memory_space<semaphore_mem>>) src(%dma_wait3A_188 : memref<50048x16xf32, #tpu.memory_space<hbm>>) dst(%arg11 : memref<125x16xf32, #tpu.memory_space<vmem>>)
      %dma_start3A_189 = arith.constant 0 : i32
      %dma_start3A_190 = tpu.memref_slice %arg8[%add3A_181, %dma_start3A_189] : memref<200x125xi32, #tpu.memory_space<vmem>> -> memref<1x125xi32, #tpu.memory_space<vmem>>
      %dma_start3A_191 = tpu.memref_squeeze %dma_start3A_190 : memref<1x125xi32, #tpu.memory_space<vmem>> -> memref<125xi32, #tpu.memory_space<vmem>>
      %dma_start3A_192 = arith.constant 0 : i32
      %dma_start3A_193 = arith.constant 0 : i32
      %dma_start3A_194 = tpu.memref_slice %arg19[%dma_start3A_192, %dma_start3A_193] : memref<50048x16xf32, #tpu.memory_space<vmem_shared>> -> memref<50048x16xf32, #tpu.memory_space<vmem_shared>>
      tpu.enqueue_indirect_dma source(%arg11 : memref<125x16xf32, #tpu.memory_space<vmem>>) target(%dma_start3A_194 : memref<50048x16xf32, #tpu.memory_space<vmem_shared>>) offsets(%dma_start3A_191 : memref<125xi32, #tpu.memory_space<vmem>>) semaphore(%arg32 : memref<!tpu.dma_semaphore, #tpu.memory_space<semaphore_mem>>) {add = true}
      %add3A_195 = arith.constant 5 : i32
      %add3A_196 = arith.addi %add3A_181, %add3A_195 : i32
      %lt3A_197 = arith.constant 200 : i32
      %lt3A_198 = arith.cmpi slt, %add3A_196, %lt3A_197 : i32
      %convert_element_type3A_199 = arith.extui %lt3A_198 : i1 to i32
      %cond3A_200 = arith.constant 0 : i32
      %cond3A_201 = arith.cmpi ne, %convert_element_type3A_199, %cond3A_200 : i32
      scf.if %cond3A_201 {
        %ge3A = arith.constant 5 : i32
        %ge3A_371 = arith.cmpi sge, %add3A_181, %ge3A : i32
        %convert_element_type3A_372 = arith.extui %ge3A_371 : i1 to i32
        %cond3A_373 = arith.constant 0 : i32
        %cond3A_374 = arith.cmpi ne, %convert_element_type3A_372, %cond3A_373 : i32
        scf.if %cond3A_374 {
          %dma_wait3A_383 = arith.constant 0 : i32
          %dma_wait3A_384 = arith.constant 0 : i32
          %dma_wait3A_385 = tpu.memref_slice %arg8[%dma_wait3A_383, %dma_wait3A_384] : memref<200x125xi32, #tpu.memory_space<vmem>> -> memref<1x125xi32, #tpu.memory_space<vmem>>
          %dma_wait3A_386 = tpu.memref_squeeze %dma_wait3A_385 : memref<1x125xi32, #tpu.memory_space<vmem>> -> memref<125xi32, #tpu.memory_space<vmem>>
          %dma_wait3A_387 = arith.constant 0 : i32
          %dma_wait3A_388 = arith.constant 0 : i32
          %dma_wait3A_389 = tpu.memref_slice %arg19[%dma_wait3A_387, %dma_wait3A_388] : memref<50048x16xf32, #tpu.memory_space<vmem_shared>> -> memref<50048x16xf32, #tpu.memory_space<vmem_shared>>
          tpu.wait_indirect_dma semaphore(%arg37 : memref<!tpu.dma_semaphore, #tpu.memory_space<semaphore_mem>>) src(%arg16 : memref<125x16xf32, #tpu.memory_space<vmem>>) dst(%dma_wait3A_389 : memref<50048x16xf32, #tpu.memory_space<vmem_shared>>)
        } else {
        }
        %add3A_375 = arith.constant 5 : i32
        %add3A_376 = arith.addi %add3A_181, %add3A_375 : i32
        %dma_start3A_377 = arith.constant 0 : i32
        %dma_start3A_378 = tpu.memref_slice %arg7[%add3A_376, %dma_start3A_377] : memref<200x125xi32, #tpu.memory_space<vmem>> -> memref<1x125xi32, #tpu.memory_space<vmem>>
        %dma_start3A_379 = tpu.memref_squeeze %dma_start3A_378 : memref<1x125xi32, #tpu.memory_space<vmem>> -> memref<125xi32, #tpu.memory_space<vmem>>
        %dma_start3A_380 = arith.constant 0 : i32
        %dma_start3A_381 = arith.constant 0 : i32
        %dma_start3A_382 = tpu.memref_slice %arg2[%dma_start3A_380, %dma_start3A_381] : memref<50048x16xf32, #tpu.memory_space<hbm>> -> memref<50048x16xf32, #tpu.memory_space<hbm>>
        tpu.enqueue_indirect_dma source(%dma_start3A_382 : memref<50048x16xf32, #tpu.memory_space<hbm>>) target(%arg16 : memref<125x16xf32, #tpu.memory_space<vmem>>) offsets(%dma_start3A_379 : memref<125xi32, #tpu.memory_space<vmem>>) semaphore(%arg27 : memref<!tpu.dma_semaphore, #tpu.memory_space<semaphore_mem>>)
      } else {
      }
      %mul3A_202 = arith.constant 10 : i32
      %mul3A_203 = arith.muli %mul3A_202, %scan3A_131 : i32
      %add3A_204 = arith.constant 3 : i32
      %add3A_205 = arith.addi %mul3A_203, %add3A_204 : i32
      %dma_wait3A_206 = arith.constant 0 : i32
      %dma_wait3A_207 = arith.constant 0 : i32
      %dma_wait3A_208 = tpu.memref_slice %arg7[%dma_wait3A_206, %dma_wait3A_207] : memref<200x125xi32, #tpu.memory_space<vmem>> -> memref<1x125xi32, #tpu.memory_space<vmem>>
      %dma_wait3A_209 = tpu.memref_squeeze %dma_wait3A_208 : memref<1x125xi32, #tpu.memory_space<vmem>> -> memref<125xi32, #tpu.memory_space<vmem>>
      %dma_wait3A_210 = arith.constant 0 : i32
      %dma_wait3A_211 = arith.constant 0 : i32
      %dma_wait3A_212 = tpu.memref_slice %arg2[%dma_wait3A_210, %dma_wait3A_211] : memref<50048x16xf32, #tpu.memory_space<hbm>> -> memref<50048x16xf32, #tpu.memory_space<hbm>>
      tpu.wait_indirect_dma semaphore(%arg23 : memref<!tpu.dma_semaphore, #tpu.memory_space<semaphore_mem>>) src(%dma_wait3A_212 : memref<50048x16xf32, #tpu.memory_space<hbm>>) dst(%arg12 : memref<125x16xf32, #tpu.memory_space<vmem>>)
      %dma_start3A_213 = arith.constant 0 : i32
      %dma_start3A_214 = tpu.memref_slice %arg8[%add3A_205, %dma_start3A_213] : memref<200x125xi32, #tpu.memory_space<vmem>> -> memref<1x125xi32, #tpu.memory_space<vmem>>
      %dma_start3A_215 = tpu.memref_squeeze %dma_start3A_214 : memref<1x125xi32, #tpu.memory_space<vmem>> -> memref<125xi32, #tpu.memory_space<vmem>>
      %dma_start3A_216 = arith.constant 0 : i32
      %dma_start3A_217 = arith.constant 0 : i32
      %dma_start3A_218 = tpu.memref_slice %arg19[%dma_start3A_216, %dma_start3A_217] : memref<50048x16xf32, #tpu.memory_space<vmem_shared>> -> memref<50048x16xf32, #tpu.memory_space<vmem_shared>>
      tpu.enqueue_indirect_dma source(%arg12 : memref<125x16xf32, #tpu.memory_space<vmem>>) target(%dma_start3A_218 : memref<50048x16xf32, #tpu.memory_space<vmem_shared>>) offsets(%dma_start3A_215 : memref<125xi32, #tpu.memory_space<vmem>>) semaphore(%arg33 : memref<!tpu.dma_semaphore, #tpu.memory_space<semaphore_mem>>) {add = true}
      %add3A_219 = arith.constant 5 : i32
      %add3A_220 = arith.addi %add3A_205, %add3A_219 : i32
      %lt3A_221 = arith.constant 200 : i32
      %lt3A_222 = arith.cmpi slt, %add3A_220, %lt3A_221 : i32
      %convert_element_type3A_223 = arith.extui %lt3A_222 : i1 to i32
      %cond3A_224 = arith.constant 0 : i32
      %cond3A_225 = arith.cmpi ne, %convert_element_type3A_223, %cond3A_224 : i32
      scf.if %cond3A_225 {
        %ge3A = arith.constant 5 : i32
        %ge3A_371 = arith.cmpi sge, %add3A_205, %ge3A : i32
        %convert_element_type3A_372 = arith.extui %ge3A_371 : i1 to i32
        %cond3A_373 = arith.constant 0 : i32
        %cond3A_374 = arith.cmpi ne, %convert_element_type3A_372, %cond3A_373 : i32
        scf.if %cond3A_374 {
          %dma_wait3A_383 = arith.constant 0 : i32
          %dma_wait3A_384 = arith.constant 0 : i32
          %dma_wait3A_385 = tpu.memref_slice %arg8[%dma_wait3A_383, %dma_wait3A_384] : memref<200x125xi32, #tpu.memory_space<vmem>> -> memref<1x125xi32, #tpu.memory_space<vmem>>
          %dma_wait3A_386 = tpu.memref_squeeze %dma_wait3A_385 : memref<1x125xi32, #tpu.memory_space<vmem>> -> memref<125xi32, #tpu.memory_space<vmem>>
          %dma_wait3A_387 = arith.constant 0 : i32
          %dma_wait3A_388 = arith.constant 0 : i32
          %dma_wait3A_389 = tpu.memref_slice %arg19[%dma_wait3A_387, %dma_wait3A_388] : memref<50048x16xf32, #tpu.memory_space<vmem_shared>> -> memref<50048x16xf32, #tpu.memory_space<vmem_shared>>
          tpu.wait_indirect_dma semaphore(%arg38 : memref<!tpu.dma_semaphore, #tpu.memory_space<semaphore_mem>>) src(%arg17 : memref<125x16xf32, #tpu.memory_space<vmem>>) dst(%dma_wait3A_389 : memref<50048x16xf32, #tpu.memory_space<vmem_shared>>)
        } else {
        }
        %add3A_375 = arith.constant 5 : i32
        %add3A_376 = arith.addi %add3A_205, %add3A_375 : i32
        %dma_start3A_377 = arith.constant 0 : i32
        %dma_start3A_378 = tpu.memref_slice %arg7[%add3A_376, %dma_start3A_377] : memref<200x125xi32, #tpu.memory_space<vmem>> -> memref<1x125xi32, #tpu.memory_space<vmem>>
        %dma_start3A_379 = tpu.memref_squeeze %dma_start3A_378 : memref<1x125xi32, #tpu.memory_space<vmem>> -> memref<125xi32, #tpu.memory_space<vmem>>
        %dma_start3A_380 = arith.constant 0 : i32
        %dma_start3A_381 = arith.constant 0 : i32
        %dma_start3A_382 = tpu.memref_slice %arg2[%dma_start3A_380, %dma_start3A_381] : memref<50048x16xf32, #tpu.memory_space<hbm>> -> memref<50048x16xf32, #tpu.memory_space<hbm>>
        tpu.enqueue_indirect_dma source(%dma_start3A_382 : memref<50048x16xf32, #tpu.memory_space<hbm>>) target(%arg17 : memref<125x16xf32, #tpu.memory_space<vmem>>) offsets(%dma_start3A_379 : memref<125xi32, #tpu.memory_space<vmem>>) semaphore(%arg28 : memref<!tpu.dma_semaphore, #tpu.memory_space<semaphore_mem>>)
      } else {
      }
      %mul3A_226 = arith.constant 10 : i32
      %mul3A_227 = arith.muli %mul3A_226, %scan3A_131 : i32
      %add3A_228 = arith.constant 4 : i32
      %add3A_229 = arith.addi %mul3A_227, %add3A_228 : i32
      %dma_wait3A_230 = arith.constant 0 : i32
      %dma_wait3A_231 = arith.constant 0 : i32
      %dma_wait3A_232 = tpu.memref_slice %arg7[%dma_wait3A_230, %dma_wait3A_231] : memref<200x125xi32, #tpu.memory_space<vmem>> -> memref<1x125xi32, #tpu.memory_space<vmem>>
      %dma_wait3A_233 = tpu.memref_squeeze %dma_wait3A_232 : memref<1x125xi32, #tpu.memory_space<vmem>> -> memref<125xi32, #tpu.memory_space<vmem>>
      %dma_wait3A_234 = arith.constant 0 : i32
      %dma_wait3A_235 = arith.constant 0 : i32
      %dma_wait3A_236 = tpu.memref_slice %arg2[%dma_wait3A_234, %dma_wait3A_235] : memref<50048x16xf32, #tpu.memory_space<hbm>> -> memref<50048x16xf32, #tpu.memory_space<hbm>>
      tpu.wait_indirect_dma semaphore(%arg24 : memref<!tpu.dma_semaphore, #tpu.memory_space<semaphore_mem>>) src(%dma_wait3A_236 : memref<50048x16xf32, #tpu.memory_space<hbm>>) dst(%arg13 : memref<125x16xf32, #tpu.memory_space<vmem>>)
      %dma_start3A_237 = arith.constant 0 : i32
      %dma_start3A_238 = tpu.memref_slice %arg8[%add3A_229, %dma_start3A_237] : memref<200x125xi32, #tpu.memory_space<vmem>> -> memref<1x125xi32, #tpu.memory_space<vmem>>
      %dma_start3A_239 = tpu.memref_squeeze %dma_start3A_238 : memref<1x125xi32, #tpu.memory_space<vmem>> -> memref<125xi32, #tpu.memory_space<vmem>>
      %dma_start3A_240 = arith.constant 0 : i32
      %dma_start3A_241 = arith.constant 0 : i32
      %dma_start3A_242 = tpu.memref_slice %arg19[%dma_start3A_240, %dma_start3A_241] : memref<50048x16xf32, #tpu.memory_space<vmem_shared>> -> memref<50048x16xf32, #tpu.memory_space<vmem_shared>>
      tpu.enqueue_indirect_dma source(%arg13 : memref<125x16xf32, #tpu.memory_space<vmem>>) target(%dma_start3A_242 : memref<50048x16xf32, #tpu.memory_space<vmem_shared>>) offsets(%dma_start3A_239 : memref<125xi32, #tpu.memory_space<vmem>>) semaphore(%arg34 : memref<!tpu.dma_semaphore, #tpu.memory_space<semaphore_mem>>) {add = true}
      %add3A_243 = arith.constant 5 : i32
      %add3A_244 = arith.addi %add3A_229, %add3A_243 : i32
      %lt3A_245 = arith.constant 200 : i32
      %lt3A_246 = arith.cmpi slt, %add3A_244, %lt3A_245 : i32
      %convert_element_type3A_247 = arith.extui %lt3A_246 : i1 to i32
      %cond3A_248 = arith.constant 0 : i32
      %cond3A_249 = arith.cmpi ne, %convert_element_type3A_247, %cond3A_248 : i32
      scf.if %cond3A_249 {
        %ge3A = arith.constant 5 : i32
        %ge3A_371 = arith.cmpi sge, %add3A_229, %ge3A : i32
        %convert_element_type3A_372 = arith.extui %ge3A_371 : i1 to i32
        %cond3A_373 = arith.constant 0 : i32
        %cond3A_374 = arith.cmpi ne, %convert_element_type3A_372, %cond3A_373 : i32
        scf.if %cond3A_374 {
          %dma_wait3A_383 = arith.constant 0 : i32
          %dma_wait3A_384 = arith.constant 0 : i32
          %dma_wait3A_385 = tpu.memref_slice %arg8[%dma_wait3A_383, %dma_wait3A_384] : memref<200x125xi32, #tpu.memory_space<vmem>> -> memref<1x125xi32, #tpu.memory_space<vmem>>
          %dma_wait3A_386 = tpu.memref_squeeze %dma_wait3A_385 : memref<1x125xi32, #tpu.memory_space<vmem>> -> memref<125xi32, #tpu.memory_space<vmem>>
          %dma_wait3A_387 = arith.constant 0 : i32
          %dma_wait3A_388 = arith.constant 0 : i32
          %dma_wait3A_389 = tpu.memref_slice %arg19[%dma_wait3A_387, %dma_wait3A_388] : memref<50048x16xf32, #tpu.memory_space<vmem_shared>> -> memref<50048x16xf32, #tpu.memory_space<vmem_shared>>
          tpu.wait_indirect_dma semaphore(%arg39 : memref<!tpu.dma_semaphore, #tpu.memory_space<semaphore_mem>>) src(%arg18 : memref<125x16xf32, #tpu.memory_space<vmem>>) dst(%dma_wait3A_389 : memref<50048x16xf32, #tpu.memory_space<vmem_shared>>)
        } else {
        }
        %add3A_375 = arith.constant 5 : i32
        %add3A_376 = arith.addi %add3A_229, %add3A_375 : i32
        %dma_start3A_377 = arith.constant 0 : i32
        %dma_start3A_378 = tpu.memref_slice %arg7[%add3A_376, %dma_start3A_377] : memref<200x125xi32, #tpu.memory_space<vmem>> -> memref<1x125xi32, #tpu.memory_space<vmem>>
        %dma_start3A_379 = tpu.memref_squeeze %dma_start3A_378 : memref<1x125xi32, #tpu.memory_space<vmem>> -> memref<125xi32, #tpu.memory_space<vmem>>
        %dma_start3A_380 = arith.constant 0 : i32
        %dma_start3A_381 = arith.constant 0 : i32
        %dma_start3A_382 = tpu.memref_slice %arg2[%dma_start3A_380, %dma_start3A_381] : memref<50048x16xf32, #tpu.memory_space<hbm>> -> memref<50048x16xf32, #tpu.memory_space<hbm>>
        tpu.enqueue_indirect_dma source(%dma_start3A_382 : memref<50048x16xf32, #tpu.memory_space<hbm>>) target(%arg18 : memref<125x16xf32, #tpu.memory_space<vmem>>) offsets(%dma_start3A_379 : memref<125xi32, #tpu.memory_space<vmem>>) semaphore(%arg29 : memref<!tpu.dma_semaphore, #tpu.memory_space<semaphore_mem>>)
      } else {
      }
      %mul3A_250 = arith.constant 10 : i32
      %mul3A_251 = arith.muli %mul3A_250, %scan3A_131 : i32
      %add3A_252 = arith.constant 5 : i32
      %add3A_253 = arith.addi %mul3A_251, %add3A_252 : i32
      %dma_wait3A_254 = arith.constant 0 : i32
      %dma_wait3A_255 = arith.constant 0 : i32
      %dma_wait3A_256 = tpu.memref_slice %arg7[%dma_wait3A_254, %dma_wait3A_255] : memref<200x125xi32, #tpu.memory_space<vmem>> -> memref<1x125xi32, #tpu.memory_space<vmem>>
      %dma_wait3A_257 = tpu.memref_squeeze %dma_wait3A_256 : memref<1x125xi32, #tpu.memory_space<vmem>> -> memref<125xi32, #tpu.memory_space<vmem>>
      %dma_wait3A_258 = arith.constant 0 : i32
      %dma_wait3A_259 = arith.constant 0 : i32
      %dma_wait3A_260 = tpu.memref_slice %arg2[%dma_wait3A_258, %dma_wait3A_259] : memref<50048x16xf32, #tpu.memory_space<hbm>> -> memref<50048x16xf32, #tpu.memory_space<hbm>>
      tpu.wait_indirect_dma semaphore(%arg25 : memref<!tpu.dma_semaphore, #tpu.memory_space<semaphore_mem>>) src(%dma_wait3A_260 : memref<50048x16xf32, #tpu.memory_space<hbm>>) dst(%arg14 : memref<125x16xf32, #tpu.memory_space<vmem>>)
      %dma_start3A_261 = arith.constant 0 : i32
      %dma_start3A_262 = tpu.memref_slice %arg8[%add3A_253, %dma_start3A_261] : memref<200x125xi32, #tpu.memory_space<vmem>> -> memref<1x125xi32, #tpu.memory_space<vmem>>
      %dma_start3A_263 = tpu.memref_squeeze %dma_start3A_262 : memref<1x125xi32, #tpu.memory_space<vmem>> -> memref<125xi32, #tpu.memory_space<vmem>>
      %dma_start3A_264 = arith.constant 0 : i32
      %dma_start3A_265 = arith.constant 0 : i32
      %dma_start3A_266 = tpu.memref_slice %arg19[%dma_start3A_264, %dma_start3A_265] : memref<50048x16xf32, #tpu.memory_space<vmem_shared>> -> memref<50048x16xf32, #tpu.memory_space<vmem_shared>>
      tpu.enqueue_indirect_dma source(%arg14 : memref<125x16xf32, #tpu.memory_space<vmem>>) target(%dma_start3A_266 : memref<50048x16xf32, #tpu.memory_space<vmem_shared>>) offsets(%dma_start3A_263 : memref<125xi32, #tpu.memory_space<vmem>>) semaphore(%arg35 : memref<!tpu.dma_semaphore, #tpu.memory_space<semaphore_mem>>) {add = true}
      %add3A_267 = arith.constant 5 : i32
      %add3A_268 = arith.addi %add3A_253, %add3A_267 : i32
      %lt3A_269 = arith.constant 200 : i32
      %lt3A_270 = arith.cmpi slt, %add3A_268, %lt3A_269 : i32
      %convert_element_type3A_271 = arith.extui %lt3A_270 : i1 to i32
      %cond3A_272 = arith.constant 0 : i32
      %cond3A_273 = arith.cmpi ne, %convert_element_type3A_271, %cond3A_272 : i32
      scf.if %cond3A_273 {
        %ge3A = arith.constant 5 : i32
        %ge3A_371 = arith.cmpi sge, %add3A_253, %ge3A : i32
        %convert_element_type3A_372 = arith.extui %ge3A_371 : i1 to i32
        %cond3A_373 = arith.constant 0 : i32
        %cond3A_374 = arith.cmpi ne, %convert_element_type3A_372, %cond3A_373 : i32
        scf.if %cond3A_374 {
          %dma_wait3A_383 = arith.constant 0 : i32
          %dma_wait3A_384 = arith.constant 0 : i32
          %dma_wait3A_385 = tpu.memref_slice %arg8[%dma_wait3A_383, %dma_wait3A_384] : memref<200x125xi32, #tpu.memory_space<vmem>> -> memref<1x125xi32, #tpu.memory_space<vmem>>
          %dma_wait3A_386 = tpu.memref_squeeze %dma_wait3A_385 : memref<1x125xi32, #tpu.memory_space<vmem>> -> memref<125xi32, #tpu.memory_space<vmem>>
          %dma_wait3A_387 = arith.constant 0 : i32
          %dma_wait3A_388 = arith.constant 0 : i32
          %dma_wait3A_389 = tpu.memref_slice %arg19[%dma_wait3A_387, %dma_wait3A_388] : memref<50048x16xf32, #tpu.memory_space<vmem_shared>> -> memref<50048x16xf32, #tpu.memory_space<vmem_shared>>
          tpu.wait_indirect_dma semaphore(%arg30 : memref<!tpu.dma_semaphore, #tpu.memory_space<semaphore_mem>>) src(%arg9 : memref<125x16xf32, #tpu.memory_space<vmem>>) dst(%dma_wait3A_389 : memref<50048x16xf32, #tpu.memory_space<vmem_shared>>)
        } else {
        }
        %add3A_375 = arith.constant 5 : i32
        %add3A_376 = arith.addi %add3A_253, %add3A_375 : i32
        %dma_start3A_377 = arith.constant 0 : i32
        %dma_start3A_378 = tpu.memref_slice %arg7[%add3A_376, %dma_start3A_377] : memref<200x125xi32, #tpu.memory_space<vmem>> -> memref<1x125xi32, #tpu.memory_space<vmem>>
        %dma_start3A_379 = tpu.memref_squeeze %dma_start3A_378 : memref<1x125xi32, #tpu.memory_space<vmem>> -> memref<125xi32, #tpu.memory_space<vmem>>
        %dma_start3A_380 = arith.constant 0 : i32
        %dma_start3A_381 = arith.constant 0 : i32
        %dma_start3A_382 = tpu.memref_slice %arg2[%dma_start3A_380, %dma_start3A_381] : memref<50048x16xf32, #tpu.memory_space<hbm>> -> memref<50048x16xf32, #tpu.memory_space<hbm>>
        tpu.enqueue_indirect_dma source(%dma_start3A_382 : memref<50048x16xf32, #tpu.memory_space<hbm>>) target(%arg9 : memref<125x16xf32, #tpu.memory_space<vmem>>) offsets(%dma_start3A_379 : memref<125xi32, #tpu.memory_space<vmem>>) semaphore(%arg20 : memref<!tpu.dma_semaphore, #tpu.memory_space<semaphore_mem>>)
      } else {
      }
      %mul3A_274 = arith.constant 10 : i32
      %mul3A_275 = arith.muli %mul3A_274, %scan3A_131 : i32
      %add3A_276 = arith.constant 6 : i32
      %add3A_277 = arith.addi %mul3A_275, %add3A_276 : i32
      %dma_wait3A_278 = arith.constant 0 : i32
      %dma_wait3A_279 = arith.constant 0 : i32
      %dma_wait3A_280 = tpu.memref_slice %arg7[%dma_wait3A_278, %dma_wait3A_279] : memref<200x125xi32, #tpu.memory_space<vmem>> -> memref<1x125xi32, #tpu.memory_space<vmem>>
      %dma_wait3A_281 = tpu.memref_squeeze %dma_wait3A_280 : memref<1x125xi32, #tpu.memory_space<vmem>> -> memref<125xi32, #tpu.memory_space<vmem>>
      %dma_wait3A_282 = arith.constant 0 : i32
      %dma_wait3A_283 = arith.constant 0 : i32
      %dma_wait3A_284 = tpu.memref_slice %arg2[%dma_wait3A_282, %dma_wait3A_283] : memref<50048x16xf32, #tpu.memory_space<hbm>> -> memref<50048x16xf32, #tpu.memory_space<hbm>>
      tpu.wait_indirect_dma semaphore(%arg26 : memref<!tpu.dma_semaphore, #tpu.memory_space<semaphore_mem>>) src(%dma_wait3A_284 : memref<50048x16xf32, #tpu.memory_space<hbm>>) dst(%arg15 : memref<125x16xf32, #tpu.memory_space<vmem>>)
      %dma_start3A_285 = arith.constant 0 : i32
      %dma_start3A_286 = tpu.memref_slice %arg8[%add3A_277, %dma_start3A_285] : memref<200x125xi32, #tpu.memory_space<vmem>> -> memref<1x125xi32, #tpu.memory_space<vmem>>
      %dma_start3A_287 = tpu.memref_squeeze %dma_start3A_286 : memref<1x125xi32, #tpu.memory_space<vmem>> -> memref<125xi32, #tpu.memory_space<vmem>>
      %dma_start3A_288 = arith.constant 0 : i32
      %dma_start3A_289 = arith.constant 0 : i32
      %dma_start3A_290 = tpu.memref_slice %arg19[%dma_start3A_288, %dma_start3A_289] : memref<50048x16xf32, #tpu.memory_space<vmem_shared>> -> memref<50048x16xf32, #tpu.memory_space<vmem_shared>>
      tpu.enqueue_indirect_dma source(%arg15 : memref<125x16xf32, #tpu.memory_space<vmem>>) target(%dma_start3A_290 : memref<50048x16xf32, #tpu.memory_space<vmem_shared>>) offsets(%dma_start3A_287 : memref<125xi32, #tpu.memory_space<vmem>>) semaphore(%arg36 : memref<!tpu.dma_semaphore, #tpu.memory_space<semaphore_mem>>) {add = true}
      %add3A_291 = arith.constant 5 : i32
      %add3A_292 = arith.addi %add3A_277, %add3A_291 : i32
      %lt3A_293 = arith.constant 200 : i32
      %lt3A_294 = arith.cmpi slt, %add3A_292, %lt3A_293 : i32
      %convert_element_type3A_295 = arith.extui %lt3A_294 : i1 to i32
      %cond3A_296 = arith.constant 0 : i32
      %cond3A_297 = arith.cmpi ne, %convert_element_type3A_295, %cond3A_296 : i32
      scf.if %cond3A_297 {
        %ge3A = arith.constant 5 : i32
        %ge3A_371 = arith.cmpi sge, %add3A_277, %ge3A : i32
        %convert_element_type3A_372 = arith.extui %ge3A_371 : i1 to i32
        %cond3A_373 = arith.constant 0 : i32
        %cond3A_374 = arith.cmpi ne, %convert_element_type3A_372, %cond3A_373 : i32
        scf.if %cond3A_374 {
          %dma_wait3A_383 = arith.constant 0 : i32
          %dma_wait3A_384 = arith.constant 0 : i32
          %dma_wait3A_385 = tpu.memref_slice %arg8[%dma_wait3A_383, %dma_wait3A_384] : memref<200x125xi32, #tpu.memory_space<vmem>> -> memref<1x125xi32, #tpu.memory_space<vmem>>
          %dma_wait3A_386 = tpu.memref_squeeze %dma_wait3A_385 : memref<1x125xi32, #tpu.memory_space<vmem>> -> memref<125xi32, #tpu.memory_space<vmem>>
          %dma_wait3A_387 = arith.constant 0 : i32
          %dma_wait3A_388 = arith.constant 0 : i32
          %dma_wait3A_389 = tpu.memref_slice %arg19[%dma_wait3A_387, %dma_wait3A_388] : memref<50048x16xf32, #tpu.memory_space<vmem_shared>> -> memref<50048x16xf32, #tpu.memory_space<vmem_shared>>
          tpu.wait_indirect_dma semaphore(%arg31 : memref<!tpu.dma_semaphore, #tpu.memory_space<semaphore_mem>>) src(%arg10 : memref<125x16xf32, #tpu.memory_space<vmem>>) dst(%dma_wait3A_389 : memref<50048x16xf32, #tpu.memory_space<vmem_shared>>)
        } else {
        }
        %add3A_375 = arith.constant 5 : i32
        %add3A_376 = arith.addi %add3A_277, %add3A_375 : i32
        %dma_start3A_377 = arith.constant 0 : i32
        %dma_start3A_378 = tpu.memref_slice %arg7[%add3A_376, %dma_start3A_377] : memref<200x125xi32, #tpu.memory_space<vmem>> -> memref<1x125xi32, #tpu.memory_space<vmem>>
        %dma_start3A_379 = tpu.memref_squeeze %dma_start3A_378 : memref<1x125xi32, #tpu.memory_space<vmem>> -> memref<125xi32, #tpu.memory_space<vmem>>
        %dma_start3A_380 = arith.constant 0 : i32
        %dma_start3A_381 = arith.constant 0 : i32
        %dma_start3A_382 = tpu.memref_slice %arg2[%dma_start3A_380, %dma_start3A_381] : memref<50048x16xf32, #tpu.memory_space<hbm>> -> memref<50048x16xf32, #tpu.memory_space<hbm>>
        tpu.enqueue_indirect_dma source(%dma_start3A_382 : memref<50048x16xf32, #tpu.memory_space<hbm>>) target(%arg10 : memref<125x16xf32, #tpu.memory_space<vmem>>) offsets(%dma_start3A_379 : memref<125xi32, #tpu.memory_space<vmem>>) semaphore(%arg21 : memref<!tpu.dma_semaphore, #tpu.memory_space<semaphore_mem>>)
      } else {
      }
      %mul3A_298 = arith.constant 10 : i32
      %mul3A_299 = arith.muli %mul3A_298, %scan3A_131 : i32
      %add3A_300 = arith.constant 7 : i32
      %add3A_301 = arith.addi %mul3A_299, %add3A_300 : i32
      %dma_wait3A_302 = arith.constant 0 : i32
      %dma_wait3A_303 = arith.constant 0 : i32
      %dma_wait3A_304 = tpu.memref_slice %arg7[%dma_wait3A_302, %dma_wait3A_303] : memref<200x125xi32, #tpu.memory_space<vmem>> -> memref<1x125xi32, #tpu.memory_space<vmem>>
      %dma_wait3A_305 = tpu.memref_squeeze %dma_wait3A_304 : memref<1x125xi32, #tpu.memory_space<vmem>> -> memref<125xi32, #tpu.memory_space<vmem>>
      %dma_wait3A_306 = arith.constant 0 : i32
      %dma_wait3A_307 = arith.constant 0 : i32
      %dma_wait3A_308 = tpu.memref_slice %arg2[%dma_wait3A_306, %dma_wait3A_307] : memref<50048x16xf32, #tpu.memory_space<hbm>> -> memref<50048x16xf32, #tpu.memory_space<hbm>>
      tpu.wait_indirect_dma semaphore(%arg27 : memref<!tpu.dma_semaphore, #tpu.memory_space<semaphore_mem>>) src(%dma_wait3A_308 : memref<50048x16xf32, #tpu.memory_space<hbm>>) dst(%arg16 : memref<125x16xf32, #tpu.memory_space<vmem>>)
      %dma_start3A_309 = arith.constant 0 : i32
      %dma_start3A_310 = tpu.memref_slice %arg8[%add3A_301, %dma_start3A_309] : memref<200x125xi32, #tpu.memory_space<vmem>> -> memref<1x125xi32, #tpu.memory_space<vmem>>
      %dma_start3A_311 = tpu.memref_squeeze %dma_start3A_310 : memref<1x125xi32, #tpu.memory_space<vmem>> -> memref<125xi32, #tpu.memory_space<vmem>>
      %dma_start3A_312 = arith.constant 0 : i32
      %dma_start3A_313 = arith.constant 0 : i32
      %dma_start3A_314 = tpu.memref_slice %arg19[%dma_start3A_312, %dma_start3A_313] : memref<50048x16xf32, #tpu.memory_space<vmem_shared>> -> memref<50048x16xf32, #tpu.memory_space<vmem_shared>>
      tpu.enqueue_indirect_dma source(%arg16 : memref<125x16xf32, #tpu.memory_space<vmem>>) target(%dma_start3A_314 : memref<50048x16xf32, #tpu.memory_space<vmem_shared>>) offsets(%dma_start3A_311 : memref<125xi32, #tpu.memory_space<vmem>>) semaphore(%arg37 : memref<!tpu.dma_semaphore, #tpu.memory_space<semaphore_mem>>) {add = true}
      %add3A_315 = arith.constant 5 : i32
      %add3A_316 = arith.addi %add3A_301, %add3A_315 : i32
      %lt3A_317 = arith.constant 200 : i32
      %lt3A_318 = arith.cmpi slt, %add3A_316, %lt3A_317 : i32
      %convert_element_type3A_319 = arith.extui %lt3A_318 : i1 to i32
      %cond3A_320 = arith.constant 0 : i32
      %cond3A_321 = arith.cmpi ne, %convert_element_type3A_319, %cond3A_320 : i32
      scf.if %cond3A_321 {
        %ge3A = arith.constant 5 : i32
        %ge3A_371 = arith.cmpi sge, %add3A_301, %ge3A : i32
        %convert_element_type3A_372 = arith.extui %ge3A_371 : i1 to i32
        %cond3A_373 = arith.constant 0 : i32
        %cond3A_374 = arith.cmpi ne, %convert_element_type3A_372, %cond3A_373 : i32
        scf.if %cond3A_374 {
          %dma_wait3A_383 = arith.constant 0 : i32
          %dma_wait3A_384 = arith.constant 0 : i32
          %dma_wait3A_385 = tpu.memref_slice %arg8[%dma_wait3A_383, %dma_wait3A_384] : memref<200x125xi32, #tpu.memory_space<vmem>> -> memref<1x125xi32, #tpu.memory_space<vmem>>
          %dma_wait3A_386 = tpu.memref_squeeze %dma_wait3A_385 : memref<1x125xi32, #tpu.memory_space<vmem>> -> memref<125xi32, #tpu.memory_space<vmem>>
          %dma_wait3A_387 = arith.constant 0 : i32
          %dma_wait3A_388 = arith.constant 0 : i32
          %dma_wait3A_389 = tpu.memref_slice %arg19[%dma_wait3A_387, %dma_wait3A_388] : memref<50048x16xf32, #tpu.memory_space<vmem_shared>> -> memref<50048x16xf32, #tpu.memory_space<vmem_shared>>
          tpu.wait_indirect_dma semaphore(%arg32 : memref<!tpu.dma_semaphore, #tpu.memory_space<semaphore_mem>>) src(%arg11 : memref<125x16xf32, #tpu.memory_space<vmem>>) dst(%dma_wait3A_389 : memref<50048x16xf32, #tpu.memory_space<vmem_shared>>)
        } else {
        }
        %add3A_375 = arith.constant 5 : i32
        %add3A_376 = arith.addi %add3A_301, %add3A_375 : i32
        %dma_start3A_377 = arith.constant 0 : i32
        %dma_start3A_378 = tpu.memref_slice %arg7[%add3A_376, %dma_start3A_377] : memref<200x125xi32, #tpu.memory_space<vmem>> -> memref<1x125xi32, #tpu.memory_space<vmem>>
        %dma_start3A_379 = tpu.memref_squeeze %dma_start3A_378 : memref<1x125xi32, #tpu.memory_space<vmem>> -> memref<125xi32, #tpu.memory_space<vmem>>
        %dma_start3A_380 = arith.constant 0 : i32
        %dma_start3A_381 = arith.constant 0 : i32
        %dma_start3A_382 = tpu.memref_slice %arg2[%dma_start3A_380, %dma_start3A_381] : memref<50048x16xf32, #tpu.memory_space<hbm>> -> memref<50048x16xf32, #tpu.memory_space<hbm>>
        tpu.enqueue_indirect_dma source(%dma_start3A_382 : memref<50048x16xf32, #tpu.memory_space<hbm>>) target(%arg11 : memref<125x16xf32, #tpu.memory_space<vmem>>) offsets(%dma_start3A_379 : memref<125xi32, #tpu.memory_space<vmem>>) semaphore(%arg22 : memref<!tpu.dma_semaphore, #tpu.memory_space<semaphore_mem>>)
      } else {
      }
      %mul3A_322 = arith.constant 10 : i32
      %mul3A_323 = arith.muli %mul3A_322, %scan3A_131 : i32
      %add3A_324 = arith.constant 8 : i32
      %add3A_325 = arith.addi %mul3A_323, %add3A_324 : i32
      %dma_wait3A_326 = arith.constant 0 : i32
      %dma_wait3A_327 = arith.constant 0 : i32
      %dma_wait3A_328 = tpu.memref_slice %arg7[%dma_wait3A_326, %dma_wait3A_327] : memref<200x125xi32, #tpu.memory_space<vmem>> -> memref<1x125xi32, #tpu.memory_space<vmem>>
      %dma_wait3A_329 = tpu.memref_squeeze %dma_wait3A_328 : memref<1x125xi32, #tpu.memory_space<vmem>> -> memref<125xi32, #tpu.memory_space<vmem>>
      %dma_wait3A_330 = arith.constant 0 : i32
      %dma_wait3A_331 = arith.constant 0 : i32
      %dma_wait3A_332 = tpu.memref_slice %arg2[%dma_wait3A_330, %dma_wait3A_331] : memref<50048x16xf32, #tpu.memory_space<hbm>> -> memref<50048x16xf32, #tpu.memory_space<hbm>>
      tpu.wait_indirect_dma semaphore(%arg28 : memref<!tpu.dma_semaphore, #tpu.memory_space<semaphore_mem>>) src(%dma_wait3A_332 : memref<50048x16xf32, #tpu.memory_space<hbm>>) dst(%arg17 : memref<125x16xf32, #tpu.memory_space<vmem>>)
      %dma_start3A_333 = arith.constant 0 : i32
      %dma_start3A_334 = tpu.memref_slice %arg8[%add3A_325, %dma_start3A_333] : memref<200x125xi32, #tpu.memory_space<vmem>> -> memref<1x125xi32, #tpu.memory_space<vmem>>
      %dma_start3A_335 = tpu.memref_squeeze %dma_start3A_334 : memref<1x125xi32, #tpu.memory_space<vmem>> -> memref<125xi32, #tpu.memory_space<vmem>>
      %dma_start3A_336 = arith.constant 0 : i32
      %dma_start3A_337 = arith.constant 0 : i32
      %dma_start3A_338 = tpu.memref_slice %arg19[%dma_start3A_336, %dma_start3A_337] : memref<50048x16xf32, #tpu.memory_space<vmem_shared>> -> memref<50048x16xf32, #tpu.memory_space<vmem_shared>>
      tpu.enqueue_indirect_dma source(%arg17 : memref<125x16xf32, #tpu.memory_space<vmem>>) target(%dma_start3A_338 : memref<50048x16xf32, #tpu.memory_space<vmem_shared>>) offsets(%dma_start3A_335 : memref<125xi32, #tpu.memory_space<vmem>>) semaphore(%arg38 : memref<!tpu.dma_semaphore, #tpu.memory_space<semaphore_mem>>) {add = true}
      %add3A_339 = arith.constant 5 : i32
      %add3A_340 = arith.addi %add3A_325, %add3A_339 : i32
      %lt3A_341 = arith.constant 200 : i32
      %lt3A_342 = arith.cmpi slt, %add3A_340, %lt3A_341 : i32
      %convert_element_type3A_343 = arith.extui %lt3A_342 : i1 to i32
      %cond3A_344 = arith.constant 0 : i32
      %cond3A_345 = arith.cmpi ne, %convert_element_type3A_343, %cond3A_344 : i32
      scf.if %cond3A_345 {
        %ge3A = arith.constant 5 : i32
        %ge3A_371 = arith.cmpi sge, %add3A_325, %ge3A : i32
        %convert_element_type3A_372 = arith.extui %ge3A_371 : i1 to i32
        %cond3A_373 = arith.constant 0 : i32
        %cond3A_374 = arith.cmpi ne, %convert_element_type3A_372, %cond3A_373 : i32
        scf.if %cond3A_374 {
          %dma_wait3A_383 = arith.constant 0 : i32
          %dma_wait3A_384 = arith.constant 0 : i32
          %dma_wait3A_385 = tpu.memref_slice %arg8[%dma_wait3A_383, %dma_wait3A_384] : memref<200x125xi32, #tpu.memory_space<vmem>> -> memref<1x125xi32, #tpu.memory_space<vmem>>
          %dma_wait3A_386 = tpu.memref_squeeze %dma_wait3A_385 : memref<1x125xi32, #tpu.memory_space<vmem>> -> memref<125xi32, #tpu.memory_space<vmem>>
          %dma_wait3A_387 = arith.constant 0 : i32
          %dma_wait3A_388 = arith.constant 0 : i32
          %dma_wait3A_389 = tpu.memref_slice %arg19[%dma_wait3A_387, %dma_wait3A_388] : memref<50048x16xf32, #tpu.memory_space<vmem_shared>> -> memref<50048x16xf32, #tpu.memory_space<vmem_shared>>
          tpu.wait_indirect_dma semaphore(%arg33 : memref<!tpu.dma_semaphore, #tpu.memory_space<semaphore_mem>>) src(%arg12 : memref<125x16xf32, #tpu.memory_space<vmem>>) dst(%dma_wait3A_389 : memref<50048x16xf32, #tpu.memory_space<vmem_shared>>)
        } else {
        }
        %add3A_375 = arith.constant 5 : i32
        %add3A_376 = arith.addi %add3A_325, %add3A_375 : i32
        %dma_start3A_377 = arith.constant 0 : i32
        %dma_start3A_378 = tpu.memref_slice %arg7[%add3A_376, %dma_start3A_377] : memref<200x125xi32, #tpu.memory_space<vmem>> -> memref<1x125xi32, #tpu.memory_space<vmem>>
        %dma_start3A_379 = tpu.memref_squeeze %dma_start3A_378 : memref<1x125xi32, #tpu.memory_space<vmem>> -> memref<125xi32, #tpu.memory_space<vmem>>
        %dma_start3A_380 = arith.constant 0 : i32
        %dma_start3A_381 = arith.constant 0 : i32
        %dma_start3A_382 = tpu.memref_slice %arg2[%dma_start3A_380, %dma_start3A_381] : memref<50048x16xf32, #tpu.memory_space<hbm>> -> memref<50048x16xf32, #tpu.memory_space<hbm>>
        tpu.enqueue_indirect_dma source(%dma_start3A_382 : memref<50048x16xf32, #tpu.memory_space<hbm>>) target(%arg12 : memref<125x16xf32, #tpu.memory_space<vmem>>) offsets(%dma_start3A_379 : memref<125xi32, #tpu.memory_space<vmem>>) semaphore(%arg23 : memref<!tpu.dma_semaphore, #tpu.memory_space<semaphore_mem>>)
      } else {
      }
      %mul3A_346 = arith.constant 10 : i32
      %mul3A_347 = arith.muli %mul3A_346, %scan3A_131 : i32
      %add3A_348 = arith.constant 9 : i32
      %add3A_349 = arith.addi %mul3A_347, %add3A_348 : i32
      %dma_wait3A_350 = arith.constant 0 : i32
      %dma_wait3A_351 = arith.constant 0 : i32
      %dma_wait3A_352 = tpu.memref_slice %arg7[%dma_wait3A_350, %dma_wait3A_351] : memref<200x125xi32, #tpu.memory_space<vmem>> -> memref<1x125xi32, #tpu.memory_space<vmem>>
      %dma_wait3A_353 = tpu.memref_squeeze %dma_wait3A_352 : memref<1x125xi32, #tpu.memory_space<vmem>> -> memref<125xi32, #tpu.memory_space<vmem>>
      %dma_wait3A_354 = arith.constant 0 : i32
      %dma_wait3A_355 = arith.constant 0 : i32
      %dma_wait3A_356 = tpu.memref_slice %arg2[%dma_wait3A_354, %dma_wait3A_355] : memref<50048x16xf32, #tpu.memory_space<hbm>> -> memref<50048x16xf32, #tpu.memory_space<hbm>>
      tpu.wait_indirect_dma semaphore(%arg29 : memref<!tpu.dma_semaphore, #tpu.memory_space<semaphore_mem>>) src(%dma_wait3A_356 : memref<50048x16xf32, #tpu.memory_space<hbm>>) dst(%arg18 : memref<125x16xf32, #tpu.memory_space<vmem>>)
      %dma_start3A_357 = arith.constant 0 : i32
      %dma_start3A_358 = tpu.memref_slice %arg8[%add3A_349, %dma_start3A_357] : memref<200x125xi32, #tpu.memory_space<vmem>> -> memref<1x125xi32, #tpu.memory_space<vmem>>
      %dma_start3A_359 = tpu.memref_squeeze %dma_start3A_358 : memref<1x125xi32, #tpu.memory_space<vmem>> -> memref<125xi32, #tpu.memory_space<vmem>>
      %dma_start3A_360 = arith.constant 0 : i32
      %dma_start3A_361 = arith.constant 0 : i32
      %dma_start3A_362 = tpu.memref_slice %arg19[%dma_start3A_360, %dma_start3A_361] : memref<50048x16xf32, #tpu.memory_space<vmem_shared>> -> memref<50048x16xf32, #tpu.memory_space<vmem_shared>>
      tpu.enqueue_indirect_dma source(%arg18 : memref<125x16xf32, #tpu.memory_space<vmem>>) target(%dma_start3A_362 : memref<50048x16xf32, #tpu.memory_space<vmem_shared>>) offsets(%dma_start3A_359 : memref<125xi32, #tpu.memory_space<vmem>>) semaphore(%arg39 : memref<!tpu.dma_semaphore, #tpu.memory_space<semaphore_mem>>) {add = true}
      %add3A_363 = arith.constant 5 : i32
      %add3A_364 = arith.addi %add3A_349, %add3A_363 : i32
      %lt3A_365 = arith.constant 200 : i32
      %lt3A_366 = arith.cmpi slt, %add3A_364, %lt3A_365 : i32
      %convert_element_type3A_367 = arith.extui %lt3A_366 : i1 to i32
      %cond3A_368 = arith.constant 0 : i32
      %cond3A_369 = arith.cmpi ne, %convert_element_type3A_367, %cond3A_368 : i32
      scf.if %cond3A_369 {
        %ge3A = arith.constant 5 : i32
        %ge3A_371 = arith.cmpi sge, %add3A_349, %ge3A : i32
        %convert_element_type3A_372 = arith.extui %ge3A_371 : i1 to i32
        %cond3A_373 = arith.constant 0 : i32
        %cond3A_374 = arith.cmpi ne, %convert_element_type3A_372, %cond3A_373 : i32
        scf.if %cond3A_374 {
          %dma_wait3A_383 = arith.constant 0 : i32
          %dma_wait3A_384 = arith.constant 0 : i32
          %dma_wait3A_385 = tpu.memref_slice %arg8[%dma_wait3A_383, %dma_wait3A_384] : memref<200x125xi32, #tpu.memory_space<vmem>> -> memref<1x125xi32, #tpu.memory_space<vmem>>
          %dma_wait3A_386 = tpu.memref_squeeze %dma_wait3A_385 : memref<1x125xi32, #tpu.memory_space<vmem>> -> memref<125xi32, #tpu.memory_space<vmem>>
          %dma_wait3A_387 = arith.constant 0 : i32
          %dma_wait3A_388 = arith.constant 0 : i32
          %dma_wait3A_389 = tpu.memref_slice %arg19[%dma_wait3A_387, %dma_wait3A_388] : memref<50048x16xf32, #tpu.memory_space<vmem_shared>> -> memref<50048x16xf32, #tpu.memory_space<vmem_shared>>
          tpu.wait_indirect_dma semaphore(%arg34 : memref<!tpu.dma_semaphore, #tpu.memory_space<semaphore_mem>>) src(%arg13 : memref<125x16xf32, #tpu.memory_space<vmem>>) dst(%dma_wait3A_389 : memref<50048x16xf32, #tpu.memory_space<vmem_shared>>)
        } else {
        }
        %add3A_375 = arith.constant 5 : i32
        %add3A_376 = arith.addi %add3A_349, %add3A_375 : i32
        %dma_start3A_377 = arith.constant 0 : i32
        %dma_start3A_378 = tpu.memref_slice %arg7[%add3A_376, %dma_start3A_377] : memref<200x125xi32, #tpu.memory_space<vmem>> -> memref<1x125xi32, #tpu.memory_space<vmem>>
        %dma_start3A_379 = tpu.memref_squeeze %dma_start3A_378 : memref<1x125xi32, #tpu.memory_space<vmem>> -> memref<125xi32, #tpu.memory_space<vmem>>
        %dma_start3A_380 = arith.constant 0 : i32
        %dma_start3A_381 = arith.constant 0 : i32
        %dma_start3A_382 = tpu.memref_slice %arg2[%dma_start3A_380, %dma_start3A_381] : memref<50048x16xf32, #tpu.memory_space<hbm>> -> memref<50048x16xf32, #tpu.memory_space<hbm>>
        tpu.enqueue_indirect_dma source(%dma_start3A_382 : memref<50048x16xf32, #tpu.memory_space<hbm>>) target(%arg13 : memref<125x16xf32, #tpu.memory_space<vmem>>) offsets(%dma_start3A_379 : memref<125xi32, #tpu.memory_space<vmem>>) semaphore(%arg24 : memref<!tpu.dma_semaphore, #tpu.memory_space<semaphore_mem>>)
      } else {
      }
      %scan3A_370 = arith.constant 0 : i32
      scf.yield %scan3A_370 : i32
    }
    %scan3A_47 = arith.constant 20 : i32
    %dma_wait3A_48 = arith.constant 0 : i32
    %dma_wait3A_49 = arith.constant 0 : i32
    %dma_wait3A_50 = tpu.memref_slice %arg8[%dma_wait3A_48, %dma_wait3A_49] : memref<200x125xi32, #tpu.memory_space<vmem>> -> memref<1x125xi32, #tpu.memory_space<vmem>>
    %dma_wait3A_51 = tpu.memref_squeeze %dma_wait3A_50 : memref<1x125xi32, #tpu.memory_space<vmem>> -> memref<125xi32, #tpu.memory_space<vmem>>
    %dma_wait3A_52 = arith.constant 0 : i32
    %dma_wait3A_53 = arith.constant 0 : i32
    %dma_wait3A_54 = tpu.memref_slice %arg19[%dma_wait3A_52, %dma_wait3A_53] : memref<50048x16xf32, #tpu.memory_space<vmem_shared>> -> memref<50048x16xf32, #tpu.memory_space<vmem_shared>>
    tpu.wait_indirect_dma semaphore(%arg30 : memref<!tpu.dma_semaphore, #tpu.memory_space<semaphore_mem>>) src(%arg9 : memref<125x16xf32, #tpu.memory_space<vmem>>) dst(%dma_wait3A_54 : memref<50048x16xf32, #tpu.memory_space<vmem_shared>>)
    %dma_wait3A_55 = arith.constant 0 : i32
    %dma_wait3A_56 = arith.constant 0 : i32
    %dma_wait3A_57 = tpu.memref_slice %arg8[%dma_wait3A_55, %dma_wait3A_56] : memref<200x125xi32, #tpu.memory_space<vmem>> -> memref<1x125xi32, #tpu.memory_space<vmem>>
    %dma_wait3A_58 = tpu.memref_squeeze %dma_wait3A_57 : memref<1x125xi32, #tpu.memory_space<vmem>> -> memref<125xi32, #tpu.memory_space<vmem>>
    %dma_wait3A_59 = arith.constant 0 : i32
    %dma_wait3A_60 = arith.constant 0 : i32
    %dma_wait3A_61 = tpu.memref_slice %arg19[%dma_wait3A_59, %dma_wait3A_60] : memref<50048x16xf32, #tpu.memory_space<vmem_shared>> -> memref<50048x16xf32, #tpu.memory_space<vmem_shared>>
    tpu.wait_indirect_dma semaphore(%arg31 : memref<!tpu.dma_semaphore, #tpu.memory_space<semaphore_mem>>) src(%arg10 : memref<125x16xf32, #tpu.memory_space<vmem>>) dst(%dma_wait3A_61 : memref<50048x16xf32, #tpu.memory_space<vmem_shared>>)
    %dma_wait3A_62 = arith.constant 0 : i32
    %dma_wait3A_63 = arith.constant 0 : i32
    %dma_wait3A_64 = tpu.memref_slice %arg8[%dma_wait3A_62, %dma_wait3A_63] : memref<200x125xi32, #tpu.memory_space<vmem>> -> memref<1x125xi32, #tpu.memory_space<vmem>>
    %dma_wait3A_65 = tpu.memref_squeeze %dma_wait3A_64 : memref<1x125xi32, #tpu.memory_space<vmem>> -> memref<125xi32, #tpu.memory_space<vmem>>
    %dma_wait3A_66 = arith.constant 0 : i32
    %dma_wait3A_67 = arith.constant 0 : i32
    %dma_wait3A_68 = tpu.memref_slice %arg19[%dma_wait3A_66, %dma_wait3A_67] : memref<50048x16xf32, #tpu.memory_space<vmem_shared>> -> memref<50048x16xf32, #tpu.memory_space<vmem_shared>>
    tpu.wait_indirect_dma semaphore(%arg32 : memref<!tpu.dma_semaphore, #tpu.memory_space<semaphore_mem>>) src(%arg11 : memref<125x16xf32, #tpu.memory_space<vmem>>) dst(%dma_wait3A_68 : memref<50048x16xf32, #tpu.memory_space<vmem_shared>>)
    %dma_wait3A_69 = arith.constant 0 : i32
    %dma_wait3A_70 = arith.constant 0 : i32
    %dma_wait3A_71 = tpu.memref_slice %arg8[%dma_wait3A_69, %dma_wait3A_70] : memref<200x125xi32, #tpu.memory_space<vmem>> -> memref<1x125xi32, #tpu.memory_space<vmem>>
    %dma_wait3A_72 = tpu.memref_squeeze %dma_wait3A_71 : memref<1x125xi32, #tpu.memory_space<vmem>> -> memref<125xi32, #tpu.memory_space<vmem>>
    %dma_wait3A_73 = arith.constant 0 : i32
    %dma_wait3A_74 = arith.constant 0 : i32
    %dma_wait3A_75 = tpu.memref_slice %arg19[%dma_wait3A_73, %dma_wait3A_74] : memref<50048x16xf32, #tpu.memory_space<vmem_shared>> -> memref<50048x16xf32, #tpu.memory_space<vmem_shared>>
    tpu.wait_indirect_dma semaphore(%arg33 : memref<!tpu.dma_semaphore, #tpu.memory_space<semaphore_mem>>) src(%arg12 : memref<125x16xf32, #tpu.memory_space<vmem>>) dst(%dma_wait3A_75 : memref<50048x16xf32, #tpu.memory_space<vmem_shared>>)
    %dma_wait3A_76 = arith.constant 0 : i32
    %dma_wait3A_77 = arith.constant 0 : i32
    %dma_wait3A_78 = tpu.memref_slice %arg8[%dma_wait3A_76, %dma_wait3A_77] : memref<200x125xi32, #tpu.memory_space<vmem>> -> memref<1x125xi32, #tpu.memory_space<vmem>>
    %dma_wait3A_79 = tpu.memref_squeeze %dma_wait3A_78 : memref<1x125xi32, #tpu.memory_space<vmem>> -> memref<125xi32, #tpu.memory_space<vmem>>
    %dma_wait3A_80 = arith.constant 0 : i32
    %dma_wait3A_81 = arith.constant 0 : i32
    %dma_wait3A_82 = tpu.memref_slice %arg19[%dma_wait3A_80, %dma_wait3A_81] : memref<50048x16xf32, #tpu.memory_space<vmem_shared>> -> memref<50048x16xf32, #tpu.memory_space<vmem_shared>>
    tpu.wait_indirect_dma semaphore(%arg34 : memref<!tpu.dma_semaphore, #tpu.memory_space<semaphore_mem>>) src(%arg13 : memref<125x16xf32, #tpu.memory_space<vmem>>) dst(%dma_wait3A_82 : memref<50048x16xf32, #tpu.memory_space<vmem_shared>>)
    %dma_wait3A_83 = arith.constant 0 : i32
    %dma_wait3A_84 = arith.constant 0 : i32
    %dma_wait3A_85 = tpu.memref_slice %arg8[%dma_wait3A_83, %dma_wait3A_84] : memref<200x125xi32, #tpu.memory_space<vmem>> -> memref<1x125xi32, #tpu.memory_space<vmem>>
    %dma_wait3A_86 = tpu.memref_squeeze %dma_wait3A_85 : memref<1x125xi32, #tpu.memory_space<vmem>> -> memref<125xi32, #tpu.memory_space<vmem>>
    %dma_wait3A_87 = arith.constant 0 : i32
    %dma_wait3A_88 = arith.constant 0 : i32
    %dma_wait3A_89 = tpu.memref_slice %arg19[%dma_wait3A_87, %dma_wait3A_88] : memref<50048x16xf32, #tpu.memory_space<vmem_shared>> -> memref<50048x16xf32, #tpu.memory_space<vmem_shared>>
    tpu.wait_indirect_dma semaphore(%arg35 : memref<!tpu.dma_semaphore, #tpu.memory_space<semaphore_mem>>) src(%arg14 : memref<125x16xf32, #tpu.memory_space<vmem>>) dst(%dma_wait3A_89 : memref<50048x16xf32, #tpu.memory_space<vmem_shared>>)
    %dma_wait3A_90 = arith.constant 0 : i32
    %dma_wait3A_91 = arith.constant 0 : i32
    %dma_wait3A_92 = tpu.memref_slice %arg8[%dma_wait3A_90, %dma_wait3A_91] : memref<200x125xi32, #tpu.memory_space<vmem>> -> memref<1x125xi32, #tpu.memory_space<vmem>>
    %dma_wait3A_93 = tpu.memref_squeeze %dma_wait3A_92 : memref<1x125xi32, #tpu.memory_space<vmem>> -> memref<125xi32, #tpu.memory_space<vmem>>
    %dma_wait3A_94 = arith.constant 0 : i32
    %dma_wait3A_95 = arith.constant 0 : i32
    %dma_wait3A_96 = tpu.memref_slice %arg19[%dma_wait3A_94, %dma_wait3A_95] : memref<50048x16xf32, #tpu.memory_space<vmem_shared>> -> memref<50048x16xf32, #tpu.memory_space<vmem_shared>>
    tpu.wait_indirect_dma semaphore(%arg36 : memref<!tpu.dma_semaphore, #tpu.memory_space<semaphore_mem>>) src(%arg15 : memref<125x16xf32, #tpu.memory_space<vmem>>) dst(%dma_wait3A_96 : memref<50048x16xf32, #tpu.memory_space<vmem_shared>>)
    %dma_wait3A_97 = arith.constant 0 : i32
    %dma_wait3A_98 = arith.constant 0 : i32
    %dma_wait3A_99 = tpu.memref_slice %arg8[%dma_wait3A_97, %dma_wait3A_98] : memref<200x125xi32, #tpu.memory_space<vmem>> -> memref<1x125xi32, #tpu.memory_space<vmem>>
    %dma_wait3A_100 = tpu.memref_squeeze %dma_wait3A_99 : memref<1x125xi32, #tpu.memory_space<vmem>> -> memref<125xi32, #tpu.memory_space<vmem>>
    %dma_wait3A_101 = arith.constant 0 : i32
    %dma_wait3A_102 = arith.constant 0 : i32
    %dma_wait3A_103 = tpu.memref_slice %arg19[%dma_wait3A_101, %dma_wait3A_102] : memref<50048x16xf32, #tpu.memory_space<vmem_shared>> -> memref<50048x16xf32, #tpu.memory_space<vmem_shared>>
    tpu.wait_indirect_dma semaphore(%arg37 : memref<!tpu.dma_semaphore, #tpu.memory_space<semaphore_mem>>) src(%arg16 : memref<125x16xf32, #tpu.memory_space<vmem>>) dst(%dma_wait3A_103 : memref<50048x16xf32, #tpu.memory_space<vmem_shared>>)
    %dma_wait3A_104 = arith.constant 0 : i32
    %dma_wait3A_105 = arith.constant 0 : i32
    %dma_wait3A_106 = tpu.memref_slice %arg8[%dma_wait3A_104, %dma_wait3A_105] : memref<200x125xi32, #tpu.memory_space<vmem>> -> memref<1x125xi32, #tpu.memory_space<vmem>>
    %dma_wait3A_107 = tpu.memref_squeeze %dma_wait3A_106 : memref<1x125xi32, #tpu.memory_space<vmem>> -> memref<125xi32, #tpu.memory_space<vmem>>
    %dma_wait3A_108 = arith.constant 0 : i32
    %dma_wait3A_109 = arith.constant 0 : i32
    %dma_wait3A_110 = tpu.memref_slice %arg19[%dma_wait3A_108, %dma_wait3A_109] : memref<50048x16xf32, #tpu.memory_space<vmem_shared>> -> memref<50048x16xf32, #tpu.memory_space<vmem_shared>>
    tpu.wait_indirect_dma semaphore(%arg38 : memref<!tpu.dma_semaphore, #tpu.memory_space<semaphore_mem>>) src(%arg17 : memref<125x16xf32, #tpu.memory_space<vmem>>) dst(%dma_wait3A_110 : memref<50048x16xf32, #tpu.memory_space<vmem_shared>>)
    %dma_wait3A_111 = arith.constant 0 : i32
    %dma_wait3A_112 = arith.constant 0 : i32
    %dma_wait3A_113 = tpu.memref_slice %arg8[%dma_wait3A_111, %dma_wait3A_112] : memref<200x125xi32, #tpu.memory_space<vmem>> -> memref<1x125xi32, #tpu.memory_space<vmem>>
    %dma_wait3A_114 = tpu.memref_squeeze %dma_wait3A_113 : memref<1x125xi32, #tpu.memory_space<vmem>> -> memref<125xi32, #tpu.memory_space<vmem>>
    %dma_wait3A_115 = arith.constant 0 : i32
    %dma_wait3A_116 = arith.constant 0 : i32
    %dma_wait3A_117 = tpu.memref_slice %arg19[%dma_wait3A_115, %dma_wait3A_116] : memref<50048x16xf32, #tpu.memory_space<vmem_shared>> -> memref<50048x16xf32, #tpu.memory_space<vmem_shared>>
    tpu.wait_indirect_dma semaphore(%arg39 : memref<!tpu.dma_semaphore, #tpu.memory_space<semaphore_mem>>) src(%arg18 : memref<125x16xf32, #tpu.memory_space<vmem>>) dst(%dma_wait3A_117 : memref<50048x16xf32, #tpu.memory_space<vmem_shared>>)
    %barrier3A_118 = arith.constant 0 : index
    tpu.barrier barrier_id(%barrier3A_118)
    %mul3A_119 = arith.constant 3128 : i32
    %mul3A_120 = arith.muli %arg1, %mul3A_119 : i32
    %dma_start3A_121 = arith.constant 0 : i32
    %dma_start3A_122 = tpu.memref_slice %arg6[%arg0, %mul3A_120, %dma_start3A_121] : memref<2x50048x16xf32, #tpu.memory_space<hbm>> -> memref<1x3128x16xf32, #tpu.memory_space<hbm>>
    %dma_start3A_123 = tpu.memref_squeeze %dma_start3A_122 : memref<1x3128x16xf32, #tpu.memory_space<hbm>> -> memref<3128x16xf32, #tpu.memory_space<hbm>>
    %dma_start3A_124 = arith.constant 0 : i32
    %dma_start3A_125 = tpu.memref_slice %arg19[%mul3A_120, %dma_start3A_124] : memref<50048x16xf32, #tpu.memory_space<vmem_shared>> -> memref<3128x16xf32, #tpu.memory_space<vmem_shared>>
    tpu.enqueue_dma source(%dma_start3A_125 : memref<3128x16xf32, #tpu.memory_space<vmem_shared>>) target(%dma_start3A_123 : memref<3128x16xf32, #tpu.memory_space<hbm>>) target_semaphore(%arg40 : memref<!tpu.dma_semaphore, #tpu.memory_space<semaphore_mem>>)
    %dma_wait3A_126 = arith.constant 0 : i32
    %dma_wait3A_127 = tpu.memref_slice %arg6[%arg0, %mul3A_120, %dma_wait3A_126] : memref<2x50048x16xf32, #tpu.memory_space<hbm>> -> memref<1x3128x16xf32, #tpu.memory_space<hbm>>
    %dma_wait3A_128 = tpu.memref_squeeze %dma_wait3A_127 : memref<1x3128x16xf32, #tpu.memory_space<hbm>> -> memref<3128x16xf32, #tpu.memory_space<hbm>>
    %dma_wait3A_129 = arith.constant 0 : i32
    %dma_wait3A_130 = tpu.memref_slice %arg19[%mul3A_120, %dma_wait3A_129] : memref<50048x16xf32, #tpu.memory_space<vmem_shared>> -> memref<3128x16xf32, #tpu.memory_space<vmem_shared>>
    tpu.wait_dma2 semaphore(%arg40 : memref<!tpu.dma_semaphore, #tpu.memory_space<semaphore_mem>>) src(%dma_wait3A_130 : memref<3128x16xf32, #tpu.memory_space<vmem_shared>>) dst(%dma_wait3A_128 : memref<3128x16xf32, #tpu.memory_space<hbm>>)
    return
  }
}

#map = affine_map<(d0, d1) -> (0, 0)>
#map1 = affine_map<(d0, d1) -> (0, 0, 0)>
module attributes {stable_mosaic.version = 14 : i64} {
  func.func @seg_sum(%arg0: i32, %arg1: i32, %arg2: memref<50048x16xf32, #tpu.memory_space<hbm>>, %arg3: memref<32x200x125xi32, #tpu.memory_space<hbm>>, %arg4: memref<32x200x125xi32, #tpu.memory_space<hbm>>, %arg5: memref<3128x16xf32, #tpu.memory_space<hbm>>, %arg6: memref<2x50048x16xf32, #tpu.memory_space<hbm>>, %arg7: memref<200x125xi32, #tpu.memory_space<vmem>>, %arg8: memref<200x125xi32, #tpu.memory_space<vmem>>, %arg9: memref<125x16xf32, #tpu.memory_space<vmem>>, %arg10: memref<125x16xf32, #tpu.memory_space<vmem>>, %arg11: memref<125x16xf32, #tpu.memory_space<vmem>>, %arg12: memref<125x16xf32, #tpu.memory_space<vmem>>, %arg13: memref<125x16xf32, #tpu.memory_space<vmem>>, %arg14: memref<125x16xf32, #tpu.memory_space<vmem>>, %arg15: memref<125x16xf32, #tpu.memory_space<vmem>>, %arg16: memref<125x16xf32, #tpu.memory_space<vmem>>, %arg17: memref<125x16xf32, #tpu.memory_space<vmem>>, %arg18: memref<125x16xf32, #tpu.memory_space<vmem>>, %arg19: memref<50048x16xf32, #tpu.memory_space<vmem_shared>>, %arg20: memref<!tpu.dma_semaphore, #tpu.memory_space<semaphore_mem>>, %arg21: memref<!tpu.dma_semaphore, #tpu.memory_space<semaphore_mem>>, %arg22: memref<!tpu.dma_semaphore, #tpu.memory_space<semaphore_mem>>, %arg23: memref<!tpu.dma_semaphore, #tpu.memory_space<semaphore_mem>>, %arg24: memref<!tpu.dma_semaphore, #tpu.memory_space<semaphore_mem>>, %arg25: memref<!tpu.dma_semaphore, #tpu.memory_space<semaphore_mem>>, %arg26: memref<!tpu.dma_semaphore, #tpu.memory_space<semaphore_mem>>, %arg27: memref<!tpu.dma_semaphore, #tpu.memory_space<semaphore_mem>>, %arg28: memref<!tpu.dma_semaphore, #tpu.memory_space<semaphore_mem>>, %arg29: memref<!tpu.dma_semaphore, #tpu.memory_space<semaphore_mem>>, %arg30: memref<!tpu.dma_semaphore, #tpu.memory_space<semaphore_mem>>, %arg31: memref<!tpu.dma_semaphore, #tpu.memory_space<semaphore_mem>>, %arg32: memref<!tpu.dma_semaphore, #tpu.memory_space<semaphore_mem>>, %arg33: memref<!tpu.dma_semaphore, #tpu.memory_space<semaphore_mem>>, %arg34: memref<!tpu.dma_semaphore, #tpu.memory_space<semaphore_mem>>, %arg35: memref<!tpu.dma_semaphore, #tpu.memory_space<semaphore_mem>>, %arg36: memref<!tpu.dma_semaphore, #tpu.memory_space<semaphore_mem>>, %arg37: memref<!tpu.dma_semaphore, #tpu.memory_space<semaphore_mem>>, %arg38: memref<!tpu.dma_semaphore, #tpu.memory_space<semaphore_mem>>, %arg39: memref<!tpu.dma_semaphore, #tpu.memory_space<semaphore_mem>>, %arg40: memref<!tpu.dma_semaphore, #tpu.memory_space<semaphore_mem>>) attributes {dimension_semantics = [#tpu.dimension_semantics<core_parallel>, #tpu.dimension_semantics<subcore_parallel>], iteration_bounds = array<i64: 2, 16>, scalar_prefetch = 0 : i64, scratch_operands = 34 : i64, tpu.core_type = #tpu.core_type<sc_vector_subcore>, window_params = [{transform_indices = #map}, {transform_indices = #map1}, {transform_indices = #map1}, {transform_indices = #map}, {transform_indices = #map1}]} {
    %mul3A = arith.constant 16 : i32
    %mul3A_0 = arith.muli %arg0, %mul3A : i32
    %add3A = arith.addi %mul3A_0, %arg1 : i32
    %mul3A_1 = arith.constant 3128 : i32
    %mul3A_2 = arith.muli %arg1, %mul3A_1 : i32
    %dma_start3A = arith.constant 0 : i32
    %dma_start3A_3 = tpu.memref_slice %arg19[%mul3A_2, %dma_start3A] : memref<50048x16xf32, #tpu.memory_space<vmem_shared>> -> memref<3128x16xf32, #tpu.memory_space<vmem_shared>>
    tpu.enqueue_dma source(%arg5 : memref<3128x16xf32, #tpu.memory_space<hbm>>) target(%dma_start3A_3 : memref<3128x16xf32, #tpu.memory_space<vmem_shared>>) target_semaphore(%arg40 : memref<!tpu.dma_semaphore, #tpu.memory_space<semaphore_mem>>)
    "tpu.region"() ({
      %run_scoped3A = tpu.sem_alloc : memref<!tpu.dma_semaphore, #tpu.memory_space<semaphore_mem>>
      %dma_start3A_131 = arith.constant 0 : i32
      %dma_start3A_132 = arith.constant 0 : i32
      %dma_start3A_133 = tpu.memref_slice %arg3[%add3A, %dma_start3A_131, %dma_start3A_132] : memref<32x200x125xi32, #tpu.memory_space<hbm>> -> memref<1x200x125xi32, #tpu.memory_space<hbm>>
      %dma_start3A_134 = tpu.memref_squeeze %dma_start3A_133 : memref<1x200x125xi32, #tpu.memory_space<hbm>> -> memref<200x125xi32, #tpu.memory_space<hbm>>
      %dma_start3A_135 = arith.constant 0 : i32
      %dma_start3A_136 = arith.constant 0 : i32
      %dma_start3A_137 = tpu.memref_slice %arg3[%add3A, %dma_start3A_135, %dma_start3A_136] : memref<32x200x125xi32, #tpu.memory_space<hbm>> -> memref<1x200x125xi32, #tpu.memory_space<hbm>>
      %dma_start3A_138 = tpu.memref_squeeze %dma_start3A_137 : memref<1x200x125xi32, #tpu.memory_space<hbm>> -> memref<200x125xi32, #tpu.memory_space<hbm>>
      tpu.enqueue_dma source(%dma_start3A_138 : memref<200x125xi32, #tpu.memory_space<hbm>>) target(%arg7 : memref<200x125xi32, #tpu.memory_space<vmem>>) target_semaphore(%run_scoped3A : memref<!tpu.dma_semaphore, #tpu.memory_space<semaphore_mem>>)
      %dma_wait3A_139 = arith.constant 0 : i32
      %dma_wait3A_140 = arith.constant 0 : i32
      %dma_wait3A_141 = tpu.memref_slice %arg3[%add3A, %dma_wait3A_139, %dma_wait3A_140] : memref<32x200x125xi32, #tpu.memory_space<hbm>> -> memref<1x200x125xi32, #tpu.memory_space<hbm>>
      %dma_wait3A_142 = tpu.memref_squeeze %dma_wait3A_141 : memref<1x200x125xi32, #tpu.memory_space<hbm>> -> memref<200x125xi32, #tpu.memory_space<hbm>>
      %dma_wait3A_143 = arith.constant 0 : i32
      %dma_wait3A_144 = arith.constant 0 : i32
      %dma_wait3A_145 = tpu.memref_slice %arg3[%add3A, %dma_wait3A_143, %dma_wait3A_144] : memref<32x200x125xi32, #tpu.memory_space<hbm>> -> memref<1x200x125xi32, #tpu.memory_space<hbm>>
      %dma_wait3A_146 = tpu.memref_squeeze %dma_wait3A_145 : memref<1x200x125xi32, #tpu.memory_space<hbm>> -> memref<200x125xi32, #tpu.memory_space<hbm>>
      tpu.wait_dma2 semaphore(%run_scoped3A : memref<!tpu.dma_semaphore, #tpu.memory_space<semaphore_mem>>) src(%dma_wait3A_146 : memref<200x125xi32, #tpu.memory_space<hbm>>) dst(%arg7 : memref<200x125xi32, #tpu.memory_space<vmem>>)
      tpu.yield
    }) : () -> ()
    "tpu.region"() ({
      %run_scoped3A = tpu.sem_alloc : memref<!tpu.dma_semaphore, #tpu.memory_space<semaphore_mem>>
      %dma_start3A_131 = arith.constant 0 : i32
      %dma_start3A_132 = arith.constant 0 : i32
      %dma_start3A_133 = tpu.memref_slice %arg4[%add3A, %dma_start3A_131, %dma_start3A_132] : memref<32x200x125xi32, #tpu.memory_space<hbm>> -> memref<1x200x125xi32, #tpu.memory_space<hbm>>
      %dma_start3A_134 = tpu.memref_squeeze %dma_start3A_133 : memref<1x200x125xi32, #tpu.memory_space<hbm>> -> memref<200x125xi32, #tpu.memory_space<hbm>>
      %dma_start3A_135 = arith.constant 0 : i32
      %dma_start3A_136 = arith.constant 0 : i32
      %dma_start3A_137 = tpu.memref_slice %arg4[%add3A, %dma_start3A_135, %dma_start3A_136] : memref<32x200x125xi32, #tpu.memory_space<hbm>> -> memref<1x200x125xi32, #tpu.memory_space<hbm>>
      %dma_start3A_138 = tpu.memref_squeeze %dma_start3A_137 : memref<1x200x125xi32, #tpu.memory_space<hbm>> -> memref<200x125xi32, #tpu.memory_space<hbm>>
      tpu.enqueue_dma source(%dma_start3A_138 : memref<200x125xi32, #tpu.memory_space<hbm>>) target(%arg8 : memref<200x125xi32, #tpu.memory_space<vmem>>) target_semaphore(%run_scoped3A : memref<!tpu.dma_semaphore, #tpu.memory_space<semaphore_mem>>)
      %dma_wait3A_139 = arith.constant 0 : i32
      %dma_wait3A_140 = arith.constant 0 : i32
      %dma_wait3A_141 = tpu.memref_slice %arg4[%add3A, %dma_wait3A_139, %dma_wait3A_140] : memref<32x200x125xi32, #tpu.memory_space<hbm>> -> memref<1x200x125xi32, #tpu.memory_space<hbm>>
      %dma_wait3A_142 = tpu.memref_squeeze %dma_wait3A_141 : memref<1x200x125xi32, #tpu.memory_space<hbm>> -> memref<200x125xi32, #tpu.memory_space<hbm>>
      %dma_wait3A_143 = arith.constant 0 : i32
      %dma_wait3A_144 = arith.constant 0 : i32
      %dma_wait3A_145 = tpu.memref_slice %arg4[%add3A, %dma_wait3A_143, %dma_wait3A_144] : memref<32x200x125xi32, #tpu.memory_space<hbm>> -> memref<1x200x125xi32, #tpu.memory_space<hbm>>
      %dma_wait3A_146 = tpu.memref_squeeze %dma_wait3A_145 : memref<1x200x125xi32, #tpu.memory_space<hbm>> -> memref<200x125xi32, #tpu.memory_space<hbm>>
      tpu.wait_dma2 semaphore(%run_scoped3A : memref<!tpu.dma_semaphore, #tpu.memory_space<semaphore_mem>>) src(%dma_wait3A_146 : memref<200x125xi32, #tpu.memory_space<hbm>>) dst(%arg8 : memref<200x125xi32, #tpu.memory_space<vmem>>)
      tpu.yield
    }) : () -> ()
    %mul3A_4 = arith.constant 3128 : i32
    %mul3A_5 = arith.muli %arg1, %mul3A_4 : i32
    %dma_wait3A = arith.constant 0 : i32
    %dma_wait3A_6 = tpu.memref_slice %arg19[%mul3A_5, %dma_wait3A] : memref<50048x16xf32, #tpu.memory_space<vmem_shared>> -> memref<3128x16xf32, #tpu.memory_space<vmem_shared>>
    tpu.wait_dma2 semaphore(%arg40 : memref<!tpu.dma_semaphore, #tpu.memory_space<semaphore_mem>>) src(%arg5 : memref<3128x16xf32, #tpu.memory_space<hbm>>) dst(%dma_wait3A_6 : memref<3128x16xf32, #tpu.memory_space<vmem_shared>>)
    %barrier3A = arith.constant 0 : index
    tpu.barrier barrier_id(%barrier3A)
    %dma_start3A_7 = arith.constant 0 : i32
    %dma_start3A_8 = arith.constant 0 : i32
    %dma_start3A_9 = tpu.memref_slice %arg7[%dma_start3A_7, %dma_start3A_8] : memref<200x125xi32, #tpu.memory_space<vmem>> -> memref<1x125xi32, #tpu.memory_space<vmem>>
    %dma_start3A_10 = tpu.memref_squeeze %dma_start3A_9 : memref<1x125xi32, #tpu.memory_space<vmem>> -> memref<125xi32, #tpu.memory_space<vmem>>
    %dma_start3A_11 = arith.constant 0 : i32
    %dma_start3A_12 = arith.constant 0 : i32
    %dma_start3A_13 = tpu.memref_slice %arg2[%dma_start3A_11, %dma_start3A_12] : memref<50048x16xf32, #tpu.memory_space<hbm>> -> memref<50048x16xf32, #tpu.memory_space<hbm>>
    tpu.enqueue_indirect_dma source(%dma_start3A_13 : memref<50048x16xf32, #tpu.memory_space<hbm>>) target(%arg9 : memref<125x16xf32, #tpu.memory_space<vmem>>) offsets(%dma_start3A_10 : memref<125xi32, #tpu.memory_space<vmem>>) semaphore(%arg20 : memref<!tpu.dma_semaphore, #tpu.memory_space<semaphore_mem>>)
    %dma_start3A_14 = arith.constant 1 : i32
    %dma_start3A_15 = arith.constant 0 : i32
    %dma_start3A_16 = tpu.memref_slice %arg7[%dma_start3A_14, %dma_start3A_15] : memref<200x125xi32, #tpu.memory_space<vmem>> -> memref<1x125xi32, #tpu.memory_space<vmem>>
    %dma_start3A_17 = tpu.memref_squeeze %dma_start3A_16 : memref<1x125xi32, #tpu.memory_space<vmem>> -> memref<125xi32, #tpu.memory_space<vmem>>
    %dma_start3A_18 = arith.constant 0 : i32
    %dma_start3A_19 = arith.constant 0 : i32
    %dma_start3A_20 = tpu.memref_slice %arg2[%dma_start3A_18, %dma_start3A_19] : memref<50048x16xf32, #tpu.memory_space<hbm>> -> memref<50048x16xf32, #tpu.memory_space<hbm>>
    tpu.enqueue_indirect_dma source(%dma_start3A_20 : memref<50048x16xf32, #tpu.memory_space<hbm>>) target(%arg10 : memref<125x16xf32, #tpu.memory_space<vmem>>) offsets(%dma_start3A_17 : memref<125xi32, #tpu.memory_space<vmem>>) semaphore(%arg21 : memref<!tpu.dma_semaphore, #tpu.memory_space<semaphore_mem>>)
    %dma_start3A_21 = arith.constant 2 : i32
    %dma_start3A_22 = arith.constant 0 : i32
    %dma_start3A_23 = tpu.memref_slice %arg7[%dma_start3A_21, %dma_start3A_22] : memref<200x125xi32, #tpu.memory_space<vmem>> -> memref<1x125xi32, #tpu.memory_space<vmem>>
    %dma_start3A_24 = tpu.memref_squeeze %dma_start3A_23 : memref<1x125xi32, #tpu.memory_space<vmem>> -> memref<125xi32, #tpu.memory_space<vmem>>
    %dma_start3A_25 = arith.constant 0 : i32
    %dma_start3A_26 = arith.constant 0 : i32
    %dma_start3A_27 = tpu.memref_slice %arg2[%dma_start3A_25, %dma_start3A_26] : memref<50048x16xf32, #tpu.memory_space<hbm>> -> memref<50048x16xf32, #tpu.memory_space<hbm>>
    tpu.enqueue_indirect_dma source(%dma_start3A_27 : memref<50048x16xf32, #tpu.memory_space<hbm>>) target(%arg11 : memref<125x16xf32, #tpu.memory_space<vmem>>) offsets(%dma_start3A_24 : memref<125xi32, #tpu.memory_space<vmem>>) semaphore(%arg22 : memref<!tpu.dma_semaphore, #tpu.memory_space<semaphore_mem>>)
    %dma_start3A_28 = arith.constant 3 : i32
    %dma_start3A_29 = arith.constant 0 : i32
    %dma_start3A_30 = tpu.memref_slice %arg7[%dma_start3A_28, %dma_start3A_29] : memref<200x125xi32, #tpu.memory_space<vmem>> -> memref<1x125xi32, #tpu.memory_space<vmem>>
    %dma_start3A_31 = tpu.memref_squeeze %dma_start3A_30 : memref<1x125xi32, #tpu.memory_space<vmem>> -> memref<125xi32, #tpu.memory_space<vmem>>
    %dma_start3A_32 = arith.constant 0 : i32
    %dma_start3A_33 = arith.constant 0 : i32
    %dma_start3A_34 = tpu.memref_slice %arg2[%dma_start3A_32, %dma_start3A_33] : memref<50048x16xf32, #tpu.memory_space<hbm>> -> memref<50048x16xf32, #tpu.memory_space<hbm>>
    tpu.enqueue_indirect_dma source(%dma_start3A_34 : memref<50048x16xf32, #tpu.memory_space<hbm>>) target(%arg12 : memref<125x16xf32, #tpu.memory_space<vmem>>) offsets(%dma_start3A_31 : memref<125xi32, #tpu.memory_space<vmem>>) semaphore(%arg23 : memref<!tpu.dma_semaphore, #tpu.memory_space<semaphore_mem>>)
    %dma_start3A_35 = arith.constant 4 : i32
    %dma_start3A_36 = arith.constant 0 : i32
    %dma_start3A_37 = tpu.memref_slice %arg7[%dma_start3A_35, %dma_start3A_36] : memref<200x125xi32, #tpu.memory_space<vmem>> -> memref<1x125xi32, #tpu.memory_space<vmem>>
    %dma_start3A_38 = tpu.memref_squeeze %dma_start3A_37 : memref<1x125xi32, #tpu.memory_space<vmem>> -> memref<125xi32, #tpu.memory_space<vmem>>
    %dma_start3A_39 = arith.constant 0 : i32
    %dma_start3A_40 = arith.constant 0 : i32
    %dma_start3A_41 = tpu.memref_slice %arg2[%dma_start3A_39, %dma_start3A_40] : memref<50048x16xf32, #tpu.memory_space<hbm>> -> memref<50048x16xf32, #tpu.memory_space<hbm>>
    tpu.enqueue_indirect_dma source(%dma_start3A_41 : memref<50048x16xf32, #tpu.memory_space<hbm>>) target(%arg13 : memref<125x16xf32, #tpu.memory_space<vmem>>) offsets(%dma_start3A_38 : memref<125xi32, #tpu.memory_space<vmem>>) semaphore(%arg24 : memref<!tpu.dma_semaphore, #tpu.memory_space<semaphore_mem>>)
    %scan3A = arith.constant 0 : i32
    %scan3A_42 = arith.constant 0 : i32
    %scan3A_43 = arith.constant 20 : i32
    %scan3A_44 = arith.addi %scan3A_42, %scan3A_43 : i32
    %scan3A_45 = arith.constant 1 : i32
    %scan3A_46 = scf.for %scan3A_131 = %scan3A_42 to %scan3A_44 step %scan3A_45 iter_args(%scan3A_132 = %scan3A) -> (i32)  : i32 {
      %mul3A_133 = arith.constant 10 : i32
      %mul3A_134 = arith.muli %mul3A_133, %scan3A_131 : i32
      %add3A_135 = arith.constant 0 : i32
      %add3A_136 = arith.addi %mul3A_134, %add3A_135 : i32
      %dma_wait3A_137 = arith.constant 0 : i32
      %dma_wait3A_138 = arith.constant 0 : i32
      %dma_wait3A_139 = tpu.memref_slice %arg7[%dma_wait3A_137, %dma_wait3A_138] : memref<200x125xi32, #tpu.memory_space<vmem>> -> memref<1x125xi32, #tpu.memory_space<vmem>>
      %dma_wait3A_140 = tpu.memref_squeeze %dma_wait3A_139 : memref<1x125xi32, #tpu.memory_space<vmem>> -> memref<125xi32, #tpu.memory_space<vmem>>
      %dma_wait3A_141 = arith.constant 0 : i32
      %dma_wait3A_142 = arith.constant 0 : i32
      %dma_wait3A_143 = tpu.memref_slice %arg2[%dma_wait3A_141, %dma_wait3A_142] : memref<50048x16xf32, #tpu.memory_space<hbm>> -> memref<50048x16xf32, #tpu.memory_space<hbm>>
      tpu.wait_indirect_dma semaphore(%arg20 : memref<!tpu.dma_semaphore, #tpu.memory_space<semaphore_mem>>) src(%dma_wait3A_143 : memref<50048x16xf32, #tpu.memory_space<hbm>>) dst(%arg9 : memref<125x16xf32, #tpu.memory_space<vmem>>)
      %dma_start3A_144 = arith.constant 0 : i32
      %dma_start3A_145 = tpu.memref_slice %arg8[%add3A_136, %dma_start3A_144] : memref<200x125xi32, #tpu.memory_space<vmem>> -> memref<1x125xi32, #tpu.memory_space<vmem>>
      %dma_start3A_146 = tpu.memref_squeeze %dma_start3A_145 : memref<1x125xi32, #tpu.memory_space<vmem>> -> memref<125xi32, #tpu.memory_space<vmem>>
      %dma_start3A_147 = arith.constant 0 : i32
      %dma_start3A_148 = arith.constant 0 : i32
      %dma_start3A_149 = tpu.memref_slice %arg19[%dma_start3A_147, %dma_start3A_148] : memref<50048x16xf32, #tpu.memory_space<vmem_shared>> -> memref<50048x16xf32, #tpu.memory_space<vmem_shared>>
      tpu.enqueue_indirect_dma source(%arg9 : memref<125x16xf32, #tpu.memory_space<vmem>>) target(%dma_start3A_149 : memref<50048x16xf32, #tpu.memory_space<vmem_shared>>) offsets(%dma_start3A_146 : memref<125xi32, #tpu.memory_space<vmem>>) semaphore(%arg30 : memref<!tpu.dma_semaphore, #tpu.memory_space<semaphore_mem>>) {add = true}
      %add3A_150 = arith.constant 5 : i32
      %add3A_151 = arith.addi %add3A_136, %add3A_150 : i32
      %lt3A = arith.constant 200 : i32
      %lt3A_152 = arith.cmpi slt, %add3A_151, %lt3A : i32
      %convert_element_type3A = arith.extui %lt3A_152 : i1 to i32
      %cond3A = arith.constant 0 : i32
      %cond3A_153 = arith.cmpi ne, %convert_element_type3A, %cond3A : i32
      scf.if %cond3A_153 {
        %ge3A = arith.constant 5 : i32
        %ge3A_371 = arith.cmpi sge, %add3A_136, %ge3A : i32
        %convert_element_type3A_372 = arith.extui %ge3A_371 : i1 to i32
        %cond3A_373 = arith.constant 0 : i32
        %cond3A_374 = arith.cmpi ne, %convert_element_type3A_372, %cond3A_373 : i32
        scf.if %cond3A_374 {
          %dma_wait3A_383 = arith.constant 0 : i32
          %dma_wait3A_384 = arith.constant 0 : i32
          %dma_wait3A_385 = tpu.memref_slice %arg8[%dma_wait3A_383, %dma_wait3A_384] : memref<200x125xi32, #tpu.memory_space<vmem>> -> memref<1x125xi32, #tpu.memory_space<vmem>>
          %dma_wait3A_386 = tpu.memref_squeeze %dma_wait3A_385 : memref<1x125xi32, #tpu.memory_space<vmem>> -> memref<125xi32, #tpu.memory_space<vmem>>
          %dma_wait3A_387 = arith.constant 0 : i32
          %dma_wait3A_388 = arith.constant 0 : i32
          %dma_wait3A_389 = tpu.memref_slice %arg19[%dma_wait3A_387, %dma_wait3A_388] : memref<50048x16xf32, #tpu.memory_space<vmem_shared>> -> memref<50048x16xf32, #tpu.memory_space<vmem_shared>>
          tpu.wait_indirect_dma semaphore(%arg35 : memref<!tpu.dma_semaphore, #tpu.memory_space<semaphore_mem>>) src(%arg14 : memref<125x16xf32, #tpu.memory_space<vmem>>) dst(%dma_wait3A_389 : memref<50048x16xf32, #tpu.memory_space<vmem_shared>>)
        } else {
        }
        %add3A_375 = arith.constant 5 : i32
        %add3A_376 = arith.addi %add3A_136, %add3A_375 : i32
        %dma_start3A_377 = arith.constant 0 : i32
        %dma_start3A_378 = tpu.memref_slice %arg7[%add3A_376, %dma_start3A_377] : memref<200x125xi32, #tpu.memory_space<vmem>> -> memref<1x125xi32, #tpu.memory_space<vmem>>
        %dma_start3A_379 = tpu.memref_squeeze %dma_start3A_378 : memref<1x125xi32, #tpu.memory_space<vmem>> -> memref<125xi32, #tpu.memory_space<vmem>>
        %dma_start3A_380 = arith.constant 0 : i32
        %dma_start3A_381 = arith.constant 0 : i32
        %dma_start3A_382 = tpu.memref_slice %arg2[%dma_start3A_380, %dma_start3A_381] : memref<50048x16xf32, #tpu.memory_space<hbm>> -> memref<50048x16xf32, #tpu.memory_space<hbm>>
        tpu.enqueue_indirect_dma source(%dma_start3A_382 : memref<50048x16xf32, #tpu.memory_space<hbm>>) target(%arg14 : memref<125x16xf32, #tpu.memory_space<vmem>>) offsets(%dma_start3A_379 : memref<125xi32, #tpu.memory_space<vmem>>) semaphore(%arg25 : memref<!tpu.dma_semaphore, #tpu.memory_space<semaphore_mem>>)
      } else {
      }
      %mul3A_154 = arith.constant 10 : i32
      %mul3A_155 = arith.muli %mul3A_154, %scan3A_131 : i32
      %add3A_156 = arith.constant 1 : i32
      %add3A_157 = arith.addi %mul3A_155, %add3A_156 : i32
      %dma_wait3A_158 = arith.constant 0 : i32
      %dma_wait3A_159 = arith.constant 0 : i32
      %dma_wait3A_160 = tpu.memref_slice %arg7[%dma_wait3A_158, %dma_wait3A_159] : memref<200x125xi32, #tpu.memory_space<vmem>> -> memref<1x125xi32, #tpu.memory_space<vmem>>
      %dma_wait3A_161 = tpu.memref_squeeze %dma_wait3A_160 : memref<1x125xi32, #tpu.memory_space<vmem>> -> memref<125xi32, #tpu.memory_space<vmem>>
      %dma_wait3A_162 = arith.constant 0 : i32
      %dma_wait3A_163 = arith.constant 0 : i32
      %dma_wait3A_164 = tpu.memref_slice %arg2[%dma_wait3A_162, %dma_wait3A_163] : memref<50048x16xf32, #tpu.memory_space<hbm>> -> memref<50048x16xf32, #tpu.memory_space<hbm>>
      tpu.wait_indirect_dma semaphore(%arg21 : memref<!tpu.dma_semaphore, #tpu.memory_space<semaphore_mem>>) src(%dma_wait3A_164 : memref<50048x16xf32, #tpu.memory_space<hbm>>) dst(%arg10 : memref<125x16xf32, #tpu.memory_space<vmem>>)
      %dma_start3A_165 = arith.constant 0 : i32
      %dma_start3A_166 = tpu.memref_slice %arg8[%add3A_157, %dma_start3A_165] : memref<200x125xi32, #tpu.memory_space<vmem>> -> memref<1x125xi32, #tpu.memory_space<vmem>>
      %dma_start3A_167 = tpu.memref_squeeze %dma_start3A_166 : memref<1x125xi32, #tpu.memory_space<vmem>> -> memref<125xi32, #tpu.memory_space<vmem>>
      %dma_start3A_168 = arith.constant 0 : i32
      %dma_start3A_169 = arith.constant 0 : i32
      %dma_start3A_170 = tpu.memref_slice %arg19[%dma_start3A_168, %dma_start3A_169] : memref<50048x16xf32, #tpu.memory_space<vmem_shared>> -> memref<50048x16xf32, #tpu.memory_space<vmem_shared>>
      tpu.enqueue_indirect_dma source(%arg10 : memref<125x16xf32, #tpu.memory_space<vmem>>) target(%dma_start3A_170 : memref<50048x16xf32, #tpu.memory_space<vmem_shared>>) offsets(%dma_start3A_167 : memref<125xi32, #tpu.memory_space<vmem>>) semaphore(%arg31 : memref<!tpu.dma_semaphore, #tpu.memory_space<semaphore_mem>>) {add = true}
      %add3A_171 = arith.constant 5 : i32
      %add3A_172 = arith.addi %add3A_157, %add3A_171 : i32
      %lt3A_173 = arith.constant 200 : i32
      %lt3A_174 = arith.cmpi slt, %add3A_172, %lt3A_173 : i32
      %convert_element_type3A_175 = arith.extui %lt3A_174 : i1 to i32
      %cond3A_176 = arith.constant 0 : i32
      %cond3A_177 = arith.cmpi ne, %convert_element_type3A_175, %cond3A_176 : i32
      scf.if %cond3A_177 {
        %ge3A = arith.constant 5 : i32
        %ge3A_371 = arith.cmpi sge, %add3A_157, %ge3A : i32
        %convert_element_type3A_372 = arith.extui %ge3A_371 : i1 to i32
        %cond3A_373 = arith.constant 0 : i32
        %cond3A_374 = arith.cmpi ne, %convert_element_type3A_372, %cond3A_373 : i32
        scf.if %cond3A_374 {
          %dma_wait3A_383 = arith.constant 0 : i32
          %dma_wait3A_384 = arith.constant 0 : i32
          %dma_wait3A_385 = tpu.memref_slice %arg8[%dma_wait3A_383, %dma_wait3A_384] : memref<200x125xi32, #tpu.memory_space<vmem>> -> memref<1x125xi32, #tpu.memory_space<vmem>>
          %dma_wait3A_386 = tpu.memref_squeeze %dma_wait3A_385 : memref<1x125xi32, #tpu.memory_space<vmem>> -> memref<125xi32, #tpu.memory_space<vmem>>
          %dma_wait3A_387 = arith.constant 0 : i32
          %dma_wait3A_388 = arith.constant 0 : i32
          %dma_wait3A_389 = tpu.memref_slice %arg19[%dma_wait3A_387, %dma_wait3A_388] : memref<50048x16xf32, #tpu.memory_space<vmem_shared>> -> memref<50048x16xf32, #tpu.memory_space<vmem_shared>>
          tpu.wait_indirect_dma semaphore(%arg36 : memref<!tpu.dma_semaphore, #tpu.memory_space<semaphore_mem>>) src(%arg15 : memref<125x16xf32, #tpu.memory_space<vmem>>) dst(%dma_wait3A_389 : memref<50048x16xf32, #tpu.memory_space<vmem_shared>>)
        } else {
        }
        %add3A_375 = arith.constant 5 : i32
        %add3A_376 = arith.addi %add3A_157, %add3A_375 : i32
        %dma_start3A_377 = arith.constant 0 : i32
        %dma_start3A_378 = tpu.memref_slice %arg7[%add3A_376, %dma_start3A_377] : memref<200x125xi32, #tpu.memory_space<vmem>> -> memref<1x125xi32, #tpu.memory_space<vmem>>
        %dma_start3A_379 = tpu.memref_squeeze %dma_start3A_378 : memref<1x125xi32, #tpu.memory_space<vmem>> -> memref<125xi32, #tpu.memory_space<vmem>>
        %dma_start3A_380 = arith.constant 0 : i32
        %dma_start3A_381 = arith.constant 0 : i32
        %dma_start3A_382 = tpu.memref_slice %arg2[%dma_start3A_380, %dma_start3A_381] : memref<50048x16xf32, #tpu.memory_space<hbm>> -> memref<50048x16xf32, #tpu.memory_space<hbm>>
        tpu.enqueue_indirect_dma source(%dma_start3A_382 : memref<50048x16xf32, #tpu.memory_space<hbm>>) target(%arg15 : memref<125x16xf32, #tpu.memory_space<vmem>>) offsets(%dma_start3A_379 : memref<125xi32, #tpu.memory_space<vmem>>) semaphore(%arg26 : memref<!tpu.dma_semaphore, #tpu.memory_space<semaphore_mem>>)
      } else {
      }
      %mul3A_178 = arith.constant 10 : i32
      %mul3A_179 = arith.muli %mul3A_178, %scan3A_131 : i32
      %add3A_180 = arith.constant 2 : i32
      %add3A_181 = arith.addi %mul3A_179, %add3A_180 : i32
      %dma_wait3A_182 = arith.constant 0 : i32
      %dma_wait3A_183 = arith.constant 0 : i32
      %dma_wait3A_184 = tpu.memref_slice %arg7[%dma_wait3A_182, %dma_wait3A_183] : memref<200x125xi32, #tpu.memory_space<vmem>> -> memref<1x125xi32, #tpu.memory_space<vmem>>
      %dma_wait3A_185 = tpu.memref_squeeze %dma_wait3A_184 : memref<1x125xi32, #tpu.memory_space<vmem>> -> memref<125xi32, #tpu.memory_space<vmem>>
      %dma_wait3A_186 = arith.constant 0 : i32
      %dma_wait3A_187 = arith.constant 0 : i32
      %dma_wait3A_188 = tpu.memref_slice %arg2[%dma_wait3A_186, %dma_wait3A_187] : memref<50048x16xf32, #tpu.memory_space<hbm>> -> memref<50048x16xf32, #tpu.memory_space<hbm>>
      tpu.wait_indirect_dma semaphore(%arg22 : memref<!tpu.dma_semaphore, #tpu.memory_space<semaphore_mem>>) src(%dma_wait3A_188 : memref<50048x16xf32, #tpu.memory_space<hbm>>) dst(%arg11 : memref<125x16xf32, #tpu.memory_space<vmem>>)
      %dma_start3A_189 = arith.constant 0 : i32
      %dma_start3A_190 = tpu.memref_slice %arg8[%add3A_181, %dma_start3A_189] : memref<200x125xi32, #tpu.memory_space<vmem>> -> memref<1x125xi32, #tpu.memory_space<vmem>>
      %dma_start3A_191 = tpu.memref_squeeze %dma_start3A_190 : memref<1x125xi32, #tpu.memory_space<vmem>> -> memref<125xi32, #tpu.memory_space<vmem>>
      %dma_start3A_192 = arith.constant 0 : i32
      %dma_start3A_193 = arith.constant 0 : i32
      %dma_start3A_194 = tpu.memref_slice %arg19[%dma_start3A_192, %dma_start3A_193] : memref<50048x16xf32, #tpu.memory_space<vmem_shared>> -> memref<50048x16xf32, #tpu.memory_space<vmem_shared>>
      tpu.enqueue_indirect_dma source(%arg11 : memref<125x16xf32, #tpu.memory_space<vmem>>) target(%dma_start3A_194 : memref<50048x16xf32, #tpu.memory_space<vmem_shared>>) offsets(%dma_start3A_191 : memref<125xi32, #tpu.memory_space<vmem>>) semaphore(%arg32 : memref<!tpu.dma_semaphore, #tpu.memory_space<semaphore_mem>>) {add = true}
      %add3A_195 = arith.constant 5 : i32
      %add3A_196 = arith.addi %add3A_181, %add3A_195 : i32
      %lt3A_197 = arith.constant 200 : i32
      %lt3A_198 = arith.cmpi slt, %add3A_196, %lt3A_197 : i32
      %convert_element_type3A_199 = arith.extui %lt3A_198 : i1 to i32
      %cond3A_200 = arith.constant 0 : i32
      %cond3A_201 = arith.cmpi ne, %convert_element_type3A_199, %cond3A_200 : i32
      scf.if %cond3A_201 {
        %ge3A = arith.constant 5 : i32
        %ge3A_371 = arith.cmpi sge, %add3A_181, %ge3A : i32
        %convert_element_type3A_372 = arith.extui %ge3A_371 : i1 to i32
        %cond3A_373 = arith.constant 0 : i32
        %cond3A_374 = arith.cmpi ne, %convert_element_type3A_372, %cond3A_373 : i32
        scf.if %cond3A_374 {
          %dma_wait3A_383 = arith.constant 0 : i32
          %dma_wait3A_384 = arith.constant 0 : i32
          %dma_wait3A_385 = tpu.memref_slice %arg8[%dma_wait3A_383, %dma_wait3A_384] : memref<200x125xi32, #tpu.memory_space<vmem>> -> memref<1x125xi32, #tpu.memory_space<vmem>>
          %dma_wait3A_386 = tpu.memref_squeeze %dma_wait3A_385 : memref<1x125xi32, #tpu.memory_space<vmem>> -> memref<125xi32, #tpu.memory_space<vmem>>
          %dma_wait3A_387 = arith.constant 0 : i32
          %dma_wait3A_388 = arith.constant 0 : i32
          %dma_wait3A_389 = tpu.memref_slice %arg19[%dma_wait3A_387, %dma_wait3A_388] : memref<50048x16xf32, #tpu.memory_space<vmem_shared>> -> memref<50048x16xf32, #tpu.memory_space<vmem_shared>>
          tpu.wait_indirect_dma semaphore(%arg37 : memref<!tpu.dma_semaphore, #tpu.memory_space<semaphore_mem>>) src(%arg16 : memref<125x16xf32, #tpu.memory_space<vmem>>) dst(%dma_wait3A_389 : memref<50048x16xf32, #tpu.memory_space<vmem_shared>>)
        } else {
        }
        %add3A_375 = arith.constant 5 : i32
        %add3A_376 = arith.addi %add3A_181, %add3A_375 : i32
        %dma_start3A_377 = arith.constant 0 : i32
        %dma_start3A_378 = tpu.memref_slice %arg7[%add3A_376, %dma_start3A_377] : memref<200x125xi32, #tpu.memory_space<vmem>> -> memref<1x125xi32, #tpu.memory_space<vmem>>
        %dma_start3A_379 = tpu.memref_squeeze %dma_start3A_378 : memref<1x125xi32, #tpu.memory_space<vmem>> -> memref<125xi32, #tpu.memory_space<vmem>>
        %dma_start3A_380 = arith.constant 0 : i32
        %dma_start3A_381 = arith.constant 0 : i32
        %dma_start3A_382 = tpu.memref_slice %arg2[%dma_start3A_380, %dma_start3A_381] : memref<50048x16xf32, #tpu.memory_space<hbm>> -> memref<50048x16xf32, #tpu.memory_space<hbm>>
        tpu.enqueue_indirect_dma source(%dma_start3A_382 : memref<50048x16xf32, #tpu.memory_space<hbm>>) target(%arg16 : memref<125x16xf32, #tpu.memory_space<vmem>>) offsets(%dma_start3A_379 : memref<125xi32, #tpu.memory_space<vmem>>) semaphore(%arg27 : memref<!tpu.dma_semaphore, #tpu.memory_space<semaphore_mem>>)
      } else {
      }
      %mul3A_202 = arith.constant 10 : i32
      %mul3A_203 = arith.muli %mul3A_202, %scan3A_131 : i32
      %add3A_204 = arith.constant 3 : i32
      %add3A_205 = arith.addi %mul3A_203, %add3A_204 : i32
      %dma_wait3A_206 = arith.constant 0 : i32
      %dma_wait3A_207 = arith.constant 0 : i32
      %dma_wait3A_208 = tpu.memref_slice %arg7[%dma_wait3A_206, %dma_wait3A_207] : memref<200x125xi32, #tpu.memory_space<vmem>> -> memref<1x125xi32, #tpu.memory_space<vmem>>
      %dma_wait3A_209 = tpu.memref_squeeze %dma_wait3A_208 : memref<1x125xi32, #tpu.memory_space<vmem>> -> memref<125xi32, #tpu.memory_space<vmem>>
      %dma_wait3A_210 = arith.constant 0 : i32
      %dma_wait3A_211 = arith.constant 0 : i32
      %dma_wait3A_212 = tpu.memref_slice %arg2[%dma_wait3A_210, %dma_wait3A_211] : memref<50048x16xf32, #tpu.memory_space<hbm>> -> memref<50048x16xf32, #tpu.memory_space<hbm>>
      tpu.wait_indirect_dma semaphore(%arg23 : memref<!tpu.dma_semaphore, #tpu.memory_space<semaphore_mem>>) src(%dma_wait3A_212 : memref<50048x16xf32, #tpu.memory_space<hbm>>) dst(%arg12 : memref<125x16xf32, #tpu.memory_space<vmem>>)
      %dma_start3A_213 = arith.constant 0 : i32
      %dma_start3A_214 = tpu.memref_slice %arg8[%add3A_205, %dma_start3A_213] : memref<200x125xi32, #tpu.memory_space<vmem>> -> memref<1x125xi32, #tpu.memory_space<vmem>>
      %dma_start3A_215 = tpu.memref_squeeze %dma_start3A_214 : memref<1x125xi32, #tpu.memory_space<vmem>> -> memref<125xi32, #tpu.memory_space<vmem>>
      %dma_start3A_216 = arith.constant 0 : i32
      %dma_start3A_217 = arith.constant 0 : i32
      %dma_start3A_218 = tpu.memref_slice %arg19[%dma_start3A_216, %dma_start3A_217] : memref<50048x16xf32, #tpu.memory_space<vmem_shared>> -> memref<50048x16xf32, #tpu.memory_space<vmem_shared>>
      tpu.enqueue_indirect_dma source(%arg12 : memref<125x16xf32, #tpu.memory_space<vmem>>) target(%dma_start3A_218 : memref<50048x16xf32, #tpu.memory_space<vmem_shared>>) offsets(%dma_start3A_215 : memref<125xi32, #tpu.memory_space<vmem>>) semaphore(%arg33 : memref<!tpu.dma_semaphore, #tpu.memory_space<semaphore_mem>>) {add = true}
      %add3A_219 = arith.constant 5 : i32
      %add3A_220 = arith.addi %add3A_205, %add3A_219 : i32
      %lt3A_221 = arith.constant 200 : i32
      %lt3A_222 = arith.cmpi slt, %add3A_220, %lt3A_221 : i32
      %convert_element_type3A_223 = arith.extui %lt3A_222 : i1 to i32
      %cond3A_224 = arith.constant 0 : i32
      %cond3A_225 = arith.cmpi ne, %convert_element_type3A_223, %cond3A_224 : i32
      scf.if %cond3A_225 {
        %ge3A = arith.constant 5 : i32
        %ge3A_371 = arith.cmpi sge, %add3A_205, %ge3A : i32
        %convert_element_type3A_372 = arith.extui %ge3A_371 : i1 to i32
        %cond3A_373 = arith.constant 0 : i32
        %cond3A_374 = arith.cmpi ne, %convert_element_type3A_372, %cond3A_373 : i32
        scf.if %cond3A_374 {
          %dma_wait3A_383 = arith.constant 0 : i32
          %dma_wait3A_384 = arith.constant 0 : i32
          %dma_wait3A_385 = tpu.memref_slice %arg8[%dma_wait3A_383, %dma_wait3A_384] : memref<200x125xi32, #tpu.memory_space<vmem>> -> memref<1x125xi32, #tpu.memory_space<vmem>>
          %dma_wait3A_386 = tpu.memref_squeeze %dma_wait3A_385 : memref<1x125xi32, #tpu.memory_space<vmem>> -> memref<125xi32, #tpu.memory_space<vmem>>
          %dma_wait3A_387 = arith.constant 0 : i32
          %dma_wait3A_388 = arith.constant 0 : i32
          %dma_wait3A_389 = tpu.memref_slice %arg19[%dma_wait3A_387, %dma_wait3A_388] : memref<50048x16xf32, #tpu.memory_space<vmem_shared>> -> memref<50048x16xf32, #tpu.memory_space<vmem_shared>>
          tpu.wait_indirect_dma semaphore(%arg38 : memref<!tpu.dma_semaphore, #tpu.memory_space<semaphore_mem>>) src(%arg17 : memref<125x16xf32, #tpu.memory_space<vmem>>) dst(%dma_wait3A_389 : memref<50048x16xf32, #tpu.memory_space<vmem_shared>>)
        } else {
        }
        %add3A_375 = arith.constant 5 : i32
        %add3A_376 = arith.addi %add3A_205, %add3A_375 : i32
        %dma_start3A_377 = arith.constant 0 : i32
        %dma_start3A_378 = tpu.memref_slice %arg7[%add3A_376, %dma_start3A_377] : memref<200x125xi32, #tpu.memory_space<vmem>> -> memref<1x125xi32, #tpu.memory_space<vmem>>
        %dma_start3A_379 = tpu.memref_squeeze %dma_start3A_378 : memref<1x125xi32, #tpu.memory_space<vmem>> -> memref<125xi32, #tpu.memory_space<vmem>>
        %dma_start3A_380 = arith.constant 0 : i32
        %dma_start3A_381 = arith.constant 0 : i32
        %dma_start3A_382 = tpu.memref_slice %arg2[%dma_start3A_380, %dma_start3A_381] : memref<50048x16xf32, #tpu.memory_space<hbm>> -> memref<50048x16xf32, #tpu.memory_space<hbm>>
        tpu.enqueue_indirect_dma source(%dma_start3A_382 : memref<50048x16xf32, #tpu.memory_space<hbm>>) target(%arg17 : memref<125x16xf32, #tpu.memory_space<vmem>>) offsets(%dma_start3A_379 : memref<125xi32, #tpu.memory_space<vmem>>) semaphore(%arg28 : memref<!tpu.dma_semaphore, #tpu.memory_space<semaphore_mem>>)
      } else {
      }
      %mul3A_226 = arith.constant 10 : i32
      %mul3A_227 = arith.muli %mul3A_226, %scan3A_131 : i32
      %add3A_228 = arith.constant 4 : i32
      %add3A_229 = arith.addi %mul3A_227, %add3A_228 : i32
      %dma_wait3A_230 = arith.constant 0 : i32
      %dma_wait3A_231 = arith.constant 0 : i32
      %dma_wait3A_232 = tpu.memref_slice %arg7[%dma_wait3A_230, %dma_wait3A_231] : memref<200x125xi32, #tpu.memory_space<vmem>> -> memref<1x125xi32, #tpu.memory_space<vmem>>
      %dma_wait3A_233 = tpu.memref_squeeze %dma_wait3A_232 : memref<1x125xi32, #tpu.memory_space<vmem>> -> memref<125xi32, #tpu.memory_space<vmem>>
      %dma_wait3A_234 = arith.constant 0 : i32
      %dma_wait3A_235 = arith.constant 0 : i32
      %dma_wait3A_236 = tpu.memref_slice %arg2[%dma_wait3A_234, %dma_wait3A_235] : memref<50048x16xf32, #tpu.memory_space<hbm>> -> memref<50048x16xf32, #tpu.memory_space<hbm>>
      tpu.wait_indirect_dma semaphore(%arg24 : memref<!tpu.dma_semaphore, #tpu.memory_space<semaphore_mem>>) src(%dma_wait3A_236 : memref<50048x16xf32, #tpu.memory_space<hbm>>) dst(%arg13 : memref<125x16xf32, #tpu.memory_space<vmem>>)
      %dma_start3A_237 = arith.constant 0 : i32
      %dma_start3A_238 = tpu.memref_slice %arg8[%add3A_229, %dma_start3A_237] : memref<200x125xi32, #tpu.memory_space<vmem>> -> memref<1x125xi32, #tpu.memory_space<vmem>>
      %dma_start3A_239 = tpu.memref_squeeze %dma_start3A_238 : memref<1x125xi32, #tpu.memory_space<vmem>> -> memref<125xi32, #tpu.memory_space<vmem>>
      %dma_start3A_240 = arith.constant 0 : i32
      %dma_start3A_241 = arith.constant 0 : i32
      %dma_start3A_242 = tpu.memref_slice %arg19[%dma_start3A_240, %dma_start3A_241] : memref<50048x16xf32, #tpu.memory_space<vmem_shared>> -> memref<50048x16xf32, #tpu.memory_space<vmem_shared>>
      tpu.enqueue_indirect_dma source(%arg13 : memref<125x16xf32, #tpu.memory_space<vmem>>) target(%dma_start3A_242 : memref<50048x16xf32, #tpu.memory_space<vmem_shared>>) offsets(%dma_start3A_239 : memref<125xi32, #tpu.memory_space<vmem>>) semaphore(%arg34 : memref<!tpu.dma_semaphore, #tpu.memory_space<semaphore_mem>>) {add = true}
      %add3A_243 = arith.constant 5 : i32
      %add3A_244 = arith.addi %add3A_229, %add3A_243 : i32
      %lt3A_245 = arith.constant 200 : i32
      %lt3A_246 = arith.cmpi slt, %add3A_244, %lt3A_245 : i32
      %convert_element_type3A_247 = arith.extui %lt3A_246 : i1 to i32
      %cond3A_248 = arith.constant 0 : i32
      %cond3A_249 = arith.cmpi ne, %convert_element_type3A_247, %cond3A_248 : i32
      scf.if %cond3A_249 {
        %ge3A = arith.constant 5 : i32
        %ge3A_371 = arith.cmpi sge, %add3A_229, %ge3A : i32
        %convert_element_type3A_372 = arith.extui %ge3A_371 : i1 to i32
        %cond3A_373 = arith.constant 0 : i32
        %cond3A_374 = arith.cmpi ne, %convert_element_type3A_372, %cond3A_373 : i32
        scf.if %cond3A_374 {
          %dma_wait3A_383 = arith.constant 0 : i32
          %dma_wait3A_384 = arith.constant 0 : i32
          %dma_wait3A_385 = tpu.memref_slice %arg8[%dma_wait3A_383, %dma_wait3A_384] : memref<200x125xi32, #tpu.memory_space<vmem>> -> memref<1x125xi32, #tpu.memory_space<vmem>>
          %dma_wait3A_386 = tpu.memref_squeeze %dma_wait3A_385 : memref<1x125xi32, #tpu.memory_space<vmem>> -> memref<125xi32, #tpu.memory_space<vmem>>
          %dma_wait3A_387 = arith.constant 0 : i32
          %dma_wait3A_388 = arith.constant 0 : i32
          %dma_wait3A_389 = tpu.memref_slice %arg19[%dma_wait3A_387, %dma_wait3A_388] : memref<50048x16xf32, #tpu.memory_space<vmem_shared>> -> memref<50048x16xf32, #tpu.memory_space<vmem_shared>>
          tpu.wait_indirect_dma semaphore(%arg39 : memref<!tpu.dma_semaphore, #tpu.memory_space<semaphore_mem>>) src(%arg18 : memref<125x16xf32, #tpu.memory_space<vmem>>) dst(%dma_wait3A_389 : memref<50048x16xf32, #tpu.memory_space<vmem_shared>>)
        } else {
        }
        %add3A_375 = arith.constant 5 : i32
        %add3A_376 = arith.addi %add3A_229, %add3A_375 : i32
        %dma_start3A_377 = arith.constant 0 : i32
        %dma_start3A_378 = tpu.memref_slice %arg7[%add3A_376, %dma_start3A_377] : memref<200x125xi32, #tpu.memory_space<vmem>> -> memref<1x125xi32, #tpu.memory_space<vmem>>
        %dma_start3A_379 = tpu.memref_squeeze %dma_start3A_378 : memref<1x125xi32, #tpu.memory_space<vmem>> -> memref<125xi32, #tpu.memory_space<vmem>>
        %dma_start3A_380 = arith.constant 0 : i32
        %dma_start3A_381 = arith.constant 0 : i32
        %dma_start3A_382 = tpu.memref_slice %arg2[%dma_start3A_380, %dma_start3A_381] : memref<50048x16xf32, #tpu.memory_space<hbm>> -> memref<50048x16xf32, #tpu.memory_space<hbm>>
        tpu.enqueue_indirect_dma source(%dma_start3A_382 : memref<50048x16xf32, #tpu.memory_space<hbm>>) target(%arg18 : memref<125x16xf32, #tpu.memory_space<vmem>>) offsets(%dma_start3A_379 : memref<125xi32, #tpu.memory_space<vmem>>) semaphore(%arg29 : memref<!tpu.dma_semaphore, #tpu.memory_space<semaphore_mem>>)
      } else {
      }
      %mul3A_250 = arith.constant 10 : i32
      %mul3A_251 = arith.muli %mul3A_250, %scan3A_131 : i32
      %add3A_252 = arith.constant 5 : i32
      %add3A_253 = arith.addi %mul3A_251, %add3A_252 : i32
      %dma_wait3A_254 = arith.constant 0 : i32
      %dma_wait3A_255 = arith.constant 0 : i32
      %dma_wait3A_256 = tpu.memref_slice %arg7[%dma_wait3A_254, %dma_wait3A_255] : memref<200x125xi32, #tpu.memory_space<vmem>> -> memref<1x125xi32, #tpu.memory_space<vmem>>
      %dma_wait3A_257 = tpu.memref_squeeze %dma_wait3A_256 : memref<1x125xi32, #tpu.memory_space<vmem>> -> memref<125xi32, #tpu.memory_space<vmem>>
      %dma_wait3A_258 = arith.constant 0 : i32
      %dma_wait3A_259 = arith.constant 0 : i32
      %dma_wait3A_260 = tpu.memref_slice %arg2[%dma_wait3A_258, %dma_wait3A_259] : memref<50048x16xf32, #tpu.memory_space<hbm>> -> memref<50048x16xf32, #tpu.memory_space<hbm>>
      tpu.wait_indirect_dma semaphore(%arg25 : memref<!tpu.dma_semaphore, #tpu.memory_space<semaphore_mem>>) src(%dma_wait3A_260 : memref<50048x16xf32, #tpu.memory_space<hbm>>) dst(%arg14 : memref<125x16xf32, #tpu.memory_space<vmem>>)
      %dma_start3A_261 = arith.constant 0 : i32
      %dma_start3A_262 = tpu.memref_slice %arg8[%add3A_253, %dma_start3A_261] : memref<200x125xi32, #tpu.memory_space<vmem>> -> memref<1x125xi32, #tpu.memory_space<vmem>>
      %dma_start3A_263 = tpu.memref_squeeze %dma_start3A_262 : memref<1x125xi32, #tpu.memory_space<vmem>> -> memref<125xi32, #tpu.memory_space<vmem>>
      %dma_start3A_264 = arith.constant 0 : i32
      %dma_start3A_265 = arith.constant 0 : i32
      %dma_start3A_266 = tpu.memref_slice %arg19[%dma_start3A_264, %dma_start3A_265] : memref<50048x16xf32, #tpu.memory_space<vmem_shared>> -> memref<50048x16xf32, #tpu.memory_space<vmem_shared>>
      tpu.enqueue_indirect_dma source(%arg14 : memref<125x16xf32, #tpu.memory_space<vmem>>) target(%dma_start3A_266 : memref<50048x16xf32, #tpu.memory_space<vmem_shared>>) offsets(%dma_start3A_263 : memref<125xi32, #tpu.memory_space<vmem>>) semaphore(%arg35 : memref<!tpu.dma_semaphore, #tpu.memory_space<semaphore_mem>>) {add = true}
      %add3A_267 = arith.constant 5 : i32
      %add3A_268 = arith.addi %add3A_253, %add3A_267 : i32
      %lt3A_269 = arith.constant 200 : i32
      %lt3A_270 = arith.cmpi slt, %add3A_268, %lt3A_269 : i32
      %convert_element_type3A_271 = arith.extui %lt3A_270 : i1 to i32
      %cond3A_272 = arith.constant 0 : i32
      %cond3A_273 = arith.cmpi ne, %convert_element_type3A_271, %cond3A_272 : i32
      scf.if %cond3A_273 {
        %ge3A = arith.constant 5 : i32
        %ge3A_371 = arith.cmpi sge, %add3A_253, %ge3A : i32
        %convert_element_type3A_372 = arith.extui %ge3A_371 : i1 to i32
        %cond3A_373 = arith.constant 0 : i32
        %cond3A_374 = arith.cmpi ne, %convert_element_type3A_372, %cond3A_373 : i32
        scf.if %cond3A_374 {
          %dma_wait3A_383 = arith.constant 0 : i32
          %dma_wait3A_384 = arith.constant 0 : i32
          %dma_wait3A_385 = tpu.memref_slice %arg8[%dma_wait3A_383, %dma_wait3A_384] : memref<200x125xi32, #tpu.memory_space<vmem>> -> memref<1x125xi32, #tpu.memory_space<vmem>>
          %dma_wait3A_386 = tpu.memref_squeeze %dma_wait3A_385 : memref<1x125xi32, #tpu.memory_space<vmem>> -> memref<125xi32, #tpu.memory_space<vmem>>
          %dma_wait3A_387 = arith.constant 0 : i32
          %dma_wait3A_388 = arith.constant 0 : i32
          %dma_wait3A_389 = tpu.memref_slice %arg19[%dma_wait3A_387, %dma_wait3A_388] : memref<50048x16xf32, #tpu.memory_space<vmem_shared>> -> memref<50048x16xf32, #tpu.memory_space<vmem_shared>>
          tpu.wait_indirect_dma semaphore(%arg30 : memref<!tpu.dma_semaphore, #tpu.memory_space<semaphore_mem>>) src(%arg9 : memref<125x16xf32, #tpu.memory_space<vmem>>) dst(%dma_wait3A_389 : memref<50048x16xf32, #tpu.memory_space<vmem_shared>>)
        } else {
        }
        %add3A_375 = arith.constant 5 : i32
        %add3A_376 = arith.addi %add3A_253, %add3A_375 : i32
        %dma_start3A_377 = arith.constant 0 : i32
        %dma_start3A_378 = tpu.memref_slice %arg7[%add3A_376, %dma_start3A_377] : memref<200x125xi32, #tpu.memory_space<vmem>> -> memref<1x125xi32, #tpu.memory_space<vmem>>
        %dma_start3A_379 = tpu.memref_squeeze %dma_start3A_378 : memref<1x125xi32, #tpu.memory_space<vmem>> -> memref<125xi32, #tpu.memory_space<vmem>>
        %dma_start3A_380 = arith.constant 0 : i32
        %dma_start3A_381 = arith.constant 0 : i32
        %dma_start3A_382 = tpu.memref_slice %arg2[%dma_start3A_380, %dma_start3A_381] : memref<50048x16xf32, #tpu.memory_space<hbm>> -> memref<50048x16xf32, #tpu.memory_space<hbm>>
        tpu.enqueue_indirect_dma source(%dma_start3A_382 : memref<50048x16xf32, #tpu.memory_space<hbm>>) target(%arg9 : memref<125x16xf32, #tpu.memory_space<vmem>>) offsets(%dma_start3A_379 : memref<125xi32, #tpu.memory_space<vmem>>) semaphore(%arg20 : memref<!tpu.dma_semaphore, #tpu.memory_space<semaphore_mem>>)
      } else {
      }
      %mul3A_274 = arith.constant 10 : i32
      %mul3A_275 = arith.muli %mul3A_274, %scan3A_131 : i32
      %add3A_276 = arith.constant 6 : i32
      %add3A_277 = arith.addi %mul3A_275, %add3A_276 : i32
      %dma_wait3A_278 = arith.constant 0 : i32
      %dma_wait3A_279 = arith.constant 0 : i32
      %dma_wait3A_280 = tpu.memref_slice %arg7[%dma_wait3A_278, %dma_wait3A_279] : memref<200x125xi32, #tpu.memory_space<vmem>> -> memref<1x125xi32, #tpu.memory_space<vmem>>
      %dma_wait3A_281 = tpu.memref_squeeze %dma_wait3A_280 : memref<1x125xi32, #tpu.memory_space<vmem>> -> memref<125xi32, #tpu.memory_space<vmem>>
      %dma_wait3A_282 = arith.constant 0 : i32
      %dma_wait3A_283 = arith.constant 0 : i32
      %dma_wait3A_284 = tpu.memref_slice %arg2[%dma_wait3A_282, %dma_wait3A_283] : memref<50048x16xf32, #tpu.memory_space<hbm>> -> memref<50048x16xf32, #tpu.memory_space<hbm>>
      tpu.wait_indirect_dma semaphore(%arg26 : memref<!tpu.dma_semaphore, #tpu.memory_space<semaphore_mem>>) src(%dma_wait3A_284 : memref<50048x16xf32, #tpu.memory_space<hbm>>) dst(%arg15 : memref<125x16xf32, #tpu.memory_space<vmem>>)
      %dma_start3A_285 = arith.constant 0 : i32
      %dma_start3A_286 = tpu.memref_slice %arg8[%add3A_277, %dma_start3A_285] : memref<200x125xi32, #tpu.memory_space<vmem>> -> memref<1x125xi32, #tpu.memory_space<vmem>>
      %dma_start3A_287 = tpu.memref_squeeze %dma_start3A_286 : memref<1x125xi32, #tpu.memory_space<vmem>> -> memref<125xi32, #tpu.memory_space<vmem>>
      %dma_start3A_288 = arith.constant 0 : i32
      %dma_start3A_289 = arith.constant 0 : i32
      %dma_start3A_290 = tpu.memref_slice %arg19[%dma_start3A_288, %dma_start3A_289] : memref<50048x16xf32, #tpu.memory_space<vmem_shared>> -> memref<50048x16xf32, #tpu.memory_space<vmem_shared>>
      tpu.enqueue_indirect_dma source(%arg15 : memref<125x16xf32, #tpu.memory_space<vmem>>) target(%dma_start3A_290 : memref<50048x16xf32, #tpu.memory_space<vmem_shared>>) offsets(%dma_start3A_287 : memref<125xi32, #tpu.memory_space<vmem>>) semaphore(%arg36 : memref<!tpu.dma_semaphore, #tpu.memory_space<semaphore_mem>>) {add = true}
      %add3A_291 = arith.constant 5 : i32
      %add3A_292 = arith.addi %add3A_277, %add3A_291 : i32
      %lt3A_293 = arith.constant 200 : i32
      %lt3A_294 = arith.cmpi slt, %add3A_292, %lt3A_293 : i32
      %convert_element_type3A_295 = arith.extui %lt3A_294 : i1 to i32
      %cond3A_296 = arith.constant 0 : i32
      %cond3A_297 = arith.cmpi ne, %convert_element_type3A_295, %cond3A_296 : i32
      scf.if %cond3A_297 {
        %ge3A = arith.constant 5 : i32
        %ge3A_371 = arith.cmpi sge, %add3A_277, %ge3A : i32
        %convert_element_type3A_372 = arith.extui %ge3A_371 : i1 to i32
        %cond3A_373 = arith.constant 0 : i32
        %cond3A_374 = arith.cmpi ne, %convert_element_type3A_372, %cond3A_373 : i32
        scf.if %cond3A_374 {
          %dma_wait3A_383 = arith.constant 0 : i32
          %dma_wait3A_384 = arith.constant 0 : i32
          %dma_wait3A_385 = tpu.memref_slice %arg8[%dma_wait3A_383, %dma_wait3A_384] : memref<200x125xi32, #tpu.memory_space<vmem>> -> memref<1x125xi32, #tpu.memory_space<vmem>>
          %dma_wait3A_386 = tpu.memref_squeeze %dma_wait3A_385 : memref<1x125xi32, #tpu.memory_space<vmem>> -> memref<125xi32, #tpu.memory_space<vmem>>
          %dma_wait3A_387 = arith.constant 0 : i32
          %dma_wait3A_388 = arith.constant 0 : i32
          %dma_wait3A_389 = tpu.memref_slice %arg19[%dma_wait3A_387, %dma_wait3A_388] : memref<50048x16xf32, #tpu.memory_space<vmem_shared>> -> memref<50048x16xf32, #tpu.memory_space<vmem_shared>>
          tpu.wait_indirect_dma semaphore(%arg31 : memref<!tpu.dma_semaphore, #tpu.memory_space<semaphore_mem>>) src(%arg10 : memref<125x16xf32, #tpu.memory_space<vmem>>) dst(%dma_wait3A_389 : memref<50048x16xf32, #tpu.memory_space<vmem_shared>>)
        } else {
        }
        %add3A_375 = arith.constant 5 : i32
        %add3A_376 = arith.addi %add3A_277, %add3A_375 : i32
        %dma_start3A_377 = arith.constant 0 : i32
        %dma_start3A_378 = tpu.memref_slice %arg7[%add3A_376, %dma_start3A_377] : memref<200x125xi32, #tpu.memory_space<vmem>> -> memref<1x125xi32, #tpu.memory_space<vmem>>
        %dma_start3A_379 = tpu.memref_squeeze %dma_start3A_378 : memref<1x125xi32, #tpu.memory_space<vmem>> -> memref<125xi32, #tpu.memory_space<vmem>>
        %dma_start3A_380 = arith.constant 0 : i32
        %dma_start3A_381 = arith.constant 0 : i32
        %dma_start3A_382 = tpu.memref_slice %arg2[%dma_start3A_380, %dma_start3A_381] : memref<50048x16xf32, #tpu.memory_space<hbm>> -> memref<50048x16xf32, #tpu.memory_space<hbm>>
        tpu.enqueue_indirect_dma source(%dma_start3A_382 : memref<50048x16xf32, #tpu.memory_space<hbm>>) target(%arg10 : memref<125x16xf32, #tpu.memory_space<vmem>>) offsets(%dma_start3A_379 : memref<125xi32, #tpu.memory_space<vmem>>) semaphore(%arg21 : memref<!tpu.dma_semaphore, #tpu.memory_space<semaphore_mem>>)
      } else {
      }
      %mul3A_298 = arith.constant 10 : i32
      %mul3A_299 = arith.muli %mul3A_298, %scan3A_131 : i32
      %add3A_300 = arith.constant 7 : i32
      %add3A_301 = arith.addi %mul3A_299, %add3A_300 : i32
      %dma_wait3A_302 = arith.constant 0 : i32
      %dma_wait3A_303 = arith.constant 0 : i32
      %dma_wait3A_304 = tpu.memref_slice %arg7[%dma_wait3A_302, %dma_wait3A_303] : memref<200x125xi32, #tpu.memory_space<vmem>> -> memref<1x125xi32, #tpu.memory_space<vmem>>
      %dma_wait3A_305 = tpu.memref_squeeze %dma_wait3A_304 : memref<1x125xi32, #tpu.memory_space<vmem>> -> memref<125xi32, #tpu.memory_space<vmem>>
      %dma_wait3A_306 = arith.constant 0 : i32
      %dma_wait3A_307 = arith.constant 0 : i32
      %dma_wait3A_308 = tpu.memref_slice %arg2[%dma_wait3A_306, %dma_wait3A_307] : memref<50048x16xf32, #tpu.memory_space<hbm>> -> memref<50048x16xf32, #tpu.memory_space<hbm>>
      tpu.wait_indirect_dma semaphore(%arg27 : memref<!tpu.dma_semaphore, #tpu.memory_space<semaphore_mem>>) src(%dma_wait3A_308 : memref<50048x16xf32, #tpu.memory_space<hbm>>) dst(%arg16 : memref<125x16xf32, #tpu.memory_space<vmem>>)
      %dma_start3A_309 = arith.constant 0 : i32
      %dma_start3A_310 = tpu.memref_slice %arg8[%add3A_301, %dma_start3A_309] : memref<200x125xi32, #tpu.memory_space<vmem>> -> memref<1x125xi32, #tpu.memory_space<vmem>>
      %dma_start3A_311 = tpu.memref_squeeze %dma_start3A_310 : memref<1x125xi32, #tpu.memory_space<vmem>> -> memref<125xi32, #tpu.memory_space<vmem>>
      %dma_start3A_312 = arith.constant 0 : i32
      %dma_start3A_313 = arith.constant 0 : i32
      %dma_start3A_314 = tpu.memref_slice %arg19[%dma_start3A_312, %dma_start3A_313] : memref<50048x16xf32, #tpu.memory_space<vmem_shared>> -> memref<50048x16xf32, #tpu.memory_space<vmem_shared>>
      tpu.enqueue_indirect_dma source(%arg16 : memref<125x16xf32, #tpu.memory_space<vmem>>) target(%dma_start3A_314 : memref<50048x16xf32, #tpu.memory_space<vmem_shared>>) offsets(%dma_start3A_311 : memref<125xi32, #tpu.memory_space<vmem>>) semaphore(%arg37 : memref<!tpu.dma_semaphore, #tpu.memory_space<semaphore_mem>>) {add = true}
      %add3A_315 = arith.constant 5 : i32
      %add3A_316 = arith.addi %add3A_301, %add3A_315 : i32
      %lt3A_317 = arith.constant 200 : i32
      %lt3A_318 = arith.cmpi slt, %add3A_316, %lt3A_317 : i32
      %convert_element_type3A_319 = arith.extui %lt3A_318 : i1 to i32
      %cond3A_320 = arith.constant 0 : i32
      %cond3A_321 = arith.cmpi ne, %convert_element_type3A_319, %cond3A_320 : i32
      scf.if %cond3A_321 {
        %ge3A = arith.constant 5 : i32
        %ge3A_371 = arith.cmpi sge, %add3A_301, %ge3A : i32
        %convert_element_type3A_372 = arith.extui %ge3A_371 : i1 to i32
        %cond3A_373 = arith.constant 0 : i32
        %cond3A_374 = arith.cmpi ne, %convert_element_type3A_372, %cond3A_373 : i32
        scf.if %cond3A_374 {
          %dma_wait3A_383 = arith.constant 0 : i32
          %dma_wait3A_384 = arith.constant 0 : i32
          %dma_wait3A_385 = tpu.memref_slice %arg8[%dma_wait3A_383, %dma_wait3A_384] : memref<200x125xi32, #tpu.memory_space<vmem>> -> memref<1x125xi32, #tpu.memory_space<vmem>>
          %dma_wait3A_386 = tpu.memref_squeeze %dma_wait3A_385 : memref<1x125xi32, #tpu.memory_space<vmem>> -> memref<125xi32, #tpu.memory_space<vmem>>
          %dma_wait3A_387 = arith.constant 0 : i32
          %dma_wait3A_388 = arith.constant 0 : i32
          %dma_wait3A_389 = tpu.memref_slice %arg19[%dma_wait3A_387, %dma_wait3A_388] : memref<50048x16xf32, #tpu.memory_space<vmem_shared>> -> memref<50048x16xf32, #tpu.memory_space<vmem_shared>>
          tpu.wait_indirect_dma semaphore(%arg32 : memref<!tpu.dma_semaphore, #tpu.memory_space<semaphore_mem>>) src(%arg11 : memref<125x16xf32, #tpu.memory_space<vmem>>) dst(%dma_wait3A_389 : memref<50048x16xf32, #tpu.memory_space<vmem_shared>>)
        } else {
        }
        %add3A_375 = arith.constant 5 : i32
        %add3A_376 = arith.addi %add3A_301, %add3A_375 : i32
        %dma_start3A_377 = arith.constant 0 : i32
        %dma_start3A_378 = tpu.memref_slice %arg7[%add3A_376, %dma_start3A_377] : memref<200x125xi32, #tpu.memory_space<vmem>> -> memref<1x125xi32, #tpu.memory_space<vmem>>
        %dma_start3A_379 = tpu.memref_squeeze %dma_start3A_378 : memref<1x125xi32, #tpu.memory_space<vmem>> -> memref<125xi32, #tpu.memory_space<vmem>>
        %dma_start3A_380 = arith.constant 0 : i32
        %dma_start3A_381 = arith.constant 0 : i32
        %dma_start3A_382 = tpu.memref_slice %arg2[%dma_start3A_380, %dma_start3A_381] : memref<50048x16xf32, #tpu.memory_space<hbm>> -> memref<50048x16xf32, #tpu.memory_space<hbm>>
        tpu.enqueue_indirect_dma source(%dma_start3A_382 : memref<50048x16xf32, #tpu.memory_space<hbm>>) target(%arg11 : memref<125x16xf32, #tpu.memory_space<vmem>>) offsets(%dma_start3A_379 : memref<125xi32, #tpu.memory_space<vmem>>) semaphore(%arg22 : memref<!tpu.dma_semaphore, #tpu.memory_space<semaphore_mem>>)
      } else {
      }
      %mul3A_322 = arith.constant 10 : i32
      %mul3A_323 = arith.muli %mul3A_322, %scan3A_131 : i32
      %add3A_324 = arith.constant 8 : i32
      %add3A_325 = arith.addi %mul3A_323, %add3A_324 : i32
      %dma_wait3A_326 = arith.constant 0 : i32
      %dma_wait3A_327 = arith.constant 0 : i32
      %dma_wait3A_328 = tpu.memref_slice %arg7[%dma_wait3A_326, %dma_wait3A_327] : memref<200x125xi32, #tpu.memory_space<vmem>> -> memref<1x125xi32, #tpu.memory_space<vmem>>
      %dma_wait3A_329 = tpu.memref_squeeze %dma_wait3A_328 : memref<1x125xi32, #tpu.memory_space<vmem>> -> memref<125xi32, #tpu.memory_space<vmem>>
      %dma_wait3A_330 = arith.constant 0 : i32
      %dma_wait3A_331 = arith.constant 0 : i32
      %dma_wait3A_332 = tpu.memref_slice %arg2[%dma_wait3A_330, %dma_wait3A_331] : memref<50048x16xf32, #tpu.memory_space<hbm>> -> memref<50048x16xf32, #tpu.memory_space<hbm>>
      tpu.wait_indirect_dma semaphore(%arg28 : memref<!tpu.dma_semaphore, #tpu.memory_space<semaphore_mem>>) src(%dma_wait3A_332 : memref<50048x16xf32, #tpu.memory_space<hbm>>) dst(%arg17 : memref<125x16xf32, #tpu.memory_space<vmem>>)
      %dma_start3A_333 = arith.constant 0 : i32
      %dma_start3A_334 = tpu.memref_slice %arg8[%add3A_325, %dma_start3A_333] : memref<200x125xi32, #tpu.memory_space<vmem>> -> memref<1x125xi32, #tpu.memory_space<vmem>>
      %dma_start3A_335 = tpu.memref_squeeze %dma_start3A_334 : memref<1x125xi32, #tpu.memory_space<vmem>> -> memref<125xi32, #tpu.memory_space<vmem>>
      %dma_start3A_336 = arith.constant 0 : i32
      %dma_start3A_337 = arith.constant 0 : i32
      %dma_start3A_338 = tpu.memref_slice %arg19[%dma_start3A_336, %dma_start3A_337] : memref<50048x16xf32, #tpu.memory_space<vmem_shared>> -> memref<50048x16xf32, #tpu.memory_space<vmem_shared>>
      tpu.enqueue_indirect_dma source(%arg17 : memref<125x16xf32, #tpu.memory_space<vmem>>) target(%dma_start3A_338 : memref<50048x16xf32, #tpu.memory_space<vmem_shared>>) offsets(%dma_start3A_335 : memref<125xi32, #tpu.memory_space<vmem>>) semaphore(%arg38 : memref<!tpu.dma_semaphore, #tpu.memory_space<semaphore_mem>>) {add = true}
      %add3A_339 = arith.constant 5 : i32
      %add3A_340 = arith.addi %add3A_325, %add3A_339 : i32
      %lt3A_341 = arith.constant 200 : i32
      %lt3A_342 = arith.cmpi slt, %add3A_340, %lt3A_341 : i32
      %convert_element_type3A_343 = arith.extui %lt3A_342 : i1 to i32
      %cond3A_344 = arith.constant 0 : i32
      %cond3A_345 = arith.cmpi ne, %convert_element_type3A_343, %cond3A_344 : i32
      scf.if %cond3A_345 {
        %ge3A = arith.constant 5 : i32
        %ge3A_371 = arith.cmpi sge, %add3A_325, %ge3A : i32
        %convert_element_type3A_372 = arith.extui %ge3A_371 : i1 to i32
        %cond3A_373 = arith.constant 0 : i32
        %cond3A_374 = arith.cmpi ne, %convert_element_type3A_372, %cond3A_373 : i32
        scf.if %cond3A_374 {
          %dma_wait3A_383 = arith.constant 0 : i32
          %dma_wait3A_384 = arith.constant 0 : i32
          %dma_wait3A_385 = tpu.memref_slice %arg8[%dma_wait3A_383, %dma_wait3A_384] : memref<200x125xi32, #tpu.memory_space<vmem>> -> memref<1x125xi32, #tpu.memory_space<vmem>>
          %dma_wait3A_386 = tpu.memref_squeeze %dma_wait3A_385 : memref<1x125xi32, #tpu.memory_space<vmem>> -> memref<125xi32, #tpu.memory_space<vmem>>
          %dma_wait3A_387 = arith.constant 0 : i32
          %dma_wait3A_388 = arith.constant 0 : i32
          %dma_wait3A_389 = tpu.memref_slice %arg19[%dma_wait3A_387, %dma_wait3A_388] : memref<50048x16xf32, #tpu.memory_space<vmem_shared>> -> memref<50048x16xf32, #tpu.memory_space<vmem_shared>>
          tpu.wait_indirect_dma semaphore(%arg33 : memref<!tpu.dma_semaphore, #tpu.memory_space<semaphore_mem>>) src(%arg12 : memref<125x16xf32, #tpu.memory_space<vmem>>) dst(%dma_wait3A_389 : memref<50048x16xf32, #tpu.memory_space<vmem_shared>>)
        } else {
        }
        %add3A_375 = arith.constant 5 : i32
        %add3A_376 = arith.addi %add3A_325, %add3A_375 : i32
        %dma_start3A_377 = arith.constant 0 : i32
        %dma_start3A_378 = tpu.memref_slice %arg7[%add3A_376, %dma_start3A_377] : memref<200x125xi32, #tpu.memory_space<vmem>> -> memref<1x125xi32, #tpu.memory_space<vmem>>
        %dma_start3A_379 = tpu.memref_squeeze %dma_start3A_378 : memref<1x125xi32, #tpu.memory_space<vmem>> -> memref<125xi32, #tpu.memory_space<vmem>>
        %dma_start3A_380 = arith.constant 0 : i32
        %dma_start3A_381 = arith.constant 0 : i32
        %dma_start3A_382 = tpu.memref_slice %arg2[%dma_start3A_380, %dma_start3A_381] : memref<50048x16xf32, #tpu.memory_space<hbm>> -> memref<50048x16xf32, #tpu.memory_space<hbm>>
        tpu.enqueue_indirect_dma source(%dma_start3A_382 : memref<50048x16xf32, #tpu.memory_space<hbm>>) target(%arg12 : memref<125x16xf32, #tpu.memory_space<vmem>>) offsets(%dma_start3A_379 : memref<125xi32, #tpu.memory_space<vmem>>) semaphore(%arg23 : memref<!tpu.dma_semaphore, #tpu.memory_space<semaphore_mem>>)
      } else {
      }
      %mul3A_346 = arith.constant 10 : i32
      %mul3A_347 = arith.muli %mul3A_346, %scan3A_131 : i32
      %add3A_348 = arith.constant 9 : i32
      %add3A_349 = arith.addi %mul3A_347, %add3A_348 : i32
      %dma_wait3A_350 = arith.constant 0 : i32
      %dma_wait3A_351 = arith.constant 0 : i32
      %dma_wait3A_352 = tpu.memref_slice %arg7[%dma_wait3A_350, %dma_wait3A_351] : memref<200x125xi32, #tpu.memory_space<vmem>> -> memref<1x125xi32, #tpu.memory_space<vmem>>
      %dma_wait3A_353 = tpu.memref_squeeze %dma_wait3A_352 : memref<1x125xi32, #tpu.memory_space<vmem>> -> memref<125xi32, #tpu.memory_space<vmem>>
      %dma_wait3A_354 = arith.constant 0 : i32
      %dma_wait3A_355 = arith.constant 0 : i32
      %dma_wait3A_356 = tpu.memref_slice %arg2[%dma_wait3A_354, %dma_wait3A_355] : memref<50048x16xf32, #tpu.memory_space<hbm>> -> memref<50048x16xf32, #tpu.memory_space<hbm>>
      tpu.wait_indirect_dma semaphore(%arg29 : memref<!tpu.dma_semaphore, #tpu.memory_space<semaphore_mem>>) src(%dma_wait3A_356 : memref<50048x16xf32, #tpu.memory_space<hbm>>) dst(%arg18 : memref<125x16xf32, #tpu.memory_space<vmem>>)
      %dma_start3A_357 = arith.constant 0 : i32
      %dma_start3A_358 = tpu.memref_slice %arg8[%add3A_349, %dma_start3A_357] : memref<200x125xi32, #tpu.memory_space<vmem>> -> memref<1x125xi32, #tpu.memory_space<vmem>>
      %dma_start3A_359 = tpu.memref_squeeze %dma_start3A_358 : memref<1x125xi32, #tpu.memory_space<vmem>> -> memref<125xi32, #tpu.memory_space<vmem>>
      %dma_start3A_360 = arith.constant 0 : i32
      %dma_start3A_361 = arith.constant 0 : i32
      %dma_start3A_362 = tpu.memref_slice %arg19[%dma_start3A_360, %dma_start3A_361] : memref<50048x16xf32, #tpu.memory_space<vmem_shared>> -> memref<50048x16xf32, #tpu.memory_space<vmem_shared>>
      tpu.enqueue_indirect_dma source(%arg18 : memref<125x16xf32, #tpu.memory_space<vmem>>) target(%dma_start3A_362 : memref<50048x16xf32, #tpu.memory_space<vmem_shared>>) offsets(%dma_start3A_359 : memref<125xi32, #tpu.memory_space<vmem>>) semaphore(%arg39 : memref<!tpu.dma_semaphore, #tpu.memory_space<semaphore_mem>>) {add = true}
      %add3A_363 = arith.constant 5 : i32
      %add3A_364 = arith.addi %add3A_349, %add3A_363 : i32
      %lt3A_365 = arith.constant 200 : i32
      %lt3A_366 = arith.cmpi slt, %add3A_364, %lt3A_365 : i32
      %convert_element_type3A_367 = arith.extui %lt3A_366 : i1 to i32
      %cond3A_368 = arith.constant 0 : i32
      %cond3A_369 = arith.cmpi ne, %convert_element_type3A_367, %cond3A_368 : i32
      scf.if %cond3A_369 {
        %ge3A = arith.constant 5 : i32
        %ge3A_371 = arith.cmpi sge, %add3A_349, %ge3A : i32
        %convert_element_type3A_372 = arith.extui %ge3A_371 : i1 to i32
        %cond3A_373 = arith.constant 0 : i32
        %cond3A_374 = arith.cmpi ne, %convert_element_type3A_372, %cond3A_373 : i32
        scf.if %cond3A_374 {
          %dma_wait3A_383 = arith.constant 0 : i32
          %dma_wait3A_384 = arith.constant 0 : i32
          %dma_wait3A_385 = tpu.memref_slice %arg8[%dma_wait3A_383, %dma_wait3A_384] : memref<200x125xi32, #tpu.memory_space<vmem>> -> memref<1x125xi32, #tpu.memory_space<vmem>>
          %dma_wait3A_386 = tpu.memref_squeeze %dma_wait3A_385 : memref<1x125xi32, #tpu.memory_space<vmem>> -> memref<125xi32, #tpu.memory_space<vmem>>
          %dma_wait3A_387 = arith.constant 0 : i32
          %dma_wait3A_388 = arith.constant 0 : i32
          %dma_wait3A_389 = tpu.memref_slice %arg19[%dma_wait3A_387, %dma_wait3A_388] : memref<50048x16xf32, #tpu.memory_space<vmem_shared>> -> memref<50048x16xf32, #tpu.memory_space<vmem_shared>>
          tpu.wait_indirect_dma semaphore(%arg34 : memref<!tpu.dma_semaphore, #tpu.memory_space<semaphore_mem>>) src(%arg13 : memref<125x16xf32, #tpu.memory_space<vmem>>) dst(%dma_wait3A_389 : memref<50048x16xf32, #tpu.memory_space<vmem_shared>>)
        } else {
        }
        %add3A_375 = arith.constant 5 : i32
        %add3A_376 = arith.addi %add3A_349, %add3A_375 : i32
        %dma_start3A_377 = arith.constant 0 : i32
        %dma_start3A_378 = tpu.memref_slice %arg7[%add3A_376, %dma_start3A_377] : memref<200x125xi32, #tpu.memory_space<vmem>> -> memref<1x125xi32, #tpu.memory_space<vmem>>
        %dma_start3A_379 = tpu.memref_squeeze %dma_start3A_378 : memref<1x125xi32, #tpu.memory_space<vmem>> -> memref<125xi32, #tpu.memory_space<vmem>>
        %dma_start3A_380 = arith.constant 0 : i32
        %dma_start3A_381 = arith.constant 0 : i32
        %dma_start3A_382 = tpu.memref_slice %arg2[%dma_start3A_380, %dma_start3A_381] : memref<50048x16xf32, #tpu.memory_space<hbm>> -> memref<50048x16xf32, #tpu.memory_space<hbm>>
        tpu.enqueue_indirect_dma source(%dma_start3A_382 : memref<50048x16xf32, #tpu.memory_space<hbm>>) target(%arg13 : memref<125x16xf32, #tpu.memory_space<vmem>>) offsets(%dma_start3A_379 : memref<125xi32, #tpu.memory_space<vmem>>) semaphore(%arg24 : memref<!tpu.dma_semaphore, #tpu.memory_space<semaphore_mem>>)
      } else {
      }
      %scan3A_370 = arith.constant 0 : i32
      scf.yield %scan3A_370 : i32
    }
    %scan3A_47 = arith.constant 20 : i32
    %dma_wait3A_48 = arith.constant 0 : i32
    %dma_wait3A_49 = arith.constant 0 : i32
    %dma_wait3A_50 = tpu.memref_slice %arg8[%dma_wait3A_48, %dma_wait3A_49] : memref<200x125xi32, #tpu.memory_space<vmem>> -> memref<1x125xi32, #tpu.memory_space<vmem>>
    %dma_wait3A_51 = tpu.memref_squeeze %dma_wait3A_50 : memref<1x125xi32, #tpu.memory_space<vmem>> -> memref<125xi32, #tpu.memory_space<vmem>>
    %dma_wait3A_52 = arith.constant 0 : i32
    %dma_wait3A_53 = arith.constant 0 : i32
    %dma_wait3A_54 = tpu.memref_slice %arg19[%dma_wait3A_52, %dma_wait3A_53] : memref<50048x16xf32, #tpu.memory_space<vmem_shared>> -> memref<50048x16xf32, #tpu.memory_space<vmem_shared>>
    tpu.wait_indirect_dma semaphore(%arg30 : memref<!tpu.dma_semaphore, #tpu.memory_space<semaphore_mem>>) src(%arg9 : memref<125x16xf32, #tpu.memory_space<vmem>>) dst(%dma_wait3A_54 : memref<50048x16xf32, #tpu.memory_space<vmem_shared>>)
    %dma_wait3A_55 = arith.constant 0 : i32
    %dma_wait3A_56 = arith.constant 0 : i32
    %dma_wait3A_57 = tpu.memref_slice %arg8[%dma_wait3A_55, %dma_wait3A_56] : memref<200x125xi32, #tpu.memory_space<vmem>> -> memref<1x125xi32, #tpu.memory_space<vmem>>
    %dma_wait3A_58 = tpu.memref_squeeze %dma_wait3A_57 : memref<1x125xi32, #tpu.memory_space<vmem>> -> memref<125xi32, #tpu.memory_space<vmem>>
    %dma_wait3A_59 = arith.constant 0 : i32
    %dma_wait3A_60 = arith.constant 0 : i32
    %dma_wait3A_61 = tpu.memref_slice %arg19[%dma_wait3A_59, %dma_wait3A_60] : memref<50048x16xf32, #tpu.memory_space<vmem_shared>> -> memref<50048x16xf32, #tpu.memory_space<vmem_shared>>
    tpu.wait_indirect_dma semaphore(%arg31 : memref<!tpu.dma_semaphore, #tpu.memory_space<semaphore_mem>>) src(%arg10 : memref<125x16xf32, #tpu.memory_space<vmem>>) dst(%dma_wait3A_61 : memref<50048x16xf32, #tpu.memory_space<vmem_shared>>)
    %dma_wait3A_62 = arith.constant 0 : i32
    %dma_wait3A_63 = arith.constant 0 : i32
    %dma_wait3A_64 = tpu.memref_slice %arg8[%dma_wait3A_62, %dma_wait3A_63] : memref<200x125xi32, #tpu.memory_space<vmem>> -> memref<1x125xi32, #tpu.memory_space<vmem>>
    %dma_wait3A_65 = tpu.memref_squeeze %dma_wait3A_64 : memref<1x125xi32, #tpu.memory_space<vmem>> -> memref<125xi32, #tpu.memory_space<vmem>>
    %dma_wait3A_66 = arith.constant 0 : i32
    %dma_wait3A_67 = arith.constant 0 : i32
    %dma_wait3A_68 = tpu.memref_slice %arg19[%dma_wait3A_66, %dma_wait3A_67] : memref<50048x16xf32, #tpu.memory_space<vmem_shared>> -> memref<50048x16xf32, #tpu.memory_space<vmem_shared>>
    tpu.wait_indirect_dma semaphore(%arg32 : memref<!tpu.dma_semaphore, #tpu.memory_space<semaphore_mem>>) src(%arg11 : memref<125x16xf32, #tpu.memory_space<vmem>>) dst(%dma_wait3A_68 : memref<50048x16xf32, #tpu.memory_space<vmem_shared>>)
    %dma_wait3A_69 = arith.constant 0 : i32
    %dma_wait3A_70 = arith.constant 0 : i32
    %dma_wait3A_71 = tpu.memref_slice %arg8[%dma_wait3A_69, %dma_wait3A_70] : memref<200x125xi32, #tpu.memory_space<vmem>> -> memref<1x125xi32, #tpu.memory_space<vmem>>
    %dma_wait3A_72 = tpu.memref_squeeze %dma_wait3A_71 : memref<1x125xi32, #tpu.memory_space<vmem>> -> memref<125xi32, #tpu.memory_space<vmem>>
    %dma_wait3A_73 = arith.constant 0 : i32
    %dma_wait3A_74 = arith.constant 0 : i32
    %dma_wait3A_75 = tpu.memref_slice %arg19[%dma_wait3A_73, %dma_wait3A_74] : memref<50048x16xf32, #tpu.memory_space<vmem_shared>> -> memref<50048x16xf32, #tpu.memory_space<vmem_shared>>
    tpu.wait_indirect_dma semaphore(%arg33 : memref<!tpu.dma_semaphore, #tpu.memory_space<semaphore_mem>>) src(%arg12 : memref<125x16xf32, #tpu.memory_space<vmem>>) dst(%dma_wait3A_75 : memref<50048x16xf32, #tpu.memory_space<vmem_shared>>)
    %dma_wait3A_76 = arith.constant 0 : i32
    %dma_wait3A_77 = arith.constant 0 : i32
    %dma_wait3A_78 = tpu.memref_slice %arg8[%dma_wait3A_76, %dma_wait3A_77] : memref<200x125xi32, #tpu.memory_space<vmem>> -> memref<1x125xi32, #tpu.memory_space<vmem>>
    %dma_wait3A_79 = tpu.memref_squeeze %dma_wait3A_78 : memref<1x125xi32, #tpu.memory_space<vmem>> -> memref<125xi32, #tpu.memory_space<vmem>>
    %dma_wait3A_80 = arith.constant 0 : i32
    %dma_wait3A_81 = arith.constant 0 : i32
    %dma_wait3A_82 = tpu.memref_slice %arg19[%dma_wait3A_80, %dma_wait3A_81] : memref<50048x16xf32, #tpu.memory_space<vmem_shared>> -> memref<50048x16xf32, #tpu.memory_space<vmem_shared>>
    tpu.wait_indirect_dma semaphore(%arg34 : memref<!tpu.dma_semaphore, #tpu.memory_space<semaphore_mem>>) src(%arg13 : memref<125x16xf32, #tpu.memory_space<vmem>>) dst(%dma_wait3A_82 : memref<50048x16xf32, #tpu.memory_space<vmem_shared>>)
    %dma_wait3A_83 = arith.constant 0 : i32
    %dma_wait3A_84 = arith.constant 0 : i32
    %dma_wait3A_85 = tpu.memref_slice %arg8[%dma_wait3A_83, %dma_wait3A_84] : memref<200x125xi32, #tpu.memory_space<vmem>> -> memref<1x125xi32, #tpu.memory_space<vmem>>
    %dma_wait3A_86 = tpu.memref_squeeze %dma_wait3A_85 : memref<1x125xi32, #tpu.memory_space<vmem>> -> memref<125xi32, #tpu.memory_space<vmem>>
    %dma_wait3A_87 = arith.constant 0 : i32
    %dma_wait3A_88 = arith.constant 0 : i32
    %dma_wait3A_89 = tpu.memref_slice %arg19[%dma_wait3A_87, %dma_wait3A_88] : memref<50048x16xf32, #tpu.memory_space<vmem_shared>> -> memref<50048x16xf32, #tpu.memory_space<vmem_shared>>
    tpu.wait_indirect_dma semaphore(%arg35 : memref<!tpu.dma_semaphore, #tpu.memory_space<semaphore_mem>>) src(%arg14 : memref<125x16xf32, #tpu.memory_space<vmem>>) dst(%dma_wait3A_89 : memref<50048x16xf32, #tpu.memory_space<vmem_shared>>)
    %dma_wait3A_90 = arith.constant 0 : i32
    %dma_wait3A_91 = arith.constant 0 : i32
    %dma_wait3A_92 = tpu.memref_slice %arg8[%dma_wait3A_90, %dma_wait3A_91] : memref<200x125xi32, #tpu.memory_space<vmem>> -> memref<1x125xi32, #tpu.memory_space<vmem>>
    %dma_wait3A_93 = tpu.memref_squeeze %dma_wait3A_92 : memref<1x125xi32, #tpu.memory_space<vmem>> -> memref<125xi32, #tpu.memory_space<vmem>>
    %dma_wait3A_94 = arith.constant 0 : i32
    %dma_wait3A_95 = arith.constant 0 : i32
    %dma_wait3A_96 = tpu.memref_slice %arg19[%dma_wait3A_94, %dma_wait3A_95] : memref<50048x16xf32, #tpu.memory_space<vmem_shared>> -> memref<50048x16xf32, #tpu.memory_space<vmem_shared>>
    tpu.wait_indirect_dma semaphore(%arg36 : memref<!tpu.dma_semaphore, #tpu.memory_space<semaphore_mem>>) src(%arg15 : memref<125x16xf32, #tpu.memory_space<vmem>>) dst(%dma_wait3A_96 : memref<50048x16xf32, #tpu.memory_space<vmem_shared>>)
    %dma_wait3A_97 = arith.constant 0 : i32
    %dma_wait3A_98 = arith.constant 0 : i32
    %dma_wait3A_99 = tpu.memref_slice %arg8[%dma_wait3A_97, %dma_wait3A_98] : memref<200x125xi32, #tpu.memory_space<vmem>> -> memref<1x125xi32, #tpu.memory_space<vmem>>
    %dma_wait3A_100 = tpu.memref_squeeze %dma_wait3A_99 : memref<1x125xi32, #tpu.memory_space<vmem>> -> memref<125xi32, #tpu.memory_space<vmem>>
    %dma_wait3A_101 = arith.constant 0 : i32
    %dma_wait3A_102 = arith.constant 0 : i32
    %dma_wait3A_103 = tpu.memref_slice %arg19[%dma_wait3A_101, %dma_wait3A_102] : memref<50048x16xf32, #tpu.memory_space<vmem_shared>> -> memref<50048x16xf32, #tpu.memory_space<vmem_shared>>
    tpu.wait_indirect_dma semaphore(%arg37 : memref<!tpu.dma_semaphore, #tpu.memory_space<semaphore_mem>>) src(%arg16 : memref<125x16xf32, #tpu.memory_space<vmem>>) dst(%dma_wait3A_103 : memref<50048x16xf32, #tpu.memory_space<vmem_shared>>)
    %dma_wait3A_104 = arith.constant 0 : i32
    %dma_wait3A_105 = arith.constant 0 : i32
    %dma_wait3A_106 = tpu.memref_slice %arg8[%dma_wait3A_104, %dma_wait3A_105] : memref<200x125xi32, #tpu.memory_space<vmem>> -> memref<1x125xi32, #tpu.memory_space<vmem>>
    %dma_wait3A_107 = tpu.memref_squeeze %dma_wait3A_106 : memref<1x125xi32, #tpu.memory_space<vmem>> -> memref<125xi32, #tpu.memory_space<vmem>>
    %dma_wait3A_108 = arith.constant 0 : i32
    %dma_wait3A_109 = arith.constant 0 : i32
    %dma_wait3A_110 = tpu.memref_slice %arg19[%dma_wait3A_108, %dma_wait3A_109] : memref<50048x16xf32, #tpu.memory_space<vmem_shared>> -> memref<50048x16xf32, #tpu.memory_space<vmem_shared>>
    tpu.wait_indirect_dma semaphore(%arg38 : memref<!tpu.dma_semaphore, #tpu.memory_space<semaphore_mem>>) src(%arg17 : memref<125x16xf32, #tpu.memory_space<vmem>>) dst(%dma_wait3A_110 : memref<50048x16xf32, #tpu.memory_space<vmem_shared>>)
    %dma_wait3A_111 = arith.constant 0 : i32
    %dma_wait3A_112 = arith.constant 0 : i32
    %dma_wait3A_113 = tpu.memref_slice %arg8[%dma_wait3A_111, %dma_wait3A_112] : memref<200x125xi32, #tpu.memory_space<vmem>> -> memref<1x125xi32, #tpu.memory_space<vmem>>
    %dma_wait3A_114 = tpu.memref_squeeze %dma_wait3A_113 : memref<1x125xi32, #tpu.memory_space<vmem>> -> memref<125xi32, #tpu.memory_space<vmem>>
    %dma_wait3A_115 = arith.constant 0 : i32
    %dma_wait3A_116 = arith.constant 0 : i32
    %dma_wait3A_117 = tpu.memref_slice %arg19[%dma_wait3A_115, %dma_wait3A_116] : memref<50048x16xf32, #tpu.memory_space<vmem_shared>> -> memref<50048x16xf32, #tpu.memory_space<vmem_shared>>
    tpu.wait_indirect_dma semaphore(%arg39 : memref<!tpu.dma_semaphore, #tpu.memory_space<semaphore_mem>>) src(%arg18 : memref<125x16xf32, #tpu.memory_space<vmem>>) dst(%dma_wait3A_117 : memref<50048x16xf32, #tpu.memory_space<vmem_shared>>)
    %barrier3A_118 = arith.constant 0 : index
    tpu.barrier barrier_id(%barrier3A_118)
    %mul3A_119 = arith.constant 3128 : i32
    %mul3A_120 = arith.muli %arg1, %mul3A_119 : i32
    %dma_start3A_121 = arith.constant 0 : i32
    %dma_start3A_122 = tpu.memref_slice %arg6[%arg0, %mul3A_120, %dma_start3A_121] : memref<2x50048x16xf32, #tpu.memory_space<hbm>> -> memref<1x3128x16xf32, #tpu.memory_space<hbm>>
    %dma_start3A_123 = tpu.memref_squeeze %dma_start3A_122 : memref<1x3128x16xf32, #tpu.memory_space<hbm>> -> memref<3128x16xf32, #tpu.memory_space<hbm>>
    %dma_start3A_124 = arith.constant 0 : i32
    %dma_start3A_125 = tpu.memref_slice %arg19[%mul3A_120, %dma_start3A_124] : memref<50048x16xf32, #tpu.memory_space<vmem_shared>> -> memref<3128x16xf32, #tpu.memory_space<vmem_shared>>
    tpu.enqueue_dma source(%dma_start3A_125 : memref<3128x16xf32, #tpu.memory_space<vmem_shared>>) target(%dma_start3A_123 : memref<3128x16xf32, #tpu.memory_space<hbm>>) target_semaphore(%arg40 : memref<!tpu.dma_semaphore, #tpu.memory_space<semaphore_mem>>)
    %dma_wait3A_126 = arith.constant 0 : i32
    %dma_wait3A_127 = tpu.memref_slice %arg6[%arg0, %mul3A_120, %dma_wait3A_126] : memref<2x50048x16xf32, #tpu.memory_space<hbm>> -> memref<1x3128x16xf32, #tpu.memory_space<hbm>>
    %dma_wait3A_128 = tpu.memref_squeeze %dma_wait3A_127 : memref<1x3128x16xf32, #tpu.memory_space<hbm>> -> memref<3128x16xf32, #tpu.memory_space<hbm>>
    %dma_wait3A_129 = arith.constant 0 : i32
    %dma_wait3A_130 = tpu.memref_slice %arg19[%mul3A_120, %dma_wait3A_129] : memref<50048x16xf32, #tpu.memory_space<vmem_shared>> -> memref<3128x16xf32, #tpu.memory_space<vmem_shared>>
    tpu.wait_dma2 semaphore(%arg40 : memref<!tpu.dma_semaphore, #tpu.memory_space<semaphore_mem>>) src(%dma_wait3A_130 : memref<3128x16xf32, #tpu.memory_space<vmem_shared>>) dst(%dma_wait3A_128 : memref<3128x16xf32, #tpu.memory_space<hbm>>)
    return
  }
}

#map = affine_map<(d0, d1) -> (0, 0)>
#map1 = affine_map<(d0, d1) -> (0, 0, 0)>
module attributes {stable_mosaic.version = 14 : i64} {
  func.func @seg_sum(%arg0: i32, %arg1: i32, %arg2: memref<50048x16xf32, #tpu.memory_space<hbm>>, %arg3: memref<32x200x125xi32, #tpu.memory_space<hbm>>, %arg4: memref<32x200x125xi32, #tpu.memory_space<hbm>>, %arg5: memref<3128x16xf32, #tpu.memory_space<hbm>>, %arg6: memref<2x50048x16xf32, #tpu.memory_space<hbm>>, %arg7: memref<200x125xi32, #tpu.memory_space<vmem>>, %arg8: memref<200x125xi32, #tpu.memory_space<vmem>>, %arg9: memref<125x16xf32, #tpu.memory_space<vmem>>, %arg10: memref<125x16xf32, #tpu.memory_space<vmem>>, %arg11: memref<125x16xf32, #tpu.memory_space<vmem>>, %arg12: memref<125x16xf32, #tpu.memory_space<vmem>>, %arg13: memref<125x16xf32, #tpu.memory_space<vmem>>, %arg14: memref<125x16xf32, #tpu.memory_space<vmem>>, %arg15: memref<125x16xf32, #tpu.memory_space<vmem>>, %arg16: memref<125x16xf32, #tpu.memory_space<vmem>>, %arg17: memref<125x16xf32, #tpu.memory_space<vmem>>, %arg18: memref<125x16xf32, #tpu.memory_space<vmem>>, %arg19: memref<50048x16xf32, #tpu.memory_space<vmem_shared>>, %arg20: memref<!tpu.dma_semaphore, #tpu.memory_space<semaphore_mem>>, %arg21: memref<!tpu.dma_semaphore, #tpu.memory_space<semaphore_mem>>, %arg22: memref<!tpu.dma_semaphore, #tpu.memory_space<semaphore_mem>>, %arg23: memref<!tpu.dma_semaphore, #tpu.memory_space<semaphore_mem>>, %arg24: memref<!tpu.dma_semaphore, #tpu.memory_space<semaphore_mem>>, %arg25: memref<!tpu.dma_semaphore, #tpu.memory_space<semaphore_mem>>, %arg26: memref<!tpu.dma_semaphore, #tpu.memory_space<semaphore_mem>>, %arg27: memref<!tpu.dma_semaphore, #tpu.memory_space<semaphore_mem>>, %arg28: memref<!tpu.dma_semaphore, #tpu.memory_space<semaphore_mem>>, %arg29: memref<!tpu.dma_semaphore, #tpu.memory_space<semaphore_mem>>, %arg30: memref<!tpu.dma_semaphore, #tpu.memory_space<semaphore_mem>>, %arg31: memref<!tpu.dma_semaphore, #tpu.memory_space<semaphore_mem>>, %arg32: memref<!tpu.dma_semaphore, #tpu.memory_space<semaphore_mem>>, %arg33: memref<!tpu.dma_semaphore, #tpu.memory_space<semaphore_mem>>, %arg34: memref<!tpu.dma_semaphore, #tpu.memory_space<semaphore_mem>>, %arg35: memref<!tpu.dma_semaphore, #tpu.memory_space<semaphore_mem>>, %arg36: memref<!tpu.dma_semaphore, #tpu.memory_space<semaphore_mem>>, %arg37: memref<!tpu.dma_semaphore, #tpu.memory_space<semaphore_mem>>, %arg38: memref<!tpu.dma_semaphore, #tpu.memory_space<semaphore_mem>>, %arg39: memref<!tpu.dma_semaphore, #tpu.memory_space<semaphore_mem>>, %arg40: memref<!tpu.dma_semaphore, #tpu.memory_space<semaphore_mem>>) attributes {dimension_semantics = [#tpu.dimension_semantics<core_parallel>, #tpu.dimension_semantics<subcore_parallel>], iteration_bounds = array<i64: 2, 16>, scalar_prefetch = 0 : i64, scratch_operands = 34 : i64, tpu.core_type = #tpu.core_type<sc_vector_subcore>, window_params = [{transform_indices = #map}, {transform_indices = #map1}, {transform_indices = #map1}, {transform_indices = #map}, {transform_indices = #map1}]} {
    %mul3A = arith.constant 16 : i32
    %mul3A_0 = arith.muli %arg0, %mul3A : i32
    %add3A = arith.addi %mul3A_0, %arg1 : i32
    %mul3A_1 = arith.constant 3128 : i32
    %mul3A_2 = arith.muli %arg1, %mul3A_1 : i32
    %dma_start3A = arith.constant 0 : i32
    %dma_start3A_3 = tpu.memref_slice %arg19[%mul3A_2, %dma_start3A] : memref<50048x16xf32, #tpu.memory_space<vmem_shared>> -> memref<3128x16xf32, #tpu.memory_space<vmem_shared>>
    tpu.enqueue_dma source(%arg5 : memref<3128x16xf32, #tpu.memory_space<hbm>>) target(%dma_start3A_3 : memref<3128x16xf32, #tpu.memory_space<vmem_shared>>) target_semaphore(%arg40 : memref<!tpu.dma_semaphore, #tpu.memory_space<semaphore_mem>>)
    "tpu.region"() ({
      %run_scoped3A = tpu.sem_alloc : memref<!tpu.dma_semaphore, #tpu.memory_space<semaphore_mem>>
      %dma_start3A_131 = arith.constant 0 : i32
      %dma_start3A_132 = arith.constant 0 : i32
      %dma_start3A_133 = tpu.memref_slice %arg3[%add3A, %dma_start3A_131, %dma_start3A_132] : memref<32x200x125xi32, #tpu.memory_space<hbm>> -> memref<1x200x125xi32, #tpu.memory_space<hbm>>
      %dma_start3A_134 = tpu.memref_squeeze %dma_start3A_133 : memref<1x200x125xi32, #tpu.memory_space<hbm>> -> memref<200x125xi32, #tpu.memory_space<hbm>>
      %dma_start3A_135 = arith.constant 0 : i32
      %dma_start3A_136 = arith.constant 0 : i32
      %dma_start3A_137 = tpu.memref_slice %arg3[%add3A, %dma_start3A_135, %dma_start3A_136] : memref<32x200x125xi32, #tpu.memory_space<hbm>> -> memref<1x200x125xi32, #tpu.memory_space<hbm>>
      %dma_start3A_138 = tpu.memref_squeeze %dma_start3A_137 : memref<1x200x125xi32, #tpu.memory_space<hbm>> -> memref<200x125xi32, #tpu.memory_space<hbm>>
      tpu.enqueue_dma source(%dma_start3A_138 : memref<200x125xi32, #tpu.memory_space<hbm>>) target(%arg7 : memref<200x125xi32, #tpu.memory_space<vmem>>) target_semaphore(%run_scoped3A : memref<!tpu.dma_semaphore, #tpu.memory_space<semaphore_mem>>)
      %dma_wait3A_139 = arith.constant 0 : i32
      %dma_wait3A_140 = arith.constant 0 : i32
      %dma_wait3A_141 = tpu.memref_slice %arg3[%add3A, %dma_wait3A_139, %dma_wait3A_140] : memref<32x200x125xi32, #tpu.memory_space<hbm>> -> memref<1x200x125xi32, #tpu.memory_space<hbm>>
      %dma_wait3A_142 = tpu.memref_squeeze %dma_wait3A_141 : memref<1x200x125xi32, #tpu.memory_space<hbm>> -> memref<200x125xi32, #tpu.memory_space<hbm>>
      %dma_wait3A_143 = arith.constant 0 : i32
      %dma_wait3A_144 = arith.constant 0 : i32
      %dma_wait3A_145 = tpu.memref_slice %arg3[%add3A, %dma_wait3A_143, %dma_wait3A_144] : memref<32x200x125xi32, #tpu.memory_space<hbm>> -> memref<1x200x125xi32, #tpu.memory_space<hbm>>
      %dma_wait3A_146 = tpu.memref_squeeze %dma_wait3A_145 : memref<1x200x125xi32, #tpu.memory_space<hbm>> -> memref<200x125xi32, #tpu.memory_space<hbm>>
      tpu.wait_dma2 semaphore(%run_scoped3A : memref<!tpu.dma_semaphore, #tpu.memory_space<semaphore_mem>>) src(%dma_wait3A_146 : memref<200x125xi32, #tpu.memory_space<hbm>>) dst(%arg7 : memref<200x125xi32, #tpu.memory_space<vmem>>)
      tpu.yield
    }) : () -> ()
    "tpu.region"() ({
      %run_scoped3A = tpu.sem_alloc : memref<!tpu.dma_semaphore, #tpu.memory_space<semaphore_mem>>
      %dma_start3A_131 = arith.constant 0 : i32
      %dma_start3A_132 = arith.constant 0 : i32
      %dma_start3A_133 = tpu.memref_slice %arg4[%add3A, %dma_start3A_131, %dma_start3A_132] : memref<32x200x125xi32, #tpu.memory_space<hbm>> -> memref<1x200x125xi32, #tpu.memory_space<hbm>>
      %dma_start3A_134 = tpu.memref_squeeze %dma_start3A_133 : memref<1x200x125xi32, #tpu.memory_space<hbm>> -> memref<200x125xi32, #tpu.memory_space<hbm>>
      %dma_start3A_135 = arith.constant 0 : i32
      %dma_start3A_136 = arith.constant 0 : i32
      %dma_start3A_137 = tpu.memref_slice %arg4[%add3A, %dma_start3A_135, %dma_start3A_136] : memref<32x200x125xi32, #tpu.memory_space<hbm>> -> memref<1x200x125xi32, #tpu.memory_space<hbm>>
      %dma_start3A_138 = tpu.memref_squeeze %dma_start3A_137 : memref<1x200x125xi32, #tpu.memory_space<hbm>> -> memref<200x125xi32, #tpu.memory_space<hbm>>
      tpu.enqueue_dma source(%dma_start3A_138 : memref<200x125xi32, #tpu.memory_space<hbm>>) target(%arg8 : memref<200x125xi32, #tpu.memory_space<vmem>>) target_semaphore(%run_scoped3A : memref<!tpu.dma_semaphore, #tpu.memory_space<semaphore_mem>>)
      %dma_wait3A_139 = arith.constant 0 : i32
      %dma_wait3A_140 = arith.constant 0 : i32
      %dma_wait3A_141 = tpu.memref_slice %arg4[%add3A, %dma_wait3A_139, %dma_wait3A_140] : memref<32x200x125xi32, #tpu.memory_space<hbm>> -> memref<1x200x125xi32, #tpu.memory_space<hbm>>
      %dma_wait3A_142 = tpu.memref_squeeze %dma_wait3A_141 : memref<1x200x125xi32, #tpu.memory_space<hbm>> -> memref<200x125xi32, #tpu.memory_space<hbm>>
      %dma_wait3A_143 = arith.constant 0 : i32
      %dma_wait3A_144 = arith.constant 0 : i32
      %dma_wait3A_145 = tpu.memref_slice %arg4[%add3A, %dma_wait3A_143, %dma_wait3A_144] : memref<32x200x125xi32, #tpu.memory_space<hbm>> -> memref<1x200x125xi32, #tpu.memory_space<hbm>>
      %dma_wait3A_146 = tpu.memref_squeeze %dma_wait3A_145 : memref<1x200x125xi32, #tpu.memory_space<hbm>> -> memref<200x125xi32, #tpu.memory_space<hbm>>
      tpu.wait_dma2 semaphore(%run_scoped3A : memref<!tpu.dma_semaphore, #tpu.memory_space<semaphore_mem>>) src(%dma_wait3A_146 : memref<200x125xi32, #tpu.memory_space<hbm>>) dst(%arg8 : memref<200x125xi32, #tpu.memory_space<vmem>>)
      tpu.yield
    }) : () -> ()
    %mul3A_4 = arith.constant 3128 : i32
    %mul3A_5 = arith.muli %arg1, %mul3A_4 : i32
    %dma_wait3A = arith.constant 0 : i32
    %dma_wait3A_6 = tpu.memref_slice %arg19[%mul3A_5, %dma_wait3A] : memref<50048x16xf32, #tpu.memory_space<vmem_shared>> -> memref<3128x16xf32, #tpu.memory_space<vmem_shared>>
    tpu.wait_dma2 semaphore(%arg40 : memref<!tpu.dma_semaphore, #tpu.memory_space<semaphore_mem>>) src(%arg5 : memref<3128x16xf32, #tpu.memory_space<hbm>>) dst(%dma_wait3A_6 : memref<3128x16xf32, #tpu.memory_space<vmem_shared>>)
    %barrier3A = arith.constant 0 : index
    tpu.barrier barrier_id(%barrier3A)
    %dma_start3A_7 = arith.constant 0 : i32
    %dma_start3A_8 = arith.constant 0 : i32
    %dma_start3A_9 = tpu.memref_slice %arg7[%dma_start3A_7, %dma_start3A_8] : memref<200x125xi32, #tpu.memory_space<vmem>> -> memref<1x125xi32, #tpu.memory_space<vmem>>
    %dma_start3A_10 = tpu.memref_squeeze %dma_start3A_9 : memref<1x125xi32, #tpu.memory_space<vmem>> -> memref<125xi32, #tpu.memory_space<vmem>>
    %dma_start3A_11 = arith.constant 0 : i32
    %dma_start3A_12 = arith.constant 0 : i32
    %dma_start3A_13 = tpu.memref_slice %arg2[%dma_start3A_11, %dma_start3A_12] : memref<50048x16xf32, #tpu.memory_space<hbm>> -> memref<50048x16xf32, #tpu.memory_space<hbm>>
    tpu.enqueue_indirect_dma source(%dma_start3A_13 : memref<50048x16xf32, #tpu.memory_space<hbm>>) target(%arg9 : memref<125x16xf32, #tpu.memory_space<vmem>>) offsets(%dma_start3A_10 : memref<125xi32, #tpu.memory_space<vmem>>) semaphore(%arg20 : memref<!tpu.dma_semaphore, #tpu.memory_space<semaphore_mem>>)
    %dma_start3A_14 = arith.constant 1 : i32
    %dma_start3A_15 = arith.constant 0 : i32
    %dma_start3A_16 = tpu.memref_slice %arg7[%dma_start3A_14, %dma_start3A_15] : memref<200x125xi32, #tpu.memory_space<vmem>> -> memref<1x125xi32, #tpu.memory_space<vmem>>
    %dma_start3A_17 = tpu.memref_squeeze %dma_start3A_16 : memref<1x125xi32, #tpu.memory_space<vmem>> -> memref<125xi32, #tpu.memory_space<vmem>>
    %dma_start3A_18 = arith.constant 0 : i32
    %dma_start3A_19 = arith.constant 0 : i32
    %dma_start3A_20 = tpu.memref_slice %arg2[%dma_start3A_18, %dma_start3A_19] : memref<50048x16xf32, #tpu.memory_space<hbm>> -> memref<50048x16xf32, #tpu.memory_space<hbm>>
    tpu.enqueue_indirect_dma source(%dma_start3A_20 : memref<50048x16xf32, #tpu.memory_space<hbm>>) target(%arg10 : memref<125x16xf32, #tpu.memory_space<vmem>>) offsets(%dma_start3A_17 : memref<125xi32, #tpu.memory_space<vmem>>) semaphore(%arg21 : memref<!tpu.dma_semaphore, #tpu.memory_space<semaphore_mem>>)
    %dma_start3A_21 = arith.constant 2 : i32
    %dma_start3A_22 = arith.constant 0 : i32
    %dma_start3A_23 = tpu.memref_slice %arg7[%dma_start3A_21, %dma_start3A_22] : memref<200x125xi32, #tpu.memory_space<vmem>> -> memref<1x125xi32, #tpu.memory_space<vmem>>
    %dma_start3A_24 = tpu.memref_squeeze %dma_start3A_23 : memref<1x125xi32, #tpu.memory_space<vmem>> -> memref<125xi32, #tpu.memory_space<vmem>>
    %dma_start3A_25 = arith.constant 0 : i32
    %dma_start3A_26 = arith.constant 0 : i32
    %dma_start3A_27 = tpu.memref_slice %arg2[%dma_start3A_25, %dma_start3A_26] : memref<50048x16xf32, #tpu.memory_space<hbm>> -> memref<50048x16xf32, #tpu.memory_space<hbm>>
    tpu.enqueue_indirect_dma source(%dma_start3A_27 : memref<50048x16xf32, #tpu.memory_space<hbm>>) target(%arg11 : memref<125x16xf32, #tpu.memory_space<vmem>>) offsets(%dma_start3A_24 : memref<125xi32, #tpu.memory_space<vmem>>) semaphore(%arg22 : memref<!tpu.dma_semaphore, #tpu.memory_space<semaphore_mem>>)
    %dma_start3A_28 = arith.constant 3 : i32
    %dma_start3A_29 = arith.constant 0 : i32
    %dma_start3A_30 = tpu.memref_slice %arg7[%dma_start3A_28, %dma_start3A_29] : memref<200x125xi32, #tpu.memory_space<vmem>> -> memref<1x125xi32, #tpu.memory_space<vmem>>
    %dma_start3A_31 = tpu.memref_squeeze %dma_start3A_30 : memref<1x125xi32, #tpu.memory_space<vmem>> -> memref<125xi32, #tpu.memory_space<vmem>>
    %dma_start3A_32 = arith.constant 0 : i32
    %dma_start3A_33 = arith.constant 0 : i32
    %dma_start3A_34 = tpu.memref_slice %arg2[%dma_start3A_32, %dma_start3A_33] : memref<50048x16xf32, #tpu.memory_space<hbm>> -> memref<50048x16xf32, #tpu.memory_space<hbm>>
    tpu.enqueue_indirect_dma source(%dma_start3A_34 : memref<50048x16xf32, #tpu.memory_space<hbm>>) target(%arg12 : memref<125x16xf32, #tpu.memory_space<vmem>>) offsets(%dma_start3A_31 : memref<125xi32, #tpu.memory_space<vmem>>) semaphore(%arg23 : memref<!tpu.dma_semaphore, #tpu.memory_space<semaphore_mem>>)
    %dma_start3A_35 = arith.constant 4 : i32
    %dma_start3A_36 = arith.constant 0 : i32
    %dma_start3A_37 = tpu.memref_slice %arg7[%dma_start3A_35, %dma_start3A_36] : memref<200x125xi32, #tpu.memory_space<vmem>> -> memref<1x125xi32, #tpu.memory_space<vmem>>
    %dma_start3A_38 = tpu.memref_squeeze %dma_start3A_37 : memref<1x125xi32, #tpu.memory_space<vmem>> -> memref<125xi32, #tpu.memory_space<vmem>>
    %dma_start3A_39 = arith.constant 0 : i32
    %dma_start3A_40 = arith.constant 0 : i32
    %dma_start3A_41 = tpu.memref_slice %arg2[%dma_start3A_39, %dma_start3A_40] : memref<50048x16xf32, #tpu.memory_space<hbm>> -> memref<50048x16xf32, #tpu.memory_space<hbm>>
    tpu.enqueue_indirect_dma source(%dma_start3A_41 : memref<50048x16xf32, #tpu.memory_space<hbm>>) target(%arg13 : memref<125x16xf32, #tpu.memory_space<vmem>>) offsets(%dma_start3A_38 : memref<125xi32, #tpu.memory_space<vmem>>) semaphore(%arg24 : memref<!tpu.dma_semaphore, #tpu.memory_space<semaphore_mem>>)
    %scan3A = arith.constant 0 : i32
    %scan3A_42 = arith.constant 0 : i32
    %scan3A_43 = arith.constant 20 : i32
    %scan3A_44 = arith.addi %scan3A_42, %scan3A_43 : i32
    %scan3A_45 = arith.constant 1 : i32
    %scan3A_46 = scf.for %scan3A_131 = %scan3A_42 to %scan3A_44 step %scan3A_45 iter_args(%scan3A_132 = %scan3A) -> (i32)  : i32 {
      %mul3A_133 = arith.constant 10 : i32
      %mul3A_134 = arith.muli %mul3A_133, %scan3A_131 : i32
      %add3A_135 = arith.constant 0 : i32
      %add3A_136 = arith.addi %mul3A_134, %add3A_135 : i32
      %dma_wait3A_137 = arith.constant 0 : i32
      %dma_wait3A_138 = arith.constant 0 : i32
      %dma_wait3A_139 = tpu.memref_slice %arg7[%dma_wait3A_137, %dma_wait3A_138] : memref<200x125xi32, #tpu.memory_space<vmem>> -> memref<1x125xi32, #tpu.memory_space<vmem>>
      %dma_wait3A_140 = tpu.memref_squeeze %dma_wait3A_139 : memref<1x125xi32, #tpu.memory_space<vmem>> -> memref<125xi32, #tpu.memory_space<vmem>>
      %dma_wait3A_141 = arith.constant 0 : i32
      %dma_wait3A_142 = arith.constant 0 : i32
      %dma_wait3A_143 = tpu.memref_slice %arg2[%dma_wait3A_141, %dma_wait3A_142] : memref<50048x16xf32, #tpu.memory_space<hbm>> -> memref<50048x16xf32, #tpu.memory_space<hbm>>
      tpu.wait_indirect_dma semaphore(%arg20 : memref<!tpu.dma_semaphore, #tpu.memory_space<semaphore_mem>>) src(%dma_wait3A_143 : memref<50048x16xf32, #tpu.memory_space<hbm>>) dst(%arg9 : memref<125x16xf32, #tpu.memory_space<vmem>>)
      %dma_start3A_144 = arith.constant 0 : i32
      %dma_start3A_145 = tpu.memref_slice %arg8[%add3A_136, %dma_start3A_144] : memref<200x125xi32, #tpu.memory_space<vmem>> -> memref<1x125xi32, #tpu.memory_space<vmem>>
      %dma_start3A_146 = tpu.memref_squeeze %dma_start3A_145 : memref<1x125xi32, #tpu.memory_space<vmem>> -> memref<125xi32, #tpu.memory_space<vmem>>
      %dma_start3A_147 = arith.constant 0 : i32
      %dma_start3A_148 = arith.constant 0 : i32
      %dma_start3A_149 = tpu.memref_slice %arg19[%dma_start3A_147, %dma_start3A_148] : memref<50048x16xf32, #tpu.memory_space<vmem_shared>> -> memref<50048x16xf32, #tpu.memory_space<vmem_shared>>
      tpu.enqueue_indirect_dma source(%arg9 : memref<125x16xf32, #tpu.memory_space<vmem>>) target(%dma_start3A_149 : memref<50048x16xf32, #tpu.memory_space<vmem_shared>>) offsets(%dma_start3A_146 : memref<125xi32, #tpu.memory_space<vmem>>) semaphore(%arg30 : memref<!tpu.dma_semaphore, #tpu.memory_space<semaphore_mem>>) {add = true}
      %add3A_150 = arith.constant 5 : i32
      %add3A_151 = arith.addi %add3A_136, %add3A_150 : i32
      %lt3A = arith.constant 200 : i32
      %lt3A_152 = arith.cmpi slt, %add3A_151, %lt3A : i32
      %convert_element_type3A = arith.extui %lt3A_152 : i1 to i32
      %cond3A = arith.constant 0 : i32
      %cond3A_153 = arith.cmpi ne, %convert_element_type3A, %cond3A : i32
      scf.if %cond3A_153 {
        %ge3A = arith.constant 5 : i32
        %ge3A_371 = arith.cmpi sge, %add3A_136, %ge3A : i32
        %convert_element_type3A_372 = arith.extui %ge3A_371 : i1 to i32
        %cond3A_373 = arith.constant 0 : i32
        %cond3A_374 = arith.cmpi ne, %convert_element_type3A_372, %cond3A_373 : i32
        scf.if %cond3A_374 {
          %dma_wait3A_383 = arith.constant 0 : i32
          %dma_wait3A_384 = arith.constant 0 : i32
          %dma_wait3A_385 = tpu.memref_slice %arg8[%dma_wait3A_383, %dma_wait3A_384] : memref<200x125xi32, #tpu.memory_space<vmem>> -> memref<1x125xi32, #tpu.memory_space<vmem>>
          %dma_wait3A_386 = tpu.memref_squeeze %dma_wait3A_385 : memref<1x125xi32, #tpu.memory_space<vmem>> -> memref<125xi32, #tpu.memory_space<vmem>>
          %dma_wait3A_387 = arith.constant 0 : i32
          %dma_wait3A_388 = arith.constant 0 : i32
          %dma_wait3A_389 = tpu.memref_slice %arg19[%dma_wait3A_387, %dma_wait3A_388] : memref<50048x16xf32, #tpu.memory_space<vmem_shared>> -> memref<50048x16xf32, #tpu.memory_space<vmem_shared>>
          tpu.wait_indirect_dma semaphore(%arg35 : memref<!tpu.dma_semaphore, #tpu.memory_space<semaphore_mem>>) src(%arg14 : memref<125x16xf32, #tpu.memory_space<vmem>>) dst(%dma_wait3A_389 : memref<50048x16xf32, #tpu.memory_space<vmem_shared>>)
        } else {
        }
        %add3A_375 = arith.constant 5 : i32
        %add3A_376 = arith.addi %add3A_136, %add3A_375 : i32
        %dma_start3A_377 = arith.constant 0 : i32
        %dma_start3A_378 = tpu.memref_slice %arg7[%add3A_376, %dma_start3A_377] : memref<200x125xi32, #tpu.memory_space<vmem>> -> memref<1x125xi32, #tpu.memory_space<vmem>>
        %dma_start3A_379 = tpu.memref_squeeze %dma_start3A_378 : memref<1x125xi32, #tpu.memory_space<vmem>> -> memref<125xi32, #tpu.memory_space<vmem>>
        %dma_start3A_380 = arith.constant 0 : i32
        %dma_start3A_381 = arith.constant 0 : i32
        %dma_start3A_382 = tpu.memref_slice %arg2[%dma_start3A_380, %dma_start3A_381] : memref<50048x16xf32, #tpu.memory_space<hbm>> -> memref<50048x16xf32, #tpu.memory_space<hbm>>
        tpu.enqueue_indirect_dma source(%dma_start3A_382 : memref<50048x16xf32, #tpu.memory_space<hbm>>) target(%arg14 : memref<125x16xf32, #tpu.memory_space<vmem>>) offsets(%dma_start3A_379 : memref<125xi32, #tpu.memory_space<vmem>>) semaphore(%arg25 : memref<!tpu.dma_semaphore, #tpu.memory_space<semaphore_mem>>)
      } else {
      }
      %mul3A_154 = arith.constant 10 : i32
      %mul3A_155 = arith.muli %mul3A_154, %scan3A_131 : i32
      %add3A_156 = arith.constant 1 : i32
      %add3A_157 = arith.addi %mul3A_155, %add3A_156 : i32
      %dma_wait3A_158 = arith.constant 0 : i32
      %dma_wait3A_159 = arith.constant 0 : i32
      %dma_wait3A_160 = tpu.memref_slice %arg7[%dma_wait3A_158, %dma_wait3A_159] : memref<200x125xi32, #tpu.memory_space<vmem>> -> memref<1x125xi32, #tpu.memory_space<vmem>>
      %dma_wait3A_161 = tpu.memref_squeeze %dma_wait3A_160 : memref<1x125xi32, #tpu.memory_space<vmem>> -> memref<125xi32, #tpu.memory_space<vmem>>
      %dma_wait3A_162 = arith.constant 0 : i32
      %dma_wait3A_163 = arith.constant 0 : i32
      %dma_wait3A_164 = tpu.memref_slice %arg2[%dma_wait3A_162, %dma_wait3A_163] : memref<50048x16xf32, #tpu.memory_space<hbm>> -> memref<50048x16xf32, #tpu.memory_space<hbm>>
      tpu.wait_indirect_dma semaphore(%arg21 : memref<!tpu.dma_semaphore, #tpu.memory_space<semaphore_mem>>) src(%dma_wait3A_164 : memref<50048x16xf32, #tpu.memory_space<hbm>>) dst(%arg10 : memref<125x16xf32, #tpu.memory_space<vmem>>)
      %dma_start3A_165 = arith.constant 0 : i32
      %dma_start3A_166 = tpu.memref_slice %arg8[%add3A_157, %dma_start3A_165] : memref<200x125xi32, #tpu.memory_space<vmem>> -> memref<1x125xi32, #tpu.memory_space<vmem>>
      %dma_start3A_167 = tpu.memref_squeeze %dma_start3A_166 : memref<1x125xi32, #tpu.memory_space<vmem>> -> memref<125xi32, #tpu.memory_space<vmem>>
      %dma_start3A_168 = arith.constant 0 : i32
      %dma_start3A_169 = arith.constant 0 : i32
      %dma_start3A_170 = tpu.memref_slice %arg19[%dma_start3A_168, %dma_start3A_169] : memref<50048x16xf32, #tpu.memory_space<vmem_shared>> -> memref<50048x16xf32, #tpu.memory_space<vmem_shared>>
      tpu.enqueue_indirect_dma source(%arg10 : memref<125x16xf32, #tpu.memory_space<vmem>>) target(%dma_start3A_170 : memref<50048x16xf32, #tpu.memory_space<vmem_shared>>) offsets(%dma_start3A_167 : memref<125xi32, #tpu.memory_space<vmem>>) semaphore(%arg31 : memref<!tpu.dma_semaphore, #tpu.memory_space<semaphore_mem>>) {add = true}
      %add3A_171 = arith.constant 5 : i32
      %add3A_172 = arith.addi %add3A_157, %add3A_171 : i32
      %lt3A_173 = arith.constant 200 : i32
      %lt3A_174 = arith.cmpi slt, %add3A_172, %lt3A_173 : i32
      %convert_element_type3A_175 = arith.extui %lt3A_174 : i1 to i32
      %cond3A_176 = arith.constant 0 : i32
      %cond3A_177 = arith.cmpi ne, %convert_element_type3A_175, %cond3A_176 : i32
      scf.if %cond3A_177 {
        %ge3A = arith.constant 5 : i32
        %ge3A_371 = arith.cmpi sge, %add3A_157, %ge3A : i32
        %convert_element_type3A_372 = arith.extui %ge3A_371 : i1 to i32
        %cond3A_373 = arith.constant 0 : i32
        %cond3A_374 = arith.cmpi ne, %convert_element_type3A_372, %cond3A_373 : i32
        scf.if %cond3A_374 {
          %dma_wait3A_383 = arith.constant 0 : i32
          %dma_wait3A_384 = arith.constant 0 : i32
          %dma_wait3A_385 = tpu.memref_slice %arg8[%dma_wait3A_383, %dma_wait3A_384] : memref<200x125xi32, #tpu.memory_space<vmem>> -> memref<1x125xi32, #tpu.memory_space<vmem>>
          %dma_wait3A_386 = tpu.memref_squeeze %dma_wait3A_385 : memref<1x125xi32, #tpu.memory_space<vmem>> -> memref<125xi32, #tpu.memory_space<vmem>>
          %dma_wait3A_387 = arith.constant 0 : i32
          %dma_wait3A_388 = arith.constant 0 : i32
          %dma_wait3A_389 = tpu.memref_slice %arg19[%dma_wait3A_387, %dma_wait3A_388] : memref<50048x16xf32, #tpu.memory_space<vmem_shared>> -> memref<50048x16xf32, #tpu.memory_space<vmem_shared>>
          tpu.wait_indirect_dma semaphore(%arg36 : memref<!tpu.dma_semaphore, #tpu.memory_space<semaphore_mem>>) src(%arg15 : memref<125x16xf32, #tpu.memory_space<vmem>>) dst(%dma_wait3A_389 : memref<50048x16xf32, #tpu.memory_space<vmem_shared>>)
        } else {
        }
        %add3A_375 = arith.constant 5 : i32
        %add3A_376 = arith.addi %add3A_157, %add3A_375 : i32
        %dma_start3A_377 = arith.constant 0 : i32
        %dma_start3A_378 = tpu.memref_slice %arg7[%add3A_376, %dma_start3A_377] : memref<200x125xi32, #tpu.memory_space<vmem>> -> memref<1x125xi32, #tpu.memory_space<vmem>>
        %dma_start3A_379 = tpu.memref_squeeze %dma_start3A_378 : memref<1x125xi32, #tpu.memory_space<vmem>> -> memref<125xi32, #tpu.memory_space<vmem>>
        %dma_start3A_380 = arith.constant 0 : i32
        %dma_start3A_381 = arith.constant 0 : i32
        %dma_start3A_382 = tpu.memref_slice %arg2[%dma_start3A_380, %dma_start3A_381] : memref<50048x16xf32, #tpu.memory_space<hbm>> -> memref<50048x16xf32, #tpu.memory_space<hbm>>
        tpu.enqueue_indirect_dma source(%dma_start3A_382 : memref<50048x16xf32, #tpu.memory_space<hbm>>) target(%arg15 : memref<125x16xf32, #tpu.memory_space<vmem>>) offsets(%dma_start3A_379 : memref<125xi32, #tpu.memory_space<vmem>>) semaphore(%arg26 : memref<!tpu.dma_semaphore, #tpu.memory_space<semaphore_mem>>)
      } else {
      }
      %mul3A_178 = arith.constant 10 : i32
      %mul3A_179 = arith.muli %mul3A_178, %scan3A_131 : i32
      %add3A_180 = arith.constant 2 : i32
      %add3A_181 = arith.addi %mul3A_179, %add3A_180 : i32
      %dma_wait3A_182 = arith.constant 0 : i32
      %dma_wait3A_183 = arith.constant 0 : i32
      %dma_wait3A_184 = tpu.memref_slice %arg7[%dma_wait3A_182, %dma_wait3A_183] : memref<200x125xi32, #tpu.memory_space<vmem>> -> memref<1x125xi32, #tpu.memory_space<vmem>>
      %dma_wait3A_185 = tpu.memref_squeeze %dma_wait3A_184 : memref<1x125xi32, #tpu.memory_space<vmem>> -> memref<125xi32, #tpu.memory_space<vmem>>
      %dma_wait3A_186 = arith.constant 0 : i32
      %dma_wait3A_187 = arith.constant 0 : i32
      %dma_wait3A_188 = tpu.memref_slice %arg2[%dma_wait3A_186, %dma_wait3A_187] : memref<50048x16xf32, #tpu.memory_space<hbm>> -> memref<50048x16xf32, #tpu.memory_space<hbm>>
      tpu.wait_indirect_dma semaphore(%arg22 : memref<!tpu.dma_semaphore, #tpu.memory_space<semaphore_mem>>) src(%dma_wait3A_188 : memref<50048x16xf32, #tpu.memory_space<hbm>>) dst(%arg11 : memref<125x16xf32, #tpu.memory_space<vmem>>)
      %dma_start3A_189 = arith.constant 0 : i32
      %dma_start3A_190 = tpu.memref_slice %arg8[%add3A_181, %dma_start3A_189] : memref<200x125xi32, #tpu.memory_space<vmem>> -> memref<1x125xi32, #tpu.memory_space<vmem>>
      %dma_start3A_191 = tpu.memref_squeeze %dma_start3A_190 : memref<1x125xi32, #tpu.memory_space<vmem>> -> memref<125xi32, #tpu.memory_space<vmem>>
      %dma_start3A_192 = arith.constant 0 : i32
      %dma_start3A_193 = arith.constant 0 : i32
      %dma_start3A_194 = tpu.memref_slice %arg19[%dma_start3A_192, %dma_start3A_193] : memref<50048x16xf32, #tpu.memory_space<vmem_shared>> -> memref<50048x16xf32, #tpu.memory_space<vmem_shared>>
      tpu.enqueue_indirect_dma source(%arg11 : memref<125x16xf32, #tpu.memory_space<vmem>>) target(%dma_start3A_194 : memref<50048x16xf32, #tpu.memory_space<vmem_shared>>) offsets(%dma_start3A_191 : memref<125xi32, #tpu.memory_space<vmem>>) semaphore(%arg32 : memref<!tpu.dma_semaphore, #tpu.memory_space<semaphore_mem>>) {add = true}
      %add3A_195 = arith.constant 5 : i32
      %add3A_196 = arith.addi %add3A_181, %add3A_195 : i32
      %lt3A_197 = arith.constant 200 : i32
      %lt3A_198 = arith.cmpi slt, %add3A_196, %lt3A_197 : i32
      %convert_element_type3A_199 = arith.extui %lt3A_198 : i1 to i32
      %cond3A_200 = arith.constant 0 : i32
      %cond3A_201 = arith.cmpi ne, %convert_element_type3A_199, %cond3A_200 : i32
      scf.if %cond3A_201 {
        %ge3A = arith.constant 5 : i32
        %ge3A_371 = arith.cmpi sge, %add3A_181, %ge3A : i32
        %convert_element_type3A_372 = arith.extui %ge3A_371 : i1 to i32
        %cond3A_373 = arith.constant 0 : i32
        %cond3A_374 = arith.cmpi ne, %convert_element_type3A_372, %cond3A_373 : i32
        scf.if %cond3A_374 {
          %dma_wait3A_383 = arith.constant 0 : i32
          %dma_wait3A_384 = arith.constant 0 : i32
          %dma_wait3A_385 = tpu.memref_slice %arg8[%dma_wait3A_383, %dma_wait3A_384] : memref<200x125xi32, #tpu.memory_space<vmem>> -> memref<1x125xi32, #tpu.memory_space<vmem>>
          %dma_wait3A_386 = tpu.memref_squeeze %dma_wait3A_385 : memref<1x125xi32, #tpu.memory_space<vmem>> -> memref<125xi32, #tpu.memory_space<vmem>>
          %dma_wait3A_387 = arith.constant 0 : i32
          %dma_wait3A_388 = arith.constant 0 : i32
          %dma_wait3A_389 = tpu.memref_slice %arg19[%dma_wait3A_387, %dma_wait3A_388] : memref<50048x16xf32, #tpu.memory_space<vmem_shared>> -> memref<50048x16xf32, #tpu.memory_space<vmem_shared>>
          tpu.wait_indirect_dma semaphore(%arg37 : memref<!tpu.dma_semaphore, #tpu.memory_space<semaphore_mem>>) src(%arg16 : memref<125x16xf32, #tpu.memory_space<vmem>>) dst(%dma_wait3A_389 : memref<50048x16xf32, #tpu.memory_space<vmem_shared>>)
        } else {
        }
        %add3A_375 = arith.constant 5 : i32
        %add3A_376 = arith.addi %add3A_181, %add3A_375 : i32
        %dma_start3A_377 = arith.constant 0 : i32
        %dma_start3A_378 = tpu.memref_slice %arg7[%add3A_376, %dma_start3A_377] : memref<200x125xi32, #tpu.memory_space<vmem>> -> memref<1x125xi32, #tpu.memory_space<vmem>>
        %dma_start3A_379 = tpu.memref_squeeze %dma_start3A_378 : memref<1x125xi32, #tpu.memory_space<vmem>> -> memref<125xi32, #tpu.memory_space<vmem>>
        %dma_start3A_380 = arith.constant 0 : i32
        %dma_start3A_381 = arith.constant 0 : i32
        %dma_start3A_382 = tpu.memref_slice %arg2[%dma_start3A_380, %dma_start3A_381] : memref<50048x16xf32, #tpu.memory_space<hbm>> -> memref<50048x16xf32, #tpu.memory_space<hbm>>
        tpu.enqueue_indirect_dma source(%dma_start3A_382 : memref<50048x16xf32, #tpu.memory_space<hbm>>) target(%arg16 : memref<125x16xf32, #tpu.memory_space<vmem>>) offsets(%dma_start3A_379 : memref<125xi32, #tpu.memory_space<vmem>>) semaphore(%arg27 : memref<!tpu.dma_semaphore, #tpu.memory_space<semaphore_mem>>)
      } else {
      }
      %mul3A_202 = arith.constant 10 : i32
      %mul3A_203 = arith.muli %mul3A_202, %scan3A_131 : i32
      %add3A_204 = arith.constant 3 : i32
      %add3A_205 = arith.addi %mul3A_203, %add3A_204 : i32
      %dma_wait3A_206 = arith.constant 0 : i32
      %dma_wait3A_207 = arith.constant 0 : i32
      %dma_wait3A_208 = tpu.memref_slice %arg7[%dma_wait3A_206, %dma_wait3A_207] : memref<200x125xi32, #tpu.memory_space<vmem>> -> memref<1x125xi32, #tpu.memory_space<vmem>>
      %dma_wait3A_209 = tpu.memref_squeeze %dma_wait3A_208 : memref<1x125xi32, #tpu.memory_space<vmem>> -> memref<125xi32, #tpu.memory_space<vmem>>
      %dma_wait3A_210 = arith.constant 0 : i32
      %dma_wait3A_211 = arith.constant 0 : i32
      %dma_wait3A_212 = tpu.memref_slice %arg2[%dma_wait3A_210, %dma_wait3A_211] : memref<50048x16xf32, #tpu.memory_space<hbm>> -> memref<50048x16xf32, #tpu.memory_space<hbm>>
      tpu.wait_indirect_dma semaphore(%arg23 : memref<!tpu.dma_semaphore, #tpu.memory_space<semaphore_mem>>) src(%dma_wait3A_212 : memref<50048x16xf32, #tpu.memory_space<hbm>>) dst(%arg12 : memref<125x16xf32, #tpu.memory_space<vmem>>)
      %dma_start3A_213 = arith.constant 0 : i32
      %dma_start3A_214 = tpu.memref_slice %arg8[%add3A_205, %dma_start3A_213] : memref<200x125xi32, #tpu.memory_space<vmem>> -> memref<1x125xi32, #tpu.memory_space<vmem>>
      %dma_start3A_215 = tpu.memref_squeeze %dma_start3A_214 : memref<1x125xi32, #tpu.memory_space<vmem>> -> memref<125xi32, #tpu.memory_space<vmem>>
      %dma_start3A_216 = arith.constant 0 : i32
      %dma_start3A_217 = arith.constant 0 : i32
      %dma_start3A_218 = tpu.memref_slice %arg19[%dma_start3A_216, %dma_start3A_217] : memref<50048x16xf32, #tpu.memory_space<vmem_shared>> -> memref<50048x16xf32, #tpu.memory_space<vmem_shared>>
      tpu.enqueue_indirect_dma source(%arg12 : memref<125x16xf32, #tpu.memory_space<vmem>>) target(%dma_start3A_218 : memref<50048x16xf32, #tpu.memory_space<vmem_shared>>) offsets(%dma_start3A_215 : memref<125xi32, #tpu.memory_space<vmem>>) semaphore(%arg33 : memref<!tpu.dma_semaphore, #tpu.memory_space<semaphore_mem>>) {add = true}
      %add3A_219 = arith.constant 5 : i32
      %add3A_220 = arith.addi %add3A_205, %add3A_219 : i32
      %lt3A_221 = arith.constant 200 : i32
      %lt3A_222 = arith.cmpi slt, %add3A_220, %lt3A_221 : i32
      %convert_element_type3A_223 = arith.extui %lt3A_222 : i1 to i32
      %cond3A_224 = arith.constant 0 : i32
      %cond3A_225 = arith.cmpi ne, %convert_element_type3A_223, %cond3A_224 : i32
      scf.if %cond3A_225 {
        %ge3A = arith.constant 5 : i32
        %ge3A_371 = arith.cmpi sge, %add3A_205, %ge3A : i32
        %convert_element_type3A_372 = arith.extui %ge3A_371 : i1 to i32
        %cond3A_373 = arith.constant 0 : i32
        %cond3A_374 = arith.cmpi ne, %convert_element_type3A_372, %cond3A_373 : i32
        scf.if %cond3A_374 {
          %dma_wait3A_383 = arith.constant 0 : i32
          %dma_wait3A_384 = arith.constant 0 : i32
          %dma_wait3A_385 = tpu.memref_slice %arg8[%dma_wait3A_383, %dma_wait3A_384] : memref<200x125xi32, #tpu.memory_space<vmem>> -> memref<1x125xi32, #tpu.memory_space<vmem>>
          %dma_wait3A_386 = tpu.memref_squeeze %dma_wait3A_385 : memref<1x125xi32, #tpu.memory_space<vmem>> -> memref<125xi32, #tpu.memory_space<vmem>>
          %dma_wait3A_387 = arith.constant 0 : i32
          %dma_wait3A_388 = arith.constant 0 : i32
          %dma_wait3A_389 = tpu.memref_slice %arg19[%dma_wait3A_387, %dma_wait3A_388] : memref<50048x16xf32, #tpu.memory_space<vmem_shared>> -> memref<50048x16xf32, #tpu.memory_space<vmem_shared>>
          tpu.wait_indirect_dma semaphore(%arg38 : memref<!tpu.dma_semaphore, #tpu.memory_space<semaphore_mem>>) src(%arg17 : memref<125x16xf32, #tpu.memory_space<vmem>>) dst(%dma_wait3A_389 : memref<50048x16xf32, #tpu.memory_space<vmem_shared>>)
        } else {
        }
        %add3A_375 = arith.constant 5 : i32
        %add3A_376 = arith.addi %add3A_205, %add3A_375 : i32
        %dma_start3A_377 = arith.constant 0 : i32
        %dma_start3A_378 = tpu.memref_slice %arg7[%add3A_376, %dma_start3A_377] : memref<200x125xi32, #tpu.memory_space<vmem>> -> memref<1x125xi32, #tpu.memory_space<vmem>>
        %dma_start3A_379 = tpu.memref_squeeze %dma_start3A_378 : memref<1x125xi32, #tpu.memory_space<vmem>> -> memref<125xi32, #tpu.memory_space<vmem>>
        %dma_start3A_380 = arith.constant 0 : i32
        %dma_start3A_381 = arith.constant 0 : i32
        %dma_start3A_382 = tpu.memref_slice %arg2[%dma_start3A_380, %dma_start3A_381] : memref<50048x16xf32, #tpu.memory_space<hbm>> -> memref<50048x16xf32, #tpu.memory_space<hbm>>
        tpu.enqueue_indirect_dma source(%dma_start3A_382 : memref<50048x16xf32, #tpu.memory_space<hbm>>) target(%arg17 : memref<125x16xf32, #tpu.memory_space<vmem>>) offsets(%dma_start3A_379 : memref<125xi32, #tpu.memory_space<vmem>>) semaphore(%arg28 : memref<!tpu.dma_semaphore, #tpu.memory_space<semaphore_mem>>)
      } else {
      }
      %mul3A_226 = arith.constant 10 : i32
      %mul3A_227 = arith.muli %mul3A_226, %scan3A_131 : i32
      %add3A_228 = arith.constant 4 : i32
      %add3A_229 = arith.addi %mul3A_227, %add3A_228 : i32
      %dma_wait3A_230 = arith.constant 0 : i32
      %dma_wait3A_231 = arith.constant 0 : i32
      %dma_wait3A_232 = tpu.memref_slice %arg7[%dma_wait3A_230, %dma_wait3A_231] : memref<200x125xi32, #tpu.memory_space<vmem>> -> memref<1x125xi32, #tpu.memory_space<vmem>>
      %dma_wait3A_233 = tpu.memref_squeeze %dma_wait3A_232 : memref<1x125xi32, #tpu.memory_space<vmem>> -> memref<125xi32, #tpu.memory_space<vmem>>
      %dma_wait3A_234 = arith.constant 0 : i32
      %dma_wait3A_235 = arith.constant 0 : i32
      %dma_wait3A_236 = tpu.memref_slice %arg2[%dma_wait3A_234, %dma_wait3A_235] : memref<50048x16xf32, #tpu.memory_space<hbm>> -> memref<50048x16xf32, #tpu.memory_space<hbm>>
      tpu.wait_indirect_dma semaphore(%arg24 : memref<!tpu.dma_semaphore, #tpu.memory_space<semaphore_mem>>) src(%dma_wait3A_236 : memref<50048x16xf32, #tpu.memory_space<hbm>>) dst(%arg13 : memref<125x16xf32, #tpu.memory_space<vmem>>)
      %dma_start3A_237 = arith.constant 0 : i32
      %dma_start3A_238 = tpu.memref_slice %arg8[%add3A_229, %dma_start3A_237] : memref<200x125xi32, #tpu.memory_space<vmem>> -> memref<1x125xi32, #tpu.memory_space<vmem>>
      %dma_start3A_239 = tpu.memref_squeeze %dma_start3A_238 : memref<1x125xi32, #tpu.memory_space<vmem>> -> memref<125xi32, #tpu.memory_space<vmem>>
      %dma_start3A_240 = arith.constant 0 : i32
      %dma_start3A_241 = arith.constant 0 : i32
      %dma_start3A_242 = tpu.memref_slice %arg19[%dma_start3A_240, %dma_start3A_241] : memref<50048x16xf32, #tpu.memory_space<vmem_shared>> -> memref<50048x16xf32, #tpu.memory_space<vmem_shared>>
      tpu.enqueue_indirect_dma source(%arg13 : memref<125x16xf32, #tpu.memory_space<vmem>>) target(%dma_start3A_242 : memref<50048x16xf32, #tpu.memory_space<vmem_shared>>) offsets(%dma_start3A_239 : memref<125xi32, #tpu.memory_space<vmem>>) semaphore(%arg34 : memref<!tpu.dma_semaphore, #tpu.memory_space<semaphore_mem>>) {add = true}
      %add3A_243 = arith.constant 5 : i32
      %add3A_244 = arith.addi %add3A_229, %add3A_243 : i32
      %lt3A_245 = arith.constant 200 : i32
      %lt3A_246 = arith.cmpi slt, %add3A_244, %lt3A_245 : i32
      %convert_element_type3A_247 = arith.extui %lt3A_246 : i1 to i32
      %cond3A_248 = arith.constant 0 : i32
      %cond3A_249 = arith.cmpi ne, %convert_element_type3A_247, %cond3A_248 : i32
      scf.if %cond3A_249 {
        %ge3A = arith.constant 5 : i32
        %ge3A_371 = arith.cmpi sge, %add3A_229, %ge3A : i32
        %convert_element_type3A_372 = arith.extui %ge3A_371 : i1 to i32
        %cond3A_373 = arith.constant 0 : i32
        %cond3A_374 = arith.cmpi ne, %convert_element_type3A_372, %cond3A_373 : i32
        scf.if %cond3A_374 {
          %dma_wait3A_383 = arith.constant 0 : i32
          %dma_wait3A_384 = arith.constant 0 : i32
          %dma_wait3A_385 = tpu.memref_slice %arg8[%dma_wait3A_383, %dma_wait3A_384] : memref<200x125xi32, #tpu.memory_space<vmem>> -> memref<1x125xi32, #tpu.memory_space<vmem>>
          %dma_wait3A_386 = tpu.memref_squeeze %dma_wait3A_385 : memref<1x125xi32, #tpu.memory_space<vmem>> -> memref<125xi32, #tpu.memory_space<vmem>>
          %dma_wait3A_387 = arith.constant 0 : i32
          %dma_wait3A_388 = arith.constant 0 : i32
          %dma_wait3A_389 = tpu.memref_slice %arg19[%dma_wait3A_387, %dma_wait3A_388] : memref<50048x16xf32, #tpu.memory_space<vmem_shared>> -> memref<50048x16xf32, #tpu.memory_space<vmem_shared>>
          tpu.wait_indirect_dma semaphore(%arg39 : memref<!tpu.dma_semaphore, #tpu.memory_space<semaphore_mem>>) src(%arg18 : memref<125x16xf32, #tpu.memory_space<vmem>>) dst(%dma_wait3A_389 : memref<50048x16xf32, #tpu.memory_space<vmem_shared>>)
        } else {
        }
        %add3A_375 = arith.constant 5 : i32
        %add3A_376 = arith.addi %add3A_229, %add3A_375 : i32
        %dma_start3A_377 = arith.constant 0 : i32
        %dma_start3A_378 = tpu.memref_slice %arg7[%add3A_376, %dma_start3A_377] : memref<200x125xi32, #tpu.memory_space<vmem>> -> memref<1x125xi32, #tpu.memory_space<vmem>>
        %dma_start3A_379 = tpu.memref_squeeze %dma_start3A_378 : memref<1x125xi32, #tpu.memory_space<vmem>> -> memref<125xi32, #tpu.memory_space<vmem>>
        %dma_start3A_380 = arith.constant 0 : i32
        %dma_start3A_381 = arith.constant 0 : i32
        %dma_start3A_382 = tpu.memref_slice %arg2[%dma_start3A_380, %dma_start3A_381] : memref<50048x16xf32, #tpu.memory_space<hbm>> -> memref<50048x16xf32, #tpu.memory_space<hbm>>
        tpu.enqueue_indirect_dma source(%dma_start3A_382 : memref<50048x16xf32, #tpu.memory_space<hbm>>) target(%arg18 : memref<125x16xf32, #tpu.memory_space<vmem>>) offsets(%dma_start3A_379 : memref<125xi32, #tpu.memory_space<vmem>>) semaphore(%arg29 : memref<!tpu.dma_semaphore, #tpu.memory_space<semaphore_mem>>)
      } else {
      }
      %mul3A_250 = arith.constant 10 : i32
      %mul3A_251 = arith.muli %mul3A_250, %scan3A_131 : i32
      %add3A_252 = arith.constant 5 : i32
      %add3A_253 = arith.addi %mul3A_251, %add3A_252 : i32
      %dma_wait3A_254 = arith.constant 0 : i32
      %dma_wait3A_255 = arith.constant 0 : i32
      %dma_wait3A_256 = tpu.memref_slice %arg7[%dma_wait3A_254, %dma_wait3A_255] : memref<200x125xi32, #tpu.memory_space<vmem>> -> memref<1x125xi32, #tpu.memory_space<vmem>>
      %dma_wait3A_257 = tpu.memref_squeeze %dma_wait3A_256 : memref<1x125xi32, #tpu.memory_space<vmem>> -> memref<125xi32, #tpu.memory_space<vmem>>
      %dma_wait3A_258 = arith.constant 0 : i32
      %dma_wait3A_259 = arith.constant 0 : i32
      %dma_wait3A_260 = tpu.memref_slice %arg2[%dma_wait3A_258, %dma_wait3A_259] : memref<50048x16xf32, #tpu.memory_space<hbm>> -> memref<50048x16xf32, #tpu.memory_space<hbm>>
      tpu.wait_indirect_dma semaphore(%arg25 : memref<!tpu.dma_semaphore, #tpu.memory_space<semaphore_mem>>) src(%dma_wait3A_260 : memref<50048x16xf32, #tpu.memory_space<hbm>>) dst(%arg14 : memref<125x16xf32, #tpu.memory_space<vmem>>)
      %dma_start3A_261 = arith.constant 0 : i32
      %dma_start3A_262 = tpu.memref_slice %arg8[%add3A_253, %dma_start3A_261] : memref<200x125xi32, #tpu.memory_space<vmem>> -> memref<1x125xi32, #tpu.memory_space<vmem>>
      %dma_start3A_263 = tpu.memref_squeeze %dma_start3A_262 : memref<1x125xi32, #tpu.memory_space<vmem>> -> memref<125xi32, #tpu.memory_space<vmem>>
      %dma_start3A_264 = arith.constant 0 : i32
      %dma_start3A_265 = arith.constant 0 : i32
      %dma_start3A_266 = tpu.memref_slice %arg19[%dma_start3A_264, %dma_start3A_265] : memref<50048x16xf32, #tpu.memory_space<vmem_shared>> -> memref<50048x16xf32, #tpu.memory_space<vmem_shared>>
      tpu.enqueue_indirect_dma source(%arg14 : memref<125x16xf32, #tpu.memory_space<vmem>>) target(%dma_start3A_266 : memref<50048x16xf32, #tpu.memory_space<vmem_shared>>) offsets(%dma_start3A_263 : memref<125xi32, #tpu.memory_space<vmem>>) semaphore(%arg35 : memref<!tpu.dma_semaphore, #tpu.memory_space<semaphore_mem>>) {add = true}
      %add3A_267 = arith.constant 5 : i32
      %add3A_268 = arith.addi %add3A_253, %add3A_267 : i32
      %lt3A_269 = arith.constant 200 : i32
      %lt3A_270 = arith.cmpi slt, %add3A_268, %lt3A_269 : i32
      %convert_element_type3A_271 = arith.extui %lt3A_270 : i1 to i32
      %cond3A_272 = arith.constant 0 : i32
      %cond3A_273 = arith.cmpi ne, %convert_element_type3A_271, %cond3A_272 : i32
      scf.if %cond3A_273 {
        %ge3A = arith.constant 5 : i32
        %ge3A_371 = arith.cmpi sge, %add3A_253, %ge3A : i32
        %convert_element_type3A_372 = arith.extui %ge3A_371 : i1 to i32
        %cond3A_373 = arith.constant 0 : i32
        %cond3A_374 = arith.cmpi ne, %convert_element_type3A_372, %cond3A_373 : i32
        scf.if %cond3A_374 {
          %dma_wait3A_383 = arith.constant 0 : i32
          %dma_wait3A_384 = arith.constant 0 : i32
          %dma_wait3A_385 = tpu.memref_slice %arg8[%dma_wait3A_383, %dma_wait3A_384] : memref<200x125xi32, #tpu.memory_space<vmem>> -> memref<1x125xi32, #tpu.memory_space<vmem>>
          %dma_wait3A_386 = tpu.memref_squeeze %dma_wait3A_385 : memref<1x125xi32, #tpu.memory_space<vmem>> -> memref<125xi32, #tpu.memory_space<vmem>>
          %dma_wait3A_387 = arith.constant 0 : i32
          %dma_wait3A_388 = arith.constant 0 : i32
          %dma_wait3A_389 = tpu.memref_slice %arg19[%dma_wait3A_387, %dma_wait3A_388] : memref<50048x16xf32, #tpu.memory_space<vmem_shared>> -> memref<50048x16xf32, #tpu.memory_space<vmem_shared>>
          tpu.wait_indirect_dma semaphore(%arg30 : memref<!tpu.dma_semaphore, #tpu.memory_space<semaphore_mem>>) src(%arg9 : memref<125x16xf32, #tpu.memory_space<vmem>>) dst(%dma_wait3A_389 : memref<50048x16xf32, #tpu.memory_space<vmem_shared>>)
        } else {
        }
        %add3A_375 = arith.constant 5 : i32
        %add3A_376 = arith.addi %add3A_253, %add3A_375 : i32
        %dma_start3A_377 = arith.constant 0 : i32
        %dma_start3A_378 = tpu.memref_slice %arg7[%add3A_376, %dma_start3A_377] : memref<200x125xi32, #tpu.memory_space<vmem>> -> memref<1x125xi32, #tpu.memory_space<vmem>>
        %dma_start3A_379 = tpu.memref_squeeze %dma_start3A_378 : memref<1x125xi32, #tpu.memory_space<vmem>> -> memref<125xi32, #tpu.memory_space<vmem>>
        %dma_start3A_380 = arith.constant 0 : i32
        %dma_start3A_381 = arith.constant 0 : i32
        %dma_start3A_382 = tpu.memref_slice %arg2[%dma_start3A_380, %dma_start3A_381] : memref<50048x16xf32, #tpu.memory_space<hbm>> -> memref<50048x16xf32, #tpu.memory_space<hbm>>
        tpu.enqueue_indirect_dma source(%dma_start3A_382 : memref<50048x16xf32, #tpu.memory_space<hbm>>) target(%arg9 : memref<125x16xf32, #tpu.memory_space<vmem>>) offsets(%dma_start3A_379 : memref<125xi32, #tpu.memory_space<vmem>>) semaphore(%arg20 : memref<!tpu.dma_semaphore, #tpu.memory_space<semaphore_mem>>)
      } else {
      }
      %mul3A_274 = arith.constant 10 : i32
      %mul3A_275 = arith.muli %mul3A_274, %scan3A_131 : i32
      %add3A_276 = arith.constant 6 : i32
      %add3A_277 = arith.addi %mul3A_275, %add3A_276 : i32
      %dma_wait3A_278 = arith.constant 0 : i32
      %dma_wait3A_279 = arith.constant 0 : i32
      %dma_wait3A_280 = tpu.memref_slice %arg7[%dma_wait3A_278, %dma_wait3A_279] : memref<200x125xi32, #tpu.memory_space<vmem>> -> memref<1x125xi32, #tpu.memory_space<vmem>>
      %dma_wait3A_281 = tpu.memref_squeeze %dma_wait3A_280 : memref<1x125xi32, #tpu.memory_space<vmem>> -> memref<125xi32, #tpu.memory_space<vmem>>
      %dma_wait3A_282 = arith.constant 0 : i32
      %dma_wait3A_283 = arith.constant 0 : i32
      %dma_wait3A_284 = tpu.memref_slice %arg2[%dma_wait3A_282, %dma_wait3A_283] : memref<50048x16xf32, #tpu.memory_space<hbm>> -> memref<50048x16xf32, #tpu.memory_space<hbm>>
      tpu.wait_indirect_dma semaphore(%arg26 : memref<!tpu.dma_semaphore, #tpu.memory_space<semaphore_mem>>) src(%dma_wait3A_284 : memref<50048x16xf32, #tpu.memory_space<hbm>>) dst(%arg15 : memref<125x16xf32, #tpu.memory_space<vmem>>)
      %dma_start3A_285 = arith.constant 0 : i32
      %dma_start3A_286 = tpu.memref_slice %arg8[%add3A_277, %dma_start3A_285] : memref<200x125xi32, #tpu.memory_space<vmem>> -> memref<1x125xi32, #tpu.memory_space<vmem>>
      %dma_start3A_287 = tpu.memref_squeeze %dma_start3A_286 : memref<1x125xi32, #tpu.memory_space<vmem>> -> memref<125xi32, #tpu.memory_space<vmem>>
      %dma_start3A_288 = arith.constant 0 : i32
      %dma_start3A_289 = arith.constant 0 : i32
      %dma_start3A_290 = tpu.memref_slice %arg19[%dma_start3A_288, %dma_start3A_289] : memref<50048x16xf32, #tpu.memory_space<vmem_shared>> -> memref<50048x16xf32, #tpu.memory_space<vmem_shared>>
      tpu.enqueue_indirect_dma source(%arg15 : memref<125x16xf32, #tpu.memory_space<vmem>>) target(%dma_start3A_290 : memref<50048x16xf32, #tpu.memory_space<vmem_shared>>) offsets(%dma_start3A_287 : memref<125xi32, #tpu.memory_space<vmem>>) semaphore(%arg36 : memref<!tpu.dma_semaphore, #tpu.memory_space<semaphore_mem>>) {add = true}
      %add3A_291 = arith.constant 5 : i32
      %add3A_292 = arith.addi %add3A_277, %add3A_291 : i32
      %lt3A_293 = arith.constant 200 : i32
      %lt3A_294 = arith.cmpi slt, %add3A_292, %lt3A_293 : i32
      %convert_element_type3A_295 = arith.extui %lt3A_294 : i1 to i32
      %cond3A_296 = arith.constant 0 : i32
      %cond3A_297 = arith.cmpi ne, %convert_element_type3A_295, %cond3A_296 : i32
      scf.if %cond3A_297 {
        %ge3A = arith.constant 5 : i32
        %ge3A_371 = arith.cmpi sge, %add3A_277, %ge3A : i32
        %convert_element_type3A_372 = arith.extui %ge3A_371 : i1 to i32
        %cond3A_373 = arith.constant 0 : i32
        %cond3A_374 = arith.cmpi ne, %convert_element_type3A_372, %cond3A_373 : i32
        scf.if %cond3A_374 {
          %dma_wait3A_383 = arith.constant 0 : i32
          %dma_wait3A_384 = arith.constant 0 : i32
          %dma_wait3A_385 = tpu.memref_slice %arg8[%dma_wait3A_383, %dma_wait3A_384] : memref<200x125xi32, #tpu.memory_space<vmem>> -> memref<1x125xi32, #tpu.memory_space<vmem>>
          %dma_wait3A_386 = tpu.memref_squeeze %dma_wait3A_385 : memref<1x125xi32, #tpu.memory_space<vmem>> -> memref<125xi32, #tpu.memory_space<vmem>>
          %dma_wait3A_387 = arith.constant 0 : i32
          %dma_wait3A_388 = arith.constant 0 : i32
          %dma_wait3A_389 = tpu.memref_slice %arg19[%dma_wait3A_387, %dma_wait3A_388] : memref<50048x16xf32, #tpu.memory_space<vmem_shared>> -> memref<50048x16xf32, #tpu.memory_space<vmem_shared>>
          tpu.wait_indirect_dma semaphore(%arg31 : memref<!tpu.dma_semaphore, #tpu.memory_space<semaphore_mem>>) src(%arg10 : memref<125x16xf32, #tpu.memory_space<vmem>>) dst(%dma_wait3A_389 : memref<50048x16xf32, #tpu.memory_space<vmem_shared>>)
        } else {
        }
        %add3A_375 = arith.constant 5 : i32
        %add3A_376 = arith.addi %add3A_277, %add3A_375 : i32
        %dma_start3A_377 = arith.constant 0 : i32
        %dma_start3A_378 = tpu.memref_slice %arg7[%add3A_376, %dma_start3A_377] : memref<200x125xi32, #tpu.memory_space<vmem>> -> memref<1x125xi32, #tpu.memory_space<vmem>>
        %dma_start3A_379 = tpu.memref_squeeze %dma_start3A_378 : memref<1x125xi32, #tpu.memory_space<vmem>> -> memref<125xi32, #tpu.memory_space<vmem>>
        %dma_start3A_380 = arith.constant 0 : i32
        %dma_start3A_381 = arith.constant 0 : i32
        %dma_start3A_382 = tpu.memref_slice %arg2[%dma_start3A_380, %dma_start3A_381] : memref<50048x16xf32, #tpu.memory_space<hbm>> -> memref<50048x16xf32, #tpu.memory_space<hbm>>
        tpu.enqueue_indirect_dma source(%dma_start3A_382 : memref<50048x16xf32, #tpu.memory_space<hbm>>) target(%arg10 : memref<125x16xf32, #tpu.memory_space<vmem>>) offsets(%dma_start3A_379 : memref<125xi32, #tpu.memory_space<vmem>>) semaphore(%arg21 : memref<!tpu.dma_semaphore, #tpu.memory_space<semaphore_mem>>)
      } else {
      }
      %mul3A_298 = arith.constant 10 : i32
      %mul3A_299 = arith.muli %mul3A_298, %scan3A_131 : i32
      %add3A_300 = arith.constant 7 : i32
      %add3A_301 = arith.addi %mul3A_299, %add3A_300 : i32
      %dma_wait3A_302 = arith.constant 0 : i32
      %dma_wait3A_303 = arith.constant 0 : i32
      %dma_wait3A_304 = tpu.memref_slice %arg7[%dma_wait3A_302, %dma_wait3A_303] : memref<200x125xi32, #tpu.memory_space<vmem>> -> memref<1x125xi32, #tpu.memory_space<vmem>>
      %dma_wait3A_305 = tpu.memref_squeeze %dma_wait3A_304 : memref<1x125xi32, #tpu.memory_space<vmem>> -> memref<125xi32, #tpu.memory_space<vmem>>
      %dma_wait3A_306 = arith.constant 0 : i32
      %dma_wait3A_307 = arith.constant 0 : i32
      %dma_wait3A_308 = tpu.memref_slice %arg2[%dma_wait3A_306, %dma_wait3A_307] : memref<50048x16xf32, #tpu.memory_space<hbm>> -> memref<50048x16xf32, #tpu.memory_space<hbm>>
      tpu.wait_indirect_dma semaphore(%arg27 : memref<!tpu.dma_semaphore, #tpu.memory_space<semaphore_mem>>) src(%dma_wait3A_308 : memref<50048x16xf32, #tpu.memory_space<hbm>>) dst(%arg16 : memref<125x16xf32, #tpu.memory_space<vmem>>)
      %dma_start3A_309 = arith.constant 0 : i32
      %dma_start3A_310 = tpu.memref_slice %arg8[%add3A_301, %dma_start3A_309] : memref<200x125xi32, #tpu.memory_space<vmem>> -> memref<1x125xi32, #tpu.memory_space<vmem>>
      %dma_start3A_311 = tpu.memref_squeeze %dma_start3A_310 : memref<1x125xi32, #tpu.memory_space<vmem>> -> memref<125xi32, #tpu.memory_space<vmem>>
      %dma_start3A_312 = arith.constant 0 : i32
      %dma_start3A_313 = arith.constant 0 : i32
      %dma_start3A_314 = tpu.memref_slice %arg19[%dma_start3A_312, %dma_start3A_313] : memref<50048x16xf32, #tpu.memory_space<vmem_shared>> -> memref<50048x16xf32, #tpu.memory_space<vmem_shared>>
      tpu.enqueue_indirect_dma source(%arg16 : memref<125x16xf32, #tpu.memory_space<vmem>>) target(%dma_start3A_314 : memref<50048x16xf32, #tpu.memory_space<vmem_shared>>) offsets(%dma_start3A_311 : memref<125xi32, #tpu.memory_space<vmem>>) semaphore(%arg37 : memref<!tpu.dma_semaphore, #tpu.memory_space<semaphore_mem>>) {add = true}
      %add3A_315 = arith.constant 5 : i32
      %add3A_316 = arith.addi %add3A_301, %add3A_315 : i32
      %lt3A_317 = arith.constant 200 : i32
      %lt3A_318 = arith.cmpi slt, %add3A_316, %lt3A_317 : i32
      %convert_element_type3A_319 = arith.extui %lt3A_318 : i1 to i32
      %cond3A_320 = arith.constant 0 : i32
      %cond3A_321 = arith.cmpi ne, %convert_element_type3A_319, %cond3A_320 : i32
      scf.if %cond3A_321 {
        %ge3A = arith.constant 5 : i32
        %ge3A_371 = arith.cmpi sge, %add3A_301, %ge3A : i32
        %convert_element_type3A_372 = arith.extui %ge3A_371 : i1 to i32
        %cond3A_373 = arith.constant 0 : i32
        %cond3A_374 = arith.cmpi ne, %convert_element_type3A_372, %cond3A_373 : i32
        scf.if %cond3A_374 {
          %dma_wait3A_383 = arith.constant 0 : i32
          %dma_wait3A_384 = arith.constant 0 : i32
          %dma_wait3A_385 = tpu.memref_slice %arg8[%dma_wait3A_383, %dma_wait3A_384] : memref<200x125xi32, #tpu.memory_space<vmem>> -> memref<1x125xi32, #tpu.memory_space<vmem>>
          %dma_wait3A_386 = tpu.memref_squeeze %dma_wait3A_385 : memref<1x125xi32, #tpu.memory_space<vmem>> -> memref<125xi32, #tpu.memory_space<vmem>>
          %dma_wait3A_387 = arith.constant 0 : i32
          %dma_wait3A_388 = arith.constant 0 : i32
          %dma_wait3A_389 = tpu.memref_slice %arg19[%dma_wait3A_387, %dma_wait3A_388] : memref<50048x16xf32, #tpu.memory_space<vmem_shared>> -> memref<50048x16xf32, #tpu.memory_space<vmem_shared>>
          tpu.wait_indirect_dma semaphore(%arg32 : memref<!tpu.dma_semaphore, #tpu.memory_space<semaphore_mem>>) src(%arg11 : memref<125x16xf32, #tpu.memory_space<vmem>>) dst(%dma_wait3A_389 : memref<50048x16xf32, #tpu.memory_space<vmem_shared>>)
        } else {
        }
        %add3A_375 = arith.constant 5 : i32
        %add3A_376 = arith.addi %add3A_301, %add3A_375 : i32
        %dma_start3A_377 = arith.constant 0 : i32
        %dma_start3A_378 = tpu.memref_slice %arg7[%add3A_376, %dma_start3A_377] : memref<200x125xi32, #tpu.memory_space<vmem>> -> memref<1x125xi32, #tpu.memory_space<vmem>>
        %dma_start3A_379 = tpu.memref_squeeze %dma_start3A_378 : memref<1x125xi32, #tpu.memory_space<vmem>> -> memref<125xi32, #tpu.memory_space<vmem>>
        %dma_start3A_380 = arith.constant 0 : i32
        %dma_start3A_381 = arith.constant 0 : i32
        %dma_start3A_382 = tpu.memref_slice %arg2[%dma_start3A_380, %dma_start3A_381] : memref<50048x16xf32, #tpu.memory_space<hbm>> -> memref<50048x16xf32, #tpu.memory_space<hbm>>
        tpu.enqueue_indirect_dma source(%dma_start3A_382 : memref<50048x16xf32, #tpu.memory_space<hbm>>) target(%arg11 : memref<125x16xf32, #tpu.memory_space<vmem>>) offsets(%dma_start3A_379 : memref<125xi32, #tpu.memory_space<vmem>>) semaphore(%arg22 : memref<!tpu.dma_semaphore, #tpu.memory_space<semaphore_mem>>)
      } else {
      }
      %mul3A_322 = arith.constant 10 : i32
      %mul3A_323 = arith.muli %mul3A_322, %scan3A_131 : i32
      %add3A_324 = arith.constant 8 : i32
      %add3A_325 = arith.addi %mul3A_323, %add3A_324 : i32
      %dma_wait3A_326 = arith.constant 0 : i32
      %dma_wait3A_327 = arith.constant 0 : i32
      %dma_wait3A_328 = tpu.memref_slice %arg7[%dma_wait3A_326, %dma_wait3A_327] : memref<200x125xi32, #tpu.memory_space<vmem>> -> memref<1x125xi32, #tpu.memory_space<vmem>>
      %dma_wait3A_329 = tpu.memref_squeeze %dma_wait3A_328 : memref<1x125xi32, #tpu.memory_space<vmem>> -> memref<125xi32, #tpu.memory_space<vmem>>
      %dma_wait3A_330 = arith.constant 0 : i32
      %dma_wait3A_331 = arith.constant 0 : i32
      %dma_wait3A_332 = tpu.memref_slice %arg2[%dma_wait3A_330, %dma_wait3A_331] : memref<50048x16xf32, #tpu.memory_space<hbm>> -> memref<50048x16xf32, #tpu.memory_space<hbm>>
      tpu.wait_indirect_dma semaphore(%arg28 : memref<!tpu.dma_semaphore, #tpu.memory_space<semaphore_mem>>) src(%dma_wait3A_332 : memref<50048x16xf32, #tpu.memory_space<hbm>>) dst(%arg17 : memref<125x16xf32, #tpu.memory_space<vmem>>)
      %dma_start3A_333 = arith.constant 0 : i32
      %dma_start3A_334 = tpu.memref_slice %arg8[%add3A_325, %dma_start3A_333] : memref<200x125xi32, #tpu.memory_space<vmem>> -> memref<1x125xi32, #tpu.memory_space<vmem>>
      %dma_start3A_335 = tpu.memref_squeeze %dma_start3A_334 : memref<1x125xi32, #tpu.memory_space<vmem>> -> memref<125xi32, #tpu.memory_space<vmem>>
      %dma_start3A_336 = arith.constant 0 : i32
      %dma_start3A_337 = arith.constant 0 : i32
      %dma_start3A_338 = tpu.memref_slice %arg19[%dma_start3A_336, %dma_start3A_337] : memref<50048x16xf32, #tpu.memory_space<vmem_shared>> -> memref<50048x16xf32, #tpu.memory_space<vmem_shared>>
      tpu.enqueue_indirect_dma source(%arg17 : memref<125x16xf32, #tpu.memory_space<vmem>>) target(%dma_start3A_338 : memref<50048x16xf32, #tpu.memory_space<vmem_shared>>) offsets(%dma_start3A_335 : memref<125xi32, #tpu.memory_space<vmem>>) semaphore(%arg38 : memref<!tpu.dma_semaphore, #tpu.memory_space<semaphore_mem>>) {add = true}
      %add3A_339 = arith.constant 5 : i32
      %add3A_340 = arith.addi %add3A_325, %add3A_339 : i32
      %lt3A_341 = arith.constant 200 : i32
      %lt3A_342 = arith.cmpi slt, %add3A_340, %lt3A_341 : i32
      %convert_element_type3A_343 = arith.extui %lt3A_342 : i1 to i32
      %cond3A_344 = arith.constant 0 : i32
      %cond3A_345 = arith.cmpi ne, %convert_element_type3A_343, %cond3A_344 : i32
      scf.if %cond3A_345 {
        %ge3A = arith.constant 5 : i32
        %ge3A_371 = arith.cmpi sge, %add3A_325, %ge3A : i32
        %convert_element_type3A_372 = arith.extui %ge3A_371 : i1 to i32
        %cond3A_373 = arith.constant 0 : i32
        %cond3A_374 = arith.cmpi ne, %convert_element_type3A_372, %cond3A_373 : i32
        scf.if %cond3A_374 {
          %dma_wait3A_383 = arith.constant 0 : i32
          %dma_wait3A_384 = arith.constant 0 : i32
          %dma_wait3A_385 = tpu.memref_slice %arg8[%dma_wait3A_383, %dma_wait3A_384] : memref<200x125xi32, #tpu.memory_space<vmem>> -> memref<1x125xi32, #tpu.memory_space<vmem>>
          %dma_wait3A_386 = tpu.memref_squeeze %dma_wait3A_385 : memref<1x125xi32, #tpu.memory_space<vmem>> -> memref<125xi32, #tpu.memory_space<vmem>>
          %dma_wait3A_387 = arith.constant 0 : i32
          %dma_wait3A_388 = arith.constant 0 : i32
          %dma_wait3A_389 = tpu.memref_slice %arg19[%dma_wait3A_387, %dma_wait3A_388] : memref<50048x16xf32, #tpu.memory_space<vmem_shared>> -> memref<50048x16xf32, #tpu.memory_space<vmem_shared>>
          tpu.wait_indirect_dma semaphore(%arg33 : memref<!tpu.dma_semaphore, #tpu.memory_space<semaphore_mem>>) src(%arg12 : memref<125x16xf32, #tpu.memory_space<vmem>>) dst(%dma_wait3A_389 : memref<50048x16xf32, #tpu.memory_space<vmem_shared>>)
        } else {
        }
        %add3A_375 = arith.constant 5 : i32
        %add3A_376 = arith.addi %add3A_325, %add3A_375 : i32
        %dma_start3A_377 = arith.constant 0 : i32
        %dma_start3A_378 = tpu.memref_slice %arg7[%add3A_376, %dma_start3A_377] : memref<200x125xi32, #tpu.memory_space<vmem>> -> memref<1x125xi32, #tpu.memory_space<vmem>>
        %dma_start3A_379 = tpu.memref_squeeze %dma_start3A_378 : memref<1x125xi32, #tpu.memory_space<vmem>> -> memref<125xi32, #tpu.memory_space<vmem>>
        %dma_start3A_380 = arith.constant 0 : i32
        %dma_start3A_381 = arith.constant 0 : i32
        %dma_start3A_382 = tpu.memref_slice %arg2[%dma_start3A_380, %dma_start3A_381] : memref<50048x16xf32, #tpu.memory_space<hbm>> -> memref<50048x16xf32, #tpu.memory_space<hbm>>
        tpu.enqueue_indirect_dma source(%dma_start3A_382 : memref<50048x16xf32, #tpu.memory_space<hbm>>) target(%arg12 : memref<125x16xf32, #tpu.memory_space<vmem>>) offsets(%dma_start3A_379 : memref<125xi32, #tpu.memory_space<vmem>>) semaphore(%arg23 : memref<!tpu.dma_semaphore, #tpu.memory_space<semaphore_mem>>)
      } else {
      }
      %mul3A_346 = arith.constant 10 : i32
      %mul3A_347 = arith.muli %mul3A_346, %scan3A_131 : i32
      %add3A_348 = arith.constant 9 : i32
      %add3A_349 = arith.addi %mul3A_347, %add3A_348 : i32
      %dma_wait3A_350 = arith.constant 0 : i32
      %dma_wait3A_351 = arith.constant 0 : i32
      %dma_wait3A_352 = tpu.memref_slice %arg7[%dma_wait3A_350, %dma_wait3A_351] : memref<200x125xi32, #tpu.memory_space<vmem>> -> memref<1x125xi32, #tpu.memory_space<vmem>>
      %dma_wait3A_353 = tpu.memref_squeeze %dma_wait3A_352 : memref<1x125xi32, #tpu.memory_space<vmem>> -> memref<125xi32, #tpu.memory_space<vmem>>
      %dma_wait3A_354 = arith.constant 0 : i32
      %dma_wait3A_355 = arith.constant 0 : i32
      %dma_wait3A_356 = tpu.memref_slice %arg2[%dma_wait3A_354, %dma_wait3A_355] : memref<50048x16xf32, #tpu.memory_space<hbm>> -> memref<50048x16xf32, #tpu.memory_space<hbm>>
      tpu.wait_indirect_dma semaphore(%arg29 : memref<!tpu.dma_semaphore, #tpu.memory_space<semaphore_mem>>) src(%dma_wait3A_356 : memref<50048x16xf32, #tpu.memory_space<hbm>>) dst(%arg18 : memref<125x16xf32, #tpu.memory_space<vmem>>)
      %dma_start3A_357 = arith.constant 0 : i32
      %dma_start3A_358 = tpu.memref_slice %arg8[%add3A_349, %dma_start3A_357] : memref<200x125xi32, #tpu.memory_space<vmem>> -> memref<1x125xi32, #tpu.memory_space<vmem>>
      %dma_start3A_359 = tpu.memref_squeeze %dma_start3A_358 : memref<1x125xi32, #tpu.memory_space<vmem>> -> memref<125xi32, #tpu.memory_space<vmem>>
      %dma_start3A_360 = arith.constant 0 : i32
      %dma_start3A_361 = arith.constant 0 : i32
      %dma_start3A_362 = tpu.memref_slice %arg19[%dma_start3A_360, %dma_start3A_361] : memref<50048x16xf32, #tpu.memory_space<vmem_shared>> -> memref<50048x16xf32, #tpu.memory_space<vmem_shared>>
      tpu.enqueue_indirect_dma source(%arg18 : memref<125x16xf32, #tpu.memory_space<vmem>>) target(%dma_start3A_362 : memref<50048x16xf32, #tpu.memory_space<vmem_shared>>) offsets(%dma_start3A_359 : memref<125xi32, #tpu.memory_space<vmem>>) semaphore(%arg39 : memref<!tpu.dma_semaphore, #tpu.memory_space<semaphore_mem>>) {add = true}
      %add3A_363 = arith.constant 5 : i32
      %add3A_364 = arith.addi %add3A_349, %add3A_363 : i32
      %lt3A_365 = arith.constant 200 : i32
      %lt3A_366 = arith.cmpi slt, %add3A_364, %lt3A_365 : i32
      %convert_element_type3A_367 = arith.extui %lt3A_366 : i1 to i32
      %cond3A_368 = arith.constant 0 : i32
      %cond3A_369 = arith.cmpi ne, %convert_element_type3A_367, %cond3A_368 : i32
      scf.if %cond3A_369 {
        %ge3A = arith.constant 5 : i32
        %ge3A_371 = arith.cmpi sge, %add3A_349, %ge3A : i32
        %convert_element_type3A_372 = arith.extui %ge3A_371 : i1 to i32
        %cond3A_373 = arith.constant 0 : i32
        %cond3A_374 = arith.cmpi ne, %convert_element_type3A_372, %cond3A_373 : i32
        scf.if %cond3A_374 {
          %dma_wait3A_383 = arith.constant 0 : i32
          %dma_wait3A_384 = arith.constant 0 : i32
          %dma_wait3A_385 = tpu.memref_slice %arg8[%dma_wait3A_383, %dma_wait3A_384] : memref<200x125xi32, #tpu.memory_space<vmem>> -> memref<1x125xi32, #tpu.memory_space<vmem>>
          %dma_wait3A_386 = tpu.memref_squeeze %dma_wait3A_385 : memref<1x125xi32, #tpu.memory_space<vmem>> -> memref<125xi32, #tpu.memory_space<vmem>>
          %dma_wait3A_387 = arith.constant 0 : i32
          %dma_wait3A_388 = arith.constant 0 : i32
          %dma_wait3A_389 = tpu.memref_slice %arg19[%dma_wait3A_387, %dma_wait3A_388] : memref<50048x16xf32, #tpu.memory_space<vmem_shared>> -> memref<50048x16xf32, #tpu.memory_space<vmem_shared>>
          tpu.wait_indirect_dma semaphore(%arg34 : memref<!tpu.dma_semaphore, #tpu.memory_space<semaphore_mem>>) src(%arg13 : memref<125x16xf32, #tpu.memory_space<vmem>>) dst(%dma_wait3A_389 : memref<50048x16xf32, #tpu.memory_space<vmem_shared>>)
        } else {
        }
        %add3A_375 = arith.constant 5 : i32
        %add3A_376 = arith.addi %add3A_349, %add3A_375 : i32
        %dma_start3A_377 = arith.constant 0 : i32
        %dma_start3A_378 = tpu.memref_slice %arg7[%add3A_376, %dma_start3A_377] : memref<200x125xi32, #tpu.memory_space<vmem>> -> memref<1x125xi32, #tpu.memory_space<vmem>>
        %dma_start3A_379 = tpu.memref_squeeze %dma_start3A_378 : memref<1x125xi32, #tpu.memory_space<vmem>> -> memref<125xi32, #tpu.memory_space<vmem>>
        %dma_start3A_380 = arith.constant 0 : i32
        %dma_start3A_381 = arith.constant 0 : i32
        %dma_start3A_382 = tpu.memref_slice %arg2[%dma_start3A_380, %dma_start3A_381] : memref<50048x16xf32, #tpu.memory_space<hbm>> -> memref<50048x16xf32, #tpu.memory_space<hbm>>
        tpu.enqueue_indirect_dma source(%dma_start3A_382 : memref<50048x16xf32, #tpu.memory_space<hbm>>) target(%arg13 : memref<125x16xf32, #tpu.memory_space<vmem>>) offsets(%dma_start3A_379 : memref<125xi32, #tpu.memory_space<vmem>>) semaphore(%arg24 : memref<!tpu.dma_semaphore, #tpu.memory_space<semaphore_mem>>)
      } else {
      }
      %scan3A_370 = arith.constant 0 : i32
      scf.yield %scan3A_370 : i32
    }
    %scan3A_47 = arith.constant 20 : i32
    %dma_wait3A_48 = arith.constant 0 : i32
    %dma_wait3A_49 = arith.constant 0 : i32
    %dma_wait3A_50 = tpu.memref_slice %arg8[%dma_wait3A_48, %dma_wait3A_49] : memref<200x125xi32, #tpu.memory_space<vmem>> -> memref<1x125xi32, #tpu.memory_space<vmem>>
    %dma_wait3A_51 = tpu.memref_squeeze %dma_wait3A_50 : memref<1x125xi32, #tpu.memory_space<vmem>> -> memref<125xi32, #tpu.memory_space<vmem>>
    %dma_wait3A_52 = arith.constant 0 : i32
    %dma_wait3A_53 = arith.constant 0 : i32
    %dma_wait3A_54 = tpu.memref_slice %arg19[%dma_wait3A_52, %dma_wait3A_53] : memref<50048x16xf32, #tpu.memory_space<vmem_shared>> -> memref<50048x16xf32, #tpu.memory_space<vmem_shared>>
    tpu.wait_indirect_dma semaphore(%arg30 : memref<!tpu.dma_semaphore, #tpu.memory_space<semaphore_mem>>) src(%arg9 : memref<125x16xf32, #tpu.memory_space<vmem>>) dst(%dma_wait3A_54 : memref<50048x16xf32, #tpu.memory_space<vmem_shared>>)
    %dma_wait3A_55 = arith.constant 0 : i32
    %dma_wait3A_56 = arith.constant 0 : i32
    %dma_wait3A_57 = tpu.memref_slice %arg8[%dma_wait3A_55, %dma_wait3A_56] : memref<200x125xi32, #tpu.memory_space<vmem>> -> memref<1x125xi32, #tpu.memory_space<vmem>>
    %dma_wait3A_58 = tpu.memref_squeeze %dma_wait3A_57 : memref<1x125xi32, #tpu.memory_space<vmem>> -> memref<125xi32, #tpu.memory_space<vmem>>
    %dma_wait3A_59 = arith.constant 0 : i32
    %dma_wait3A_60 = arith.constant 0 : i32
    %dma_wait3A_61 = tpu.memref_slice %arg19[%dma_wait3A_59, %dma_wait3A_60] : memref<50048x16xf32, #tpu.memory_space<vmem_shared>> -> memref<50048x16xf32, #tpu.memory_space<vmem_shared>>
    tpu.wait_indirect_dma semaphore(%arg31 : memref<!tpu.dma_semaphore, #tpu.memory_space<semaphore_mem>>) src(%arg10 : memref<125x16xf32, #tpu.memory_space<vmem>>) dst(%dma_wait3A_61 : memref<50048x16xf32, #tpu.memory_space<vmem_shared>>)
    %dma_wait3A_62 = arith.constant 0 : i32
    %dma_wait3A_63 = arith.constant 0 : i32
    %dma_wait3A_64 = tpu.memref_slice %arg8[%dma_wait3A_62, %dma_wait3A_63] : memref<200x125xi32, #tpu.memory_space<vmem>> -> memref<1x125xi32, #tpu.memory_space<vmem>>
    %dma_wait3A_65 = tpu.memref_squeeze %dma_wait3A_64 : memref<1x125xi32, #tpu.memory_space<vmem>> -> memref<125xi32, #tpu.memory_space<vmem>>
    %dma_wait3A_66 = arith.constant 0 : i32
    %dma_wait3A_67 = arith.constant 0 : i32
    %dma_wait3A_68 = tpu.memref_slice %arg19[%dma_wait3A_66, %dma_wait3A_67] : memref<50048x16xf32, #tpu.memory_space<vmem_shared>> -> memref<50048x16xf32, #tpu.memory_space<vmem_shared>>
    tpu.wait_indirect_dma semaphore(%arg32 : memref<!tpu.dma_semaphore, #tpu.memory_space<semaphore_mem>>) src(%arg11 : memref<125x16xf32, #tpu.memory_space<vmem>>) dst(%dma_wait3A_68 : memref<50048x16xf32, #tpu.memory_space<vmem_shared>>)
    %dma_wait3A_69 = arith.constant 0 : i32
    %dma_wait3A_70 = arith.constant 0 : i32
    %dma_wait3A_71 = tpu.memref_slice %arg8[%dma_wait3A_69, %dma_wait3A_70] : memref<200x125xi32, #tpu.memory_space<vmem>> -> memref<1x125xi32, #tpu.memory_space<vmem>>
    %dma_wait3A_72 = tpu.memref_squeeze %dma_wait3A_71 : memref<1x125xi32, #tpu.memory_space<vmem>> -> memref<125xi32, #tpu.memory_space<vmem>>
    %dma_wait3A_73 = arith.constant 0 : i32
    %dma_wait3A_74 = arith.constant 0 : i32
    %dma_wait3A_75 = tpu.memref_slice %arg19[%dma_wait3A_73, %dma_wait3A_74] : memref<50048x16xf32, #tpu.memory_space<vmem_shared>> -> memref<50048x16xf32, #tpu.memory_space<vmem_shared>>
    tpu.wait_indirect_dma semaphore(%arg33 : memref<!tpu.dma_semaphore, #tpu.memory_space<semaphore_mem>>) src(%arg12 : memref<125x16xf32, #tpu.memory_space<vmem>>) dst(%dma_wait3A_75 : memref<50048x16xf32, #tpu.memory_space<vmem_shared>>)
    %dma_wait3A_76 = arith.constant 0 : i32
    %dma_wait3A_77 = arith.constant 0 : i32
    %dma_wait3A_78 = tpu.memref_slice %arg8[%dma_wait3A_76, %dma_wait3A_77] : memref<200x125xi32, #tpu.memory_space<vmem>> -> memref<1x125xi32, #tpu.memory_space<vmem>>
    %dma_wait3A_79 = tpu.memref_squeeze %dma_wait3A_78 : memref<1x125xi32, #tpu.memory_space<vmem>> -> memref<125xi32, #tpu.memory_space<vmem>>
    %dma_wait3A_80 = arith.constant 0 : i32
    %dma_wait3A_81 = arith.constant 0 : i32
    %dma_wait3A_82 = tpu.memref_slice %arg19[%dma_wait3A_80, %dma_wait3A_81] : memref<50048x16xf32, #tpu.memory_space<vmem_shared>> -> memref<50048x16xf32, #tpu.memory_space<vmem_shared>>
    tpu.wait_indirect_dma semaphore(%arg34 : memref<!tpu.dma_semaphore, #tpu.memory_space<semaphore_mem>>) src(%arg13 : memref<125x16xf32, #tpu.memory_space<vmem>>) dst(%dma_wait3A_82 : memref<50048x16xf32, #tpu.memory_space<vmem_shared>>)
    %dma_wait3A_83 = arith.constant 0 : i32
    %dma_wait3A_84 = arith.constant 0 : i32
    %dma_wait3A_85 = tpu.memref_slice %arg8[%dma_wait3A_83, %dma_wait3A_84] : memref<200x125xi32, #tpu.memory_space<vmem>> -> memref<1x125xi32, #tpu.memory_space<vmem>>
    %dma_wait3A_86 = tpu.memref_squeeze %dma_wait3A_85 : memref<1x125xi32, #tpu.memory_space<vmem>> -> memref<125xi32, #tpu.memory_space<vmem>>
    %dma_wait3A_87 = arith.constant 0 : i32
    %dma_wait3A_88 = arith.constant 0 : i32
    %dma_wait3A_89 = tpu.memref_slice %arg19[%dma_wait3A_87, %dma_wait3A_88] : memref<50048x16xf32, #tpu.memory_space<vmem_shared>> -> memref<50048x16xf32, #tpu.memory_space<vmem_shared>>
    tpu.wait_indirect_dma semaphore(%arg35 : memref<!tpu.dma_semaphore, #tpu.memory_space<semaphore_mem>>) src(%arg14 : memref<125x16xf32, #tpu.memory_space<vmem>>) dst(%dma_wait3A_89 : memref<50048x16xf32, #tpu.memory_space<vmem_shared>>)
    %dma_wait3A_90 = arith.constant 0 : i32
    %dma_wait3A_91 = arith.constant 0 : i32
    %dma_wait3A_92 = tpu.memref_slice %arg8[%dma_wait3A_90, %dma_wait3A_91] : memref<200x125xi32, #tpu.memory_space<vmem>> -> memref<1x125xi32, #tpu.memory_space<vmem>>
    %dma_wait3A_93 = tpu.memref_squeeze %dma_wait3A_92 : memref<1x125xi32, #tpu.memory_space<vmem>> -> memref<125xi32, #tpu.memory_space<vmem>>
    %dma_wait3A_94 = arith.constant 0 : i32
    %dma_wait3A_95 = arith.constant 0 : i32
    %dma_wait3A_96 = tpu.memref_slice %arg19[%dma_wait3A_94, %dma_wait3A_95] : memref<50048x16xf32, #tpu.memory_space<vmem_shared>> -> memref<50048x16xf32, #tpu.memory_space<vmem_shared>>
    tpu.wait_indirect_dma semaphore(%arg36 : memref<!tpu.dma_semaphore, #tpu.memory_space<semaphore_mem>>) src(%arg15 : memref<125x16xf32, #tpu.memory_space<vmem>>) dst(%dma_wait3A_96 : memref<50048x16xf32, #tpu.memory_space<vmem_shared>>)
    %dma_wait3A_97 = arith.constant 0 : i32
    %dma_wait3A_98 = arith.constant 0 : i32
    %dma_wait3A_99 = tpu.memref_slice %arg8[%dma_wait3A_97, %dma_wait3A_98] : memref<200x125xi32, #tpu.memory_space<vmem>> -> memref<1x125xi32, #tpu.memory_space<vmem>>
    %dma_wait3A_100 = tpu.memref_squeeze %dma_wait3A_99 : memref<1x125xi32, #tpu.memory_space<vmem>> -> memref<125xi32, #tpu.memory_space<vmem>>
    %dma_wait3A_101 = arith.constant 0 : i32
    %dma_wait3A_102 = arith.constant 0 : i32
    %dma_wait3A_103 = tpu.memref_slice %arg19[%dma_wait3A_101, %dma_wait3A_102] : memref<50048x16xf32, #tpu.memory_space<vmem_shared>> -> memref<50048x16xf32, #tpu.memory_space<vmem_shared>>
    tpu.wait_indirect_dma semaphore(%arg37 : memref<!tpu.dma_semaphore, #tpu.memory_space<semaphore_mem>>) src(%arg16 : memref<125x16xf32, #tpu.memory_space<vmem>>) dst(%dma_wait3A_103 : memref<50048x16xf32, #tpu.memory_space<vmem_shared>>)
    %dma_wait3A_104 = arith.constant 0 : i32
    %dma_wait3A_105 = arith.constant 0 : i32
    %dma_wait3A_106 = tpu.memref_slice %arg8[%dma_wait3A_104, %dma_wait3A_105] : memref<200x125xi32, #tpu.memory_space<vmem>> -> memref<1x125xi32, #tpu.memory_space<vmem>>
    %dma_wait3A_107 = tpu.memref_squeeze %dma_wait3A_106 : memref<1x125xi32, #tpu.memory_space<vmem>> -> memref<125xi32, #tpu.memory_space<vmem>>
    %dma_wait3A_108 = arith.constant 0 : i32
    %dma_wait3A_109 = arith.constant 0 : i32
    %dma_wait3A_110 = tpu.memref_slice %arg19[%dma_wait3A_108, %dma_wait3A_109] : memref<50048x16xf32, #tpu.memory_space<vmem_shared>> -> memref<50048x16xf32, #tpu.memory_space<vmem_shared>>
    tpu.wait_indirect_dma semaphore(%arg38 : memref<!tpu.dma_semaphore, #tpu.memory_space<semaphore_mem>>) src(%arg17 : memref<125x16xf32, #tpu.memory_space<vmem>>) dst(%dma_wait3A_110 : memref<50048x16xf32, #tpu.memory_space<vmem_shared>>)
    %dma_wait3A_111 = arith.constant 0 : i32
    %dma_wait3A_112 = arith.constant 0 : i32
    %dma_wait3A_113 = tpu.memref_slice %arg8[%dma_wait3A_111, %dma_wait3A_112] : memref<200x125xi32, #tpu.memory_space<vmem>> -> memref<1x125xi32, #tpu.memory_space<vmem>>
    %dma_wait3A_114 = tpu.memref_squeeze %dma_wait3A_113 : memref<1x125xi32, #tpu.memory_space<vmem>> -> memref<125xi32, #tpu.memory_space<vmem>>
    %dma_wait3A_115 = arith.constant 0 : i32
    %dma_wait3A_116 = arith.constant 0 : i32
    %dma_wait3A_117 = tpu.memref_slice %arg19[%dma_wait3A_115, %dma_wait3A_116] : memref<50048x16xf32, #tpu.memory_space<vmem_shared>> -> memref<50048x16xf32, #tpu.memory_space<vmem_shared>>
    tpu.wait_indirect_dma semaphore(%arg39 : memref<!tpu.dma_semaphore, #tpu.memory_space<semaphore_mem>>) src(%arg18 : memref<125x16xf32, #tpu.memory_space<vmem>>) dst(%dma_wait3A_117 : memref<50048x16xf32, #tpu.memory_space<vmem_shared>>)
    %barrier3A_118 = arith.constant 0 : index
    tpu.barrier barrier_id(%barrier3A_118)
    %mul3A_119 = arith.constant 3128 : i32
    %mul3A_120 = arith.muli %arg1, %mul3A_119 : i32
    %dma_start3A_121 = arith.constant 0 : i32
    %dma_start3A_122 = tpu.memref_slice %arg6[%arg0, %mul3A_120, %dma_start3A_121] : memref<2x50048x16xf32, #tpu.memory_space<hbm>> -> memref<1x3128x16xf32, #tpu.memory_space<hbm>>
    %dma_start3A_123 = tpu.memref_squeeze %dma_start3A_122 : memref<1x3128x16xf32, #tpu.memory_space<hbm>> -> memref<3128x16xf32, #tpu.memory_space<hbm>>
    %dma_start3A_124 = arith.constant 0 : i32
    %dma_start3A_125 = tpu.memref_slice %arg19[%mul3A_120, %dma_start3A_124] : memref<50048x16xf32, #tpu.memory_space<vmem_shared>> -> memref<3128x16xf32, #tpu.memory_space<vmem_shared>>
    tpu.enqueue_dma source(%dma_start3A_125 : memref<3128x16xf32, #tpu.memory_space<vmem_shared>>) target(%dma_start3A_123 : memref<3128x16xf32, #tpu.memory_space<hbm>>) target_semaphore(%arg40 : memref<!tpu.dma_semaphore, #tpu.memory_space<semaphore_mem>>)
    %dma_wait3A_126 = arith.constant 0 : i32
    %dma_wait3A_127 = tpu.memref_slice %arg6[%arg0, %mul3A_120, %dma_wait3A_126] : memref<2x50048x16xf32, #tpu.memory_space<hbm>> -> memref<1x3128x16xf32, #tpu.memory_space<hbm>>
    %dma_wait3A_128 = tpu.memref_squeeze %dma_wait3A_127 : memref<1x3128x16xf32, #tpu.memory_space<hbm>> -> memref<3128x16xf32, #tpu.memory_space<hbm>>
    %dma_wait3A_129 = arith.constant 0 : i32
    %dma_wait3A_130 = tpu.memref_slice %arg19[%mul3A_120, %dma_wait3A_129] : memref<50048x16xf32, #tpu.memory_space<vmem_shared>> -> memref<3128x16xf32, #tpu.memory_space<vmem_shared>>
    tpu.wait_dma2 semaphore(%arg40 : memref<!tpu.dma_semaphore, #tpu.memory_space<semaphore_mem>>) src(%dma_wait3A_130 : memref<3128x16xf32, #tpu.memory_space<vmem_shared>>) dst(%dma_wait3A_128 : memref<3128x16xf32, #tpu.memory_space<hbm>>)
    return
  }
}

module attributes {stable_mosaic.version = 14 : i64} {
  func.func @_stage_mid_body(%arg0: i32, %arg1: memref<2x368x128xf32, #tpu.memory_space<vmem>>, %arg2: memref<2x368x128xf32, #tpu.memory_space<vmem>>, %arg3: memref<368x128xf32, #tpu.memory_space<vmem>>, %arg4: memref<368x128xf32, #tpu.memory_space<vmem>>, %arg5: memref<128x8xf32, #tpu.memory_space<vmem>>, %arg6: memref<8x128xf32, #tpu.memory_space<vmem>>, %arg7: memref<128x768xf32, #tpu.memory_space<vmem>>, %arg8: memref<128x768xf32, #tpu.memory_space<vmem>>, %arg9: memref<128x768xf32, #tpu.memory_space<vmem>>, %arg10: memref<128x768xf32, #tpu.memory_space<vmem>>, %arg11: memref<1x768xf32, #tpu.memory_space<vmem>>, %arg12: memref<768x128xf32, #tpu.memory_space<vmem>>, %arg13: memref<768x128xf32, #tpu.memory_space<vmem>>, %arg14: memref<1x128xf32, #tpu.memory_space<vmem>>, %arg15: memref<368x128xf32, #tpu.memory_space<vmem>>, %arg16: memref<368x128xf32, #tpu.memory_space<vmem>>, %arg17: memref<368x128xf32, #tpu.memory_space<vmem>>) attributes {dimension_semantics = [#tpu.dimension_semantics<arbitrary>], iteration_bounds = array<i64: 17>, scalar_prefetch = 0 : i64, scratch_operands = 0 : i64, tpu.core_type = #tpu.core_type<tc>, window_params = [{transform_indices = @transform_0, window_bounds = array<i64: 2, 368, 128>}, {transform_indices = @transform_1, window_bounds = array<i64: 2, 368, 128>}, {transform_indices = @transform_2, window_bounds = array<i64: 368, 128>}, {transform_indices = @transform_3, window_bounds = array<i64: 368, 128>}, {pipeline_mode = #tpu.pipeline_mode<synchronous>, transform_indices = @transform_4, window_bounds = array<i64: 128, 8>}, {pipeline_mode = #tpu.pipeline_mode<synchronous>, transform_indices = @transform_5, window_bounds = array<i64: 8, 128>}, {pipeline_mode = #tpu.pipeline_mode<synchronous>, transform_indices = @transform_6, window_bounds = array<i64: 128, 768>}, {pipeline_mode = #tpu.pipeline_mode<synchronous>, transform_indices = @transform_7, window_bounds = array<i64: 128, 768>}, {pipeline_mode = #tpu.pipeline_mode<synchronous>, transform_indices = @transform_8, window_bounds = array<i64: 128, 768>}, {pipeline_mode = #tpu.pipeline_mode<synchronous>, transform_indices = @transform_9, window_bounds = array<i64: 128, 768>}, {pipeline_mode = #tpu.pipeline_mode<synchronous>, transform_indices = @transform_10, window_bounds = array<i64: 1, 768>}, {pipeline_mode = #tpu.pipeline_mode<synchronous>, transform_indices = @transform_11, window_bounds = array<i64: 768, 128>}, {pipeline_mode = #tpu.pipeline_mode<synchronous>, transform_indices = @transform_12, window_bounds = array<i64: 768, 128>}, {pipeline_mode = #tpu.pipeline_mode<synchronous>, transform_indices = @transform_13, window_bounds = array<i64: 1, 128>}, {transform_indices = @transform_14, window_bounds = array<i64: 368, 128>}, {transform_indices = @transform_15, window_bounds = array<i64: 368, 128>}, {transform_indices = @transform_16, window_bounds = array<i64: 368, 128>}]} {
    %get3A = arith.constant 0 : index
    %get3A_0 = arith.constant 0 : index
    %get3A_1 = arith.constant 0 : index
    %get3A_2 = vector.load %arg1[%get3A, %get3A_0, %get3A_1] : memref<2x368x128xf32, #tpu.memory_space<vmem>>, vector<1x368x128xf32>
    %get3A_3 = vector.shape_cast %get3A_2 : vector<1x368x128xf32> to vector<368x128xf32>
    %get3A_4 = arith.constant 1 : index
    %get3A_5 = arith.constant 0 : index
    %get3A_6 = arith.constant 0 : index
    %get3A_7 = vector.load %arg1[%get3A_4, %get3A_5, %get3A_6] : memref<2x368x128xf32, #tpu.memory_space<vmem>>, vector<1x368x128xf32>
    %get3A_8 = vector.shape_cast %get3A_7 : vector<1x368x128xf32> to vector<368x128xf32>
    %add3A = arith.addf %get3A_3, %get3A_8 : vector<368x128xf32>
    %get3A_9 = arith.constant 0 : index
    %get3A_10 = arith.constant 0 : index
    %get3A_11 = arith.constant 0 : index
    %get3A_12 = vector.load %arg2[%get3A_9, %get3A_10, %get3A_11] : memref<2x368x128xf32, #tpu.memory_space<vmem>>, vector<1x368x128xf32>
    %get3A_13 = vector.shape_cast %get3A_12 : vector<1x368x128xf32> to vector<368x128xf32>
    %get3A_14 = arith.constant 1 : index
    %get3A_15 = arith.constant 0 : index
    %get3A_16 = arith.constant 0 : index
    %get3A_17 = vector.load %arg2[%get3A_14, %get3A_15, %get3A_16] : memref<2x368x128xf32, #tpu.memory_space<vmem>>, vector<1x368x128xf32>
    %get3A_18 = vector.shape_cast %get3A_17 : vector<1x368x128xf32> to vector<368x128xf32>
    %add3A_19 = arith.addf %get3A_13, %get3A_18 : vector<368x128xf32>
    %get3A_20 = arith.constant 0 : index
    %get3A_21 = arith.constant 0 : index
    %get3A_22 = vector.load %arg5[%get3A_20, %get3A_21] : memref<128x8xf32, #tpu.memory_space<vmem>>, vector<128x8xf32>
    %dot_general3A = arith.constant dense<0.000000e+00> : vector<368x8xf32>
    %dot_general3A_23 = tpu.matmul %add3A_19, %get3A_22, %dot_general3A {dimension_numbers = #tpu.dot_dimension_numbers<[1], [0], [0], [1], [0, 0, 1, 1], [], []>, transpose_lhs_hint = false} : vector<368x128xf32>, vector<128x8xf32>, vector<368x8xf32> -> vector<368x8xf32>
    %max3A = arith.constant 1.000000e+00 : f32
    %max3A_24 = vector.broadcast %max3A : f32 to vector<368x8xf32>
    %max3A_25 = arith.maximumf %dot_general3A_23, %max3A_24 : vector<368x8xf32>
    %div3A = arith.constant 1.000000e+00 : f32
    %div3A_26 = vector.broadcast %div3A : f32 to vector<368x8xf32>
    %div3A_27 = arith.divf %div3A_26, %max3A_25 : vector<368x8xf32>
    %get3A_28 = arith.constant 0 : index
    %get3A_29 = arith.constant 0 : index
    %get3A_30 = vector.load %arg6[%get3A_28, %get3A_29] : memref<8x128xf32, #tpu.memory_space<vmem>>, vector<8x128xf32>
    %dot_general3A_31 = arith.constant dense<0.000000e+00> : vector<368x128xf32>
    %dot_general3A_32 = tpu.matmul %div3A_27, %get3A_30, %dot_general3A_31 {dimension_numbers = #tpu.dot_dimension_numbers<[1], [0], [0], [1], [0, 0, 1, 1], [], []>, transpose_lhs_hint = false} : vector<368x8xf32>, vector<8x128xf32>, vector<368x128xf32> -> vector<368x128xf32>
    %mul3A = arith.mulf %add3A, %dot_general3A_32 : vector<368x128xf32>
    %get3A_33 = arith.constant 0 : index
    %get3A_34 = arith.constant 0 : index
    %get3A_35 = vector.load %arg7[%get3A_33, %get3A_34] : memref<128x768xf32, #tpu.memory_space<vmem>>, vector<128x768xf32>
    %dot_general3A_36 = arith.constant dense<0.000000e+00> : vector<368x768xf32>
    %dot_general3A_37 = tpu.matmul %mul3A, %get3A_35, %dot_general3A_36 {dimension_numbers = #tpu.dot_dimension_numbers<[1], [0], [0], [1], [0, 0, 1, 1], [], []>, transpose_lhs_hint = false} : vector<368x128xf32>, vector<128x768xf32>, vector<368x768xf32> -> vector<368x768xf32>
    %mul3A_38 = arith.mulf %add3A_19, %dot_general3A_32 : vector<368x128xf32>
    %get3A_39 = arith.constant 0 : index
    %get3A_40 = arith.constant 0 : index
    %get3A_41 = vector.load %arg8[%get3A_39, %get3A_40] : memref<128x768xf32, #tpu.memory_space<vmem>>, vector<128x768xf32>
    %dot_general3A_42 = arith.constant dense<0.000000e+00> : vector<368x768xf32>
    %dot_general3A_43 = tpu.matmul %mul3A_38, %get3A_41, %dot_general3A_42 {dimension_numbers = #tpu.dot_dimension_numbers<[1], [0], [0], [1], [0, 0, 1, 1], [], []>, transpose_lhs_hint = false} : vector<368x128xf32>, vector<128x768xf32>, vector<368x768xf32> -> vector<368x768xf32>
    %add3A_44 = arith.addf %dot_general3A_37, %dot_general3A_43 : vector<368x768xf32>
    %get3A_45 = arith.constant 0 : index
    %get3A_46 = arith.constant 0 : index
    %get3A_47 = vector.load %arg3[%get3A_45, %get3A_46] : memref<368x128xf32, #tpu.memory_space<vmem>>, vector<368x128xf32>
    %get3A_48 = arith.constant 0 : index
    %get3A_49 = arith.constant 0 : index
    %get3A_50 = vector.load %arg9[%get3A_48, %get3A_49] : memref<128x768xf32, #tpu.memory_space<vmem>>, vector<128x768xf32>
    %dot_general3A_51 = arith.constant dense<0.000000e+00> : vector<368x768xf32>
    %dot_general3A_52 = tpu.matmul %get3A_47, %get3A_50, %dot_general3A_51 {dimension_numbers = #tpu.dot_dimension_numbers<[1], [0], [0], [1], [0, 0, 1, 1], [], []>, transpose_lhs_hint = false} : vector<368x128xf32>, vector<128x768xf32>, vector<368x768xf32> -> vector<368x768xf32>
    %add3A_53 = arith.addf %add3A_44, %dot_general3A_52 : vector<368x768xf32>
    %get3A_54 = arith.constant 0 : index
    %get3A_55 = arith.constant 0 : index
    %get3A_56 = vector.load %arg4[%get3A_54, %get3A_55] : memref<368x128xf32, #tpu.memory_space<vmem>>, vector<368x128xf32>
    %get3A_57 = arith.constant 0 : index
    %get3A_58 = arith.constant 0 : index
    %get3A_59 = vector.load %arg10[%get3A_57, %get3A_58] : memref<128x768xf32, #tpu.memory_space<vmem>>, vector<128x768xf32>
    %dot_general3A_60 = arith.constant dense<0.000000e+00> : vector<368x768xf32>
    %dot_general3A_61 = tpu.matmul %get3A_56, %get3A_59, %dot_general3A_60 {dimension_numbers = #tpu.dot_dimension_numbers<[1], [0], [0], [1], [0, 0, 1, 1], [], []>, transpose_lhs_hint = false} : vector<368x128xf32>, vector<128x768xf32>, vector<368x768xf32> -> vector<368x768xf32>
    %add3A_62 = arith.addf %add3A_53, %dot_general3A_61 : vector<368x768xf32>
    %get3A_63 = arith.constant 0 : index
    %get3A_64 = arith.constant 0 : index
    %get3A_65 = vector.load %arg11[%get3A_63, %get3A_64] : memref<1x768xf32, #tpu.memory_space<vmem>>, vector<1x768xf32>
    %add3A_66 = vector.broadcast %get3A_65 : vector<1x768xf32> to vector<368x768xf32>
    %add3A_67 = arith.addf %add3A_62, %add3A_66 : vector<368x768xf32>
    %max3A_68 = arith.constant 0.000000e+00 : f32
    %max3A_69 = vector.broadcast %max3A_68 : f32 to vector<368x768xf32>
    %max3A_70 = arith.maximumf %add3A_67, %max3A_69 : vector<368x768xf32>
    %get3A_71 = arith.constant 0 : index
    %get3A_72 = arith.constant 0 : index
    %get3A_73 = vector.load %arg12[%get3A_71, %get3A_72] : memref<768x128xf32, #tpu.memory_space<vmem>>, vector<768x128xf32>
    %dot_general3A_74 = arith.constant dense<0.000000e+00> : vector<368x128xf32>
    %dot_general3A_75 = tpu.matmul %max3A_70, %get3A_73, %dot_general3A_74 {dimension_numbers = #tpu.dot_dimension_numbers<[1], [0], [0], [1], [0, 0, 1, 1], [], []>, transpose_lhs_hint = false} : vector<368x768xf32>, vector<768x128xf32>, vector<368x128xf32> -> vector<368x128xf32>
    %swap3A = arith.constant 0 : index
    %swap3A_76 = arith.constant 0 : index
    %swap3A_77 = vector.load %arg15[%swap3A, %swap3A_76] : memref<368x128xf32, #tpu.memory_space<vmem>>, vector<368x128xf32>
    tpu.vector_store %arg15[%swap3A, %swap3A_76], %dot_general3A_75 {strides = array<i32>} : memref<368x128xf32, #tpu.memory_space<vmem>>, vector<368x128xf32>,
    %get3A_78 = arith.constant 0 : index
    %get3A_79 = arith.constant 0 : index
    %get3A_80 = vector.load %arg13[%get3A_78, %get3A_79] : memref<768x128xf32, #tpu.memory_space<vmem>>, vector<768x128xf32>
    %dot_general3A_81 = arith.constant dense<0.000000e+00> : vector<368x128xf32>
    %dot_general3A_82 = tpu.matmul %max3A_70, %get3A_80, %dot_general3A_81 {dimension_numbers = #tpu.dot_dimension_numbers<[1], [0], [0], [1], [0, 0, 1, 1], [], []>, transpose_lhs_hint = false} : vector<368x768xf32>, vector<768x128xf32>, vector<368x128xf32> -> vector<368x128xf32>
    %get3A_83 = arith.constant 0 : index
    %get3A_84 = arith.constant 0 : index
    %get3A_85 = vector.load %arg14[%get3A_83, %get3A_84] : memref<1x128xf32, #tpu.memory_space<vmem>>, vector<1x128xf32>
    %add3A_86 = vector.broadcast %get3A_85 : vector<1x128xf32> to vector<368x128xf32>
    %add3A_87 = arith.addf %dot_general3A_82, %add3A_86 : vector<368x128xf32>
    %swap3A_88 = arith.constant 0 : index
    %swap3A_89 = arith.constant 0 : index
    %swap3A_90 = vector.load %arg16[%swap3A_88, %swap3A_89] : memref<368x128xf32, #tpu.memory_space<vmem>>, vector<368x128xf32>
    tpu.vector_store %arg16[%swap3A_88, %swap3A_89], %add3A_87 {strides = array<i32>} : memref<368x128xf32, #tpu.memory_space<vmem>>, vector<368x128xf32>,
    %swap3A_91 = arith.constant 0 : index
    %swap3A_92 = arith.constant 0 : index
    %swap3A_93 = vector.load %arg17[%swap3A_91, %swap3A_92] : memref<368x128xf32, #tpu.memory_space<vmem>>, vector<368x128xf32>
    tpu.vector_store %arg17[%swap3A_91, %swap3A_92], %dot_general3A_32 {strides = array<i32>} : memref<368x128xf32, #tpu.memory_space<vmem>>, vector<368x128xf32>,
    return
  }
  func.func @transform_0(%arg0: i32) -> (i32, i32, i32) {
    %c0_i32 = arith.constant 0 : i32
    %c0_i32_0 = arith.constant 0 : i32
    %c0_i32_1 = arith.constant 0 : i32
    return %c0_i32, %arg0, %c0_i32_0 : i32, i32, i32
  }
  func.func @transform_1(%arg0: i32) -> (i32, i32, i32) {
    %c0_i32 = arith.constant 0 : i32
    %c0_i32_0 = arith.constant 0 : i32
    %c0_i32_1 = arith.constant 0 : i32
    return %c0_i32, %arg0, %c0_i32_0 : i32, i32, i32
  }
  func.func @transform_2(%arg0: i32) -> (i32, i32) {
    %c0_i32 = arith.constant 0 : i32
    %c0_i32_0 = arith.constant 0 : i32
    return %arg0, %c0_i32 : i32, i32
  }
  func.func @transform_3(%arg0: i32) -> (i32, i32) {
    %c0_i32 = arith.constant 0 : i32
    %c0_i32_0 = arith.constant 0 : i32
    return %arg0, %c0_i32 : i32, i32
  }
  func.func @transform_4(%arg0: i32) -> (i32, i32) {
    %c0_i32 = arith.constant 0 : i32
    %c0_i32_0 = arith.constant 0 : i32
    %c0_i32_1 = arith.constant 0 : i32
    return %c0_i32, %c0_i32_0 : i32, i32
  }
  func.func @transform_5(%arg0: i32) -> (i32, i32) {
    %c0_i32 = arith.constant 0 : i32
    %c0_i32_0 = arith.constant 0 : i32
    %c0_i32_1 = arith.constant 0 : i32
    return %c0_i32, %c0_i32_0 : i32, i32
  }
  func.func @transform_6(%arg0: i32) -> (i32, i32) {
    %c0_i32 = arith.constant 0 : i32
    %c0_i32_0 = arith.constant 0 : i32
    %c0_i32_1 = arith.constant 0 : i32
    return %c0_i32, %c0_i32_0 : i32, i32
  }
  func.func @transform_7(%arg0: i32) -> (i32, i32) {
    %c0_i32 = arith.constant 0 : i32
    %c0_i32_0 = arith.constant 0 : i32
    %c0_i32_1 = arith.constant 0 : i32
    return %c0_i32, %c0_i32_0 : i32, i32
  }
  func.func @transform_8(%arg0: i32) -> (i32, i32) {
    %c0_i32 = arith.constant 0 : i32
    %c0_i32_0 = arith.constant 0 : i32
    %c0_i32_1 = arith.constant 0 : i32
    return %c0_i32, %c0_i32_0 : i32, i32
  }
  func.func @transform_9(%arg0: i32) -> (i32, i32) {
    %c0_i32 = arith.constant 0 : i32
    %c0_i32_0 = arith.constant 0 : i32
    %c0_i32_1 = arith.constant 0 : i32
    return %c0_i32, %c0_i32_0 : i32, i32
  }
  func.func @transform_10(%arg0: i32) -> (i32, i32) {
    %c0_i32 = arith.constant 0 : i32
    %c0_i32_0 = arith.constant 0 : i32
    %c0_i32_1 = arith.constant 0 : i32
    return %c0_i32, %c0_i32_0 : i32, i32
  }
  func.func @transform_11(%arg0: i32) -> (i32, i32) {
    %c0_i32 = arith.constant 0 : i32
    %c0_i32_0 = arith.constant 0 : i32
    %c0_i32_1 = arith.constant 0 : i32
    return %c0_i32, %c0_i32_0 : i32, i32
  }
  func.func @transform_12(%arg0: i32) -> (i32, i32) {
    %c0_i32 = arith.constant 0 : i32
    %c0_i32_0 = arith.constant 0 : i32
    %c0_i32_1 = arith.constant 0 : i32
    return %c0_i32, %c0_i32_0 : i32, i32
  }
  func.func @transform_13(%arg0: i32) -> (i32, i32) {
    %c0_i32 = arith.constant 0 : i32
    %c0_i32_0 = arith.constant 0 : i32
    %c0_i32_1 = arith.constant 0 : i32
    return %c0_i32, %c0_i32_0 : i32, i32
  }
  func.func @transform_14(%arg0: i32) -> (i32, i32) {
    %c0_i32 = arith.constant 0 : i32
    %c0_i32_0 = arith.constant 0 : i32
    return %arg0, %c0_i32 : i32, i32
  }
  func.func @transform_15(%arg0: i32) -> (i32, i32) {
    %c0_i32 = arith.constant 0 : i32
    %c0_i32_0 = arith.constant 0 : i32
    return %arg0, %c0_i32 : i32, i32
  }
  func.func @transform_16(%arg0: i32) -> (i32, i32) {
    %c0_i32 = arith.constant 0 : i32
    %c0_i32_0 = arith.constant 0 : i32
    return %arg0, %c0_i32 : i32, i32
  }
}

module attributes {stable_mosaic.version = 14 : i64} {
  func.func @_stage_out_body(%arg0: i32, %arg1: memref<2x368x128xf32, #tpu.memory_space<vmem>>, %arg2: memref<368x128xf32, #tpu.memory_space<vmem>>, %arg3: memref<368x128xf32, #tpu.memory_space<vmem>>, %arg4: memref<128x128xf32, #tpu.memory_space<vmem>>, %arg5: memref<128x128xf32, #tpu.memory_space<vmem>>, %arg6: memref<1x128xf32, #tpu.memory_space<vmem>>, %arg7: memref<1x128xf32, #tpu.memory_space<vmem>>, %arg8: memref<368x128xf32, #tpu.memory_space<vmem>>, %arg9: memref<368x128xf32, #tpu.memory_space<vmem>>) attributes {dimension_semantics = [#tpu.dimension_semantics<arbitrary>], iteration_bounds = array<i64: 17>, scalar_prefetch = 0 : i64, scratch_operands = 0 : i64, tpu.core_type = #tpu.core_type<tc>, window_params = [{transform_indices = @transform_0, window_bounds = array<i64: 2, 368, 128>}, {transform_indices = @transform_1, window_bounds = array<i64: 368, 128>}, {transform_indices = @transform_2, window_bounds = array<i64: 368, 128>}, {pipeline_mode = #tpu.pipeline_mode<synchronous>, transform_indices = @transform_3, window_bounds = array<i64: 128, 128>}, {pipeline_mode = #tpu.pipeline_mode<synchronous>, transform_indices = @transform_4, window_bounds = array<i64: 128, 128>}, {pipeline_mode = #tpu.pipeline_mode<synchronous>, transform_indices = @transform_5, window_bounds = array<i64: 1, 128>}, {pipeline_mode = #tpu.pipeline_mode<synchronous>, transform_indices = @transform_6, window_bounds = array<i64: 1, 128>}, {transform_indices = @transform_7, window_bounds = array<i64: 368, 128>}, {transform_indices = @transform_8, window_bounds = array<i64: 368, 128>}]} {
    %get3A = arith.constant 0 : index
    %get3A_0 = arith.constant 0 : index
    %get3A_1 = arith.constant 0 : index
    %get3A_2 = vector.load %arg1[%get3A, %get3A_0, %get3A_1] : memref<2x368x128xf32, #tpu.memory_space<vmem>>, vector<1x368x128xf32>
    %get3A_3 = vector.shape_cast %get3A_2 : vector<1x368x128xf32> to vector<368x128xf32>
    %get3A_4 = arith.constant 1 : index
    %get3A_5 = arith.constant 0 : index
    %get3A_6 = arith.constant 0 : index
    %get3A_7 = vector.load %arg1[%get3A_4, %get3A_5, %get3A_6] : memref<2x368x128xf32, #tpu.memory_space<vmem>>, vector<1x368x128xf32>
    %get3A_8 = vector.shape_cast %get3A_7 : vector<1x368x128xf32> to vector<368x128xf32>
    %add3A = arith.addf %get3A_3, %get3A_8 : vector<368x128xf32>
    %get3A_9 = arith.constant 0 : index
    %get3A_10 = arith.constant 0 : index
    %get3A_11 = vector.load %arg3[%get3A_9, %get3A_10] : memref<368x128xf32, #tpu.memory_space<vmem>>, vector<368x128xf32>
    %mul3A = arith.mulf %add3A, %get3A_11 : vector<368x128xf32>
    %get3A_12 = arith.constant 0 : index
    %get3A_13 = arith.constant 0 : index
    %get3A_14 = vector.load %arg2[%get3A_12, %get3A_13] : memref<368x128xf32, #tpu.memory_space<vmem>>, vector<368x128xf32>
    %add3A_15 = arith.addf %mul3A, %get3A_14 : vector<368x128xf32>
    %max3A = arith.constant 0.000000e+00 : f32
    %max3A_16 = vector.broadcast %max3A : f32 to vector<368x128xf32>
    %max3A_17 = arith.maximumf %add3A_15, %max3A_16 : vector<368x128xf32>
    %get3A_18 = arith.constant 0 : index
    %get3A_19 = arith.constant 0 : index
    %get3A_20 = vector.load %arg4[%get3A_18, %get3A_19] : memref<128x128xf32, #tpu.memory_space<vmem>>, vector<128x128xf32>
    %dot_general3A = arith.constant dense<0.000000e+00> : vector<368x128xf32>
    %dot_general3A_21 = tpu.matmul %max3A_17, %get3A_20, %dot_general3A {dimension_numbers = #tpu.dot_dimension_numbers<[1], [0], [0], [1], [0, 0, 1, 1], [], []>, transpose_lhs_hint = false} : vector<368x128xf32>, vector<128x128xf32>, vector<368x128xf32> -> vector<368x128xf32>
    %get3A_22 = arith.constant 0 : index
    %get3A_23 = arith.constant 0 : index
    %get3A_24 = vector.load %arg6[%get3A_22, %get3A_23] : memref<1x128xf32, #tpu.memory_space<vmem>>, vector<1x128xf32>
    %add3A_25 = vector.broadcast %get3A_24 : vector<1x128xf32> to vector<368x128xf32>
    %add3A_26 = arith.addf %dot_general3A_21, %add3A_25 : vector<368x128xf32>
    %swap3A = arith.constant 0 : index
    %swap3A_27 = arith.constant 0 : index
    %swap3A_28 = vector.load %arg8[%swap3A, %swap3A_27] : memref<368x128xf32, #tpu.memory_space<vmem>>, vector<368x128xf32>
    tpu.vector_store %arg8[%swap3A, %swap3A_27], %add3A_26 {strides = array<i32>} : memref<368x128xf32, #tpu.memory_space<vmem>>, vector<368x128xf32>,
    %get3A_29 = arith.constant 0 : index
    %get3A_30 = arith.constant 0 : index
    %get3A_31 = vector.load %arg5[%get3A_29, %get3A_30] : memref<128x128xf32, #tpu.memory_space<vmem>>, vector<128x128xf32>
    %dot_general3A_32 = arith.constant dense<0.000000e+00> : vector<368x128xf32>
    %dot_general3A_33 = tpu.matmul %max3A_17, %get3A_31, %dot_general3A_32 {dimension_numbers = #tpu.dot_dimension_numbers<[1], [0], [0], [1], [0, 0, 1, 1], [], []>, transpose_lhs_hint = false} : vector<368x128xf32>, vector<128x128xf32>, vector<368x128xf32> -> vector<368x128xf32>
    %get3A_34 = arith.constant 0 : index
    %get3A_35 = arith.constant 0 : index
    %get3A_36 = vector.load %arg7[%get3A_34, %get3A_35] : memref<1x128xf32, #tpu.memory_space<vmem>>, vector<1x128xf32>
    %add3A_37 = vector.broadcast %get3A_36 : vector<1x128xf32> to vector<368x128xf32>
    %add3A_38 = arith.addf %dot_general3A_33, %add3A_37 : vector<368x128xf32>
    %swap3A_39 = arith.constant 0 : index
    %swap3A_40 = arith.constant 0 : index
    %swap3A_41 = vector.load %arg9[%swap3A_39, %swap3A_40] : memref<368x128xf32, #tpu.memory_space<vmem>>, vector<368x128xf32>
    tpu.vector_store %arg9[%swap3A_39, %swap3A_40], %add3A_38 {strides = array<i32>} : memref<368x128xf32, #tpu.memory_space<vmem>>, vector<368x128xf32>,
    return
  }
  func.func @transform_0(%arg0: i32) -> (i32, i32, i32) {
    %c0_i32 = arith.constant 0 : i32
    %c0_i32_0 = arith.constant 0 : i32
    %c0_i32_1 = arith.constant 0 : i32
    return %c0_i32, %arg0, %c0_i32_0 : i32, i32, i32
  }
  func.func @transform_1(%arg0: i32) -> (i32, i32) {
    %c0_i32 = arith.constant 0 : i32
    %c0_i32_0 = arith.constant 0 : i32
    return %arg0, %c0_i32 : i32, i32
  }
  func.func @transform_2(%arg0: i32) -> (i32, i32) {
    %c0_i32 = arith.constant 0 : i32
    %c0_i32_0 = arith.constant 0 : i32
    return %arg0, %c0_i32 : i32, i32
  }
  func.func @transform_3(%arg0: i32) -> (i32, i32) {
    %c0_i32 = arith.constant 0 : i32
    %c0_i32_0 = arith.constant 0 : i32
    %c0_i32_1 = arith.constant 0 : i32
    return %c0_i32, %c0_i32_0 : i32, i32
  }
  func.func @transform_4(%arg0: i32) -> (i32, i32) {
    %c0_i32 = arith.constant 0 : i32
    %c0_i32_0 = arith.constant 0 : i32
    %c0_i32_1 = arith.constant 0 : i32
    return %c0_i32, %c0_i32_0 : i32, i32
  }
  func.func @transform_5(%arg0: i32) -> (i32, i32) {
    %c0_i32 = arith.constant 0 : i32
    %c0_i32_0 = arith.constant 0 : i32
    %c0_i32_1 = arith.constant 0 : i32
    return %c0_i32, %c0_i32_0 : i32, i32
  }
  func.func @transform_6(%arg0: i32) -> (i32, i32) {
    %c0_i32 = arith.constant 0 : i32
    %c0_i32_0 = arith.constant 0 : i32
    %c0_i32_1 = arith.constant 0 : i32
    return %c0_i32, %c0_i32_0 : i32, i32
  }
  func.func @transform_7(%arg0: i32) -> (i32, i32) {
    %c0_i32 = arith.constant 0 : i32
    %c0_i32_0 = arith.constant 0 : i32
    return %arg0, %c0_i32 : i32, i32
  }
  func.func @transform_8(%arg0: i32) -> (i32, i32) {
    %c0_i32 = arith.constant 0 : i32
    %c0_i32_0 = arith.constant 0 : i32
    return %arg0, %c0_i32 : i32, i32
  }
}

</mosaic_0001>

<sc_bundles>
// kernel: kernel.10.cloned.1.call-start
scs
__scs_entry_jumppad:
0x0: {  	(pc) =	sbr.rel $0x88, $3  }
0x1: {  	(tag) =	ssettag $0x0;
	lr =	simm.s32 $0x1  }
0x2: {  	[smem:$0x3F95] =	sst lr;
	_ =	strace $0xD0000000  }
0x3: {  	_ = 	snop  }
0x4: {  	_ = 	snop  }
0x5: {  	_ = 	snop  }
0x6: {  	_ = 	snop  }
0x7: {  	_ = 	snop  }
__scs_overlays_trampoline_lowered:
0x8: {  	[smem:$0x3FA4] =	sst s0  }
0x9: {  	[smem:$0x3FA5] =	sst s1  }
0xa: {  	[smem:$0x3FA6] =	sst s2  }
0xb: {  	[smem:$0x3FA7] =	sst s3  }
0xc: {  	[smem:$0x3FA8] =	sst s4  }
0xd: {  	[smem:$0x3FA9] =	sst s5  }
0xe: {  	[smem:$0x3FAA] =	sst s6  }
0xf: {  	[smem:$0x3FAB] =	sst s7  }
0x10: {  	[smem:$0x3FAC] =	sst s8  }
0x11: {  	[smem:$0x3FAD] =	sst s9;
	s0 =	simm.s32 @!p0 $0x0  }
0x12: {  	s1 =	sld [smem:$0x3F93];
	s0 =	simm.s32 @p0 $0x1  }
0x13: {  	[smem:$0x3FAE] =	sst s0;
	s0 =	simm.s32 @!p1 $0x0  }
0x14: {  	s2 =	sld [smem:$0x3F92];
	s0 =	simm.s32 @p1 $0x1  }
0x15: {  	[smem:$0x3FAF] =	sst s0;
	s0 =	simm.s32 @!p2 $0x0  }
0x16: {  	s3 =	sld [smem:$0x3FDB];
	s0 =	simm.s32 @p2 $0x1  }
0x17: {  	s4 =	simm.s32 $0x1BF5;
	[smem:$0x3FB1] =	sst s0  }
0x18: {  	s0 =	sld [smem:$0x3F94];
	_ =	swait.ge [sflag:s4], $0x0  }
0x19: {  	s7 =	sld [smem:$0x3F95]  }
0x1a: {  	s8 =	sadd.s32 $0xFFFFE003, lr  }
0x1b: {  	s9 =	sadd.s32 $0xFFFFFEF7, lr;
	s5 =	simm.s32 $0xFFFFFFFF;
	p2 =	slt.u32 s8, $0xFFFFF086  }
0x1c: {  	p1 =	slt.u32 s9, $0xF7A;
	s5 =	simm.s32 @!p2 $0x0  }
0x1d: {  	s5 =	simm.s32 @p1 $0x1;
	p0 =	seq.s32 s7, s2  }
0x1e: {  	s7 =	smul.u32 @!p0 $0xF7A, s2;
	p2 =	seq.s32 @!p0 s5, $0x0  }
0x1f: {  	s9 =	smul.u32 $0xF7A, s1;
	s8 =	simm.s32 @!p0 $0x1BF5;
	p2 =	por !p2, p0  }
0x20: {  	[sflag:s8] =	ssyncset.s32 @!p0 $0xFFFFF086;
	s6 =	sadd.s32 @!p0 s3, s7;
	s7 =	simm.s32 @!p0 $0x108  }
0x21: {  	s3 =	sadd.s32 s3, s9;
	s6 =	sadd.s32 @!p0 $0x88, s6;
	s7 =	simm.s32 @p2 $0x1082  }
0x22: {  	[simem:s7], [sflag:s8] =	dma.local @!p0 [hbm:s6], $0xF7A  }
0x23: {  	s9 =	sor.u32 $0xD0000000, s2;
	s6 =	simm.s32 $0x108;
	_ =	swait.ge @!p0 [sflag:s8], $0x0  }
0x24: {  	s3 =	sadd.s32 $0x88, s3;
	s6 =	simm.s32 @!p1 $0x1082;
	[sflag:s4] =	ssyncset.s32 $0xFFFFF086  }
0x25: {  	[simem:s6], [sflag:s4] =	dma.local [hbm:s3], $0xF7A  }
0x26: {  	[smem:$0x3F95] =	sst s1;
	(tag) =	ssettag s2;
	_ =	strace s9  }
0x27: {  	s1 =	sld [smem:$0x3FA5]  }
0x28: {  	s2 =	sld [smem:$0x3FA6]  }
0x29: {  	s4 =	sld [smem:$0x3FA8]  }
0x2a: {  	p0 =	seq.s32 s5, $0x0;
	s5 =	sld [smem:$0x3FA9]  }
0x2b: {  	s6 =	sld [smem:$0x3FAA]  }
0x2c: {  	s7 =	sld [smem:$0x3FAB]  }
0x2d: {  	s3 =	simm.s32 $0x108;
	s8 =	sld [smem:$0x3FAC]  }
0x2e: {  	s3 =	simm.s32 @!p0 $0x1082;
	s9 =	sld [smem:$0x3FAD]  }
0x2f: {  	lr =	sadd.s32 s0, s3;
	s0 =	sld [smem:$0x3FA4]  }
0x30: {  	s3 =	sld [smem:$0x3FA7]  }
0x31: {  	[smem:$0x3FB0] =	sst s10  }
0x32: {  	s10 =	sld [smem:$0x3FAE];
	_ =	sdelay $0x3  }
0x33: {  	p0 =	seq.s32 s10, $0x1;
	s10 =	sld [smem:$0x3FB0];
	_ =	sdelay $0x3  }
0x34: {  	[smem:$0x3FB0] =	sst s10  }
0x35: {  	s10 =	sld [smem:$0x3FAF];
	_ =	sdelay $0x3  }
0x36: {  	p1 =	seq.s32 s10, $0x1;
	s10 =	sld [smem:$0x3FB0];
	_ =	sdelay $0x3  }
0x37: {  	[smem:$0x3FB0] =	sst s10  }
0x38: {  	s10 =	sld [smem:$0x3FB1]  }
0x39: {  	_ = 	snop;
	(pc) =	sbr.ind lr, $3  }
0x3a: {  	_ = 	snop  }
0x3b: {  	_ = 	snop  }
0x3c: {  	p2 =	seq.s32 s10, $0x1;
	s10 =	sld [smem:$0x3FB0]  }
0x3d: {  	_ =	shalt  }
0x3e: {  	_ =	shalt  }
0x3f: {  	_ =	shalt  }
0x40: {  	_ =	shalt  }
0x41: {  	_ =	shalt  }
0x42: {  	_ =	shalt  }
0x43: {  	_ =	shalt  }
0x44: {  	_ =	shalt  }
0x45: {  	_ =	shalt  }
0x46: {  	_ =	shalt  }
0x47: {  	_ =	shalt  }
0x48: {  	_ =	shalt  }
0x49: {  	_ =	shalt  }
0x4a: {  	_ =	shalt  }
0x4b: {  	_ =	shalt  }
0x4c: {  	_ =	shalt  }
0x4d: {  	_ =	shalt  }
0x4e: {  	_ =	shalt  }
0x4f: {  	_ =	shalt  }
0x50: {  	_ =	shalt  }
0x51: {  	_ =	shalt  }
0x52: {  	_ =	shalt  }
0x53: {  	_ =	shalt  }
0x54: {  	_ =	shalt  }
0x55: {  	_ =	shalt  }
0x56: {  	_ =	shalt  }
0x57: {  	_ =	shalt  }
0x58: {  	_ =	shalt  }
0x59: {  	_ =	shalt  }
0x5a: {  	_ =	shalt  }
0x5b: {  	_ =	shalt  }
0x5c: {  	_ =	shalt  }
0x5d: {  	_ =	shalt  }
0x5e: {  	_ =	shalt  }
0x5f: {  	_ =	shalt  }
0x60: {  	_ =	shalt  }
0x61: {  	_ =	shalt  }
0x62: {  	_ =	shalt  }
0x63: {  	_ =	shalt  }
0x64: {  	_ =	shalt  }
0x65: {  	_ =	shalt  }
0x66: {  	_ =	shalt  }
0x67: {  	_ =	shalt  }
0x68: {  	_ =	shalt  }
0x69: {  	_ =	shalt  }
0x6a: {  	_ =	shalt  }
0x6b: {  	_ =	shalt  }
0x6c: {  	_ =	shalt  }
0x6d: {  	_ =	shalt  }
0x6e: {  	_ =	shalt  }
0x6f: {  	_ =	shalt  }
0x70: {  	_ =	shalt  }
0x71: {  	_ =	shalt  }
0x72: {  	_ =	shalt  }
0x73: {  	_ =	shalt  }
0x74: {  	_ =	shalt  }
0x75: {  	_ =	shalt  }
0x76: {  	_ =	shalt  }
0x77: {  	_ =	shalt  }
0x78: {  	_ =	shalt  }
0x79: {  	_ =	shalt  }
0x7a: {  	_ =	shalt  }
0x7b: {  	_ =	shalt  }
0x7c: {  	_ =	shalt  }
0x7d: {  	_ =	shalt  }
0x7e: {  	_ =	shalt  }
0x7f: {  	_ =	shalt  }
0x80: {  	_ =	shalt  }
0x81: {  	_ =	shalt  }
0x82: {  	_ =	shalt  }
0x83: {  	_ =	shalt  }
0x84: {  	_ =	shalt  }
0x85: {  	_ =	shalt  }
0x86: {  	_ =	shalt  }
0x87: {  	_ =	shalt  }
.Lfunc_end0:
.L_simem_size_0:
called_computation.1_lowered:
.L_overlay_start_0:
0x88: {  	s2 =	sld [smem:$0x3FD9]  }
0x89: {  	s3 =	sld [smem:$0x3FFE];
	_ =	sdelay $0x1  }
0x8a: {  	s1 =	srdreg.scid  }
0x8b: {  	s0 =	sand.u32 $0x1, s1  }
0x8c: {  	s16 =	sshll.u32 s0, $0xA;
	s2 =	sadd.s32 s3, s2  }
0x8d: {  	s2 =	sadd.s32 s2, s16  }
0x8e: {  	[smem:$0x3FBC] =	sst s2  }
0x8f: {  	_ = 	snop  }
0x90: {  	(tm) =	ssettm $0x1  }
0x91: {  	s17 =	sld [smem:$0x3FFB];
	_ =	sdelay $0x3  }
0x92: {  	_ =	strace s17  }
0x93: {  	s2 =	sld [smem:$0x3FFC];
	_ =	sdelay $0x3  }
0x94: {  	_ =	strace s2  }
0x95: {  	s2 =	sld [smem:$0x3FFD];
	_ =	sdelay $0x3  }
0x96: {  	_ =	strace s2  }
0x97: {  	_ =	strace $0x8FFFFFFF  }
0x98: {  	s18 =	sld [smem:$0x3FDB];
	_ =	sdelay $0x1  }
0x99: {  	s19 =	simm.s32 $_scs_section_size  }
0x9a: {  	s4 =	simm.s32 $_size__tile_overlayer_lowered;
	s5 =	simm.s32 $_tile_overlayer_lowered  }
0x9b: {  	s22 =	simm.s32 $0x1BFF;
	s21 =	sshll.u32 s5, $0x1;
	s2 =	sadd.s32 s19, s18  }
0x9c: {  	s6 =	simm.s32 $0x0;
	s20 =	sshll.u32 s4, $0x1;
	s4 =	sadd.s32 s21, s2  }
0x9d: {  	[timem:s6], [sflag:s22] =	dma.local [hbm:s4], s20  }
0x9e: {  	_ =	swait.ge [sflag:s22], s20  }
0x9f: {  	s3 =	ssub.s32 $0x0, s20;
	[sflag:s22] =	ssyncset.done $0x0  }
0xa0: {  	[sflag:s22] =	ssyncadd.s32 s3;
	_ =	sdelay $0x1  }
0xa1: {  	s23 =	simm.s32 $0x1B8B  }
0xa2: {  	_ =	swait.ge [sflag:s23], $0x1  }
0xa3: {  	[sflag:s23] =	ssyncset.done $0x0  }
0xa4: {  	s25 =	simm.s32 $0x1B8E;
	s24 =	sld [smem:$0x3FFE];
	[sflag:s23] =	ssyncadd.s32 $0xFFFFFFFF  }
0xa5: {  	s26 =	simm.s32 $execute0_lowered;
	[smem:$0x3FD2] =	sst s25  }
0xa6: {  	s4 =	sshll.u32 s26, $0x1;
	_ =	strace $0x80000046;
	[dreg:$0x1] =	wrdreg $0xFFFFFFFF  }
0xa7: {  	s28 =	simm.s32 $_size_execute0_lowered;
	s2 =	sadd.s32 s2, s4;
	[dreg:$0x0] =	wrdreg $0x0  }
0xa8: {  	s4 =	sshll.u32 s28, $0x1;
	[dreg:$0x2] =	wrdreg s2  }
0xa9: {  	[dreg:$0x3] =	wrdreg s4  }
0xaa: {  	[dreg:$0x4] =	wrdreg $0xC0  }
0xab: {  	_ =	task [dreg:s6], $0x5FFFF  }
0xac: {  	[dreg:$0x1] =	wrdreg $0xFFFFFFFF  }
0xad: {  	[dreg:$0x0] =	wrdreg $0x60  }
0xae: {  	[dreg:$0x2] =	wrdreg s24  }
0xaf: {  	[dreg:$0x3] =	wrdreg $0x116200  }
0xb0: {  	[dreg:$0x4] =	wrdreg $0xA  }
0xb1: {  	_ =	task.clear_ibuf [dreg:s6], $0x5FFFF;
	_ =	strace $0x90000046  }
0xb2: {  	s29 =	simm.s32 $0xA;
	_ =	strace $0x80000048  }
0xb3: {  	_ =	swait.ge [sflag:s29], $0x1  }
0xb4: {  	[sflag:s29] =	ssyncadd.s32 $0xFFFFFFFF  }
0xb5: {  	_ =	strace $0x90000048  }
0xb6: {  	_ =	sfence  }
0xb7: {  	s30 =	sld [smem:$0x0];
	_ =	sdelay $0x2  }
0xb8: {  	s31 =	sshll.u32 s1, $0xD;
	s1 =	sshrl.u32 s1, $0x2  }
0xb9: {  	s3 =	sand.u32 $0x4000, s31;
	s1 =	sadd.s32 s1, s30  }
0xba: {  	s0 =	sor.u32 s3, s0;
	s1 =	sshll.u32 s1, $0x11  }
0xbb: {  	s0 =	sor.u32 s1, s0  }
0xbc: {  	s0 =	sadd.s32 $0x8F2B, s0  }
0xbd: {  	[sflag:s0] =	ssyncadd.remote.s32 $0x1  }
0xbe: {  	_ =	sfence.sel $0xFFFF  }
0xbf: {  	[dreg:$0x0] =	wrdreg $0xFFFFFFFF;
	(pc) =	sbr.abs _section_cstart, $3  }
0xc0: {  	[dreg:$0x1] =	wrdreg $0xFFFFFFFF  }
0xc1: {  	_ =	task.clear_ibuf [dreg:s6], $0x2FFFF;
	_ =	strace $0x9FFFFFFF  }
0xc2: {  	(tm) =	ssettm $0x7FFFFFFF  }
0xc3: {  	_ =	shalt  }
tec
execute0_lowered:
.L_overlay_start_1:
0x0: {  	(tag) =	ssettag $0x1  }
0x1: {  	s0 =	srdreg.scid  }
0x2: {  	s7 =	stileid.u32;
	s3 =	rddreg [dreg:$0x0]  }
0x3: {  	s2 =	rddreg [dreg:$0x1];
	s4 =	simm.s32 $0x0;
	s9 =	simm.s32 $0x15  }
0x4: {  	s15 =	simm.s32 $0x7D;
	s16 =	simm.s32 $0xC800;
	s18 =	simm.s32 $0xCFD0  }
0x5: {  	s20 =	simm.s32 $0xD7A0;
	s22 =	simm.s32 $0xDF70;
	s28 =	simm.s32 $0x2  }
0x6: {  	s29 =	simm.s32 $0xF6E0;
	s30 =	simm.s32 $0x3;
	s31 =	simm.s32 $0xFEB0  }
0x7: {  	s13 =	simm.s32 $0x5;
	s17 =	simm.s32 $0x10E50;
	s19 =	simm.s32 $0x6  }
0x8: {  	s21 =	simm.s32 $0x8;
	s0 =	sand.u32 $0x1, s0;
	s5 =	smul.u32 $0xC380, s7  }
0x9: {  	[smem:$0x7FF] =	sst s4;
	s4 =	sadd.s32 $0x35400, s3;
	s8 =	sadd.s32 $0x4DC00, s3  }
0xa: {  	s1 =	sshll.u32 s0, $0x4;
	s6 =	smul.u32 $0xC3800, s0;
	_ =	strace $0x80000047  }
0xb: {  	[dreg:$0x3] =	wrdreg s8;
	s0 =	ssub.s32 $0x2, s0;
	s1 =	sor.u32 s7, s1  }
0xc: {  	s24 =	sshrl.u32 s0, $0x1;
	s7 =	sshll.u32 s7, $0x6;
	s1 =	smul.u32 $0xC80, s1  }
0xd: {  	s6 =	sadd.s32 s5, s6;
	s0 =	ssub.s32 s0, s24;
	s5 =	sadd.s32 s5, s2  }
0xe: {  	s6 =	sshrl.u32 s6, $0x3;
	s0 =	smax.u32 s0, $0x1;
	s1 =	sadd.s32 s1, s3  }
0xf: {  	s3 =	sadd.s32 s6, s3;
	s6 =	sor.u32 $0x1C15, s7;
	[dreg:$0x8] =	wrdreg s0  }
0x10: {  	s23 =	simm.s32 $0xA;
	s7 =	sshrl.u32 s5, $0x3;
	[dreg:$0x4] =	wrdreg s6  }
.Ltmp0:
0x11: {  	s25 =	sadd.s32 $0x1C400, s1;
	[dreg:$0x9] =	wrdreg s7;
	(pc) =	sbr.rel .LBB2_1-.Ltmp0, $4  }
0x12: {  	s10 =	simm.s32 $0xF;
	s1 =	sadd.s32 $0x3400, s1;
	[dreg:$0x5] =	wrdreg s25  }
0x13: {  	s24 =	simm.s32 $0xE740;
	s26 =	sadd.s32 $0x4F600, s3;
	[dreg:$0x6] =	wrdreg s1  }
0x14: {  	s0 =	simm.s32 $0x10680;
	s3 =	simm.s32 $0x0;
	[dreg:$0x7] =	wrdreg s26  }
0x15: {  	s25 =	simm.s32 $0x1;
	s26 =	simm.s32 $0xEF10;
	s1 =	simm.s32 $0x4  }
.LBB2_4:
0x16: {  	s5 =	simm.s32 $0xB  }
0x17: {  	_ =	swait.ge [sflag:s5], $0x7D0  }
0x18: {  	[sflag:s5] =	ssyncset.done $0x0  }
0x19: {  	s11 =	simm.s32 $0xC;
	[sflag:s5] =	ssyncadd.s32 $0xFFFFF830  }
0x1a: {  	_ =	swait.ge [sflag:s11], $0x7D0  }
0x1b: {  	[sflag:s11] =	ssyncset.done $0x0  }
0x1c: {  	s12 =	simm.s32 $0xD;
	[sflag:s11] =	ssyncadd.s32 $0xFFFFF830  }
0x1d: {  	_ =	swait.ge [sflag:s12], $0x7D0  }
0x1e: {  	[sflag:s12] =	ssyncset.done $0x0  }
0x1f: {  	s14 =	simm.s32 $0xE;
	[sflag:s12] =	ssyncadd.s32 $0xFFFFF830  }
0x20: {  	_ =	swait.ge [sflag:s14], $0x7D0  }
0x21: {  	[sflag:s14] =	ssyncset.done $0x0  }
0x22: {  	[sflag:s14] =	ssyncadd.s32 $0xFFFFF830  }
0x23: {  	_ =	swait.ge [sflag:s10], $0x7D0  }
0x24: {  	[sflag:s10] =	ssyncset.done $0x0  }
0x25: {  	s6 =	simm.s32 $0x10;
	[sflag:s10] =	ssyncadd.s32 $0xFFFFF830  }
0x26: {  	_ =	swait.ge [sflag:s6], $0x7D0  }
0x27: {  	[sflag:s6] =	ssyncset.done $0x0  }
0x28: {  	s7 =	simm.s32 $0x11;
	[sflag:s6] =	ssyncadd.s32 $0xFFFFF830  }
0x29: {  	_ =	swait.ge [sflag:s7], $0x7D0  }
0x2a: {  	[sflag:s7] =	ssyncset.done $0x0  }
0x2b: {  	s8 =	simm.s32 $0x12;
	[sflag:s7] =	ssyncadd.s32 $0xFFFFF830  }
0x2c: {  	_ =	swait.ge [sflag:s8], $0x7D0  }
0x2d: {  	[sflag:s8] =	ssyncset.done $0x0  }
0x2e: {  	s9 =	simm.s32 $0x13;
	[sflag:s8] =	ssyncadd.s32 $0xFFFFF830  }
0x2f: {  	_ =	swait.ge [sflag:s9], $0x7D0  }
0x30: {  	[sflag:s9] =	ssyncset.done $0x0  }
0x31: {  	s11 =	simm.s32 $0x14;
	[sflag:s9] =	ssyncadd.s32 $0xFFFFF830  }
0x32: {  	_ =	swait.ge [sflag:s11], $0x7D0  }
0x33: {  	[sflag:s11] =	ssyncset.done $0x0  }
0x34: {  	[sflag:s11] =	ssyncadd.s32 $0xFFFFF830  }
0x35: {  	[bflag:$0x0] =	sbarrier.arrive $0xFFFF  }
0x36: {  	s6 =	rddreg [dreg:$0x4]  }
0x37: {  	s12 =	rddreg [dreg:$0x7]  }
0x38: {  	s9 =	simm.s32 $0x15;
	s7 =	rddreg [dreg:$0x9]  }
0x39: {  	[hbm:s12], [sflag:s6] =	dma.local [spmem:s7], $0x1870  }
0x3a: {  	_ =	swait.ge [sflag:s9], $0x1870  }
0x3b: {  	s3 =	sadd.s32 $0x1, s3;
	s14 =	rddreg [dreg:$0x8]  }
0x3c: {  	p0 =	sne.s32 s3, s14  }
.Ltmp1:
0x3d: {  	_ = 	snop;
	(pc) =	sbr.rel @!p0 .LBB2_5-.Ltmp1, $3  }
0x3e: {  	_ =	sdelay $0x1  }
0x3f: {  	[sflag:s9] =	ssyncset.done $0x0  }
0x40: {  	[sflag:s9] =	ssyncadd.s32 $0xFFFFE790  }
.LBB2_1:
0x41: {  	s5 =	rddreg [dreg:$0x3]  }
0x42: {  	[spmem:s7], [sflag:s6] =	dma.local [hbm:s5], $0x1870  }
0x43: {  	s11 =	simm.s32 $0x0;
	s12 =	simm.s32 $0x16;
	s6 =	rddreg [dreg:$0x5]  }
0x44: {  	[tilespmem:s11], [sflag:$0x16] =	stream.linear.gather [hbm4b:s6+s11], $0x6400, $0x38;
	[tilespmem:$0x1D9A0] =	vst v63  }
0x45: {  	_ =	swait.ge [sflag:s12], $0x6400  }
0x46: {  	[sflag:s12] =	ssyncset.done $0x0  }
0x47: {  	s8 =	simm.s32 $0x6400;
	s14 =	rddreg [dreg:$0x6];
	[sflag:s12] =	ssyncadd.s32 $0xFFFF9C00  }
0x48: {  	[tilespmem:s8], [sflag:$0x16] =	stream.linear.gather [hbm4b:s14+s11], $0x6400, $0x38;
	[tilespmem:$0x1D9A0] =	vst v63  }
0x49: {  	_ =	swait.ge [sflag:s12], $0x6400  }
0x4a: {  	[sflag:s12] =	ssyncset.done $0x0  }
0x4b: {  	[sflag:s12] =	ssyncadd.s32 $0xFFFF9C00  }
0x4c: {  	_ =	swait.ge [sflag:s9], $0x1870  }
0x4d: {  	[sflag:s9] =	ssyncset.done $0x0  }
0x4e: {  	[sflag:s9] =	ssyncadd.s32 $0xFFFFE790  }
0x4f: {  	[bflag:$0x0] =	sbarrier.arrive $0xFFFF  }
0x50: {  	[tilespmem:s16], [sflag:$0x1] =	stream.indirect.gather [hbm4b:s4+s15], $0x10, s11, s15, $0xb8;
	[tilespmem:$0x1D9A0] =	vst v63  }
0x51: {  	s9 =	simm.s32 $0x80  }
0x52: {  	[tilespmem:s18], [sflag:$0x2] =	stream.indirect.gather [hbm4b:s4+s15], $0x10, s9, s15, $0xb8;
	[tilespmem:$0x1D9A0] =	vst v63  }
0x53: {  	s11 =	simm.s32 $0x100  }
0x54: {  	[tilespmem:s20], [sflag:$0x3] =	stream.indirect.gather [hbm4b:s4+s15], $0x10, s11, s15, $0xb8;
	[tilespmem:$0x1D9A0] =	vst v63  }
0x55: {  	s12 =	simm.s32 $0x180  }
0x56: {  	[tilespmem:s22], [sflag:$0x4] =	stream.indirect.gather [hbm4b:s4+s15], $0x10, s12, s15, $0xb8;
	[tilespmem:$0x1D9A0] =	vst v63  }
0x57: {  	s5 =	simm.s32 $0x0;
	s14 =	simm.s32 $0x200  }
0x58: {  	[tilespmem:s24], [sflag:$0x5] =	stream.indirect.gather [hbm4b:s4+s15], $0x10, s14, s15, $0xb8;
	[tilespmem:$0x1D9A0] =	vst v63  }
.LBB2_2:
0x59: {  	_ =	swait.ge [sflag:s25], $0x7D0  }
0x5a: {  	s7 =	sshra.s32 s5, $0x2;
	[sflag:s25] =	ssyncset.done $0x0  }
0x5b: {  	p0 =	seq.s32 s5, $0x0;
	s8 =	sadd.s32 $0x6400, s7;
	[sflag:s25] =	ssyncadd.s32 $0xFFFFF830  }
0x5c: {  	[spmem:s2] =	stream.indirect.scatter.add.f32 [tilespmem:s16], [sflag:$0xB], $0x10, s8, s15, $0xb8;
	[tilespmem:$0x1D9A0] =	vst v63  }
0x5d: {  	s8 =	simm.s32 @!p0 $0x10  }
0x5e: {  	_ =	swait.ge @!p0 [sflag:s8], $0x7D0  }
0x5f: {  	[sflag:s8] =	ssyncset.done @!p0 $0x0  }
0x60: {  	s14 =	sadd.s32 $0x280, s7;
	[sflag:s8] =	ssyncadd.s32 @!p0 $0xFFFFF830  }
0x61: {  	[tilespmem:s26], [sflag:$0x6] =	stream.indirect.gather [hbm4b:s4+s15], $0x10, s14, s15, $0xb8;
	[tilespmem:$0x1D9A0] =	vst v63  }
0x62: {  	_ =	swait.ge [sflag:s28], $0x7D0  }
0x63: {  	[sflag:s28] =	ssyncset.done $0x0  }
0x64: {  	s6 =	sadd.s32 $0x6480, s7;
	s8 =	simm.s32 @!p0 $0x11;
	[sflag:s28] =	ssyncadd.s32 $0xFFFFF830  }
0x65: {  	[spmem:s2] =	stream.indirect.scatter.add.f32 [tilespmem:s18], [sflag:$0xC], $0x10, s6, s15, $0xb8;
	[tilespmem:$0x1D9A0] =	vst v63  }
0x66: {  	_ =	swait.ge @!p0 [sflag:s8], $0x7D0  }
0x67: {  	[sflag:s8] =	ssyncset.done @!p0 $0x0  }
0x68: {  	s9 =	sadd.s32 $0x300, s7;
	[sflag:s8] =	ssyncadd.s32 @!p0 $0xFFFFF830  }
0x69: {  	[tilespmem:s29], [sflag:$0x7] =	stream.indirect.gather [hbm4b:s4+s15], $0x10, s9, s15, $0xb8;
	[tilespmem:$0x1D9A0] =	vst v63  }
0x6a: {  	_ =	swait.ge [sflag:s30], $0x7D0  }
0x6b: {  	[sflag:s30] =	ssyncset.done $0x0  }
0x6c: {  	s11 =	sadd.s32 $0x6500, s7;
	s8 =	simm.s32 @!p0 $0x12;
	[sflag:s30] =	ssyncadd.s32 $0xFFFFF830  }
0x6d: {  	[spmem:s2] =	stream.indirect.scatter.add.f32 [tilespmem:s20], [sflag:$0xD], $0x10, s11, s15, $0xb8;
	[tilespmem:$0x1D9A0] =	vst v63  }
0x6e: {  	_ =	swait.ge @!p0 [sflag:s8], $0x7D0  }
0x6f: {  	[sflag:s8] =	ssyncset.done @!p0 $0x0  }
0x70: {  	s12 =	sadd.s32 $0x380, s7;
	[sflag:s8] =	ssyncadd.s32 @!p0 $0xFFFFF830  }
0x71: {  	[tilespmem:s31], [sflag:$0x8] =	stream.indirect.gather [hbm4b:s4+s15], $0x10, s12, s15, $0xb8;
	[tilespmem:$0x1D9A0] =	vst v63  }
0x72: {  	_ =	swait.ge [sflag:s1], $0x7D0  }
0x73: {  	[sflag:s1] =	ssyncset.done $0x0  }
0x74: {  	s14 =	sadd.s32 $0x6580, s7;
	s8 =	simm.s32 @!p0 $0x13;
	[sflag:s1] =	ssyncadd.s32 $0xFFFFF830  }
0x75: {  	[spmem:s2] =	stream.indirect.scatter.add.f32 [tilespmem:s22], [sflag:$0xE], $0x10, s14, s15, $0xb8;
	[tilespmem:$0x1D9A0] =	vst v63  }
0x76: {  	_ =	swait.ge @!p0 [sflag:s8], $0x7D0  }
0x77: {  	[sflag:s8] =	ssyncset.done @!p0 $0x0  }
0x78: {  	s6 =	sadd.s32 $0x400, s7;
	[sflag:s8] =	ssyncadd.s32 @!p0 $0xFFFFF830  }
0x79: {  	[tilespmem:s0], [sflag:$0x9] =	stream.indirect.gather [hbm4b:s4+s15], $0x10, s6, s15, $0xb8;
	[tilespmem:$0x1D9A0] =	vst v63  }
0x7a: {  	_ =	swait.ge [sflag:s13], $0x7D0  }
0x7b: {  	[sflag:s13] =	ssyncset.done $0x0  }
0x7c: {  	s9 =	sadd.s32 $0x6600, s7;
	s8 =	simm.s32 @!p0 $0x14;
	[sflag:s13] =	ssyncadd.s32 $0xFFFFF830  }
0x7d: {  	[spmem:s2] =	stream.indirect.scatter.add.f32 [tilespmem:s24], [sflag:$0xF], $0x10, s9, s15, $0xb8;
	[tilespmem:$0x1D9A0] =	vst v63  }
0x7e: {  	_ =	swait.ge @!p0 [sflag:s8], $0x7D0  }
0x7f: {  	[sflag:s8] =	ssyncset.done @!p0 $0x0  }
0x80: {  	s11 =	sadd.s32 $0x480, s7;
	[sflag:s8] =	ssyncadd.s32 @!p0 $0xFFFFF830  }
0x81: {  	[tilespmem:s17], [sflag:$0xA] =	stream.indirect.gather [hbm4b:s4+s15], $0x10, s11, s15, $0xb8;
	[tilespmem:$0x1D9A0] =	vst v63  }
0x82: {  	_ =	swait.ge [sflag:s19], $0x7D0  }
0x83: {  	p0 =	seq.s32 s5, $0x17C00;
	[sflag:s19] =	ssyncset.done $0x0  }
0x84: {  	s12 =	sadd.s32 $0x6680, s7;
	s8 =	simm.s32 @p0 $0x7;
	[sflag:s19] =	ssyncadd.s32 $0xFFFFF830  }
0x85: {  	[spmem:s2] =	stream.indirect.scatter.add.f32 [tilespmem:s26], [sflag:$0x10], $0x10, s12, s15, $0xb8;
	[tilespmem:$0x1D9A0] =	vst v63  }
0x86: {  	_ =	swait.ge @p0 [sflag:s8], $0x7D0  }
0x87: {  	[sflag:s8] =	ssyncset.done @p0 $0x0  }
0x88: {  	[sflag:s8] =	ssyncadd.s32 @p0 $0xFFFFF830;
	s8 =	sshra.s32 @p0 s5, $0x2  }
0x89: {  	s6 =	simm.s32 @p0 $0x7D;
	s11 =	simm.s32 @p0 $0xF6E0;
	s9 =	sadd.s32 @p0 $0x6700, s8  }
0x8a: {  	[spmem:s2] =	stream.indirect.scatter.add.f32 @p0 [tilespmem:s11], [sflag:$0x11], $0x10, s9, s6, $0xb8;
	[tilespmem:$0x1D9A0] =	vst v63  }
0x8b: {  	s9 =	simm.s32 @!p0 $0xB  }
0x8c: {  	_ =	swait.ge @!p0 [sflag:s9], $0x7D0  }
0x8d: {  	[sflag:s9] =	ssyncset.done @!p0 $0x0  }
0x8e: {  	[sflag:s9] =	ssyncadd.s32 @!p0 $0xFFFFF830;
	s9 =	sshra.s32 @!p0 s5, $0x2  }
0x8f: {  	s14 =	simm.s32 @!p0 $0xC800;
	s12 =	simm.s32 @!p0 $0x7D;
	s11 =	sadd.s32 @!p0 $0x500, s9  }
0x90: {  	[tilespmem:s14], [sflag:$0x1] =	stream.indirect.gather @!p0 [hbm4b:s4+s12], $0x10, s11, s12, $0xb8;
	[tilespmem:$0x1D9A0] =	vst v63  }
0x91: {  	s11 =	simm.s32 @!p0 $0x7  }
0x92: {  	_ =	swait.ge @!p0 [sflag:s11], $0x7D0  }
0x93: {  	[sflag:s11] =	ssyncset.done @!p0 $0x0  }
0x94: {  	s14 =	simm.s32 @!p0 $0xF6E0;
	[sflag:s11] =	ssyncadd.s32 @!p0 $0xFFFFF830;
	s11 =	sadd.s32 @!p0 $0x6700, s9  }
0x95: {  	[spmem:s2] =	stream.indirect.scatter.add.f32 @!p0 [tilespmem:s14], [sflag:$0x11], $0x10, s11, s12, $0xb8;
	[tilespmem:$0x1D9A0] =	vst v63  }
0x96: {  	s11 =	simm.s32 @!p0 $0xC  }
0x97: {  	_ =	swait.ge @!p0 [sflag:s11], $0x7D0  }
0x98: {  	[sflag:s11] =	ssyncset.done @!p0 $0x0  }
0x99: {  	s14 =	simm.s32 @!p0 $0xCFD0;
	[sflag:s11] =	ssyncadd.s32 @!p0 $0xFFFFF830;
	s11 =	sadd.s32 @!p0 $0x580, s9  }
0x9a: {  	[tilespmem:s14], [sflag:$0x2] =	stream.indirect.gather @!p0 [hbm4b:s4+s12], $0x10, s11, s12, $0xb8;
	[tilespmem:$0x1D9A0] =	vst v63  }
0x9b: {  	_ =	swait.ge [sflag:s21], $0x7D0  }
0x9c: {  	[sflag:s21] =	ssyncset.done $0x0  }
0x9d: {  	s14 =	sadd.s32 $0x6780, s7;
	s11 =	simm.s32 @p0 $0x9;
	[sflag:s21] =	ssyncadd.s32 $0xFFFFF830  }
0x9e: {  	[spmem:s2] =	stream.indirect.scatter.add.f32 [tilespmem:s31], [sflag:$0x12], $0x10, s14, s15, $0xb8;
	[tilespmem:$0x1D9A0] =	vst v63  }
0x9f: {  	_ =	swait.ge @p0 [sflag:s11], $0x7D0  }
0xa0: {  	[sflag:s11] =	ssyncset.done @p0 $0x0  }
0xa1: {  	s8 =	sadd.s32 @p0 $0x6800, s8;
	[sflag:s11] =	ssyncadd.s32 @p0 $0xFFFFF830;
	s11 =	simm.s32 @p0 $0x10680  }
0xa2: {  	[spmem:s2] =	stream.indirect.scatter.add.f32 @p0 [tilespmem:s11], [sflag:$0x13], $0x10, s8, s6, $0xb8;
	[tilespmem:$0x1D9A0] =	vst v63  }
0xa3: {  	s6 =	simm.s32 @!p0 $0xD  }
0xa4: {  	_ =	swait.ge @!p0 [sflag:s6], $0x7D0  }
0xa5: {  	[sflag:s6] =	ssyncset.done @!p0 $0x0  }
0xa6: {  	s8 =	simm.s32 @!p0 $0xD7A0;
	[sflag:s6] =	ssyncadd.s32 @!p0 $0xFFFFF830;
	s6 =	sadd.s32 @!p0 $0x600, s9  }
0xa7: {  	[tilespmem:s8], [sflag:$0x3] =	stream.indirect.gather @!p0 [hbm4b:s4+s12], $0x10, s6, s12, $0xb8;
	[tilespmem:$0x1D9A0] =	vst v63  }
0xa8: {  	s6 =	simm.s32 @!p0 $0x9  }
0xa9: {  	_ =	swait.ge @!p0 [sflag:s6], $0x7D0  }
0xaa: {  	[sflag:s6] =	ssyncset.done @!p0 $0x0  }
0xab: {  	s8 =	simm.s32 @!p0 $0x10680;
	[sflag:s6] =	ssyncadd.s32 @!p0 $0xFFFFF830;
	s6 =	sadd.s32 @!p0 $0x6800, s9  }
0xac: {  	[spmem:s2] =	stream.indirect.scatter.add.f32 @!p0 [tilespmem:s8], [sflag:$0x13], $0x10, s6, s12, $0xb8;
	[tilespmem:$0x1D9A0] =	vst v63  }
0xad: {  	s6 =	simm.s32 @!p0 $0xE  }
0xae: {  	_ =	swait.ge @!p0 [sflag:s6], $0x7D0  }
0xaf: {  	[sflag:s6] =	ssyncset.done @!p0 $0x0  }
0xb0: {  	s8 =	simm.s32 @!p0 $0xDF70;
	[sflag:s6] =	ssyncadd.s32 @!p0 $0xFFFFF830;
	s6 =	sadd.s32 @!p0 $0x680, s9  }
0xb1: {  	[tilespmem:s8], [sflag:$0x4] =	stream.indirect.gather @!p0 [hbm4b:s4+s12], $0x10, s6, s12, $0xb8;
	[tilespmem:$0x1D9A0] =	vst v63  }
.Ltmp2:
0xb2: {  	_ = 	snop;
	(pc) =	sbr.rel @p0 .LBB2_4-.Ltmp2, $4  }
0xb3: {  	_ =	swait.ge [sflag:s23], $0x7D0  }
0xb4: {  	[sflag:s23] =	ssyncset.done $0x0  }
0xb5: {  	s14 =	sadd.s32 $0x6880, s7;
	[sflag:s23] =	ssyncadd.s32 $0xFFFFF830  }
0xb6: {  	[spmem:s2] =	stream.indirect.scatter.add.f32 [tilespmem:s17], [sflag:$0x14], $0x10, s14, s15, $0xb8;
	[tilespmem:$0x1D9A0] =	vst v63  }
.Ltmp3:
0xb7: {  	(pc) =	sbr.rel .LBB2_2-.Ltmp3, $4  }
0xb8: {  	_ =	swait.ge [sflag:s10], $0x7D0  }
0xb9: {  	[sflag:s10] =	ssyncset.done $0x0  }
0xba: {  	s6 =	sadd.s32 $0x700, s7;
	s5 =	sadd.s32 $0x1400, s5;
	[sflag:s10] =	ssyncadd.s32 $0xFFFFF830  }
0xbb: {  	[tilespmem:s24], [sflag:$0x5] =	stream.indirect.gather [hbm4b:s4+s15], $0x10, s6, s15, $0xb8;
	[tilespmem:$0x1D9A0] =	vst v63  }
.LBB2_5:
0xbc: {  	_ =	sfence.sel $0x180000  }
0xbd: {  	[bflag:$0x0] =	sbarrier.arrive $0xFFFF  }
0xbe: {  	_ =	strace $0x90000047  }
0xbf: {  	s0 =	stileid.u32;
	[bflag:$0x2] =	sbarrier.arrive $0xFFFF  }
0xc0: {  	p0 =	sne.s32 s0, $0x0;
	s0 =	rddreg [dreg:$0x2]  }
0xc1: {  	s0 =	sadd.s32 @!p0 $0x100000, s0  }
0xc2: {  	[sflag:s0] =	ssyncadd.tile.s32 @!p0 $0x1;
	_ =	shalt  }
.Lfunc_end2:
_tile_overlayer_lowered:
.L_overlay_start_2:
0xc3: {  	(tag) =	ssettag $0x2  }
0xc4: {  	s0 =	rddreg [dreg:$0x0];
	s2 =	stileid.u32  }
0xc5: {  	s1 =	rddreg [dreg:$0x1];
	p0 =	sne.s32 s2, $0x0  }
0xc6: {  	s3 =	rddreg [dreg:$0x2];
	[bflag:$0x3] =	sbarrier.arrive $0xFFFF;
	s2 =	simm.s32 @!p0 $0x1C16  }
0xc7: {  	[timem:s3], [sflag:s2] =	dma.local @!p0 [hbm:s0], s1  }
0xc8: {  	s0 =	simm.s32 @!p0 $0x16  }
0xc9: {  	_ =	swait.ge @!p0 [sflag:s0], s1  }
0xca: {  	s1 =	ssub.s32 @!p0 $0x0, s1;
	[sflag:s0] =	ssyncset.done @!p0 $0x0  }
0xcb: {  	[sflag:s0] =	ssyncadd.s32 @!p0 s1  }
0xcc: {  	[bflag:$0x3] =	sbarrier.arrive $0xFFFF  }
0xcd: {  	_ =	shalt  }

// kernel: kernel.13.cloned.1.call-start
scs
__scs_entry_jumppad:
0x0: {  	(pc) =	sbr.rel $0x88, $3  }
0x1: {  	(tag) =	ssettag $0x0;
	lr =	simm.s32 $0x1  }
0x2: {  	[smem:$0x3F95] =	sst lr;
	_ =	strace $0xD0000000  }
0x3: {  	_ = 	snop  }
0x4: {  	_ = 	snop  }
0x5: {  	_ = 	snop  }
0x6: {  	_ = 	snop  }
0x7: {  	_ = 	snop  }
__scs_overlays_trampoline_lowered:
0x8: {  	[smem:$0x3FA4] =	sst s0  }
0x9: {  	[smem:$0x3FA5] =	sst s1  }
0xa: {  	[smem:$0x3FA6] =	sst s2  }
0xb: {  	[smem:$0x3FA7] =	sst s3  }
0xc: {  	[smem:$0x3FA8] =	sst s4  }
0xd: {  	[smem:$0x3FA9] =	sst s5  }
0xe: {  	[smem:$0x3FAA] =	sst s6  }
0xf: {  	[smem:$0x3FAB] =	sst s7  }
0x10: {  	[smem:$0x3FAC] =	sst s8  }
0x11: {  	[smem:$0x3FAD] =	sst s9;
	s0 =	simm.s32 @!p0 $0x0  }
0x12: {  	s1 =	sld [smem:$0x3F93];
	s0 =	simm.s32 @p0 $0x1  }
0x13: {  	[smem:$0x3FAE] =	sst s0;
	s0 =	simm.s32 @!p1 $0x0  }
0x14: {  	s2 =	sld [smem:$0x3F92];
	s0 =	simm.s32 @p1 $0x1  }
0x15: {  	[smem:$0x3FAF] =	sst s0;
	s0 =	simm.s32 @!p2 $0x0  }
0x16: {  	s3 =	sld [smem:$0x3FDB];
	s0 =	simm.s32 @p2 $0x1  }
0x17: {  	s4 =	simm.s32 $0x1BF5;
	[smem:$0x3FB1] =	sst s0  }
0x18: {  	s0 =	sld [smem:$0x3F94];
	_ =	swait.ge [sflag:s4], $0x0  }
0x19: {  	s7 =	sld [smem:$0x3F95]  }
0x1a: {  	s8 =	sadd.s32 $0xFFFFE003, lr  }
0x1b: {  	s9 =	sadd.s32 $0xFFFFFEF7, lr;
	s5 =	simm.s32 $0xFFFFFFFF;
	p2 =	slt.u32 s8, $0xFFFFF086  }
0x1c: {  	p1 =	slt.u32 s9, $0xF7A;
	s5 =	simm.s32 @!p2 $0x0  }
0x1d: {  	s5 =	simm.s32 @p1 $0x1;
	p0 =	seq.s32 s7, s2  }
0x1e: {  	s7 =	smul.u32 @!p0 $0xF7A, s2;
	p2 =	seq.s32 @!p0 s5, $0x0  }
0x1f: {  	s9 =	smul.u32 $0xF7A, s1;
	s8 =	simm.s32 @!p0 $0x1BF5;
	p2 =	por !p2, p0  }
0x20: {  	[sflag:s8] =	ssyncset.s32 @!p0 $0xFFFFF086;
	s6 =	sadd.s32 @!p0 s3, s7;
	s7 =	simm.s32 @!p0 $0x108  }
0x21: {  	s3 =	sadd.s32 s3, s9;
	s6 =	sadd.s32 @!p0 $0x88, s6;
	s7 =	simm.s32 @p2 $0x1082  }
0x22: {  	[simem:s7], [sflag:s8] =	dma.local @!p0 [hbm:s6], $0xF7A  }
0x23: {  	s9 =	sor.u32 $0xD0000000, s2;
	s6 =	simm.s32 $0x108;
	_ =	swait.ge @!p0 [sflag:s8], $0x0  }
0x24: {  	s3 =	sadd.s32 $0x88, s3;
	s6 =	simm.s32 @!p1 $0x1082;
	[sflag:s4] =	ssyncset.s32 $0xFFFFF086  }
0x25: {  	[simem:s6], [sflag:s4] =	dma.local [hbm:s3], $0xF7A  }
0x26: {  	[smem:$0x3F95] =	sst s1;
	(tag) =	ssettag s2;
	_ =	strace s9  }
0x27: {  	s1 =	sld [smem:$0x3FA5]  }
0x28: {  	s2 =	sld [smem:$0x3FA6]  }
0x29: {  	s4 =	sld [smem:$0x3FA8]  }
0x2a: {  	p0 =	seq.s32 s5, $0x0;
	s5 =	sld [smem:$0x3FA9]  }
0x2b: {  	s6 =	sld [smem:$0x3FAA]  }
0x2c: {  	s7 =	sld [smem:$0x3FAB]  }
0x2d: {  	s3 =	simm.s32 $0x108;
	s8 =	sld [smem:$0x3FAC]  }
0x2e: {  	s3 =	simm.s32 @!p0 $0x1082;
	s9 =	sld [smem:$0x3FAD]  }
0x2f: {  	lr =	sadd.s32 s0, s3;
	s0 =	sld [smem:$0x3FA4]  }
0x30: {  	s3 =	sld [smem:$0x3FA7]  }
0x31: {  	[smem:$0x3FB0] =	sst s10  }
0x32: {  	s10 =	sld [smem:$0x3FAE];
	_ =	sdelay $0x3  }
0x33: {  	p0 =	seq.s32 s10, $0x1;
	s10 =	sld [smem:$0x3FB0];
	_ =	sdelay $0x3  }
0x34: {  	[smem:$0x3FB0] =	sst s10  }
0x35: {  	s10 =	sld [smem:$0x3FAF];
	_ =	sdelay $0x3  }
0x36: {  	p1 =	seq.s32 s10, $0x1;
	s10 =	sld [smem:$0x3FB0];
	_ =	sdelay $0x3  }
0x37: {  	[smem:$0x3FB0] =	sst s10  }
0x38: {  	s10 =	sld [smem:$0x3FB1]  }
0x39: {  	_ = 	snop;
	(pc) =	sbr.ind lr, $3  }
0x3a: {  	_ = 	snop  }
0x3b: {  	_ = 	snop  }
0x3c: {  	p2 =	seq.s32 s10, $0x1;
	s10 =	sld [smem:$0x3FB0]  }
0x3d: {  	_ =	shalt  }
0x3e: {  	_ =	shalt  }
0x3f: {  	_ =	shalt  }
0x40: {  	_ =	shalt  }
0x41: {  	_ =	shalt  }
0x42: {  	_ =	shalt  }
0x43: {  	_ =	shalt  }
0x44: {  	_ =	shalt  }
0x45: {  	_ =	shalt  }
0x46: {  	_ =	shalt  }
0x47: {  	_ =	shalt  }
0x48: {  	_ =	shalt  }
0x49: {  	_ =	shalt  }
0x4a: {  	_ =	shalt  }
0x4b: {  	_ =	shalt  }
0x4c: {  	_ =	shalt  }
0x4d: {  	_ =	shalt  }
0x4e: {  	_ =	shalt  }
0x4f: {  	_ =	shalt  }
0x50: {  	_ =	shalt  }
0x51: {  	_ =	shalt  }
0x52: {  	_ =	shalt  }
0x53: {  	_ =	shalt  }
0x54: {  	_ =	shalt  }
0x55: {  	_ =	shalt  }
0x56: {  	_ =	shalt  }
0x57: {  	_ =	shalt  }
0x58: {  	_ =	shalt  }
0x59: {  	_ =	shalt  }
0x5a: {  	_ =	shalt  }
0x5b: {  	_ =	shalt  }
0x5c: {  	_ =	shalt  }
0x5d: {  	_ =	shalt  }
0x5e: {  	_ =	shalt  }
0x5f: {  	_ =	shalt  }
0x60: {  	_ =	shalt  }
0x61: {  	_ =	shalt  }
0x62: {  	_ =	shalt  }
0x63: {  	_ =	shalt  }
0x64: {  	_ =	shalt  }
0x65: {  	_ =	shalt  }
0x66: {  	_ =	shalt  }
0x67: {  	_ =	shalt  }
0x68: {  	_ =	shalt  }
0x69: {  	_ =	shalt  }
0x6a: {  	_ =	shalt  }
0x6b: {  	_ =	shalt  }
0x6c: {  	_ =	shalt  }
0x6d: {  	_ =	shalt  }
0x6e: {  	_ =	shalt  }
0x6f: {  	_ =	shalt  }
0x70: {  	_ =	shalt  }
0x71: {  	_ =	shalt  }
0x72: {  	_ =	shalt  }
0x73: {  	_ =	shalt  }
0x74: {  	_ =	shalt  }
0x75: {  	_ =	shalt  }
0x76: {  	_ =	shalt  }
0x77: {  	_ =	shalt  }
0x78: {  	_ =	shalt  }
0x79: {  	_ =	shalt  }
0x7a: {  	_ =	shalt  }
0x7b: {  	_ =	shalt  }
0x7c: {  	_ =	shalt  }
0x7d: {  	_ =	shalt  }
0x7e: {  	_ =	shalt  }
0x7f: {  	_ =	shalt  }
0x80: {  	_ =	shalt  }
0x81: {  	_ =	shalt  }
0x82: {  	_ =	shalt  }
0x83: {  	_ =	shalt  }
0x84: {  	_ =	shalt  }
0x85: {  	_ =	shalt  }
0x86: {  	_ =	shalt  }
0x87: {  	_ =	shalt  }
.Lfunc_end0:
.L_simem_size_0:
called_computation.2_lowered:
.L_overlay_start_0:
0x88: {  	s2 =	sld [smem:$0x3FD9]  }
0x89: {  	s3 =	sld [smem:$0x3FFE];
	_ =	sdelay $0x1  }
0x8a: {  	s1 =	srdreg.scid  }
0x8b: {  	s0 =	sand.u32 $0x1, s1  }
0x8c: {  	s17 =	sshll.u32 s0, $0xA;
	s2 =	sadd.s32 s3, s2  }
0x8d: {  	s2 =	sadd.s32 s2, s17  }
0x8e: {  	[smem:$0x3FBC] =	sst s2  }
0x8f: {  	_ = 	snop  }
0x90: {  	s2 =	sld [smem:$0x3FD0];
	(tm) =	ssettm $0x1  }
0x91: {  	s18 =	sld [smem:$0x3FFB];
	_ =	sdelay $0x3  }
0x92: {  	_ =	strace s18  }
0x93: {  	s3 =	sld [smem:$0x3FFC];
	_ =	sdelay $0x3  }
0x94: {  	_ =	strace s3  }
0x95: {  	s3 =	sld [smem:$0x3FFD];
	_ =	sdelay $0x3  }
0x96: {  	_ =	strace s3  }
0x97: {  	_ =	strace $0x8FFFFFFF  }
0x98: {  	s19 =	sld [smem:$0x3FDB];
	_ =	sdelay $0x1  }
0x99: {  	s4 =	simm.s32 $_scs_section_size  }
0x9a: {  	s5 =	simm.s32 $_size__tile_overlayer_lowered;
	s6 =	simm.s32 $_tile_overlayer_lowered  }
0x9b: {  	s22 =	simm.s32 $0x1BFF;
	s21 =	sshll.u32 s6, $0x1;
	s3 =	sadd.s32 s4, s19  }
0x9c: {  	s7 =	simm.s32 $0x0;
	s20 =	sshll.u32 s5, $0x1;
	s5 =	sadd.s32 s21, s3  }
0x9d: {  	[timem:s7], [sflag:s22] =	dma.local [hbm:s5], s20  }
0x9e: {  	_ =	swait.ge [sflag:s22], s20  }
0x9f: {  	s4 =	ssub.s32 $0x0, s20;
	[sflag:s22] =	ssyncset.done $0x0  }
0xa0: {  	[sflag:s22] =	ssyncadd.s32 s4;
	_ =	sdelay $0x1  }
0xa1: {  	s23 =	simm.s32 $0x1B8B  }
0xa2: {  	_ =	swait.ge [sflag:s23], $0x1  }
0xa3: {  	[sflag:s23] =	ssyncset.done $0x0  }
0xa4: {  	s25 =	simm.s32 $0x1B8E;
	s24 =	sld [smem:$0x3FFE];
	[sflag:s23] =	ssyncadd.s32 $0xFFFFFFFF  }
0xa5: {  	s26 =	simm.s32 $execute0_lowered;
	[smem:$0x3FD2] =	sst s25  }
0xa6: {  	s5 =	sshll.u32 s26, $0x1;
	_ =	strace $0x8000004C;
	[dreg:$0x1] =	wrdreg $0xFFFFFFFF  }
0xa7: {  	s28 =	simm.s32 $_size_execute0_lowered;
	s3 =	sadd.s32 s3, s5;
	[dreg:$0x0] =	wrdreg $0x0  }
0xa8: {  	s5 =	sshll.u32 s28, $0x1;
	[dreg:$0x2] =	wrdreg s3  }
0xa9: {  	[dreg:$0x3] =	wrdreg s5  }
0xaa: {  	[dreg:$0x4] =	wrdreg $0xC0  }
0xab: {  	_ =	task [dreg:s7], $0x5FFFF  }
0xac: {  	[dreg:$0x1] =	wrdreg $0xFFFFFFFF  }
0xad: {  	[dreg:$0x0] =	wrdreg $0x60  }
0xae: {  	[dreg:$0x2] =	wrdreg s2  }
0xaf: {  	[dreg:$0x3] =	wrdreg s24  }
0xb0: {  	[dreg:$0x4] =	wrdreg $0x116200  }
0xb1: {  	[dreg:$0x5] =	wrdreg $0x9  }
0xb2: {  	_ =	task.clear_ibuf [dreg:s7], $0x6FFFF;
	_ =	strace $0x9000004C  }
0xb3: {  	s29 =	simm.s32 $0x9;
	_ =	strace $0x8000004E  }
0xb4: {  	_ =	swait.ge [sflag:s29], $0x1  }
0xb5: {  	[sflag:s29] =	ssyncadd.s32 $0xFFFFFFFF  }
0xb6: {  	_ =	strace $0x9000004E  }
0xb7: {  	_ =	sfence  }
0xb8: {  	s30 =	sld [smem:$0x0];
	_ =	sdelay $0x2  }
0xb9: {  	s31 =	sshll.u32 s1, $0xD;
	s1 =	sshrl.u32 s1, $0x2  }
0xba: {  	s3 =	sand.u32 $0x4000, s31;
	s1 =	sadd.s32 s1, s30  }
0xbb: {  	s0 =	sor.u32 s3, s0;
	s1 =	sshll.u32 s1, $0x11  }
0xbc: {  	s0 =	sor.u32 s1, s0  }
0xbd: {  	s0 =	sadd.s32 $0x8F2B, s0  }
0xbe: {  	[sflag:s0] =	ssyncadd.remote.s32 $0x1  }
0xbf: {  	_ =	sfence.sel $0xFFFF  }
0xc0: {  	[dreg:$0x0] =	wrdreg $0xFFFFFFFF;
	(pc) =	sbr.abs _section_cstart, $3  }
0xc1: {  	[dreg:$0x1] =	wrdreg $0xFFFFFFFF  }
0xc2: {  	_ =	task.clear_ibuf [dreg:s7], $0x2FFFF;
	_ =	strace $0x9FFFFFFF  }
0xc3: {  	(tm) =	ssettm $0x7FFFFFFF  }
tec
execute0_lowered:
.L_overlay_start_1:
0x0: {  	(tag) =	ssettag $0x1  }
0x1: {  	s2 =	rddreg [dreg:$0x0]  }
0x2: {  	s0 =	srdreg.scid;
	s4 =	rddreg [dreg:$0x1]  }
0x3: {  	s7 =	stileid.u32;
	s3 =	rddreg [dreg:$0x2];
	s8 =	simm.s32 $0x0  }
0x4: {  	s9 =	simm.s32 $0x15;
	s15 =	simm.s32 $0x7D;
	s16 =	simm.s32 $0xC800  }
0x5: {  	s18 =	simm.s32 $0xCFD0;
	s20 =	simm.s32 $0xD7A0;
	s22 =	simm.s32 $0xDF70  }
0x6: {  	s28 =	simm.s32 $0x2;
	s29 =	simm.s32 $0xF6E0;
	s30 =	simm.s32 $0x3  }
0x7: {  	s31 =	simm.s32 $0xFEB0;
	s13 =	simm.s32 $0x5;
	s17 =	simm.s32 $0x10E50  }
0x8: {  	s19 =	simm.s32 $0x6;
	s21 =	simm.s32 $0x8;
	s0 =	sand.u32 $0x1, s0  }
0x9: {  	s5 =	smul.u32 $0xC380, s7;
	[smem:$0x7FF] =	sst s8;
	s23 =	sadd.s32 $0x4DC00, s4  }
0xa: {  	s1 =	sshll.u32 s0, $0x4;
	s6 =	smul.u32 $0xC3800, s0;
	_ =	strace $0x8000004D  }
0xb: {  	[dreg:$0x4] =	wrdreg s23;
	s0 =	ssub.s32 $0x2, s0;
	s1 =	sor.u32 s7, s1  }
0xc: {  	s24 =	sshrl.u32 s0, $0x1;
	s7 =	sshll.u32 s7, $0x6;
	s1 =	smul.u32 $0xC80, s1  }
0xd: {  	s6 =	sadd.s32 s5, s6;
	s0 =	ssub.s32 s0, s24;
	s5 =	sadd.s32 s5, s3  }
0xe: {  	s6 =	sshrl.u32 s6, $0x3;
	s0 =	smax.u32 s0, $0x1;
	s1 =	sadd.s32 s1, s4  }
0xf: {  	s4 =	sadd.s32 s6, s4;
	s6 =	sor.u32 $0x1C15, s7;
	[dreg:$0x9] =	wrdreg s0  }
0x10: {  	s10 =	simm.s32 $0xF;
	s7 =	sshrl.u32 s5, $0x3;
	[dreg:$0x5] =	wrdreg s6  }
.Ltmp0:
0x11: {  	s25 =	sadd.s32 $0x1C400, s1;
	[dreg:$0xa] =	wrdreg s7;
	(pc) =	sbr.rel .LBB2_1-.Ltmp0, $4  }
0x12: {  	s23 =	simm.s32 $0xA;
	s1 =	sadd.s32 $0x3400, s1;
	[dreg:$0x6] =	wrdreg s25  }
0x13: {  	s24 =	simm.s32 $0xE740;
	s26 =	sadd.s32 $0x4F600, s4;
	[dreg:$0x7] =	wrdreg s1  }
0x14: {  	s0 =	simm.s32 $0x10680;
	s4 =	simm.s32 $0x0;
	[dreg:$0x8] =	wrdreg s26  }
0x15: {  	s25 =	simm.s32 $0x1;
	s26 =	simm.s32 $0xEF10;
	s1 =	simm.s32 $0x4  }
.LBB2_4:
0x16: {  	s5 =	simm.s32 $0xB  }
0x17: {  	_ =	swait.ge [sflag:s5], $0x7D0  }
0x18: {  	[sflag:s5] =	ssyncset.done $0x0  }
0x19: {  	s11 =	simm.s32 $0xC;
	[sflag:s5] =	ssyncadd.s32 $0xFFFFF830  }
0x1a: {  	_ =	swait.ge [sflag:s11], $0x7D0  }
0x1b: {  	[sflag:s11] =	ssyncset.done $0x0  }
0x1c: {  	s12 =	simm.s32 $0xD;
	[sflag:s11] =	ssyncadd.s32 $0xFFFFF830  }
0x1d: {  	_ =	swait.ge [sflag:s12], $0x7D0  }
0x1e: {  	[sflag:s12] =	ssyncset.done $0x0  }
0x1f: {  	s14 =	simm.s32 $0xE;
	[sflag:s12] =	ssyncadd.s32 $0xFFFFF830  }
0x20: {  	_ =	swait.ge [sflag:s14], $0x7D0  }
0x21: {  	[sflag:s14] =	ssyncset.done $0x0  }
0x22: {  	[sflag:s14] =	ssyncadd.s32 $0xFFFFF830  }
0x23: {  	_ =	swait.ge [sflag:s10], $0x7D0  }
0x24: {  	[sflag:s10] =	ssyncset.done $0x0  }
0x25: {  	s6 =	simm.s32 $0x10;
	[sflag:s10] =	ssyncadd.s32 $0xFFFFF830  }
0x26: {  	_ =	swait.ge [sflag:s6], $0x7D0  }
0x27: {  	[sflag:s6] =	ssyncset.done $0x0  }
0x28: {  	s7 =	simm.s32 $0x11;
	[sflag:s6] =	ssyncadd.s32 $0xFFFFF830  }
0x29: {  	_ =	swait.ge [sflag:s7], $0x7D0  }
0x2a: {  	[sflag:s7] =	ssyncset.done $0x0  }
0x2b: {  	s8 =	simm.s32 $0x12;
	[sflag:s7] =	ssyncadd.s32 $0xFFFFF830  }
0x2c: {  	_ =	swait.ge [sflag:s8], $0x7D0  }
0x2d: {  	[sflag:s8] =	ssyncset.done $0x0  }
0x2e: {  	s9 =	simm.s32 $0x13;
	[sflag:s8] =	ssyncadd.s32 $0xFFFFF830  }
0x2f: {  	_ =	swait.ge [sflag:s9], $0x7D0  }
0x30: {  	[sflag:s9] =	ssyncset.done $0x0  }
0x31: {  	s11 =	simm.s32 $0x14;
	[sflag:s9] =	ssyncadd.s32 $0xFFFFF830  }
0x32: {  	_ =	swait.ge [sflag:s11], $0x7D0  }
0x33: {  	[sflag:s11] =	ssyncset.done $0x0  }
0x34: {  	[sflag:s11] =	ssyncadd.s32 $0xFFFFF830  }
0x35: {  	[bflag:$0x0] =	sbarrier.arrive $0xFFFF  }
0x36: {  	s6 =	rddreg [dreg:$0x5]  }
0x37: {  	s12 =	rddreg [dreg:$0x8]  }
0x38: {  	s9 =	simm.s32 $0x15;
	s7 =	rddreg [dreg:$0xa]  }
0x39: {  	[hbm:s12], [sflag:s6] =	dma.local [spmem:s7], $0x1870  }
0x3a: {  	_ =	swait.ge [sflag:s9], $0x1870  }
0x3b: {  	s4 =	sadd.s32 $0x1, s4;
	s14 =	rddreg [dreg:$0x9]  }
0x3c: {  	p0 =	sne.s32 s4, s14  }
.Ltmp1:
0x3d: {  	_ = 	snop;
	(pc) =	sbr.rel @!p0 .LBB2_5-.Ltmp1, $3  }
0x3e: {  	_ =	sdelay $0x1  }
0x3f: {  	[sflag:s9] =	ssyncset.done $0x0  }
0x40: {  	[sflag:s9] =	ssyncadd.s32 $0xFFFFE790  }
.LBB2_1:
0x41: {  	s5 =	rddreg [dreg:$0x4]  }
0x42: {  	[spmem:s7], [sflag:s6] =	dma.local [hbm:s5], $0x1870  }
0x43: {  	s11 =	simm.s32 $0x0;
	s12 =	simm.s32 $0x16;
	s6 =	rddreg [dreg:$0x6]  }
0x44: {  	[tilespmem:s11], [sflag:$0x16] =	stream.linear.gather [hbm4b:s6+s11], $0x6400, $0x38;
	[tilespmem:$0x1D9A0] =	vst v63  }
0x45: {  	_ =	swait.ge [sflag:s12], $0x6400  }
0x46: {  	[sflag:s12] =	ssyncset.done $0x0  }
0x47: {  	s8 =	simm.s32 $0x6400;
	s14 =	rddreg [dreg:$0x7];
	[sflag:s12] =	ssyncadd.s32 $0xFFFF9C00  }
0x48: {  	[tilespmem:s8], [sflag:$0x16] =	stream.linear.gather [hbm4b:s14+s11], $0x6400, $0x38;
	[tilespmem:$0x1D9A0] =	vst v63  }
0x49: {  	_ =	swait.ge [sflag:s12], $0x6400  }
0x4a: {  	[sflag:s12] =	ssyncset.done $0x0  }
0x4b: {  	[sflag:s12] =	ssyncadd.s32 $0xFFFF9C00  }
0x4c: {  	_ =	swait.ge [sflag:s9], $0x1870  }
0x4d: {  	[sflag:s9] =	ssyncset.done $0x0  }
0x4e: {  	[sflag:s9] =	ssyncadd.s32 $0xFFFFE790  }
0x4f: {  	[bflag:$0x0] =	sbarrier.arrive $0xFFFF  }
0x50: {  	[tilespmem:s16], [sflag:$0x1] =	stream.indirect.gather [hbm4b:s2+s15], $0x10, s11, s15, $0xb8;
	[tilespmem:$0x1D9A0] =	vst v63  }
0x51: {  	s9 =	simm.s32 $0x80  }
0x52: {  	[tilespmem:s18], [sflag:$0x2] =	stream.indirect.gather [hbm4b:s2+s15], $0x10, s9, s15, $0xb8;
	[tilespmem:$0x1D9A0] =	vst v63  }
0x53: {  	s11 =	simm.s32 $0x100  }
0x54: {  	[tilespmem:s20], [sflag:$0x3] =	stream.indirect.gather [hbm4b:s2+s15], $0x10, s11, s15, $0xb8;
	[tilespmem:$0x1D9A0] =	vst v63  }
0x55: {  	s12 =	simm.s32 $0x180  }
0x56: {  	[tilespmem:s22], [sflag:$0x4] =	stream.indirect.gather [hbm4b:s2+s15], $0x10, s12, s15, $0xb8;
	[tilespmem:$0x1D9A0] =	vst v63  }
0x57: {  	s5 =	simm.s32 $0x0;
	s14 =	simm.s32 $0x200  }
0x58: {  	[tilespmem:s24], [sflag:$0x5] =	stream.indirect.gather [hbm4b:s2+s15], $0x10, s14, s15, $0xb8;
	[tilespmem:$0x1D9A0] =	vst v63  }
.LBB2_2:
0x59: {  	_ =	swait.ge [sflag:s25], $0x7D0  }
0x5a: {  	s7 =	sshra.s32 s5, $0x2;
	[sflag:s25] =	ssyncset.done $0x0  }
0x5b: {  	p0 =	seq.s32 s5, $0x0;
	s8 =	sadd.s32 $0x6400, s7;
	[sflag:s25] =	ssyncadd.s32 $0xFFFFF830  }
0x5c: {  	[spmem:s3] =	stream.indirect.scatter.add.f32 [tilespmem:s16], [sflag:$0xB], $0x10, s8, s15, $0xb8;
	[tilespmem:$0x1D9A0] =	vst v63  }
0x5d: {  	s8 =	simm.s32 @!p0 $0x10  }
0x5e: {  	_ =	swait.ge @!p0 [sflag:s8], $0x7D0  }
0x5f: {  	[sflag:s8] =	ssyncset.done @!p0 $0x0  }
0x60: {  	s14 =	sadd.s32 $0x280, s7;
	[sflag:s8] =	ssyncadd.s32 @!p0 $0xFFFFF830  }
0x61: {  	[tilespmem:s26], [sflag:$0x6] =	stream.indirect.gather [hbm4b:s2+s15], $0x10, s14, s15, $0xb8;
	[tilespmem:$0x1D9A0] =	vst v63  }
0x62: {  	_ =	swait.ge [sflag:s28], $0x7D0  }
0x63: {  	[sflag:s28] =	ssyncset.done $0x0  }
0x64: {  	s6 =	sadd.s32 $0x6480, s7;
	s8 =	simm.s32 @!p0 $0x11;
	[sflag:s28] =	ssyncadd.s32 $0xFFFFF830  }
0x65: {  	[spmem:s3] =	stream.indirect.scatter.add.f32 [tilespmem:s18], [sflag:$0xC], $0x10, s6, s15, $0xb8;
	[tilespmem:$0x1D9A0] =	vst v63  }
0x66: {  	_ =	swait.ge @!p0 [sflag:s8], $0x7D0  }
0x67: {  	[sflag:s8] =	ssyncset.done @!p0 $0x0  }
0x68: {  	s9 =	sadd.s32 $0x300, s7;
	[sflag:s8] =	ssyncadd.s32 @!p0 $0xFFFFF830  }
0x69: {  	[tilespmem:s29], [sflag:$0x7] =	stream.indirect.gather [hbm4b:s2+s15], $0x10, s9, s15, $0xb8;
	[tilespmem:$0x1D9A0] =	vst v63  }
0x6a: {  	_ =	swait.ge [sflag:s30], $0x7D0  }
0x6b: {  	[sflag:s30] =	ssyncset.done $0x0  }
0x6c: {  	s11 =	sadd.s32 $0x6500, s7;
	s8 =	simm.s32 @!p0 $0x12;
	[sflag:s30] =	ssyncadd.s32 $0xFFFFF830  }
0x6d: {  	[spmem:s3] =	stream.indirect.scatter.add.f32 [tilespmem:s20], [sflag:$0xD], $0x10, s11, s15, $0xb8;
	[tilespmem:$0x1D9A0] =	vst v63  }
0x6e: {  	_ =	swait.ge @!p0 [sflag:s8], $0x7D0  }
0x6f: {  	[sflag:s8] =	ssyncset.done @!p0 $0x0  }
0x70: {  	s12 =	sadd.s32 $0x380, s7;
	[sflag:s8] =	ssyncadd.s32 @!p0 $0xFFFFF830  }
0x71: {  	[tilespmem:s31], [sflag:$0x8] =	stream.indirect.gather [hbm4b:s2+s15], $0x10, s12, s15, $0xb8;
	[tilespmem:$0x1D9A0] =	vst v63  }
0x72: {  	_ =	swait.ge [sflag:s1], $0x7D0  }
0x73: {  	[sflag:s1] =	ssyncset.done $0x0  }
0x74: {  	s14 =	sadd.s32 $0x6580, s7;
	s8 =	simm.s32 @!p0 $0x13;
	[sflag:s1] =	ssyncadd.s32 $0xFFFFF830  }
0x75: {  	[spmem:s3] =	stream.indirect.scatter.add.f32 [tilespmem:s22], [sflag:$0xE], $0x10, s14, s15, $0xb8;
	[tilespmem:$0x1D9A0] =	vst v63  }
0x76: {  	_ =	swait.ge @!p0 [sflag:s8], $0x7D0  }
0x77: {  	[sflag:s8] =	ssyncset.done @!p0 $0x0  }
0x78: {  	s6 =	sadd.s32 $0x400, s7;
	[sflag:s8] =	ssyncadd.s32 @!p0 $0xFFFFF830  }
0x79: {  	[tilespmem:s0], [sflag:$0x9] =	stream.indirect.gather [hbm4b:s2+s15], $0x10, s6, s15, $0xb8;
	[tilespmem:$0x1D9A0] =	vst v63  }
0x7a: {  	_ =	swait.ge [sflag:s13], $0x7D0  }
0x7b: {  	[sflag:s13] =	ssyncset.done $0x0  }
0x7c: {  	s9 =	sadd.s32 $0x6600, s7;
	s8 =	simm.s32 @!p0 $0x14;
	[sflag:s13] =	ssyncadd.s32 $0xFFFFF830  }
0x7d: {  	[spmem:s3] =	stream.indirect.scatter.add.f32 [tilespmem:s24], [sflag:$0xF], $0x10, s9, s15, $0xb8;
	[tilespmem:$0x1D9A0] =	vst v63  }
0x7e: {  	_ =	swait.ge @!p0 [sflag:s8], $0x7D0  }
0x7f: {  	[sflag:s8] =	ssyncset.done @!p0 $0x0  }
0x80: {  	s11 =	sadd.s32 $0x480, s7;
	[sflag:s8] =	ssyncadd.s32 @!p0 $0xFFFFF830  }
0x81: {  	[tilespmem:s17], [sflag:$0xA] =	stream.indirect.gather [hbm4b:s2+s15], $0x10, s11, s15, $0xb8;
	[tilespmem:$0x1D9A0] =	vst v63  }
0x82: {  	_ =	swait.ge [sflag:s19], $0x7D0  }
0x83: {  	p0 =	seq.s32 s5, $0x17C00;
	[sflag:s19] =	ssyncset.done $0x0  }
0x84: {  	s12 =	sadd.s32 $0x6680, s7;
	s8 =	simm.s32 @p0 $0x7;
	[sflag:s19] =	ssyncadd.s32 $0xFFFFF830  }
0x85: {  	[spmem:s3] =	stream.indirect.scatter.add.f32 [tilespmem:s26], [sflag:$0x10], $0x10, s12, s15, $0xb8;
	[tilespmem:$0x1D9A0] =	vst v63  }
0x86: {  	_ =	swait.ge @p0 [sflag:s8], $0x7D0  }
0x87: {  	[sflag:s8] =	ssyncset.done @p0 $0x0  }
0x88: {  	[sflag:s8] =	ssyncadd.s32 @p0 $0xFFFFF830;
	s8 =	sshra.s32 @p0 s5, $0x2  }
0x89: {  	s6 =	simm.s32 @p0 $0x7D;
	s11 =	simm.s32 @p0 $0xF6E0;
	s9 =	sadd.s32 @p0 $0x6700, s8  }
0x8a: {  	[spmem:s3] =	stream.indirect.scatter.add.f32 @p0 [tilespmem:s11], [sflag:$0x11], $0x10, s9, s6, $0xb8;
	[tilespmem:$0x1D9A0] =	vst v63  }
0x8b: {  	s9 =	simm.s32 @!p0 $0xB  }
0x8c: {  	_ =	swait.ge @!p0 [sflag:s9], $0x7D0  }
0x8d: {  	[sflag:s9] =	ssyncset.done @!p0 $0x0  }
0x8e: {  	[sflag:s9] =	ssyncadd.s32 @!p0 $0xFFFFF830;
	s9 =	sshra.s32 @!p0 s5, $0x2  }
0x8f: {  	s14 =	simm.s32 @!p0 $0xC800;
	s12 =	simm.s32 @!p0 $0x7D;
	s11 =	sadd.s32 @!p0 $0x500, s9  }
0x90: {  	[tilespmem:s14], [sflag:$0x1] =	stream.indirect.gather @!p0 [hbm4b:s2+s12], $0x10, s11, s12, $0xb8;
	[tilespmem:$0x1D9A0] =	vst v63  }
0x91: {  	s11 =	simm.s32 @!p0 $0x7  }
0x92: {  	_ =	swait.ge @!p0 [sflag:s11], $0x7D0  }
0x93: {  	[sflag:s11] =	ssyncset.done @!p0 $0x0  }
0x94: {  	s14 =	simm.s32 @!p0 $0xF6E0;
	[sflag:s11] =	ssyncadd.s32 @!p0 $0xFFFFF830;
	s11 =	sadd.s32 @!p0 $0x6700, s9  }
0x95: {  	[spmem:s3] =	stream.indirect.scatter.add.f32 @!p0 [tilespmem:s14], [sflag:$0x11], $0x10, s11, s12, $0xb8;
	[tilespmem:$0x1D9A0] =	vst v63  }
0x96: {  	s11 =	simm.s32 @!p0 $0xC  }
0x97: {  	_ =	swait.ge @!p0 [sflag:s11], $0x7D0  }
0x98: {  	[sflag:s11] =	ssyncset.done @!p0 $0x0  }
0x99: {  	s14 =	simm.s32 @!p0 $0xCFD0;
	[sflag:s11] =	ssyncadd.s32 @!p0 $0xFFFFF830;
	s11 =	sadd.s32 @!p0 $0x580, s9  }
0x9a: {  	[tilespmem:s14], [sflag:$0x2] =	stream.indirect.gather @!p0 [hbm4b:s2+s12], $0x10, s11, s12, $0xb8;
	[tilespmem:$0x1D9A0] =	vst v63  }
0x9b: {  	_ =	swait.ge [sflag:s21], $0x7D0  }
0x9c: {  	[sflag:s21] =	ssyncset.done $0x0  }
0x9d: {  	s14 =	sadd.s32 $0x6780, s7;
	s11 =	simm.s32 @p0 $0x9;
	[sflag:s21] =	ssyncadd.s32 $0xFFFFF830  }
0x9e: {  	[spmem:s3] =	stream.indirect.scatter.add.f32 [tilespmem:s31], [sflag:$0x12], $0x10, s14, s15, $0xb8;
	[tilespmem:$0x1D9A0] =	vst v63  }
0x9f: {  	_ =	swait.ge @p0 [sflag:s11], $0x7D0  }
0xa0: {  	[sflag:s11] =	ssyncset.done @p0 $0x0  }
0xa1: {  	s8 =	sadd.s32 @p0 $0x6800, s8;
	[sflag:s11] =	ssyncadd.s32 @p0 $0xFFFFF830;
	s11 =	simm.s32 @p0 $0x10680  }
0xa2: {  	[spmem:s3] =	stream.indirect.scatter.add.f32 @p0 [tilespmem:s11], [sflag:$0x13], $0x10, s8, s6, $0xb8;
	[tilespmem:$0x1D9A0] =	vst v63  }
0xa3: {  	s6 =	simm.s32 @!p0 $0xD  }
0xa4: {  	_ =	swait.ge @!p0 [sflag:s6], $0x7D0  }
0xa5: {  	[sflag:s6] =	ssyncset.done @!p0 $0x0  }
0xa6: {  	s8 =	simm.s32 @!p0 $0xD7A0;
	[sflag:s6] =	ssyncadd.s32 @!p0 $0xFFFFF830;
	s6 =	sadd.s32 @!p0 $0x600, s9  }
0xa7: {  	[tilespmem:s8], [sflag:$0x3] =	stream.indirect.gather @!p0 [hbm4b:s2+s12], $0x10, s6, s12, $0xb8;
	[tilespmem:$0x1D9A0] =	vst v63  }
0xa8: {  	s6 =	simm.s32 @!p0 $0x9  }
0xa9: {  	_ =	swait.ge @!p0 [sflag:s6], $0x7D0  }
0xaa: {  	[sflag:s6] =	ssyncset.done @!p0 $0x0  }
0xab: {  	s8 =	simm.s32 @!p0 $0x10680;
	[sflag:s6] =	ssyncadd.s32 @!p0 $0xFFFFF830;
	s6 =	sadd.s32 @!p0 $0x6800, s9  }
0xac: {  	[spmem:s3] =	stream.indirect.scatter.add.f32 @!p0 [tilespmem:s8], [sflag:$0x13], $0x10, s6, s12, $0xb8;
	[tilespmem:$0x1D9A0] =	vst v63  }
0xad: {  	s6 =	simm.s32 @!p0 $0xE  }
0xae: {  	_ =	swait.ge @!p0 [sflag:s6], $0x7D0  }
0xaf: {  	[sflag:s6] =	ssyncset.done @!p0 $0x0  }
0xb0: {  	s8 =	simm.s32 @!p0 $0xDF70;
	[sflag:s6] =	ssyncadd.s32 @!p0 $0xFFFFF830;
	s6 =	sadd.s32 @!p0 $0x680, s9  }
0xb1: {  	[tilespmem:s8], [sflag:$0x4] =	stream.indirect.gather @!p0 [hbm4b:s2+s12], $0x10, s6, s12, $0xb8;
	[tilespmem:$0x1D9A0] =	vst v63  }
.Ltmp2:
0xb2: {  	_ = 	snop;
	(pc) =	sbr.rel @p0 .LBB2_4-.Ltmp2, $4  }
0xb3: {  	_ =	swait.ge [sflag:s23], $0x7D0  }
0xb4: {  	[sflag:s23] =	ssyncset.done $0x0  }
0xb5: {  	s14 =	sadd.s32 $0x6880, s7;
	[sflag:s23] =	ssyncadd.s32 $0xFFFFF830  }
0xb6: {  	[spmem:s3] =	stream.indirect.scatter.add.f32 [tilespmem:s17], [sflag:$0x14], $0x10, s14, s15, $0xb8;
	[tilespmem:$0x1D9A0] =	vst v63  }
.Ltmp3:
0xb7: {  	(pc) =	sbr.rel .LBB2_2-.Ltmp3, $4  }
0xb8: {  	_ =	swait.ge [sflag:s10], $0x7D0  }
0xb9: {  	[sflag:s10] =	ssyncset.done $0x0  }
0xba: {  	s6 =	sadd.s32 $0x700, s7;
	s5 =	sadd.s32 $0x1400, s5;
	[sflag:s10] =	ssyncadd.s32 $0xFFFFF830  }
0xbb: {  	[tilespmem:s24], [sflag:$0x5] =	stream.indirect.gather [hbm4b:s2+s15], $0x10, s6, s15, $0xb8;
	[tilespmem:$0x1D9A0] =	vst v63  }
.LBB2_5:
0xbc: {  	_ =	sfence.sel $0x180000  }
0xbd: {  	[bflag:$0x0] =	sbarrier.arrive $0xFFFF  }
0xbe: {  	_ =	strace $0x9000004D  }
0xbf: {  	s0 =	stileid.u32;
	[bflag:$0x2] =	sbarrier.arrive $0xFFFF  }
0xc0: {  	p0 =	sne.s32 s0, $0x0;
	s0 =	rddreg [dreg:$0x3]  }
0xc1: {  	s0 =	sadd.s32 @!p0 $0x100000, s0  }
0xc2: {  	[sflag:s0] =	ssyncadd.tile.s32 @!p0 $0x1;
	_ =	shalt  }
.Lfunc_end2:
_tile_overlayer_lowered:
.L_overlay_start_2:
0xc3: {  	(tag) =	ssettag $0x2  }
0xc4: {  	s0 =	rddreg [dreg:$0x0];
	s2 =	stileid.u32  }
0xc5: {  	s1 =	rddreg [dreg:$0x1];
	p0 =	sne.s32 s2, $0x0  }
0xc6: {  	s3 =	rddreg [dreg:$0x2];
	[bflag:$0x3] =	sbarrier.arrive $0xFFFF;
	s2 =	simm.s32 @!p0 $0x1C16  }
0xc7: {  	[timem:s3], [sflag:s2] =	dma.local @!p0 [hbm:s0], s1  }
0xc8: {  	s0 =	simm.s32 @!p0 $0x16  }
0xc9: {  	_ =	swait.ge @!p0 [sflag:s0], s1  }
0xca: {  	s1 =	ssub.s32 @!p0 $0x0, s1;
	[sflag:s0] =	ssyncset.done @!p0 $0x0  }
0xcb: {  	[sflag:s0] =	ssyncadd.s32 @!p0 s1  }
0xcc: {  	[bflag:$0x3] =	sbarrier.arrive $0xFFFF  }
0xcd: {  	_ =	shalt  }

// kernel: kernel.7.cloned.1.call-start
scs
__scs_entry_jumppad:
0x0: {  	(pc) =	sbr.rel $0x88, $3  }
0x1: {  	(tag) =	ssettag $0x0;
	lr =	simm.s32 $0x1  }
0x2: {  	[smem:$0x3F95] =	sst lr;
	_ =	strace $0xD0000000  }
0x3: {  	_ = 	snop  }
0x4: {  	_ = 	snop  }
0x5: {  	_ = 	snop  }
0x6: {  	_ = 	snop  }
0x7: {  	_ = 	snop  }
__scs_overlays_trampoline_lowered:
0x8: {  	[smem:$0x3FA4] =	sst s0  }
0x9: {  	[smem:$0x3FA5] =	sst s1  }
0xa: {  	[smem:$0x3FA6] =	sst s2  }
0xb: {  	[smem:$0x3FA7] =	sst s3  }
0xc: {  	[smem:$0x3FA8] =	sst s4  }
0xd: {  	[smem:$0x3FA9] =	sst s5  }
0xe: {  	[smem:$0x3FAA] =	sst s6  }
0xf: {  	[smem:$0x3FAB] =	sst s7  }
0x10: {  	[smem:$0x3FAC] =	sst s8  }
0x11: {  	[smem:$0x3FAD] =	sst s9;
	s0 =	simm.s32 @!p0 $0x0  }
0x12: {  	s1 =	sld [smem:$0x3F93];
	s0 =	simm.s32 @p0 $0x1  }
0x13: {  	[smem:$0x3FAE] =	sst s0;
	s0 =	simm.s32 @!p1 $0x0  }
0x14: {  	s2 =	sld [smem:$0x3F92];
	s0 =	simm.s32 @p1 $0x1  }
0x15: {  	[smem:$0x3FAF] =	sst s0;
	s0 =	simm.s32 @!p2 $0x0  }
0x16: {  	s3 =	sld [smem:$0x3FDB];
	s0 =	simm.s32 @p2 $0x1  }
0x17: {  	s4 =	simm.s32 $0x1BF5;
	[smem:$0x3FB1] =	sst s0  }
0x18: {  	s0 =	sld [smem:$0x3F94];
	_ =	swait.ge [sflag:s4], $0x0  }
0x19: {  	s7 =	sld [smem:$0x3F95]  }
0x1a: {  	s8 =	sadd.s32 $0xFFFFE003, lr  }
0x1b: {  	s9 =	sadd.s32 $0xFFFFFEF7, lr;
	s5 =	simm.s32 $0xFFFFFFFF;
	p2 =	slt.u32 s8, $0xFFFFF086  }
0x1c: {  	p1 =	slt.u32 s9, $0xF7A;
	s5 =	simm.s32 @!p2 $0x0  }
0x1d: {  	s5 =	simm.s32 @p1 $0x1;
	p0 =	seq.s32 s7, s2  }
0x1e: {  	s7 =	smul.u32 @!p0 $0xF7A, s2;
	p2 =	seq.s32 @!p0 s5, $0x0  }
0x1f: {  	s9 =	smul.u32 $0xF7A, s1;
	s8 =	simm.s32 @!p0 $0x1BF5;
	p2 =	por !p2, p0  }
0x20: {  	[sflag:s8] =	ssyncset.s32 @!p0 $0xFFFFF086;
	s6 =	sadd.s32 @!p0 s3, s7;
	s7 =	simm.s32 @!p0 $0x108  }
0x21: {  	s3 =	sadd.s32 s3, s9;
	s6 =	sadd.s32 @!p0 $0x88, s6;
	s7 =	simm.s32 @p2 $0x1082  }
0x22: {  	[simem:s7], [sflag:s8] =	dma.local @!p0 [hbm:s6], $0xF7A  }
0x23: {  	s9 =	sor.u32 $0xD0000000, s2;
	s6 =	simm.s32 $0x108;
	_ =	swait.ge @!p0 [sflag:s8], $0x0  }
0x24: {  	s3 =	sadd.s32 $0x88, s3;
	s6 =	simm.s32 @!p1 $0x1082;
	[sflag:s4] =	ssyncset.s32 $0xFFFFF086  }
0x25: {  	[simem:s6], [sflag:s4] =	dma.local [hbm:s3], $0xF7A  }
0x26: {  	[smem:$0x3F95] =	sst s1;
	(tag) =	ssettag s2;
	_ =	strace s9  }
0x27: {  	s1 =	sld [smem:$0x3FA5]  }
0x28: {  	s2 =	sld [smem:$0x3FA6]  }
0x29: {  	s4 =	sld [smem:$0x3FA8]  }
0x2a: {  	p0 =	seq.s32 s5, $0x0;
	s5 =	sld [smem:$0x3FA9]  }
0x2b: {  	s6 =	sld [smem:$0x3FAA]  }
0x2c: {  	s7 =	sld [smem:$0x3FAB]  }
0x2d: {  	s3 =	simm.s32 $0x108;
	s8 =	sld [smem:$0x3FAC]  }
0x2e: {  	s3 =	simm.s32 @!p0 $0x1082;
	s9 =	sld [smem:$0x3FAD]  }
0x2f: {  	lr =	sadd.s32 s0, s3;
	s0 =	sld [smem:$0x3FA4]  }
0x30: {  	s3 =	sld [smem:$0x3FA7]  }
0x31: {  	[smem:$0x3FB0] =	sst s10  }
0x32: {  	s10 =	sld [smem:$0x3FAE];
	_ =	sdelay $0x3  }
0x33: {  	p0 =	seq.s32 s10, $0x1;
	s10 =	sld [smem:$0x3FB0];
	_ =	sdelay $0x3  }
0x34: {  	[smem:$0x3FB0] =	sst s10  }
0x35: {  	s10 =	sld [smem:$0x3FAF];
	_ =	sdelay $0x3  }
0x36: {  	p1 =	seq.s32 s10, $0x1;
	s10 =	sld [smem:$0x3FB0];
	_ =	sdelay $0x3  }
0x37: {  	[smem:$0x3FB0] =	sst s10  }
0x38: {  	s10 =	sld [smem:$0x3FB1]  }
0x39: {  	_ = 	snop;
	(pc) =	sbr.ind lr, $3  }
0x3a: {  	_ = 	snop  }
0x3b: {  	_ = 	snop  }
0x3c: {  	p2 =	seq.s32 s10, $0x1;
	s10 =	sld [smem:$0x3FB0]  }
0x3d: {  	_ =	shalt  }
0x3e: {  	_ =	shalt  }
0x3f: {  	_ =	shalt  }
0x40: {  	_ =	shalt  }
0x41: {  	_ =	shalt  }
0x42: {  	_ =	shalt  }
0x43: {  	_ =	shalt  }
0x44: {  	_ =	shalt  }
0x45: {  	_ =	shalt  }
0x46: {  	_ =	shalt  }
0x47: {  	_ =	shalt  }
0x48: {  	_ =	shalt  }
0x49: {  	_ =	shalt  }
0x4a: {  	_ =	shalt  }
0x4b: {  	_ =	shalt  }
0x4c: {  	_ =	shalt  }
0x4d: {  	_ =	shalt  }
0x4e: {  	_ =	shalt  }
0x4f: {  	_ =	shalt  }
0x50: {  	_ =	shalt  }
0x51: {  	_ =	shalt  }
0x52: {  	_ =	shalt  }
0x53: {  	_ =	shalt  }
0x54: {  	_ =	shalt  }
0x55: {  	_ =	shalt  }
0x56: {  	_ =	shalt  }
0x57: {  	_ =	shalt  }
0x58: {  	_ =	shalt  }
0x59: {  	_ =	shalt  }
0x5a: {  	_ =	shalt  }
0x5b: {  	_ =	shalt  }
0x5c: {  	_ =	shalt  }
0x5d: {  	_ =	shalt  }
0x5e: {  	_ =	shalt  }
0x5f: {  	_ =	shalt  }
0x60: {  	_ =	shalt  }
0x61: {  	_ =	shalt  }
0x62: {  	_ =	shalt  }
0x63: {  	_ =	shalt  }
0x64: {  	_ =	shalt  }
0x65: {  	_ =	shalt  }
0x66: {  	_ =	shalt  }
0x67: {  	_ =	shalt  }
0x68: {  	_ =	shalt  }
0x69: {  	_ =	shalt  }
0x6a: {  	_ =	shalt  }
0x6b: {  	_ =	shalt  }
0x6c: {  	_ =	shalt  }
0x6d: {  	_ =	shalt  }
0x6e: {  	_ =	shalt  }
0x6f: {  	_ =	shalt  }
0x70: {  	_ =	shalt  }
0x71: {  	_ =	shalt  }
0x72: {  	_ =	shalt  }
0x73: {  	_ =	shalt  }
0x74: {  	_ =	shalt  }
0x75: {  	_ =	shalt  }
0x76: {  	_ =	shalt  }
0x77: {  	_ =	shalt  }
0x78: {  	_ =	shalt  }
0x79: {  	_ =	shalt  }
0x7a: {  	_ =	shalt  }
0x7b: {  	_ =	shalt  }
0x7c: {  	_ =	shalt  }
0x7d: {  	_ =	shalt  }
0x7e: {  	_ =	shalt  }
0x7f: {  	_ =	shalt  }
0x80: {  	_ =	shalt  }
0x81: {  	_ =	shalt  }
0x82: {  	_ =	shalt  }
0x83: {  	_ =	shalt  }
0x84: {  	_ =	shalt  }
0x85: {  	_ =	shalt  }
0x86: {  	_ =	shalt  }
0x87: {  	_ =	shalt  }
.Lfunc_end0:
.L_simem_size_0:
called_computation_lowered:
.L_overlay_start_0:
0x88: {  	s2 =	sld [smem:$0x3FD9]  }
0x89: {  	s3 =	sld [smem:$0x3FFE];
	_ =	sdelay $0x1  }
0x8a: {  	s1 =	srdreg.scid  }
0x8b: {  	s0 =	sand.u32 $0x1, s1  }
0x8c: {  	s17 =	sshll.u32 s0, $0xA;
	s2 =	sadd.s32 s3, s2  }
0x8d: {  	s2 =	sadd.s32 s2, s17  }
0x8e: {  	[smem:$0x3FBC] =	sst s2  }
0x8f: {  	_ = 	snop  }
0x90: {  	s18 =	sld [smem:$0x3FD0];
	(tm) =	ssettm $0x1  }
0x91: {  	s19 =	sld [smem:$0x3FFB];
	_ =	sdelay $0x3  }
0x92: {  	_ =	strace s19  }
0x93: {  	s2 =	sld [smem:$0x3FFC];
	_ =	sdelay $0x3  }
0x94: {  	_ =	strace s2  }
0x95: {  	s2 =	sld [smem:$0x3FFD];
	_ =	sdelay $0x3  }
0x96: {  	_ =	strace s2  }
0x97: {  	_ =	strace $0x8FFFFFFF  }
0x98: {  	s20 =	sld [smem:$0x3FDB];
	_ =	sdelay $0x1  }
0x99: {  	s4 =	simm.s32 $_scs_section_size  }
0x9a: {  	s5 =	simm.s32 $_size__tile_overlayer_lowered;
	s6 =	simm.s32 $_tile_overlayer_lowered  }
0x9b: {  	s7 =	simm.s32 $0x1BFF;
	s21 =	sshll.u32 s6, $0x1;
	s4 =	sadd.s32 s4, s20  }
0x9c: {  	s22 =	simm.s32 $0x0;
	s5 =	sshll.u32 s5, $0x1;
	s6 =	sadd.s32 s21, s4  }
0x9d: {  	[timem:s22], [sflag:s7] =	dma.local [hbm:s6], s5  }
0x9e: {  	_ =	swait.ge [sflag:s7], s5  }
0x9f: {  	s5 =	ssub.s32 $0x0, s5;
	[sflag:s7] =	ssyncset.done $0x0  }
0xa0: {  	[sflag:s7] =	ssyncadd.s32 s5;
	_ =	sdelay $0x1  }
0xa1: {  	s23 =	simm.s32 $0x1B8B  }
0xa2: {  	_ =	swait.ge [sflag:s23], $0x1  }
0xa3: {  	[sflag:s23] =	ssyncset.done $0x0  }
0xa4: {  	[sflag:s23] =	ssyncadd.s32 $0xFFFFFFFF  }
0xa5: {  	s5 =	sld [smem:$0x0]  }
0xa6: {  	s6 =	sand.u32 $0xFFFFFFFE, s1  }
0xa7: {  	p0 =	sne.s32 s1, s6  }
0xa8: {  	s6 =	sshll.u32 @p0 s6, $0xE  }
0xa9: {  	s6 =	sadd.s32 @p0 $0x11B8D, s6;
	s7 =	sshll.u32 @p0 s5, $0x11  }
0xaa: {  	s6 =	sor.u32 @p0 s7, s6  }
0xab: {  	[sflag:s6] =	ssyncadd.remote.s32 @p0 $0x1;
	_ =	sdelay $0x1  }
0xac: {  	s6 =	simm.s32 @p0 $0x1B8D  }
0xad: {  	_ =	swait.eq @p0 [sflag:s6], $0x1  }
0xae: {  	[sflag:s6] =	ssyncadd.s32 @p0 $0xFFFFFFFF  }
0xaf: {  	s7 =	sshll.u32 @!p0 s1, $0xE  }
0xb0: {  	s7 =	sor.u32 @!p0 $0x4000, s7;
	s6 =	simm.s32 @!p0 $0x1B8D  }
0xb1: {  	s5 =	sshll.u32 @!p0 s5, $0x11;
	s7 =	sadd.s32 @!p0 $0x11B8D, s7;
	_ =	swait.eq @!p0 [sflag:s6], $0x1  }
0xb2: {  	s5 =	sor.u32 @!p0 s5, s7;
	[sflag:s6] =	ssyncadd.s32 @!p0 $0xFFFFFFFF  }
0xb3: {  	s25 =	simm.s32 $0x1B8E;
	s24 =	sld [smem:$0x3FFE];
	[sflag:s5] =	ssyncadd.remote.s32 @!p0 $0x1  }
0xb4: {  	s26 =	simm.s32 $execute0_lowered;
	[smem:$0x3FD2] =	sst s25  }
0xb5: {  	s6 =	sshll.u32 s26, $0x1;
	_ =	strace $0x80000049;
	[dreg:$0x1] =	wrdreg $0xFFFFFFFF  }
0xb6: {  	s28 =	simm.s32 $_size_execute0_lowered;
	s4 =	sadd.s32 s4, s6;
	[dreg:$0x0] =	wrdreg $0x0  }
0xb7: {  	s6 =	sshll.u32 s28, $0x1;
	[dreg:$0x2] =	wrdreg s4  }
0xb8: {  	[dreg:$0x3] =	wrdreg s6  }
0xb9: {  	[dreg:$0x4] =	wrdreg $0xC0  }
0xba: {  	_ =	task [dreg:s22], $0x5FFFF  }
0xbb: {  	[dreg:$0x1] =	wrdreg $0xFFFFFFFF  }
0xbc: {  	[dreg:$0x0] =	wrdreg $0x60  }
0xbd: {  	[dreg:$0x2] =	wrdreg s18  }
0xbe: {  	[dreg:$0x3] =	wrdreg s24  }
0xbf: {  	[dreg:$0x4] =	wrdreg $0x116200  }
0xc0: {  	[dreg:$0x5] =	wrdreg $0x9  }
0xc1: {  	_ =	task.clear_ibuf [dreg:s22], $0x6FFFF;
	_ =	strace $0x90000049  }
0xc2: {  	s29 =	simm.s32 $0x9;
	_ =	strace $0x8000004B  }
0xc3: {  	_ =	swait.ge [sflag:s29], $0x1  }
0xc4: {  	[sflag:s29] =	ssyncadd.s32 $0xFFFFFFFF  }
0xc5: {  	_ =	strace $0x9000004B  }
0xc6: {  	_ =	sfence  }
0xc7: {  	s30 =	sld [smem:$0x0];
	_ =	sdelay $0x2  }
0xc8: {  	s31 =	sshll.u32 s1, $0xD;
	s1 =	sshrl.u32 s1, $0x2  }
0xc9: {  	s4 =	sand.u32 $0x4000, s31;
	s1 =	sadd.s32 s1, s30  }
0xca: {  	s0 =	sor.u32 s4, s0;
	s1 =	sshll.u32 s1, $0x11  }
0xcb: {  	s0 =	sor.u32 s1, s0  }
0xcc: {  	s0 =	sadd.s32 $0x8F2B, s0  }
0xcd: {  	[sflag:s0] =	ssyncadd.remote.s32 $0x1  }
0xce: {  	_ =	sfence.sel $0xFFFF  }
0xcf: {  	[dreg:$0x0] =	wrdreg $0xFFFFFFFF;
	(pc) =	sbr.abs _section_cstart, $3  }
0xd0: {  	[dreg:$0x1] =	wrdreg $0xFFFFFFFF  }
0xd1: {  	_ =	task.clear_ibuf [dreg:s22], $0x2FFFF;
	_ =	strace $0x9FFFFFFF  }
0xd2: {  	(tm) =	ssettm $0x7FFFFFFF  }
0xd3: {  	_ =	shalt  }
tec
execute0_lowered:
.L_overlay_start_1:
0x0: {  	(tag) =	ssettag $0x1  }
0x1: {  	s2 =	rddreg [dreg:$0x0]  }
0x2: {  	s0 =	srdreg.scid;
	s4 =	rddreg [dreg:$0x1]  }
0x3: {  	s7 =	stileid.u32;
	s3 =	rddreg [dreg:$0x2];
	s8 =	simm.s32 $0x0  }
0x4: {  	s9 =	simm.s32 $0x15;
	s15 =	simm.s32 $0x7D;
	s16 =	simm.s32 $0xC800  }
0x5: {  	s18 =	simm.s32 $0xCFD0;
	s20 =	simm.s32 $0xD7A0;
	s22 =	simm.s32 $0xDF70  }
0x6: {  	s28 =	simm.s32 $0x2;
	s29 =	simm.s32 $0xF6E0;
	s30 =	simm.s32 $0x3  }
0x7: {  	s31 =	simm.s32 $0xFEB0;
	s13 =	simm.s32 $0x5;
	s17 =	simm.s32 $0x10E50  }
0x8: {  	s19 =	simm.s32 $0x6;
	s21 =	simm.s32 $0x8;
	s0 =	sand.u32 $0x1, s0  }
0x9: {  	s5 =	smul.u32 $0xC380, s7;
	[smem:$0x7FF] =	sst s8;
	s23 =	sadd.s32 $0x4DC00, s4  }
0xa: {  	s1 =	sshll.u32 s0, $0x4;
	s6 =	smul.u32 $0xC3800, s0;
	_ =	strace $0x8000004A  }
0xb: {  	[dreg:$0x4] =	wrdreg s23;
	s0 =	ssub.s32 $0x2, s0;
	s1 =	sor.u32 s7, s1  }
0xc: {  	s24 =	sshrl.u32 s0, $0x1;
	s7 =	sshll.u32 s7, $0x6;
	s1 =	smul.u32 $0xC80, s1  }
0xd: {  	s6 =	sadd.s32 s5, s6;
	s0 =	ssub.s32 s0, s24;
	s5 =	sadd.s32 s5, s3  }
0xe: {  	s6 =	sshrl.u32 s6, $0x3;
	s0 =	smax.u32 s0, $0x1;
	s1 =	sadd.s32 s1, s4  }
0xf: {  	s4 =	sadd.s32 s6, s4;
	s6 =	sor.u32 $0x1C15, s7;
	[dreg:$0x9] =	wrdreg s0  }
0x10: {  	s10 =	simm.s32 $0xF;
	s7 =	sshrl.u32 s5, $0x3;
	[dreg:$0x5] =	wrdreg s6  }
.Ltmp0:
0x11: {  	s25 =	sadd.s32 $0x1C400, s1;
	[dreg:$0xa] =	wrdreg s7;
	(pc) =	sbr.rel .LBB2_1-.Ltmp0, $4  }
0x12: {  	s23 =	simm.s32 $0xA;
	s1 =	sadd.s32 $0x3400, s1;
	[dreg:$0x6] =	wrdreg s25  }
0x13: {  	s24 =	simm.s32 $0xE740;
	s26 =	sadd.s32 $0x80400, s4;
	[dreg:$0x7] =	wrdreg s1  }
0x14: {  	s0 =	simm.s32 $0x10680;
	s4 =	simm.s32 $0x0;
	[dreg:$0x8] =	wrdreg s26  }
0x15: {  	s25 =	simm.s32 $0x1;
	s26 =	simm.s32 $0xEF10;
	s1 =	simm.s32 $0x4  }
.LBB2_4:
0x16: {  	s5 =	simm.s32 $0xB  }
0x17: {  	_ =	swait.ge [sflag:s5], $0x7D0  }
0x18: {  	[sflag:s5] =	ssyncset.done $0x0  }
0x19: {  	s11 =	simm.s32 $0xC;
	[sflag:s5] =	ssyncadd.s32 $0xFFFFF830  }
0x1a: {  	_ =	swait.ge [sflag:s11], $0x7D0  }
0x1b: {  	[sflag:s11] =	ssyncset.done $0x0  }
0x1c: {  	s12 =	simm.s32 $0xD;
	[sflag:s11] =	ssyncadd.s32 $0xFFFFF830  }
0x1d: {  	_ =	swait.ge [sflag:s12], $0x7D0  }
0x1e: {  	[sflag:s12] =	ssyncset.done $0x0  }
0x1f: {  	s14 =	simm.s32 $0xE;
	[sflag:s12] =	ssyncadd.s32 $0xFFFFF830  }
0x20: {  	_ =	swait.ge [sflag:s14], $0x7D0  }
0x21: {  	[sflag:s14] =	ssyncset.done $0x0  }
0x22: {  	[sflag:s14] =	ssyncadd.s32 $0xFFFFF830  }
0x23: {  	_ =	swait.ge [sflag:s10], $0x7D0  }
0x24: {  	[sflag:s10] =	ssyncset.done $0x0  }
0x25: {  	s6 =	simm.s32 $0x10;
	[sflag:s10] =	ssyncadd.s32 $0xFFFFF830  }
0x26: {  	_ =	swait.ge [sflag:s6], $0x7D0  }
0x27: {  	[sflag:s6] =	ssyncset.done $0x0  }
0x28: {  	s7 =	simm.s32 $0x11;
	[sflag:s6] =	ssyncadd.s32 $0xFFFFF830  }
0x29: {  	_ =	swait.ge [sflag:s7], $0x7D0  }
0x2a: {  	[sflag:s7] =	ssyncset.done $0x0  }
0x2b: {  	s8 =	simm.s32 $0x12;
	[sflag:s7] =	ssyncadd.s32 $0xFFFFF830  }
0x2c: {  	_ =	swait.ge [sflag:s8], $0x7D0  }
0x2d: {  	[sflag:s8] =	ssyncset.done $0x0  }
0x2e: {  	s9 =	simm.s32 $0x13;
	[sflag:s8] =	ssyncadd.s32 $0xFFFFF830  }
0x2f: {  	_ =	swait.ge [sflag:s9], $0x7D0  }
0x30: {  	[sflag:s9] =	ssyncset.done $0x0  }
0x31: {  	s11 =	simm.s32 $0x14;
	[sflag:s9] =	ssyncadd.s32 $0xFFFFF830  }
0x32: {  	_ =	swait.ge [sflag:s11], $0x7D0  }
0x33: {  	[sflag:s11] =	ssyncset.done $0x0  }
0x34: {  	[sflag:s11] =	ssyncadd.s32 $0xFFFFF830  }
0x35: {  	[bflag:$0x0] =	sbarrier.arrive $0xFFFF  }
0x36: {  	s6 =	rddreg [dreg:$0x5]  }
0x37: {  	s12 =	rddreg [dreg:$0x8]  }
0x38: {  	s9 =	simm.s32 $0x15;
	s7 =	rddreg [dreg:$0xa]  }
0x39: {  	[hbm:s12], [sflag:s6] =	dma.local [spmem:s7], $0x1870  }
0x3a: {  	_ =	swait.ge [sflag:s9], $0x1870  }
0x3b: {  	s4 =	sadd.s32 $0x1, s4;
	s14 =	rddreg [dreg:$0x9]  }
0x3c: {  	p0 =	sne.s32 s4, s14  }
.Ltmp1:
0x3d: {  	_ = 	snop;
	(pc) =	sbr.rel @!p0 .LBB2_5-.Ltmp1, $3  }
0x3e: {  	_ =	sdelay $0x1  }
0x3f: {  	[sflag:s9] =	ssyncset.done $0x0  }
0x40: {  	[sflag:s9] =	ssyncadd.s32 $0xFFFFE790  }
.LBB2_1:
0x41: {  	s5 =	rddreg [dreg:$0x4]  }
0x42: {  	[spmem:s7], [sflag:s6] =	dma.local [hbm:s5], $0x1870  }
0x43: {  	s11 =	simm.s32 $0x0;
	s12 =	simm.s32 $0x16;
	s6 =	rddreg [dreg:$0x6]  }
0x44: {  	[tilespmem:s11], [sflag:$0x16] =	stream.linear.gather [hbm4b:s6+s11], $0x6400, $0x38;
	[tilespmem:$0x1D9A0] =	vst v63  }
0x45: {  	_ =	swait.ge [sflag:s12], $0x6400  }
0x46: {  	[sflag:s12] =	ssyncset.done $0x0  }
0x47: {  	s8 =	simm.s32 $0x6400;
	s14 =	rddreg [dreg:$0x7];
	[sflag:s12] =	ssyncadd.s32 $0xFFFF9C00  }
0x48: {  	[tilespmem:s8], [sflag:$0x16] =	stream.linear.gather [hbm4b:s14+s11], $0x6400, $0x38;
	[tilespmem:$0x1D9A0] =	vst v63  }
0x49: {  	_ =	swait.ge [sflag:s12], $0x6400  }
0x4a: {  	[sflag:s12] =	ssyncset.done $0x0  }
0x4b: {  	[sflag:s12] =	ssyncadd.s32 $0xFFFF9C00  }
0x4c: {  	_ =	swait.ge [sflag:s9], $0x1870  }
0x4d: {  	[sflag:s9] =	ssyncset.done $0x0  }
0x4e: {  	[sflag:s9] =	ssyncadd.s32 $0xFFFFE790  }
0x4f: {  	[bflag:$0x0] =	sbarrier.arrive $0xFFFF  }
0x50: {  	[tilespmem:s16], [sflag:$0x1] =	stream.indirect.gather [hbm4b:s2+s15], $0x10, s11, s15, $0xb8;
	[tilespmem:$0x1D9A0] =	vst v63  }
0x51: {  	s9 =	simm.s32 $0x80  }
0x52: {  	[tilespmem:s18], [sflag:$0x2] =	stream.indirect.gather [hbm4b:s2+s15], $0x10, s9, s15, $0xb8;
	[tilespmem:$0x1D9A0] =	vst v63  }
0x53: {  	s11 =	simm.s32 $0x100  }
0x54: {  	[tilespmem:s20], [sflag:$0x3] =	stream.indirect.gather [hbm4b:s2+s15], $0x10, s11, s15, $0xb8;
	[tilespmem:$0x1D9A0] =	vst v63  }
0x55: {  	s12 =	simm.s32 $0x180  }
0x56: {  	[tilespmem:s22], [sflag:$0x4] =	stream.indirect.gather [hbm4b:s2+s15], $0x10, s12, s15, $0xb8;
	[tilespmem:$0x1D9A0] =	vst v63  }
0x57: {  	s5 =	simm.s32 $0x0;
	s14 =	simm.s32 $0x200  }
0x58: {  	[tilespmem:s24], [sflag:$0x5] =	stream.indirect.gather [hbm4b:s2+s15], $0x10, s14, s15, $0xb8;
	[tilespmem:$0x1D9A0] =	vst v63  }
.LBB2_2:
0x59: {  	_ =	swait.ge [sflag:s25], $0x7D0  }
0x5a: {  	s7 =	sshra.s32 s5, $0x2;
	[sflag:s25] =	ssyncset.done $0x0  }
0x5b: {  	p0 =	seq.s32 s5, $0x0;
	s8 =	sadd.s32 $0x6400, s7;
	[sflag:s25] =	ssyncadd.s32 $0xFFFFF830  }
0x5c: {  	[spmem:s3] =	stream.indirect.scatter.add.f32 [tilespmem:s16], [sflag:$0xB], $0x10, s8, s15, $0xb8;
	[tilespmem:$0x1D9A0] =	vst v63  }
0x5d: {  	s8 =	simm.s32 @!p0 $0x10  }
0x5e: {  	_ =	swait.ge @!p0 [sflag:s8], $0x7D0  }
0x5f: {  	[sflag:s8] =	ssyncset.done @!p0 $0x0  }
0x60: {  	s14 =	sadd.s32 $0x280, s7;
	[sflag:s8] =	ssyncadd.s32 @!p0 $0xFFFFF830  }
0x61: {  	[tilespmem:s26], [sflag:$0x6] =	stream.indirect.gather [hbm4b:s2+s15], $0x10, s14, s15, $0xb8;
	[tilespmem:$0x1D9A0] =	vst v63  }
0x62: {  	_ =	swait.ge [sflag:s28], $0x7D0  }
0x63: {  	[sflag:s28] =	ssyncset.done $0x0  }
0x64: {  	s6 =	sadd.s32 $0x6480, s7;
	s8 =	simm.s32 @!p0 $0x11;
	[sflag:s28] =	ssyncadd.s32 $0xFFFFF830  }
0x65: {  	[spmem:s3] =	stream.indirect.scatter.add.f32 [tilespmem:s18], [sflag:$0xC], $0x10, s6, s15, $0xb8;
	[tilespmem:$0x1D9A0] =	vst v63  }
0x66: {  	_ =	swait.ge @!p0 [sflag:s8], $0x7D0  }
0x67: {  	[sflag:s8] =	ssyncset.done @!p0 $0x0  }
0x68: {  	s9 =	sadd.s32 $0x300, s7;
	[sflag:s8] =	ssyncadd.s32 @!p0 $0xFFFFF830  }
0x69: {  	[tilespmem:s29], [sflag:$0x7] =	stream.indirect.gather [hbm4b:s2+s15], $0x10, s9, s15, $0xb8;
	[tilespmem:$0x1D9A0] =	vst v63  }
0x6a: {  	_ =	swait.ge [sflag:s30], $0x7D0  }
0x6b: {  	[sflag:s30] =	ssyncset.done $0x0  }
0x6c: {  	s11 =	sadd.s32 $0x6500, s7;
	s8 =	simm.s32 @!p0 $0x12;
	[sflag:s30] =	ssyncadd.s32 $0xFFFFF830  }
0x6d: {  	[spmem:s3] =	stream.indirect.scatter.add.f32 [tilespmem:s20], [sflag:$0xD], $0x10, s11, s15, $0xb8;
	[tilespmem:$0x1D9A0] =	vst v63  }
0x6e: {  	_ =	swait.ge @!p0 [sflag:s8], $0x7D0  }
0x6f: {  	[sflag:s8] =	ssyncset.done @!p0 $0x0  }
0x70: {  	s12 =	sadd.s32 $0x380, s7;
	[sflag:s8] =	ssyncadd.s32 @!p0 $0xFFFFF830  }
0x71: {  	[tilespmem:s31], [sflag:$0x8] =	stream.indirect.gather [hbm4b:s2+s15], $0x10, s12, s15, $0xb8;
	[tilespmem:$0x1D9A0] =	vst v63  }
0x72: {  	_ =	swait.ge [sflag:s1], $0x7D0  }
0x73: {  	[sflag:s1] =	ssyncset.done $0x0  }
0x74: {  	s14 =	sadd.s32 $0x6580, s7;
	s8 =	simm.s32 @!p0 $0x13;
	[sflag:s1] =	ssyncadd.s32 $0xFFFFF830  }
0x75: {  	[spmem:s3] =	stream.indirect.scatter.add.f32 [tilespmem:s22], [sflag:$0xE], $0x10, s14, s15, $0xb8;
	[tilespmem:$0x1D9A0] =	vst v63  }
0x76: {  	_ =	swait.ge @!p0 [sflag:s8], $0x7D0  }
0x77: {  	[sflag:s8] =	ssyncset.done @!p0 $0x0  }
0x78: {  	s6 =	sadd.s32 $0x400, s7;
	[sflag:s8] =	ssyncadd.s32 @!p0 $0xFFFFF830  }
0x79: {  	[tilespmem:s0], [sflag:$0x9] =	stream.indirect.gather [hbm4b:s2+s15], $0x10, s6, s15, $0xb8;
	[tilespmem:$0x1D9A0] =	vst v63  }
0x7a: {  	_ =	swait.ge [sflag:s13], $0x7D0  }
0x7b: {  	[sflag:s13] =	ssyncset.done $0x0  }
0x7c: {  	s9 =	sadd.s32 $0x6600, s7;
	s8 =	simm.s32 @!p0 $0x14;
	[sflag:s13] =	ssyncadd.s32 $0xFFFFF830  }
0x7d: {  	[spmem:s3] =	stream.indirect.scatter.add.f32 [tilespmem:s24], [sflag:$0xF], $0x10, s9, s15, $0xb8;
	[tilespmem:$0x1D9A0] =	vst v63  }
0x7e: {  	_ =	swait.ge @!p0 [sflag:s8], $0x7D0  }
0x7f: {  	[sflag:s8] =	ssyncset.done @!p0 $0x0  }
0x80: {  	s11 =	sadd.s32 $0x480, s7;
	[sflag:s8] =	ssyncadd.s32 @!p0 $0xFFFFF830  }
0x81: {  	[tilespmem:s17], [sflag:$0xA] =	stream.indirect.gather [hbm4b:s2+s15], $0x10, s11, s15, $0xb8;
	[tilespmem:$0x1D9A0] =	vst v63  }
0x82: {  	_ =	swait.ge [sflag:s19], $0x7D0  }
0x83: {  	p0 =	seq.s32 s5, $0x17C00;
	[sflag:s19] =	ssyncset.done $0x0  }
0x84: {  	s12 =	sadd.s32 $0x6680, s7;
	s8 =	simm.s32 @p0 $0x7;
	[sflag:s19] =	ssyncadd.s32 $0xFFFFF830  }
0x85: {  	[spmem:s3] =	stream.indirect.scatter.add.f32 [tilespmem:s26], [sflag:$0x10], $0x10, s12, s15, $0xb8;
	[tilespmem:$0x1D9A0] =	vst v63  }
0x86: {  	_ =	swait.ge @p0 [sflag:s8], $0x7D0  }
0x87: {  	[sflag:s8] =	ssyncset.done @p0 $0x0  }
0x88: {  	[sflag:s8] =	ssyncadd.s32 @p0 $0xFFFFF830;
	s8 =	sshra.s32 @p0 s5, $0x2  }
0x89: {  	s6 =	simm.s32 @p0 $0x7D;
	s11 =	simm.s32 @p0 $0xF6E0;
	s9 =	sadd.s32 @p0 $0x6700, s8  }
0x8a: {  	[spmem:s3] =	stream.indirect.scatter.add.f32 @p0 [tilespmem:s11], [sflag:$0x11], $0x10, s9, s6, $0xb8;
	[tilespmem:$0x1D9A0] =	vst v63  }
0x8b: {  	s9 =	simm.s32 @!p0 $0xB  }
0x8c: {  	_ =	swait.ge @!p0 [sflag:s9], $0x7D0  }
0x8d: {  	[sflag:s9] =	ssyncset.done @!p0 $0x0  }
0x8e: {  	[sflag:s9] =	ssyncadd.s32 @!p0 $0xFFFFF830;
	s9 =	sshra.s32 @!p0 s5, $0x2  }
0x8f: {  	s14 =	simm.s32 @!p0 $0xC800;
	s12 =	simm.s32 @!p0 $0x7D;
	s11 =	sadd.s32 @!p0 $0x500, s9  }
0x90: {  	[tilespmem:s14], [sflag:$0x1] =	stream.indirect.gather @!p0 [hbm4b:s2+s12], $0x10, s11, s12, $0xb8;
	[tilespmem:$0x1D9A0] =	vst v63  }
0x91: {  	s11 =	simm.s32 @!p0 $0x7  }
0x92: {  	_ =	swait.ge @!p0 [sflag:s11], $0x7D0  }
0x93: {  	[sflag:s11] =	ssyncset.done @!p0 $0x0  }
0x94: {  	s14 =	simm.s32 @!p0 $0xF6E0;
	[sflag:s11] =	ssyncadd.s32 @!p0 $0xFFFFF830;
	s11 =	sadd.s32 @!p0 $0x6700, s9  }
0x95: {  	[spmem:s3] =	stream.indirect.scatter.add.f32 @!p0 [tilespmem:s14], [sflag:$0x11], $0x10, s11, s12, $0xb8;
	[tilespmem:$0x1D9A0] =	vst v63  }
0x96: {  	s11 =	simm.s32 @!p0 $0xC  }
0x97: {  	_ =	swait.ge @!p0 [sflag:s11], $0x7D0  }
0x98: {  	[sflag:s11] =	ssyncset.done @!p0 $0x0  }
0x99: {  	s14 =	simm.s32 @!p0 $0xCFD0;
	[sflag:s11] =	ssyncadd.s32 @!p0 $0xFFFFF830;
	s11 =	sadd.s32 @!p0 $0x580, s9  }
0x9a: {  	[tilespmem:s14], [sflag:$0x2] =	stream.indirect.gather @!p0 [hbm4b:s2+s12], $0x10, s11, s12, $0xb8;
	[tilespmem:$0x1D9A0] =	vst v63  }
0x9b: {  	_ =	swait.ge [sflag:s21], $0x7D0  }
0x9c: {  	[sflag:s21] =	ssyncset.done $0x0  }
0x9d: {  	s14 =	sadd.s32 $0x6780, s7;
	s11 =	simm.s32 @p0 $0x9;
	[sflag:s21] =	ssyncadd.s32 $0xFFFFF830  }
0x9e: {  	[spmem:s3] =	stream.indirect.scatter.add.f32 [tilespmem:s31], [sflag:$0x12], $0x10, s14, s15, $0xb8;
	[tilespmem:$0x1D9A0] =	vst v63  }
0x9f: {  	_ =	swait.ge @p0 [sflag:s11], $0x7D0  }
0xa0: {  	[sflag:s11] =	ssyncset.done @p0 $0x0  }
0xa1: {  	s8 =	sadd.s32 @p0 $0x6800, s8;
	[sflag:s11] =	ssyncadd.s32 @p0 $0xFFFFF830;
	s11 =	simm.s32 @p0 $0x10680  }
0xa2: {  	[spmem:s3] =	stream.indirect.scatter.add.f32 @p0 [tilespmem:s11], [sflag:$0x13], $0x10, s8, s6, $0xb8;
	[tilespmem:$0x1D9A0] =	vst v63  }
0xa3: {  	s6 =	simm.s32 @!p0 $0xD  }
0xa4: {  	_ =	swait.ge @!p0 [sflag:s6], $0x7D0  }
0xa5: {  	[sflag:s6] =	ssyncset.done @!p0 $0x0  }
0xa6: {  	s8 =	simm.s32 @!p0 $0xD7A0;
	[sflag:s6] =	ssyncadd.s32 @!p0 $0xFFFFF830;
	s6 =	sadd.s32 @!p0 $0x600, s9  }
0xa7: {  	[tilespmem:s8], [sflag:$0x3] =	stream.indirect.gather @!p0 [hbm4b:s2+s12], $0x10, s6, s12, $0xb8;
	[tilespmem:$0x1D9A0] =	vst v63  }
0xa8: {  	s6 =	simm.s32 @!p0 $0x9  }
0xa9: {  	_ =	swait.ge @!p0 [sflag:s6], $0x7D0  }
0xaa: {  	[sflag:s6] =	ssyncset.done @!p0 $0x0  }
0xab: {  	s8 =	simm.s32 @!p0 $0x10680;
	[sflag:s6] =	ssyncadd.s32 @!p0 $0xFFFFF830;
	s6 =	sadd.s32 @!p0 $0x6800, s9  }
0xac: {  	[spmem:s3] =	stream.indirect.scatter.add.f32 @!p0 [tilespmem:s8], [sflag:$0x13], $0x10, s6, s12, $0xb8;
	[tilespmem:$0x1D9A0] =	vst v63  }
0xad: {  	s6 =	simm.s32 @!p0 $0xE  }
0xae: {  	_ =	swait.ge @!p0 [sflag:s6], $0x7D0  }
0xaf: {  	[sflag:s6] =	ssyncset.done @!p0 $0x0  }
0xb0: {  	s8 =	simm.s32 @!p0 $0xDF70;
	[sflag:s6] =	ssyncadd.s32 @!p0 $0xFFFFF830;
	s6 =	sadd.s32 @!p0 $0x680, s9  }
0xb1: {  	[tilespmem:s8], [sflag:$0x4] =	stream.indirect.gather @!p0 [hbm4b:s2+s12], $0x10, s6, s12, $0xb8;
	[tilespmem:$0x1D9A0] =	vst v63  }
.Ltmp2:
0xb2: {  	_ = 	snop;
	(pc) =	sbr.rel @p0 .LBB2_4-.Ltmp2, $4  }
0xb3: {  	_ =	swait.ge [sflag:s23], $0x7D0  }
0xb4: {  	[sflag:s23] =	ssyncset.done $0x0  }
0xb5: {  	s14 =	sadd.s32 $0x6880, s7;
	[sflag:s23] =	ssyncadd.s32 $0xFFFFF830  }
0xb6: {  	[spmem:s3] =	stream.indirect.scatter.add.f32 [tilespmem:s17], [sflag:$0x14], $0x10, s14, s15, $0xb8;
	[tilespmem:$0x1D9A0] =	vst v63  }
.Ltmp3:
0xb7: {  	(pc) =	sbr.rel .LBB2_2-.Ltmp3, $4  }
0xb8: {  	_ =	swait.ge [sflag:s10], $0x7D0  }
0xb9: {  	[sflag:s10] =	ssyncset.done $0x0  }
0xba: {  	s6 =	sadd.s32 $0x700, s7;
	s5 =	sadd.s32 $0x1400, s5;
	[sflag:s10] =	ssyncadd.s32 $0xFFFFF830  }
0xbb: {  	[tilespmem:s24], [sflag:$0x5] =	stream.indirect.gather [hbm4b:s2+s15], $0x10, s6, s15, $0xb8;
	[tilespmem:$0x1D9A0] =	vst v63  }
.LBB2_5:
0xbc: {  	_ =	sfence.sel $0x180000  }
0xbd: {  	[bflag:$0x0] =	sbarrier.arrive $0xFFFF  }
0xbe: {  	_ =	strace $0x9000004A  }
0xbf: {  	s0 =	stileid.u32;
	[bflag:$0x2] =	sbarrier.arrive $0xFFFF  }
0xc0: {  	p0 =	sne.s32 s0, $0x0;
	s0 =	rddreg [dreg:$0x3]  }
0xc1: {  	s0 =	sadd.s32 @!p0 $0x100000, s0  }
0xc2: {  	[sflag:s0] =	ssyncadd.tile.s32 @!p0 $0x1;
	_ =	shalt  }
.Lfunc_end2:
_tile_overlayer_lowered:
.L_overlay_start_2:
0xc3: {  	(tag) =	ssettag $0x2  }
0xc4: {  	s0 =	rddreg [dreg:$0x0];
	s2 =	stileid.u32  }
0xc5: {  	s1 =	rddreg [dreg:$0x1];
	p0 =	sne.s32 s2, $0x0  }
0xc6: {  	s3 =	rddreg [dreg:$0x2];
	[bflag:$0x3] =	sbarrier.arrive $0xFFFF;
	s2 =	simm.s32 @!p0 $0x1C16  }
0xc7: {  	[timem:s3], [sflag:s2] =	dma.local @!p0 [hbm:s0], s1  }
0xc8: {  	s0 =	simm.s32 @!p0 $0x16  }
0xc9: {  	_ =	swait.ge @!p0 [sflag:s0], s1  }
0xca: {  	s1 =	ssub.s32 @!p0 $0x0, s1;
	[sflag:s0] =	ssyncset.done @!p0 $0x0  }
0xcb: {  	[sflag:s0] =	ssyncadd.s32 @!p0 s1  }
0xcc: {  	[bflag:$0x3] =	sbarrier.arrive $0xFFFF  }
0xcd: {  	_ =	shalt  }

</sc_bundles>
